<compile_context>
chip_gen: v7x
topology: tpu7x:2x2x1
jax: 0.10.2.dev20260603
libtpu: 0.0.44.dev20260713+nightly
codegen_flags: <defaults>
</compile_context>

<pallas_src>
import functools

import jax
import jax.numpy as jnp
from jax import lax
from jax.experimental import pallas as pl
from jax.experimental.pallas import tpu as pltpu
from jax.experimental.pallas import tpu_sc as plsc

N = 10000
N_PAD = 10240
D = 128
H = 128
ENC = 256
G = 16
E = 320000

NC = 2
NS = 16
NW = NC * NS
C_EDGE = 128
K_CHUNK = 80
EPT = K_CHUNK * C_EDGE
E_PAD = NW * EPT
ROWS_PER_TILE = N_PAD // NS

_SC_MESH = plsc.VectorSubcoreMesh(
    core_axis_name="c", subcore_axis_name="s", num_cores=NC, num_subcores=NS)



def _deg_body(dst_hbm, ones_hbm, zeros_hbm, out_hbm, dst_v, ones_v, acc_sh):
  c = lax.axis_index("c")
  s = lax.axis_index("s")
  t = s * NC + c
  r0 = s * ROWS_PER_TILE
  pltpu.sync_copy(zeros_hbm.at[pl.ds(r0, ROWS_PER_TILE)],
                  acc_sh.at[pl.ds(r0, ROWS_PER_TILE)])
  pltpu.sync_copy(ones_hbm, ones_v)
  pltpu.sync_copy(dst_hbm.at[t], dst_v)
  plsc.subcore_barrier()

  def step(j, carry):
    pltpu.sync_copy(ones_v, acc_sh.at[dst_v.at[j]], add=True)
    return carry

  lax.fori_loop(0, K_CHUNK, step, 0)
  plsc.subcore_barrier()
  pltpu.sync_copy(acc_sh.at[pl.ds(r0, ROWS_PER_TILE)],
                  out_hbm.at[c, pl.ds(r0, ROWS_PER_TILE)])


_deg_kernel = pl.kernel(
    _deg_body,
    out_type=jax.ShapeDtypeStruct((NC, N_PAD, H), jnp.float32),
    mesh=_SC_MESH,
    scratch_types=[
        pltpu.VMEM((K_CHUNK, C_EDGE), jnp.int32),
        pltpu.VMEM((C_EDGE, H), jnp.float32),
        pltpu.VMEM_SHARED((N_PAD, H), jnp.float32),
    ],
)


_SB = 8
_NSB = K_CHUNK // _SB


def _edge_body(hs_hbm, src_hbm, dst_hbm, zeros_hbm, out_hbm,
               src_v, dstb_v, rows0_v, rows1_v, acc_sh,
               gs0, gs1, ds0, ds1):
  c = lax.axis_index("c")
  s = lax.axis_index("s")
  t = s * NC + c
  r0 = s * ROWS_PER_TILE
  pltpu.sync_copy(zeros_hbm.at[pl.ds(r0, ROWS_PER_TILE)],
                  acc_sh.at[pl.ds(r0, ROWS_PER_TILE)])
  pltpu.sync_copy(src_hbm.at[t], src_v)

  rows = (rows0_v, rows1_v)
  gsems = (gs0, gs1)
  dsems = (ds0, ds1)

  def load_dst(sb, b):
    pltpu.async_copy(dst_hbm.at[t, pl.ds(sb * _SB, _SB)],
                     dstb_v.at[b], dsems[b])

  def wait_dst(b):
    pltpu.make_async_copy(dst_hbm.at[t, pl.ds(0, _SB)],
                          dstb_v.at[b], dsems[b]).wait()

  def gather(j, rbuf):
    idx = src_v.at[pl.ds(j * C_EDGE, C_EDGE)]
    pltpu.async_copy(hs_hbm.at[idx], rows[rbuf], gsems[rbuf])

  def wait_gather(rbuf):
    pltpu.make_async_copy(hs_hbm.at[src_v.at[pl.ds(0, C_EDGE)]],
                          rows[rbuf], gsems[rbuf]).wait()

  plsc.subcore_barrier()

  load_dst(0, 0)
  gather(0, 0)

  def sb_step(gp, carry):
    for par in (0, 1):
      sb = 2 * gp + par

      @pl.when(sb < _NSB - 1)
      def _pref():
        load_dst(sb + 1, 1 - par)

      wait_dst(par)
      for slot in range(_SB):
        j = sb * _SB + slot

        @pl.when(j + 1 < K_CHUNK)
        def _g():
          gather(j + 1, (slot + 1) % 2)

        wait_gather(slot % 2)
        pltpu.sync_copy(rows[slot % 2],
                        acc_sh.at[dstb_v.at[par, slot]], add=True)
    return carry

  lax.fori_loop(0, _NSB // 2, sb_step, 0)
  plsc.subcore_barrier()
  pltpu.sync_copy(acc_sh.at[pl.ds(r0, ROWS_PER_TILE)],
                  out_hbm.at[c, pl.ds(r0, ROWS_PER_TILE)])


_edge_kernel = pl.kernel(
    _edge_body,
    out_type=jax.ShapeDtypeStruct((NC, N_PAD, H), jnp.float32),
    mesh=_SC_MESH,
    scratch_types=[
        pltpu.VMEM((EPT,), jnp.int32),
        pltpu.VMEM((2, _SB, C_EDGE), jnp.int32),
        pltpu.VMEM((C_EDGE, H), jnp.float32),
        pltpu.VMEM((C_EDGE, H), jnp.float32),
        pltpu.VMEM_SHARED((N_PAD, H), jnp.float32),
        pltpu.SemaphoreType.DMA,
        pltpu.SemaphoreType.DMA,
        pltpu.SemaphoreType.DMA,
        pltpu.SemaphoreType.DMA,
    ],
)



_R = 1024
_NBLK = N_PAD // _R


def _first_body(deg0_ref, deg1_ref, x_ref, w_ref, dis_ref, hs_ref):
  deg = deg0_ref[:, 0:1] + deg1_ref[:, 0:1] + 1.0
  dis = lax.rsqrt(jnp.maximum(deg, 1.0))
  dis_ref[:, :] = jnp.broadcast_to(dis, dis_ref.shape)
  hw = jnp.dot(x_ref[:, :], w_ref[:, :], preferred_element_type=jnp.float32)
  hs_ref[:, :] = hw * dis


_first_kernel = pl.pallas_call(
    _first_body,
    grid=(_NBLK,),
    in_specs=[
        pl.BlockSpec((_R, H), lambda i: (i, 0)),
        pl.BlockSpec((_R, H), lambda i: (i, 0)),
        pl.BlockSpec((_R, D), lambda i: (i, 0)),
        pl.BlockSpec((D, H), lambda i: (0, 0)),
    ],
    out_specs=[
        pl.BlockSpec((_R, 16), lambda i: (i, 0)),
        pl.BlockSpec((_R, H), lambda i: (i, 0)),
    ],
    out_shape=[
        jax.ShapeDtypeStruct((N_PAD, 16), jnp.float32),
        jax.ShapeDtypeStruct((N_PAD, H), jnp.float32),
    ],
)


def _mid_body(p0_ref, p1_ref, hs_ref, dis_ref, b_ref, w_ref, h_ref, hsn_ref):
  dis = dis_ref[:, 0:1]
  agg = dis * (p0_ref[:, :] + p1_ref[:, :] + hs_ref[:, :]) + b_ref[:, :]
  h = jnp.maximum(agg, 0.0)
  h_ref[:, :] = h
  hw = jnp.dot(h, w_ref[:, :], preferred_element_type=jnp.float32)
  hsn_ref[:, :] = hw * dis


_mid_kernel = pl.pallas_call(
    _mid_body,
    grid=(_NBLK,),
    in_specs=[
        pl.BlockSpec((_R, H), lambda i: (i, 0)),
        pl.BlockSpec((_R, H), lambda i: (i, 0)),
        pl.BlockSpec((_R, H), lambda i: (i, 0)),
        pl.BlockSpec((_R, 16), lambda i: (i, 0)),
        pl.BlockSpec((1, H), lambda i: (0, 0)),
        pl.BlockSpec((H, H), lambda i: (0, 0)),
    ],
    out_specs=[
        pl.BlockSpec((_R, H), lambda i: (i, 0)),
        pl.BlockSpec((_R, H), lambda i: (i, 0)),
    ],
    out_shape=[
        jax.ShapeDtypeStruct((N_PAD, H), jnp.float32),
        jax.ShapeDtypeStruct((N_PAD, H), jnp.float32),
    ],
)


def _final_body(p0_ref, p1_ref, hs_ref, dis_ref, b_ref, h1_ref, h2_ref,
                we1_ref, we2_ref, we3_ref, be_ref, batch_ref,
                wd1_ref, bd1_ref, wd2_ref, bd2_ref,
                out_ref, sums_ref, cnt_ref):
  i = pl.program_id(0)

  @pl.when(i == 0)
  def _init():
    sums_ref[:, :] = jnp.zeros_like(sums_ref)
    cnt_ref[:, :] = jnp.zeros_like(cnt_ref)

  dis = dis_ref[:, 0:1]
  agg = dis * (p0_ref[:, :] + p1_ref[:, :] + hs_ref[:, :]) + b_ref[:, :]
  h3 = jnp.maximum(agg, 0.0)
  enc = jnp.dot(h1_ref[:, :], we1_ref[:, :], preferred_element_type=jnp.float32)
  enc += jnp.dot(h2_ref[:, :], we2_ref[:, :], preferred_element_type=jnp.float32)
  enc += jnp.dot(h3, we3_ref[:, :], preferred_element_type=jnp.float32)
  enc = jnp.maximum(enc + be_ref[:, :], 0.0)

  gids = lax.broadcasted_iota(jnp.int32, (_R, G), 1)
  oh = (batch_ref[:, :] == gids).astype(jnp.float32)
  sums_ref[:, :] += lax.dot_general(
      oh, enc, (((0,), (0,)), ((), ())), preferred_element_type=jnp.float32)
  ones_col = jnp.ones((_R, 1), jnp.float32)
  cnt_ref[:, :] += lax.dot_general(
      oh, ones_col, (((0,), (0,)), ((), ())),
      preferred_element_type=jnp.float32)

  @pl.when(i == _NBLK - 1)
  def _fin():
    mean = sums_ref[:, :] / jnp.maximum(cnt_ref[:, :], 1.0)
    d = jnp.maximum(
        jnp.dot(mean, wd1_ref[:, :], preferred_element_type=jnp.float32)
        + bd1_ref[:, :], 0.0)
    out_ref[:, :] = (
        jnp.dot(d, wd2_ref[:, :], preferred_element_type=jnp.float32)
        + bd2_ref[:, :])


_final_kernel = pl.pallas_call(
    _final_body,
    grid=(_NBLK,),
    in_specs=[
        pl.BlockSpec((_R, H), lambda i: (i, 0)),
        pl.BlockSpec((_R, H), lambda i: (i, 0)),
        pl.BlockSpec((_R, H), lambda i: (i, 0)),
        pl.BlockSpec((_R, 16), lambda i: (i, 0)),
        pl.BlockSpec((1, H), lambda i: (0, 0)),
        pl.BlockSpec((_R, H), lambda i: (i, 0)),
        pl.BlockSpec((_R, H), lambda i: (i, 0)),
        pl.BlockSpec((H, ENC), lambda i: (0, 0)),
        pl.BlockSpec((H, ENC), lambda i: (0, 0)),
        pl.BlockSpec((H, ENC), lambda i: (0, 0)),
        pl.BlockSpec((1, ENC), lambda i: (0, 0)),
        pl.BlockSpec((_R, 1), lambda i: (i, 0)),
        pl.BlockSpec((ENC, 128), lambda i: (0, 0)),
        pl.BlockSpec((1, 128), lambda i: (0, 0)),
        pl.BlockSpec((128, 10), lambda i: (0, 0)),
        pl.BlockSpec((1, 10), lambda i: (0, 0)),
    ],
    out_specs=pl.BlockSpec((G, 10), lambda i: (0, 0)),
    out_shape=jax.ShapeDtypeStruct((G, 10), jnp.float32),
    scratch_shapes=[
        pltpu.VMEM((G, ENC), jnp.float32),
        pltpu.VMEM((G, 1), jnp.float32),
    ],
)



@jax.jit
def kernel(x, edge_index, batch, W1, b1, W2, b2, W3, b3, We, be,
           Wd1, bd1, Wd2, bd2):
  src = edge_index[0].astype(jnp.int32)
  dst = edge_index[1].astype(jnp.int32)
  pad = E_PAD - E
  trash = N + (jnp.arange(pad, dtype=jnp.int32) % (N_PAD - N))
  src_p = jnp.concatenate([src, trash])
  dst_p = jnp.concatenate([dst, trash])
  src_t = src_p.reshape(NW, EPT)
  dst_t = dst_p.reshape(NW, K_CHUNK, C_EDGE)

  x_p = jnp.concatenate([x, jnp.zeros((N_PAD - N, D), x.dtype)])
  batch_p = jnp.concatenate(
      [batch.astype(jnp.int32), jnp.full((N_PAD - N,), G, jnp.int32)])
  batch_2d = batch_p.reshape(N_PAD, 1)

  onesH = jnp.ones((C_EDGE, H), jnp.float32)
  zerosH = jnp.zeros((N_PAD, H), jnp.float32)

  degp = _deg_kernel(dst_t, onesH, zerosH)

  dis, hs1 = _first_kernel(degp[0], degp[1], x_p, W1)

  p = _edge_kernel(hs1, src_t, dst_t, zerosH)
  h1, hs2 = _mid_kernel(p[0], p[1], hs1, dis, b1.reshape(1, H), W2)

  p = _edge_kernel(hs2, src_t, dst_t, zerosH)
  h2, hs3 = _mid_kernel(p[0], p[1], hs2, dis, b2.reshape(1, H), W3)

  p = _edge_kernel(hs3, src_t, dst_t, zerosH)

  We1, We2, We3 = We[:H], We[H:2 * H], We[2 * H:]
  out = _final_kernel(
      p[0], p[1], hs3, dis, b3.reshape(1, H), h1, h2,
      We1, We2, We3, be.reshape(1, ENC), batch_2d,
      Wd1, bd1.reshape(1, 128), Wd2, bd2.reshape(1, 10))
  return out

# --- scband reference (transcript-rebuilt; emitter-appended) ---
"""Pipeline reference for scband-jknet-53154515255820 (READ-ONLY COPY).

The authoritative reference and input builder live on the scoring server;
editing this copy changes nothing except your own understanding.
"""

import jax, jax.numpy as jnp
import numpy as np

N = 10000
E = 320000
D = 128
H = 128
ENC = 256
DEC = 128
C = 10
G = 16


def _lin(k, fan_in, fan_out):
    s = 1.0 / np.sqrt(fan_in)
    kw, kb = jax.random.split(k)
    W = jax.random.uniform(kw, (fan_in, fan_out), jnp.float32, -s, s)
    b = jax.random.uniform(kb, (fan_out,), jnp.float32, -s, s)
    return W, b


def setup_inputs(seed: int = 0) -> dict:
    key = jax.random.key(seed)
    ks = jax.random.split(key, 10)
    x = jax.random.normal(ks[0], (N, D), jnp.float32)
    edge_index = jax.random.randint(ks[1], (2, E), 0, N, dtype=jnp.int64)
    batch = jnp.sort(jax.random.randint(ks[2], (N,), 0, G, dtype=jnp.int64))
    W1, b1 = _lin(ks[3], D, H)
    W2, b2 = _lin(ks[4], H, H)
    W3, b3 = _lin(ks[5], H, H)
    We, be = _lin(ks[6], 3 * H, ENC)
    Wd1, bd1 = _lin(ks[7], ENC, DEC)
    Wd2, bd2 = _lin(ks[8], DEC, C)
    return {"x": x, "edge_index": edge_index, "batch": batch,
            "W1": W1, "b1": b1, "W2": W2, "b2": b2, "W3": W3, "b3": b3,
            "We": We, "be": be, "Wd1": Wd1, "bd1": bd1, "Wd2": Wd2, "bd2": bd2}


def reference(x, edge_index, batch, W1, b1, W2, b2, W3, b3, We, be, Wd1, bd1, Wd2, bd2):
    n = x.shape[0]
    loop = jnp.arange(n, dtype=edge_index.dtype)
    src = jnp.concatenate([edge_index[0], loop])
    dst = jnp.concatenate([edge_index[1], loop])
    deg = jnp.zeros((n,), x.dtype).at[dst].add(1.0)
    dis = jax.lax.rsqrt(jnp.maximum(deg, 1.0))
    norm = dis[src] * dis[dst]

    def gcn_conv(h, W, b):
        hw = h @ W
        msg = hw[src] * norm[:, None]
        agg = jnp.zeros((n, W.shape[1]), h.dtype).at[dst].add(msg)
        return agg + b

    layer_out = []
    h = x
    for (W, b) in ((W1, b1), (W2, b2), (W3, b3)):
        h = jax.nn.relu(gcn_conv(h, W, b))
        layer_out.append(h)

    jk = jnp.concatenate(layer_out, axis=1)  # jk_mode='cat'
    enc = jax.nn.relu(jk @ We + be)  # linear_encoder with ReLU output activation

    sums = jax.ops.segment_sum(enc, batch, num_segments=G)
    cnts = jax.ops.segment_sum(jnp.ones((n,), enc.dtype), batch, num_segments=G)
    global_feature = sums / jnp.maximum(cnts, 1.0)[:, None]  # scatter_mean

    d = jax.nn.relu(global_feature @ Wd1 + bd1)
    out = d @ Wd2 + bd2  # Identity output activation
    return out

if __name__ == "__main__":
    import jax
    _d = setup_inputs()
    print(jax.jit(kernel)(*tuple(_d.values())))

</pallas_src>

<mosaic_0001>
#map = affine_map<(d0, d1) -> (0, 0)>
#map1 = affine_map<(d0, d1) -> (0, 0, 0)>
module attributes {stable_mosaic.version = 14 : i64} {
  func.func @_edge_body(%arg0: i32, %arg1: i32, %arg2: memref<10240x128xf32, #tpu.memory_space<hbm>>, %arg3: memref<32x10240xi32, #tpu.memory_space<hbm>>, %arg4: memref<32x80x128xi32, #tpu.memory_space<hbm>>, %arg5: memref<10240x128xf32, #tpu.memory_space<hbm>>, %arg6: memref<2x10240x128xf32, #tpu.memory_space<hbm>>, %arg7: memref<10240xi32, #tpu.memory_space<vmem>>, %arg8: memref<2x8x128xi32, #tpu.memory_space<vmem>>, %arg9: memref<128x128xf32, #tpu.memory_space<vmem>>, %arg10: memref<128x128xf32, #tpu.memory_space<vmem>>, %arg11: memref<10240x128xf32, #tpu.memory_space<vmem_shared>>, %arg12: memref<!tpu.dma_semaphore, #tpu.memory_space<semaphore_mem>>, %arg13: memref<!tpu.dma_semaphore, #tpu.memory_space<semaphore_mem>>, %arg14: memref<!tpu.dma_semaphore, #tpu.memory_space<semaphore_mem>>, %arg15: memref<!tpu.dma_semaphore, #tpu.memory_space<semaphore_mem>>) attributes {dimension_semantics = [#tpu.dimension_semantics<core_parallel>, #tpu.dimension_semantics<subcore_parallel>], iteration_bounds = array<i64: 2, 16>, scalar_prefetch = 0 : i64, scratch_operands = 9 : i64, tpu.core_type = #tpu.core_type<sc_vector_subcore>, window_params = [{transform_indices = #map}, {transform_indices = #map}, {transform_indices = #map1}, {transform_indices = #map}, {transform_indices = #map1}]} {
    %mul3A = arith.constant 2 : i32
    %mul3A_0 = arith.muli %arg1, %mul3A : i32
    %add3A = arith.addi %mul3A_0, %arg0 : i32
    %mul3A_1 = arith.constant 640 : i32
    %mul3A_2 = arith.muli %arg1, %mul3A_1 : i32
    "tpu.region"() ({
      %run_scoped3A = tpu.sem_alloc : memref<!tpu.dma_semaphore, #tpu.memory_space<semaphore_mem>>
      %dma_start3A_30 = arith.constant 0 : i32
      %dma_start3A_31 = tpu.memref_slice %arg11[%mul3A_2, %dma_start3A_30] : memref<10240x128xf32, #tpu.memory_space<vmem_shared>> -> memref<640x128xf32, #tpu.memory_space<vmem_shared>>
      %dma_start3A_32 = arith.constant 0 : i32
      %dma_start3A_33 = tpu.memref_slice %arg5[%mul3A_2, %dma_start3A_32] : memref<10240x128xf32, #tpu.memory_space<hbm>> -> memref<640x128xf32, #tpu.memory_space<hbm>>
      tpu.enqueue_dma source(%dma_start3A_33 : memref<640x128xf32, #tpu.memory_space<hbm>>) target(%dma_start3A_31 : memref<640x128xf32, #tpu.memory_space<vmem_shared>>) target_semaphore(%run_scoped3A : memref<!tpu.dma_semaphore, #tpu.memory_space<semaphore_mem>>)
      %dma_wait3A = arith.constant 0 : i32
      %dma_wait3A_34 = tpu.memref_slice %arg11[%mul3A_2, %dma_wait3A] : memref<10240x128xf32, #tpu.memory_space<vmem_shared>> -> memref<640x128xf32, #tpu.memory_space<vmem_shared>>
      %dma_wait3A_35 = arith.constant 0 : i32
      %dma_wait3A_36 = tpu.memref_slice %arg5[%mul3A_2, %dma_wait3A_35] : memref<10240x128xf32, #tpu.memory_space<hbm>> -> memref<640x128xf32, #tpu.memory_space<hbm>>
      tpu.wait_dma2 semaphore(%run_scoped3A : memref<!tpu.dma_semaphore, #tpu.memory_space<semaphore_mem>>) src(%dma_wait3A_36 : memref<640x128xf32, #tpu.memory_space<hbm>>) dst(%dma_wait3A_34 : memref<640x128xf32, #tpu.memory_space<vmem_shared>>)
      tpu.yield
    }) : () -> ()
    "tpu.region"() ({
      %run_scoped3A = tpu.sem_alloc : memref<!tpu.dma_semaphore, #tpu.memory_space<semaphore_mem>>
      %dma_start3A_30 = arith.constant 0 : i32
      %dma_start3A_31 = tpu.memref_slice %arg3[%add3A, %dma_start3A_30] : memref<32x10240xi32, #tpu.memory_space<hbm>> -> memref<1x10240xi32, #tpu.memory_space<hbm>>
      %dma_start3A_32 = tpu.memref_squeeze %dma_start3A_31 : memref<1x10240xi32, #tpu.memory_space<hbm>> -> memref<10240xi32, #tpu.memory_space<hbm>>
      %dma_start3A_33 = arith.constant 0 : i32
      %dma_start3A_34 = tpu.memref_slice %arg3[%add3A, %dma_start3A_33] : memref<32x10240xi32, #tpu.memory_space<hbm>> -> memref<1x10240xi32, #tpu.memory_space<hbm>>
      %dma_start3A_35 = tpu.memref_squeeze %dma_start3A_34 : memref<1x10240xi32, #tpu.memory_space<hbm>> -> memref<10240xi32, #tpu.memory_space<hbm>>
      tpu.enqueue_dma source(%dma_start3A_35 : memref<10240xi32, #tpu.memory_space<hbm>>) target(%arg7 : memref<10240xi32, #tpu.memory_space<vmem>>) target_semaphore(%run_scoped3A : memref<!tpu.dma_semaphore, #tpu.memory_space<semaphore_mem>>)
      %dma_wait3A = arith.constant 0 : i32
      %dma_wait3A_36 = tpu.memref_slice %arg3[%add3A, %dma_wait3A] : memref<32x10240xi32, #tpu.memory_space<hbm>> -> memref<1x10240xi32, #tpu.memory_space<hbm>>
      %dma_wait3A_37 = tpu.memref_squeeze %dma_wait3A_36 : memref<1x10240xi32, #tpu.memory_space<hbm>> -> memref<10240xi32, #tpu.memory_space<hbm>>
      %dma_wait3A_38 = arith.constant 0 : i32
      %dma_wait3A_39 = tpu.memref_slice %arg3[%add3A, %dma_wait3A_38] : memref<32x10240xi32, #tpu.memory_space<hbm>> -> memref<1x10240xi32, #tpu.memory_space<hbm>>
      %dma_wait3A_40 = tpu.memref_squeeze %dma_wait3A_39 : memref<1x10240xi32, #tpu.memory_space<hbm>> -> memref<10240xi32, #tpu.memory_space<hbm>>
      tpu.wait_dma2 semaphore(%run_scoped3A : memref<!tpu.dma_semaphore, #tpu.memory_space<semaphore_mem>>) src(%dma_wait3A_40 : memref<10240xi32, #tpu.memory_space<hbm>>) dst(%arg7 : memref<10240xi32, #tpu.memory_space<vmem>>)
      tpu.yield
    }) : () -> ()
    %barrier3A = arith.constant 0 : index
    tpu.barrier barrier_id(%barrier3A)
    %dma_start3A = arith.constant 0 : i32
    %dma_start3A_3 = arith.constant 0 : i32
    %dma_start3A_4 = arith.constant 0 : i32
    %dma_start3A_5 = tpu.memref_slice %arg8[%dma_start3A, %dma_start3A_3, %dma_start3A_4] : memref<2x8x128xi32, #tpu.memory_space<vmem>> -> memref<1x8x128xi32, #tpu.memory_space<vmem>>
    %dma_start3A_6 = tpu.memref_squeeze %dma_start3A_5 : memref<1x8x128xi32, #tpu.memory_space<vmem>> -> memref<8x128xi32, #tpu.memory_space<vmem>>
    %dma_start3A_7 = arith.constant 0 : i32
    %dma_start3A_8 = arith.constant 0 : i32
    %dma_start3A_9 = tpu.memref_slice %arg4[%add3A, %dma_start3A_7, %dma_start3A_8] : memref<32x80x128xi32, #tpu.memory_space<hbm>> -> memref<1x8x128xi32, #tpu.memory_space<hbm>>
    %dma_start3A_10 = tpu.memref_squeeze %dma_start3A_9 : memref<1x8x128xi32, #tpu.memory_space<hbm>> -> memref<8x128xi32, #tpu.memory_space<hbm>>
    %dma_start3A_11 = arith.constant 0 : i32
    %dma_start3A_12 = arith.constant 0 : i32
    %dma_start3A_13 = tpu.memref_slice %arg8[%dma_start3A, %dma_start3A_11, %dma_start3A_12] : memref<2x8x128xi32, #tpu.memory_space<vmem>> -> memref<1x8x128xi32, #tpu.memory_space<vmem>>
    %dma_start3A_14 = tpu.memref_squeeze %dma_start3A_13 : memref<1x8x128xi32, #tpu.memory_space<vmem>> -> memref<8x128xi32, #tpu.memory_space<vmem>>
    %dma_start3A_15 = arith.constant 0 : i32
    %dma_start3A_16 = arith.constant 0 : i32
    %dma_start3A_17 = tpu.memref_slice %arg4[%add3A, %dma_start3A_15, %dma_start3A_16] : memref<32x80x128xi32, #tpu.memory_space<hbm>> -> memref<1x8x128xi32, #tpu.memory_space<hbm>>
    %dma_start3A_18 = tpu.memref_squeeze %dma_start3A_17 : memref<1x8x128xi32, #tpu.memory_space<hbm>> -> memref<8x128xi32, #tpu.memory_space<hbm>>
    tpu.enqueue_dma source(%dma_start3A_18 : memref<8x128xi32, #tpu.memory_space<hbm>>) target(%dma_start3A_14 : memref<8x128xi32, #tpu.memory_space<vmem>>) target_semaphore(%arg14 : memref<!tpu.dma_semaphore, #tpu.memory_space<semaphore_mem>>)
    %dma_start3A_19 = arith.constant 0 : i32
    %dma_start3A_20 = tpu.memref_slice %arg7[%dma_start3A_19] : memref<10240xi32, #tpu.memory_space<vmem>> -> memref<128xi32, #tpu.memory_space<vmem>>
    %dma_start3A_21 = arith.constant 0 : i32
    %dma_start3A_22 = arith.constant 0 : i32
    %dma_start3A_23 = tpu.memref_slice %arg2[%dma_start3A_21, %dma_start3A_22] : memref<10240x128xf32, #tpu.memory_space<hbm>> -> memref<10240x128xf32, #tpu.memory_space<hbm>>
    tpu.enqueue_indirect_dma source(%dma_start3A_23 : memref<10240x128xf32, #tpu.memory_space<hbm>>) target(%arg9 : memref<128x128xf32, #tpu.memory_space<vmem>>) offsets(%dma_start3A_20 : memref<128xi32, #tpu.memory_space<vmem>>) semaphore(%arg12 : memref<!tpu.dma_semaphore, #tpu.memory_space<semaphore_mem>>)
    %scan3A = arith.constant 0 : i32
    %scan3A_24 = arith.constant 0 : i32
    %scan3A_25 = arith.constant 5 : i32
    %scan3A_26 = arith.addi %scan3A_24, %scan3A_25 : i32
    %scan3A_27 = arith.constant 1 : i32
    scf.for %scan3A_30 = %scan3A_24 to %scan3A_26 step %scan3A_27  : i32 {
      %mul3A_31 = arith.constant 2 : i32
      %mul3A_32 = arith.muli %mul3A_31, %scan3A_30 : i32
      %add3A_33 = arith.constant 0 : i32
      %add3A_34 = arith.addi %mul3A_32, %add3A_33 : i32
      %lt3A = arith.constant 9 : i32
      %lt3A_35 = arith.cmpi slt, %add3A_34, %lt3A : i32
      %convert_element_type3A = arith.extui %lt3A_35 : i1 to i32
      %cond3A = arith.constant 0 : i32
      %cond3A_36 = arith.cmpi ne, %convert_element_type3A, %cond3A : i32
      scf.if %cond3A_36 {
        %add3A_366 = arith.constant 1 : i32
        %add3A_367 = arith.addi %add3A_34, %add3A_366 : i32
        %mul3A_368 = arith.constant 8 : i32
        %mul3A_369 = arith.muli %add3A_367, %mul3A_368 : i32
        %dma_start3A_370 = arith.constant 1 : i32
        %dma_start3A_371 = arith.constant 0 : i32
        %dma_start3A_372 = arith.constant 0 : i32
        %dma_start3A_373 = tpu.memref_slice %arg8[%dma_start3A_370, %dma_start3A_371, %dma_start3A_372] : memref<2x8x128xi32, #tpu.memory_space<vmem>> -> memref<1x8x128xi32, #tpu.memory_space<vmem>>
        %dma_start3A_374 = tpu.memref_squeeze %dma_start3A_373 : memref<1x8x128xi32, #tpu.memory_space<vmem>> -> memref<8x128xi32, #tpu.memory_space<vmem>>
        %dma_start3A_375 = arith.constant 0 : i32
        %dma_start3A_376 = tpu.memref_slice %arg4[%add3A, %mul3A_369, %dma_start3A_375] : memref<32x80x128xi32, #tpu.memory_space<hbm>> -> memref<1x8x128xi32, #tpu.memory_space<hbm>>
        %dma_start3A_377 = tpu.memref_squeeze %dma_start3A_376 : memref<1x8x128xi32, #tpu.memory_space<hbm>> -> memref<8x128xi32, #tpu.memory_space<hbm>>
        %dma_start3A_378 = arith.constant 0 : i32
        %dma_start3A_379 = arith.constant 0 : i32
        %dma_start3A_380 = tpu.memref_slice %arg8[%dma_start3A_370, %dma_start3A_378, %dma_start3A_379] : memref<2x8x128xi32, #tpu.memory_space<vmem>> -> memref<1x8x128xi32, #tpu.memory_space<vmem>>
        %dma_start3A_381 = tpu.memref_squeeze %dma_start3A_380 : memref<1x8x128xi32, #tpu.memory_space<vmem>> -> memref<8x128xi32, #tpu.memory_space<vmem>>
        %dma_start3A_382 = arith.constant 0 : i32
        %dma_start3A_383 = tpu.memref_slice %arg4[%add3A, %mul3A_369, %dma_start3A_382] : memref<32x80x128xi32, #tpu.memory_space<hbm>> -> memref<1x8x128xi32, #tpu.memory_space<hbm>>
        %dma_start3A_384 = tpu.memref_squeeze %dma_start3A_383 : memref<1x8x128xi32, #tpu.memory_space<hbm>> -> memref<8x128xi32, #tpu.memory_space<hbm>>
        tpu.enqueue_dma source(%dma_start3A_384 : memref<8x128xi32, #tpu.memory_space<hbm>>) target(%dma_start3A_381 : memref<8x128xi32, #tpu.memory_space<vmem>>) target_semaphore(%arg15 : memref<!tpu.dma_semaphore, #tpu.memory_space<semaphore_mem>>)
      } else {
      }
      %dma_wait3A = arith.constant 0 : i32
      %dma_wait3A_37 = arith.constant 0 : i32
      %dma_wait3A_38 = arith.constant 0 : i32
      %dma_wait3A_39 = tpu.memref_slice %arg8[%dma_wait3A, %dma_wait3A_37, %dma_wait3A_38] : memref<2x8x128xi32, #tpu.memory_space<vmem>> -> memref<1x8x128xi32, #tpu.memory_space<vmem>>
      %dma_wait3A_40 = tpu.memref_squeeze %dma_wait3A_39 : memref<1x8x128xi32, #tpu.memory_space<vmem>> -> memref<8x128xi32, #tpu.memory_space<vmem>>
      %dma_wait3A_41 = arith.constant 0 : i32
      %dma_wait3A_42 = arith.constant 0 : i32
      %dma_wait3A_43 = tpu.memref_slice %arg4[%add3A, %dma_wait3A_41, %dma_wait3A_42] : memref<32x80x128xi32, #tpu.memory_space<hbm>> -> memref<1x8x128xi32, #tpu.memory_space<hbm>>
      %dma_wait3A_44 = tpu.memref_squeeze %dma_wait3A_43 : memref<1x8x128xi32, #tpu.memory_space<hbm>> -> memref<8x128xi32, #tpu.memory_space<hbm>>
      %dma_wait3A_45 = arith.constant 0 : i32
      %dma_wait3A_46 = arith.constant 0 : i32
      %dma_wait3A_47 = tpu.memref_slice %arg8[%dma_wait3A, %dma_wait3A_45, %dma_wait3A_46] : memref<2x8x128xi32, #tpu.memory_space<vmem>> -> memref<1x8x128xi32, #tpu.memory_space<vmem>>
      %dma_wait3A_48 = tpu.memref_squeeze %dma_wait3A_47 : memref<1x8x128xi32, #tpu.memory_space<vmem>> -> memref<8x128xi32, #tpu.memory_space<vmem>>
      %dma_wait3A_49 = arith.constant 0 : i32
      %dma_wait3A_50 = arith.constant 0 : i32
      %dma_wait3A_51 = tpu.memref_slice %arg4[%add3A, %dma_wait3A_49, %dma_wait3A_50] : memref<32x80x128xi32, #tpu.memory_space<hbm>> -> memref<1x8x128xi32, #tpu.memory_space<hbm>>
      %dma_wait3A_52 = tpu.memref_squeeze %dma_wait3A_51 : memref<1x8x128xi32, #tpu.memory_space<hbm>> -> memref<8x128xi32, #tpu.memory_space<hbm>>
      tpu.wait_dma2 semaphore(%arg14 : memref<!tpu.dma_semaphore, #tpu.memory_space<semaphore_mem>>) src(%dma_wait3A_52 : memref<8x128xi32, #tpu.memory_space<hbm>>) dst(%dma_wait3A_48 : memref<8x128xi32, #tpu.memory_space<vmem>>)
      %mul3A_53 = arith.constant 8 : i32
      %mul3A_54 = arith.muli %add3A_34, %mul3A_53 : i32
      %add3A_55 = arith.constant 0 : i32
      %add3A_56 = arith.addi %mul3A_54, %add3A_55 : i32
      %add3A_57 = arith.constant 1 : i32
      %add3A_58 = arith.addi %add3A_56, %add3A_57 : i32
      %lt3A_59 = arith.constant 80 : i32
      %lt3A_60 = arith.cmpi slt, %add3A_58, %lt3A_59 : i32
      %convert_element_type3A_61 = arith.extui %lt3A_60 : i1 to i32
      %cond3A_62 = arith.constant 0 : i32
      %cond3A_63 = arith.cmpi ne, %convert_element_type3A_61, %cond3A_62 : i32
      scf.if %cond3A_63 {
        %add3A_366 = arith.constant 1 : i32
        %add3A_367 = arith.addi %add3A_56, %add3A_366 : i32
        %mul3A_368 = arith.constant 128 : i32
        %mul3A_369 = arith.muli %add3A_367, %mul3A_368 : i32
        %dma_start3A_370 = tpu.memref_slice %arg7[%mul3A_369] : memref<10240xi32, #tpu.memory_space<vmem>> -> memref<128xi32, #tpu.memory_space<vmem>>
        %dma_start3A_371 = arith.constant 0 : i32
        %dma_start3A_372 = arith.constant 0 : i32
        %dma_start3A_373 = tpu.memref_slice %arg2[%dma_start3A_371, %dma_start3A_372] : memref<10240x128xf32, #tpu.memory_space<hbm>> -> memref<10240x128xf32, #tpu.memory_space<hbm>>
        tpu.enqueue_indirect_dma source(%dma_start3A_373 : memref<10240x128xf32, #tpu.memory_space<hbm>>) target(%arg10 : memref<128x128xf32, #tpu.memory_space<vmem>>) offsets(%dma_start3A_370 : memref<128xi32, #tpu.memory_space<vmem>>) semaphore(%arg13 : memref<!tpu.dma_semaphore, #tpu.memory_space<semaphore_mem>>)
      } else {
      }
      %dma_wait3A_64 = arith.constant 0 : i32
      %dma_wait3A_65 = tpu.memref_slice %arg7[%dma_wait3A_64] : memref<10240xi32, #tpu.memory_space<vmem>> -> memref<128xi32, #tpu.memory_space<vmem>>
      %dma_wait3A_66 = arith.constant 0 : i32
      %dma_wait3A_67 = arith.constant 0 : i32
      %dma_wait3A_68 = tpu.memref_slice %arg2[%dma_wait3A_66, %dma_wait3A_67] : memref<10240x128xf32, #tpu.memory_space<hbm>> -> memref<10240x128xf32, #tpu.memory_space<hbm>>
      tpu.wait_indirect_dma semaphore(%arg12 : memref<!tpu.dma_semaphore, #tpu.memory_space<semaphore_mem>>) src(%dma_wait3A_68 : memref<10240x128xf32, #tpu.memory_space<hbm>>) dst(%arg9 : memref<128x128xf32, #tpu.memory_space<vmem>>)
      %run_scoped3A = arith.constant 0 : i32
      %run_scoped3A_69 = arith.constant 0 : i32
      "tpu.region"() ({
        %run_scoped3A_366 = tpu.sem_alloc : memref<!tpu.dma_semaphore, #tpu.memory_space<semaphore_mem>>
        %dma_start3A_367 = arith.constant 0 : i32
        %dma_start3A_368 = tpu.memref_slice %arg8[%run_scoped3A, %run_scoped3A_69, %dma_start3A_367] : memref<2x8x128xi32, #tpu.memory_space<vmem>> -> memref<1x1x128xi32, #tpu.memory_space<vmem>>
        %dma_start3A_369 = tpu.memref_squeeze %dma_start3A_368 : memref<1x1x128xi32, #tpu.memory_space<vmem>> -> memref<128xi32, #tpu.memory_space<vmem>>
        %dma_start3A_370 = arith.constant 0 : i32
        %dma_start3A_371 = arith.constant 0 : i32
        %dma_start3A_372 = tpu.memref_slice %arg11[%dma_start3A_370, %dma_start3A_371] : memref<10240x128xf32, #tpu.memory_space<vmem_shared>> -> memref<10240x128xf32, #tpu.memory_space<vmem_shared>>
        tpu.enqueue_indirect_dma source(%arg9 : memref<128x128xf32, #tpu.memory_space<vmem>>) target(%dma_start3A_372 : memref<10240x128xf32, #tpu.memory_space<vmem_shared>>) offsets(%dma_start3A_369 : memref<128xi32, #tpu.memory_space<vmem>>) semaphore(%run_scoped3A_366 : memref<!tpu.dma_semaphore, #tpu.memory_space<semaphore_mem>>) {add = true}
        %dma_wait3A_373 = arith.constant 0 : i32
        %dma_wait3A_374 = tpu.memref_slice %arg8[%run_scoped3A, %run_scoped3A_69, %dma_wait3A_373] : memref<2x8x128xi32, #tpu.memory_space<vmem>> -> memref<1x1x128xi32, #tpu.memory_space<vmem>>
        %dma_wait3A_375 = tpu.memref_squeeze %dma_wait3A_374 : memref<1x1x128xi32, #tpu.memory_space<vmem>> -> memref<128xi32, #tpu.memory_space<vmem>>
        %dma_wait3A_376 = arith.constant 0 : i32
        %dma_wait3A_377 = arith.constant 0 : i32
        %dma_wait3A_378 = tpu.memref_slice %arg11[%dma_wait3A_376, %dma_wait3A_377] : memref<10240x128xf32, #tpu.memory_space<vmem_shared>> -> memref<10240x128xf32, #tpu.memory_space<vmem_shared>>
        tpu.wait_indirect_dma semaphore(%run_scoped3A_366 : memref<!tpu.dma_semaphore, #tpu.memory_space<semaphore_mem>>) src(%arg9 : memref<128x128xf32, #tpu.memory_space<vmem>>) dst(%dma_wait3A_378 : memref<10240x128xf32, #tpu.memory_space<vmem_shared>>)
        tpu.yield
      }) : () -> ()
      %mul3A_70 = arith.constant 8 : i32
      %mul3A_71 = arith.muli %add3A_34, %mul3A_70 : i32
      %add3A_72 = arith.constant 1 : i32
      %add3A_73 = arith.addi %mul3A_71, %add3A_72 : i32
      %add3A_74 = arith.constant 1 : i32
      %add3A_75 = arith.addi %add3A_73, %add3A_74 : i32
      %lt3A_76 = arith.constant 80 : i32
      %lt3A_77 = arith.cmpi slt, %add3A_75, %lt3A_76 : i32
      %convert_element_type3A_78 = arith.extui %lt3A_77 : i1 to i32
      %cond3A_79 = arith.constant 0 : i32
      %cond3A_80 = arith.cmpi ne, %convert_element_type3A_78, %cond3A_79 : i32
      scf.if %cond3A_80 {
        %add3A_366 = arith.constant 1 : i32
        %add3A_367 = arith.addi %add3A_73, %add3A_366 : i32
        %mul3A_368 = arith.constant 128 : i32
        %mul3A_369 = arith.muli %add3A_367, %mul3A_368 : i32
        %dma_start3A_370 = tpu.memref_slice %arg7[%mul3A_369] : memref<10240xi32, #tpu.memory_space<vmem>> -> memref<128xi32, #tpu.memory_space<vmem>>
        %dma_start3A_371 = arith.constant 0 : i32
        %dma_start3A_372 = arith.constant 0 : i32
        %dma_start3A_373 = tpu.memref_slice %arg2[%dma_start3A_371, %dma_start3A_372] : memref<10240x128xf32, #tpu.memory_space<hbm>> -> memref<10240x128xf32, #tpu.memory_space<hbm>>
        tpu.enqueue_indirect_dma source(%dma_start3A_373 : memref<10240x128xf32, #tpu.memory_space<hbm>>) target(%arg9 : memref<128x128xf32, #tpu.memory_space<vmem>>) offsets(%dma_start3A_370 : memref<128xi32, #tpu.memory_space<vmem>>) semaphore(%arg12 : memref<!tpu.dma_semaphore, #tpu.memory_space<semaphore_mem>>)
      } else {
      }
      %dma_wait3A_81 = arith.constant 0 : i32
      %dma_wait3A_82 = tpu.memref_slice %arg7[%dma_wait3A_81] : memref<10240xi32, #tpu.memory_space<vmem>> -> memref<128xi32, #tpu.memory_space<vmem>>
      %dma_wait3A_83 = arith.constant 0 : i32
      %dma_wait3A_84 = arith.constant 0 : i32
      %dma_wait3A_85 = tpu.memref_slice %arg2[%dma_wait3A_83, %dma_wait3A_84] : memref<10240x128xf32, #tpu.memory_space<hbm>> -> memref<10240x128xf32, #tpu.memory_space<hbm>>
      tpu.wait_indirect_dma semaphore(%arg13 : memref<!tpu.dma_semaphore, #tpu.memory_space<semaphore_mem>>) src(%dma_wait3A_85 : memref<10240x128xf32, #tpu.memory_space<hbm>>) dst(%arg10 : memref<128x128xf32, #tpu.memory_space<vmem>>)
      %run_scoped3A_86 = arith.constant 0 : i32
      %run_scoped3A_87 = arith.constant 1 : i32
      "tpu.region"() ({
        %run_scoped3A_366 = tpu.sem_alloc : memref<!tpu.dma_semaphore, #tpu.memory_space<semaphore_mem>>
        %dma_start3A_367 = arith.constant 0 : i32
        %dma_start3A_368 = tpu.memref_slice %arg8[%run_scoped3A_86, %run_scoped3A_87, %dma_start3A_367] : memref<2x8x128xi32, #tpu.memory_space<vmem>> -> memref<1x1x128xi32, #tpu.memory_space<vmem>>
        %dma_start3A_369 = tpu.memref_squeeze %dma_start3A_368 : memref<1x1x128xi32, #tpu.memory_space<vmem>> -> memref<128xi32, #tpu.memory_space<vmem>>
        %dma_start3A_370 = arith.constant 0 : i32
        %dma_start3A_371 = arith.constant 0 : i32
        %dma_start3A_372 = tpu.memref_slice %arg11[%dma_start3A_370, %dma_start3A_371] : memref<10240x128xf32, #tpu.memory_space<vmem_shared>> -> memref<10240x128xf32, #tpu.memory_space<vmem_shared>>
        tpu.enqueue_indirect_dma source(%arg10 : memref<128x128xf32, #tpu.memory_space<vmem>>) target(%dma_start3A_372 : memref<10240x128xf32, #tpu.memory_space<vmem_shared>>) offsets(%dma_start3A_369 : memref<128xi32, #tpu.memory_space<vmem>>) semaphore(%run_scoped3A_366 : memref<!tpu.dma_semaphore, #tpu.memory_space<semaphore_mem>>) {add = true}
        %dma_wait3A_373 = arith.constant 0 : i32
        %dma_wait3A_374 = tpu.memref_slice %arg8[%run_scoped3A_86, %run_scoped3A_87, %dma_wait3A_373] : memref<2x8x128xi32, #tpu.memory_space<vmem>> -> memref<1x1x128xi32, #tpu.memory_space<vmem>>
        %dma_wait3A_375 = tpu.memref_squeeze %dma_wait3A_374 : memref<1x1x128xi32, #tpu.memory_space<vmem>> -> memref<128xi32, #tpu.memory_space<vmem>>
        %dma_wait3A_376 = arith.constant 0 : i32
        %dma_wait3A_377 = arith.constant 0 : i32
        %dma_wait3A_378 = tpu.memref_slice %arg11[%dma_wait3A_376, %dma_wait3A_377] : memref<10240x128xf32, #tpu.memory_space<vmem_shared>> -> memref<10240x128xf32, #tpu.memory_space<vmem_shared>>
        tpu.wait_indirect_dma semaphore(%run_scoped3A_366 : memref<!tpu.dma_semaphore, #tpu.memory_space<semaphore_mem>>) src(%arg10 : memref<128x128xf32, #tpu.memory_space<vmem>>) dst(%dma_wait3A_378 : memref<10240x128xf32, #tpu.memory_space<vmem_shared>>)
        tpu.yield
      }) : () -> ()
      %mul3A_88 = arith.constant 8 : i32
      %mul3A_89 = arith.muli %add3A_34, %mul3A_88 : i32
      %add3A_90 = arith.constant 2 : i32
      %add3A_91 = arith.addi %mul3A_89, %add3A_90 : i32
      %add3A_92 = arith.constant 1 : i32
      %add3A_93 = arith.addi %add3A_91, %add3A_92 : i32
      %lt3A_94 = arith.constant 80 : i32
      %lt3A_95 = arith.cmpi slt, %add3A_93, %lt3A_94 : i32
      %convert_element_type3A_96 = arith.extui %lt3A_95 : i1 to i32
      %cond3A_97 = arith.constant 0 : i32
      %cond3A_98 = arith.cmpi ne, %convert_element_type3A_96, %cond3A_97 : i32
      scf.if %cond3A_98 {
        %add3A_366 = arith.constant 1 : i32
        %add3A_367 = arith.addi %add3A_91, %add3A_366 : i32
        %mul3A_368 = arith.constant 128 : i32
        %mul3A_369 = arith.muli %add3A_367, %mul3A_368 : i32
        %dma_start3A_370 = tpu.memref_slice %arg7[%mul3A_369] : memref<10240xi32, #tpu.memory_space<vmem>> -> memref<128xi32, #tpu.memory_space<vmem>>
        %dma_start3A_371 = arith.constant 0 : i32
        %dma_start3A_372 = arith.constant 0 : i32
        %dma_start3A_373 = tpu.memref_slice %arg2[%dma_start3A_371, %dma_start3A_372] : memref<10240x128xf32, #tpu.memory_space<hbm>> -> memref<10240x128xf32, #tpu.memory_space<hbm>>
        tpu.enqueue_indirect_dma source(%dma_start3A_373 : memref<10240x128xf32, #tpu.memory_space<hbm>>) target(%arg10 : memref<128x128xf32, #tpu.memory_space<vmem>>) offsets(%dma_start3A_370 : memref<128xi32, #tpu.memory_space<vmem>>) semaphore(%arg13 : memref<!tpu.dma_semaphore, #tpu.memory_space<semaphore_mem>>)
      } else {
      }
      %dma_wait3A_99 = arith.constant 0 : i32
      %dma_wait3A_100 = tpu.memref_slice %arg7[%dma_wait3A_99] : memref<10240xi32, #tpu.memory_space<vmem>> -> memref<128xi32, #tpu.memory_space<vmem>>
      %dma_wait3A_101 = arith.constant 0 : i32
      %dma_wait3A_102 = arith.constant 0 : i32
      %dma_wait3A_103 = tpu.memref_slice %arg2[%dma_wait3A_101, %dma_wait3A_102] : memref<10240x128xf32, #tpu.memory_space<hbm>> -> memref<10240x128xf32, #tpu.memory_space<hbm>>
      tpu.wait_indirect_dma semaphore(%arg12 : memref<!tpu.dma_semaphore, #tpu.memory_space<semaphore_mem>>) src(%dma_wait3A_103 : memref<10240x128xf32, #tpu.memory_space<hbm>>) dst(%arg9 : memref<128x128xf32, #tpu.memory_space<vmem>>)
      %run_scoped3A_104 = arith.constant 0 : i32
      %run_scoped3A_105 = arith.constant 2 : i32
      "tpu.region"() ({
        %run_scoped3A_366 = tpu.sem_alloc : memref<!tpu.dma_semaphore, #tpu.memory_space<semaphore_mem>>
        %dma_start3A_367 = arith.constant 0 : i32
        %dma_start3A_368 = tpu.memref_slice %arg8[%run_scoped3A_104, %run_scoped3A_105, %dma_start3A_367] : memref<2x8x128xi32, #tpu.memory_space<vmem>> -> memref<1x1x128xi32, #tpu.memory_space<vmem>>
        %dma_start3A_369 = tpu.memref_squeeze %dma_start3A_368 : memref<1x1x128xi32, #tpu.memory_space<vmem>> -> memref<128xi32, #tpu.memory_space<vmem>>
        %dma_start3A_370 = arith.constant 0 : i32
        %dma_start3A_371 = arith.constant 0 : i32
        %dma_start3A_372 = tpu.memref_slice %arg11[%dma_start3A_370, %dma_start3A_371] : memref<10240x128xf32, #tpu.memory_space<vmem_shared>> -> memref<10240x128xf32, #tpu.memory_space<vmem_shared>>
        tpu.enqueue_indirect_dma source(%arg9 : memref<128x128xf32, #tpu.memory_space<vmem>>) target(%dma_start3A_372 : memref<10240x128xf32, #tpu.memory_space<vmem_shared>>) offsets(%dma_start3A_369 : memref<128xi32, #tpu.memory_space<vmem>>) semaphore(%run_scoped3A_366 : memref<!tpu.dma_semaphore, #tpu.memory_space<semaphore_mem>>) {add = true}
        %dma_wait3A_373 = arith.constant 0 : i32
        %dma_wait3A_374 = tpu.memref_slice %arg8[%run_scoped3A_104, %run_scoped3A_105, %dma_wait3A_373] : memref<2x8x128xi32, #tpu.memory_space<vmem>> -> memref<1x1x128xi32, #tpu.memory_space<vmem>>
        %dma_wait3A_375 = tpu.memref_squeeze %dma_wait3A_374 : memref<1x1x128xi32, #tpu.memory_space<vmem>> -> memref<128xi32, #tpu.memory_space<vmem>>
        %dma_wait3A_376 = arith.constant 0 : i32
        %dma_wait3A_377 = arith.constant 0 : i32
        %dma_wait3A_378 = tpu.memref_slice %arg11[%dma_wait3A_376, %dma_wait3A_377] : memref<10240x128xf32, #tpu.memory_space<vmem_shared>> -> memref<10240x128xf32, #tpu.memory_space<vmem_shared>>
        tpu.wait_indirect_dma semaphore(%run_scoped3A_366 : memref<!tpu.dma_semaphore, #tpu.memory_space<semaphore_mem>>) src(%arg9 : memref<128x128xf32, #tpu.memory_space<vmem>>) dst(%dma_wait3A_378 : memref<10240x128xf32, #tpu.memory_space<vmem_shared>>)
        tpu.yield
      }) : () -> ()
      %mul3A_106 = arith.constant 8 : i32
      %mul3A_107 = arith.muli %add3A_34, %mul3A_106 : i32
      %add3A_108 = arith.constant 3 : i32
      %add3A_109 = arith.addi %mul3A_107, %add3A_108 : i32
      %add3A_110 = arith.constant 1 : i32
      %add3A_111 = arith.addi %add3A_109, %add3A_110 : i32
      %lt3A_112 = arith.constant 80 : i32
      %lt3A_113 = arith.cmpi slt, %add3A_111, %lt3A_112 : i32
      %convert_element_type3A_114 = arith.extui %lt3A_113 : i1 to i32
      %cond3A_115 = arith.constant 0 : i32
      %cond3A_116 = arith.cmpi ne, %convert_element_type3A_114, %cond3A_115 : i32
      scf.if %cond3A_116 {
        %add3A_366 = arith.constant 1 : i32
        %add3A_367 = arith.addi %add3A_109, %add3A_366 : i32
        %mul3A_368 = arith.constant 128 : i32
        %mul3A_369 = arith.muli %add3A_367, %mul3A_368 : i32
        %dma_start3A_370 = tpu.memref_slice %arg7[%mul3A_369] : memref<10240xi32, #tpu.memory_space<vmem>> -> memref<128xi32, #tpu.memory_space<vmem>>
        %dma_start3A_371 = arith.constant 0 : i32
        %dma_start3A_372 = arith.constant 0 : i32
        %dma_start3A_373 = tpu.memref_slice %arg2[%dma_start3A_371, %dma_start3A_372] : memref<10240x128xf32, #tpu.memory_space<hbm>> -> memref<10240x128xf32, #tpu.memory_space<hbm>>
        tpu.enqueue_indirect_dma source(%dma_start3A_373 : memref<10240x128xf32, #tpu.memory_space<hbm>>) target(%arg9 : memref<128x128xf32, #tpu.memory_space<vmem>>) offsets(%dma_start3A_370 : memref<128xi32, #tpu.memory_space<vmem>>) semaphore(%arg12 : memref<!tpu.dma_semaphore, #tpu.memory_space<semaphore_mem>>)
      } else {
      }
      %dma_wait3A_117 = arith.constant 0 : i32
      %dma_wait3A_118 = tpu.memref_slice %arg7[%dma_wait3A_117] : memref<10240xi32, #tpu.memory_space<vmem>> -> memref<128xi32, #tpu.memory_space<vmem>>
      %dma_wait3A_119 = arith.constant 0 : i32
      %dma_wait3A_120 = arith.constant 0 : i32
      %dma_wait3A_121 = tpu.memref_slice %arg2[%dma_wait3A_119, %dma_wait3A_120] : memref<10240x128xf32, #tpu.memory_space<hbm>> -> memref<10240x128xf32, #tpu.memory_space<hbm>>
      tpu.wait_indirect_dma semaphore(%arg13 : memref<!tpu.dma_semaphore, #tpu.memory_space<semaphore_mem>>) src(%dma_wait3A_121 : memref<10240x128xf32, #tpu.memory_space<hbm>>) dst(%arg10 : memref<128x128xf32, #tpu.memory_space<vmem>>)
      %run_scoped3A_122 = arith.constant 0 : i32
      %run_scoped3A_123 = arith.constant 3 : i32
      "tpu.region"() ({
        %run_scoped3A_366 = tpu.sem_alloc : memref<!tpu.dma_semaphore, #tpu.memory_space<semaphore_mem>>
        %dma_start3A_367 = arith.constant 0 : i32
        %dma_start3A_368 = tpu.memref_slice %arg8[%run_scoped3A_122, %run_scoped3A_123, %dma_start3A_367] : memref<2x8x128xi32, #tpu.memory_space<vmem>> -> memref<1x1x128xi32, #tpu.memory_space<vmem>>
        %dma_start3A_369 = tpu.memref_squeeze %dma_start3A_368 : memref<1x1x128xi32, #tpu.memory_space<vmem>> -> memref<128xi32, #tpu.memory_space<vmem>>
        %dma_start3A_370 = arith.constant 0 : i32
        %dma_start3A_371 = arith.constant 0 : i32
        %dma_start3A_372 = tpu.memref_slice %arg11[%dma_start3A_370, %dma_start3A_371] : memref<10240x128xf32, #tpu.memory_space<vmem_shared>> -> memref<10240x128xf32, #tpu.memory_space<vmem_shared>>
        tpu.enqueue_indirect_dma source(%arg10 : memref<128x128xf32, #tpu.memory_space<vmem>>) target(%dma_start3A_372 : memref<10240x128xf32, #tpu.memory_space<vmem_shared>>) offsets(%dma_start3A_369 : memref<128xi32, #tpu.memory_space<vmem>>) semaphore(%run_scoped3A_366 : memref<!tpu.dma_semaphore, #tpu.memory_space<semaphore_mem>>) {add = true}
        %dma_wait3A_373 = arith.constant 0 : i32
        %dma_wait3A_374 = tpu.memref_slice %arg8[%run_scoped3A_122, %run_scoped3A_123, %dma_wait3A_373] : memref<2x8x128xi32, #tpu.memory_space<vmem>> -> memref<1x1x128xi32, #tpu.memory_space<vmem>>
        %dma_wait3A_375 = tpu.memref_squeeze %dma_wait3A_374 : memref<1x1x128xi32, #tpu.memory_space<vmem>> -> memref<128xi32, #tpu.memory_space<vmem>>
        %dma_wait3A_376 = arith.constant 0 : i32
        %dma_wait3A_377 = arith.constant 0 : i32
        %dma_wait3A_378 = tpu.memref_slice %arg11[%dma_wait3A_376, %dma_wait3A_377] : memref<10240x128xf32, #tpu.memory_space<vmem_shared>> -> memref<10240x128xf32, #tpu.memory_space<vmem_shared>>
        tpu.wait_indirect_dma semaphore(%run_scoped3A_366 : memref<!tpu.dma_semaphore, #tpu.memory_space<semaphore_mem>>) src(%arg10 : memref<128x128xf32, #tpu.memory_space<vmem>>) dst(%dma_wait3A_378 : memref<10240x128xf32, #tpu.memory_space<vmem_shared>>)
        tpu.yield
      }) : () -> ()
      %mul3A_124 = arith.constant 8 : i32
      %mul3A_125 = arith.muli %add3A_34, %mul3A_124 : i32
      %add3A_126 = arith.constant 4 : i32
      %add3A_127 = arith.addi %mul3A_125, %add3A_126 : i32
      %add3A_128 = arith.constant 1 : i32
      %add3A_129 = arith.addi %add3A_127, %add3A_128 : i32
      %lt3A_130 = arith.constant 80 : i32
      %lt3A_131 = arith.cmpi slt, %add3A_129, %lt3A_130 : i32
      %convert_element_type3A_132 = arith.extui %lt3A_131 : i1 to i32
      %cond3A_133 = arith.constant 0 : i32
      %cond3A_134 = arith.cmpi ne, %convert_element_type3A_132, %cond3A_133 : i32
      scf.if %cond3A_134 {
        %add3A_366 = arith.constant 1 : i32
        %add3A_367 = arith.addi %add3A_127, %add3A_366 : i32
        %mul3A_368 = arith.constant 128 : i32
        %mul3A_369 = arith.muli %add3A_367, %mul3A_368 : i32
        %dma_start3A_370 = tpu.memref_slice %arg7[%mul3A_369] : memref<10240xi32, #tpu.memory_space<vmem>> -> memref<128xi32, #tpu.memory_space<vmem>>
        %dma_start3A_371 = arith.constant 0 : i32
        %dma_start3A_372 = arith.constant 0 : i32
        %dma_start3A_373 = tpu.memref_slice %arg2[%dma_start3A_371, %dma_start3A_372] : memref<10240x128xf32, #tpu.memory_space<hbm>> -> memref<10240x128xf32, #tpu.memory_space<hbm>>
        tpu.enqueue_indirect_dma source(%dma_start3A_373 : memref<10240x128xf32, #tpu.memory_space<hbm>>) target(%arg10 : memref<128x128xf32, #tpu.memory_space<vmem>>) offsets(%dma_start3A_370 : memref<128xi32, #tpu.memory_space<vmem>>) semaphore(%arg13 : memref<!tpu.dma_semaphore, #tpu.memory_space<semaphore_mem>>)
      } else {
      }
      %dma_wait3A_135 = arith.constant 0 : i32
      %dma_wait3A_136 = tpu.memref_slice %arg7[%dma_wait3A_135] : memref<10240xi32, #tpu.memory_space<vmem>> -> memref<128xi32, #tpu.memory_space<vmem>>
      %dma_wait3A_137 = arith.constant 0 : i32
      %dma_wait3A_138 = arith.constant 0 : i32
      %dma_wait3A_139 = tpu.memref_slice %arg2[%dma_wait3A_137, %dma_wait3A_138] : memref<10240x128xf32, #tpu.memory_space<hbm>> -> memref<10240x128xf32, #tpu.memory_space<hbm>>
      tpu.wait_indirect_dma semaphore(%arg12 : memref<!tpu.dma_semaphore, #tpu.memory_space<semaphore_mem>>) src(%dma_wait3A_139 : memref<10240x128xf32, #tpu.memory_space<hbm>>) dst(%arg9 : memref<128x128xf32, #tpu.memory_space<vmem>>)
      %run_scoped3A_140 = arith.constant 0 : i32
      %run_scoped3A_141 = arith.constant 4 : i32
      "tpu.region"() ({
        %run_scoped3A_366 = tpu.sem_alloc : memref<!tpu.dma_semaphore, #tpu.memory_space<semaphore_mem>>
        %dma_start3A_367 = arith.constant 0 : i32
        %dma_start3A_368 = tpu.memref_slice %arg8[%run_scoped3A_140, %run_scoped3A_141, %dma_start3A_367] : memref<2x8x128xi32, #tpu.memory_space<vmem>> -> memref<1x1x128xi32, #tpu.memory_space<vmem>>
        %dma_start3A_369 = tpu.memref_squeeze %dma_start3A_368 : memref<1x1x128xi32, #tpu.memory_space<vmem>> -> memref<128xi32, #tpu.memory_space<vmem>>
        %dma_start3A_370 = arith.constant 0 : i32
        %dma_start3A_371 = arith.constant 0 : i32
        %dma_start3A_372 = tpu.memref_slice %arg11[%dma_start3A_370, %dma_start3A_371] : memref<10240x128xf32, #tpu.memory_space<vmem_shared>> -> memref<10240x128xf32, #tpu.memory_space<vmem_shared>>
        tpu.enqueue_indirect_dma source(%arg9 : memref<128x128xf32, #tpu.memory_space<vmem>>) target(%dma_start3A_372 : memref<10240x128xf32, #tpu.memory_space<vmem_shared>>) offsets(%dma_start3A_369 : memref<128xi32, #tpu.memory_space<vmem>>) semaphore(%run_scoped3A_366 : memref<!tpu.dma_semaphore, #tpu.memory_space<semaphore_mem>>) {add = true}
        %dma_wait3A_373 = arith.constant 0 : i32
        %dma_wait3A_374 = tpu.memref_slice %arg8[%run_scoped3A_140, %run_scoped3A_141, %dma_wait3A_373] : memref<2x8x128xi32, #tpu.memory_space<vmem>> -> memref<1x1x128xi32, #tpu.memory_space<vmem>>
        %dma_wait3A_375 = tpu.memref_squeeze %dma_wait3A_374 : memref<1x1x128xi32, #tpu.memory_space<vmem>> -> memref<128xi32, #tpu.memory_space<vmem>>
        %dma_wait3A_376 = arith.constant 0 : i32
        %dma_wait3A_377 = arith.constant 0 : i32
        %dma_wait3A_378 = tpu.memref_slice %arg11[%dma_wait3A_376, %dma_wait3A_377] : memref<10240x128xf32, #tpu.memory_space<vmem_shared>> -> memref<10240x128xf32, #tpu.memory_space<vmem_shared>>
        tpu.wait_indirect_dma semaphore(%run_scoped3A_366 : memref<!tpu.dma_semaphore, #tpu.memory_space<semaphore_mem>>) src(%arg9 : memref<128x128xf32, #tpu.memory_space<vmem>>) dst(%dma_wait3A_378 : memref<10240x128xf32, #tpu.memory_space<vmem_shared>>)
        tpu.yield
      }) : () -> ()
      %mul3A_142 = arith.constant 8 : i32
      %mul3A_143 = arith.muli %add3A_34, %mul3A_142 : i32
      %add3A_144 = arith.constant 5 : i32
      %add3A_145 = arith.addi %mul3A_143, %add3A_144 : i32
      %add3A_146 = arith.constant 1 : i32
      %add3A_147 = arith.addi %add3A_145, %add3A_146 : i32
      %lt3A_148 = arith.constant 80 : i32
      %lt3A_149 = arith.cmpi slt, %add3A_147, %lt3A_148 : i32
      %convert_element_type3A_150 = arith.extui %lt3A_149 : i1 to i32
      %cond3A_151 = arith.constant 0 : i32
      %cond3A_152 = arith.cmpi ne, %convert_element_type3A_150, %cond3A_151 : i32
      scf.if %cond3A_152 {
        %add3A_366 = arith.constant 1 : i32
        %add3A_367 = arith.addi %add3A_145, %add3A_366 : i32
        %mul3A_368 = arith.constant 128 : i32
        %mul3A_369 = arith.muli %add3A_367, %mul3A_368 : i32
        %dma_start3A_370 = tpu.memref_slice %arg7[%mul3A_369] : memref<10240xi32, #tpu.memory_space<vmem>> -> memref<128xi32, #tpu.memory_space<vmem>>
        %dma_start3A_371 = arith.constant 0 : i32
        %dma_start3A_372 = arith.constant 0 : i32
        %dma_start3A_373 = tpu.memref_slice %arg2[%dma_start3A_371, %dma_start3A_372] : memref<10240x128xf32, #tpu.memory_space<hbm>> -> memref<10240x128xf32, #tpu.memory_space<hbm>>
        tpu.enqueue_indirect_dma source(%dma_start3A_373 : memref<10240x128xf32, #tpu.memory_space<hbm>>) target(%arg9 : memref<128x128xf32, #tpu.memory_space<vmem>>) offsets(%dma_start3A_370 : memref<128xi32, #tpu.memory_space<vmem>>) semaphore(%arg12 : memref<!tpu.dma_semaphore, #tpu.memory_space<semaphore_mem>>)
      } else {
      }
      %dma_wait3A_153 = arith.constant 0 : i32
      %dma_wait3A_154 = tpu.memref_slice %arg7[%dma_wait3A_153] : memref<10240xi32, #tpu.memory_space<vmem>> -> memref<128xi32, #tpu.memory_space<vmem>>
      %dma_wait3A_155 = arith.constant 0 : i32
      %dma_wait3A_156 = arith.constant 0 : i32
      %dma_wait3A_157 = tpu.memref_slice %arg2[%dma_wait3A_155, %dma_wait3A_156] : memref<10240x128xf32, #tpu.memory_space<hbm>> -> memref<10240x128xf32, #tpu.memory_space<hbm>>
      tpu.wait_indirect_dma semaphore(%arg13 : memref<!tpu.dma_semaphore, #tpu.memory_space<semaphore_mem>>) src(%dma_wait3A_157 : memref<10240x128xf32, #tpu.memory_space<hbm>>) dst(%arg10 : memref<128x128xf32, #tpu.memory_space<vmem>>)
      %run_scoped3A_158 = arith.constant 0 : i32
      %run_scoped3A_159 = arith.constant 5 : i32
      "tpu.region"() ({
        %run_scoped3A_366 = tpu.sem_alloc : memref<!tpu.dma_semaphore, #tpu.memory_space<semaphore_mem>>
        %dma_start3A_367 = arith.constant 0 : i32
        %dma_start3A_368 = tpu.memref_slice %arg8[%run_scoped3A_158, %run_scoped3A_159, %dma_start3A_367] : memref<2x8x128xi32, #tpu.memory_space<vmem>> -> memref<1x1x128xi32, #tpu.memory_space<vmem>>
        %dma_start3A_369 = tpu.memref_squeeze %dma_start3A_368 : memref<1x1x128xi32, #tpu.memory_space<vmem>> -> memref<128xi32, #tpu.memory_space<vmem>>
        %dma_start3A_370 = arith.constant 0 : i32
        %dma_start3A_371 = arith.constant 0 : i32
        %dma_start3A_372 = tpu.memref_slice %arg11[%dma_start3A_370, %dma_start3A_371] : memref<10240x128xf32, #tpu.memory_space<vmem_shared>> -> memref<10240x128xf32, #tpu.memory_space<vmem_shared>>
        tpu.enqueue_indirect_dma source(%arg10 : memref<128x128xf32, #tpu.memory_space<vmem>>) target(%dma_start3A_372 : memref<10240x128xf32, #tpu.memory_space<vmem_shared>>) offsets(%dma_start3A_369 : memref<128xi32, #tpu.memory_space<vmem>>) semaphore(%run_scoped3A_366 : memref<!tpu.dma_semaphore, #tpu.memory_space<semaphore_mem>>) {add = true}
        %dma_wait3A_373 = arith.constant 0 : i32
        %dma_wait3A_374 = tpu.memref_slice %arg8[%run_scoped3A_158, %run_scoped3A_159, %dma_wait3A_373] : memref<2x8x128xi32, #tpu.memory_space<vmem>> -> memref<1x1x128xi32, #tpu.memory_space<vmem>>
        %dma_wait3A_375 = tpu.memref_squeeze %dma_wait3A_374 : memref<1x1x128xi32, #tpu.memory_space<vmem>> -> memref<128xi32, #tpu.memory_space<vmem>>
        %dma_wait3A_376 = arith.constant 0 : i32
        %dma_wait3A_377 = arith.constant 0 : i32
        %dma_wait3A_378 = tpu.memref_slice %arg11[%dma_wait3A_376, %dma_wait3A_377] : memref<10240x128xf32, #tpu.memory_space<vmem_shared>> -> memref<10240x128xf32, #tpu.memory_space<vmem_shared>>
        tpu.wait_indirect_dma semaphore(%run_scoped3A_366 : memref<!tpu.dma_semaphore, #tpu.memory_space<semaphore_mem>>) src(%arg10 : memref<128x128xf32, #tpu.memory_space<vmem>>) dst(%dma_wait3A_378 : memref<10240x128xf32, #tpu.memory_space<vmem_shared>>)
        tpu.yield
      }) : () -> ()
      %mul3A_160 = arith.constant 8 : i32
      %mul3A_161 = arith.muli %add3A_34, %mul3A_160 : i32
      %add3A_162 = arith.constant 6 : i32
      %add3A_163 = arith.addi %mul3A_161, %add3A_162 : i32
      %add3A_164 = arith.constant 1 : i32
      %add3A_165 = arith.addi %add3A_163, %add3A_164 : i32
      %lt3A_166 = arith.constant 80 : i32
      %lt3A_167 = arith.cmpi slt, %add3A_165, %lt3A_166 : i32
      %convert_element_type3A_168 = arith.extui %lt3A_167 : i1 to i32
      %cond3A_169 = arith.constant 0 : i32
      %cond3A_170 = arith.cmpi ne, %convert_element_type3A_168, %cond3A_169 : i32
      scf.if %cond3A_170 {
        %add3A_366 = arith.constant 1 : i32
        %add3A_367 = arith.addi %add3A_163, %add3A_366 : i32
        %mul3A_368 = arith.constant 128 : i32
        %mul3A_369 = arith.muli %add3A_367, %mul3A_368 : i32
        %dma_start3A_370 = tpu.memref_slice %arg7[%mul3A_369] : memref<10240xi32, #tpu.memory_space<vmem>> -> memref<128xi32, #tpu.memory_space<vmem>>
        %dma_start3A_371 = arith.constant 0 : i32
        %dma_start3A_372 = arith.constant 0 : i32
        %dma_start3A_373 = tpu.memref_slice %arg2[%dma_start3A_371, %dma_start3A_372] : memref<10240x128xf32, #tpu.memory_space<hbm>> -> memref<10240x128xf32, #tpu.memory_space<hbm>>
        tpu.enqueue_indirect_dma source(%dma_start3A_373 : memref<10240x128xf32, #tpu.memory_space<hbm>>) target(%arg10 : memref<128x128xf32, #tpu.memory_space<vmem>>) offsets(%dma_start3A_370 : memref<128xi32, #tpu.memory_space<vmem>>) semaphore(%arg13 : memref<!tpu.dma_semaphore, #tpu.memory_space<semaphore_mem>>)
      } else {
      }
      %dma_wait3A_171 = arith.constant 0 : i32
      %dma_wait3A_172 = tpu.memref_slice %arg7[%dma_wait3A_171] : memref<10240xi32, #tpu.memory_space<vmem>> -> memref<128xi32, #tpu.memory_space<vmem>>
      %dma_wait3A_173 = arith.constant 0 : i32
      %dma_wait3A_174 = arith.constant 0 : i32
      %dma_wait3A_175 = tpu.memref_slice %arg2[%dma_wait3A_173, %dma_wait3A_174] : memref<10240x128xf32, #tpu.memory_space<hbm>> -> memref<10240x128xf32, #tpu.memory_space<hbm>>
      tpu.wait_indirect_dma semaphore(%arg12 : memref<!tpu.dma_semaphore, #tpu.memory_space<semaphore_mem>>) src(%dma_wait3A_175 : memref<10240x128xf32, #tpu.memory_space<hbm>>) dst(%arg9 : memref<128x128xf32, #tpu.memory_space<vmem>>)
      %run_scoped3A_176 = arith.constant 0 : i32
      %run_scoped3A_177 = arith.constant 6 : i32
      "tpu.region"() ({
        %run_scoped3A_366 = tpu.sem_alloc : memref<!tpu.dma_semaphore, #tpu.memory_space<semaphore_mem>>
        %dma_start3A_367 = arith.constant 0 : i32
        %dma_start3A_368 = tpu.memref_slice %arg8[%run_scoped3A_176, %run_scoped3A_177, %dma_start3A_367] : memref<2x8x128xi32, #tpu.memory_space<vmem>> -> memref<1x1x128xi32, #tpu.memory_space<vmem>>
        %dma_start3A_369 = tpu.memref_squeeze %dma_start3A_368 : memref<1x1x128xi32, #tpu.memory_space<vmem>> -> memref<128xi32, #tpu.memory_space<vmem>>
        %dma_start3A_370 = arith.constant 0 : i32
        %dma_start3A_371 = arith.constant 0 : i32
        %dma_start3A_372 = tpu.memref_slice %arg11[%dma_start3A_370, %dma_start3A_371] : memref<10240x128xf32, #tpu.memory_space<vmem_shared>> -> memref<10240x128xf32, #tpu.memory_space<vmem_shared>>
        tpu.enqueue_indirect_dma source(%arg9 : memref<128x128xf32, #tpu.memory_space<vmem>>) target(%dma_start3A_372 : memref<10240x128xf32, #tpu.memory_space<vmem_shared>>) offsets(%dma_start3A_369 : memref<128xi32, #tpu.memory_space<vmem>>) semaphore(%run_scoped3A_366 : memref<!tpu.dma_semaphore, #tpu.memory_space<semaphore_mem>>) {add = true}
        %dma_wait3A_373 = arith.constant 0 : i32
        %dma_wait3A_374 = tpu.memref_slice %arg8[%run_scoped3A_176, %run_scoped3A_177, %dma_wait3A_373] : memref<2x8x128xi32, #tpu.memory_space<vmem>> -> memref<1x1x128xi32, #tpu.memory_space<vmem>>
        %dma_wait3A_375 = tpu.memref_squeeze %dma_wait3A_374 : memref<1x1x128xi32, #tpu.memory_space<vmem>> -> memref<128xi32, #tpu.memory_space<vmem>>
        %dma_wait3A_376 = arith.constant 0 : i32
        %dma_wait3A_377 = arith.constant 0 : i32
        %dma_wait3A_378 = tpu.memref_slice %arg11[%dma_wait3A_376, %dma_wait3A_377] : memref<10240x128xf32, #tpu.memory_space<vmem_shared>> -> memref<10240x128xf32, #tpu.memory_space<vmem_shared>>
        tpu.wait_indirect_dma semaphore(%run_scoped3A_366 : memref<!tpu.dma_semaphore, #tpu.memory_space<semaphore_mem>>) src(%arg9 : memref<128x128xf32, #tpu.memory_space<vmem>>) dst(%dma_wait3A_378 : memref<10240x128xf32, #tpu.memory_space<vmem_shared>>)
        tpu.yield
      }) : () -> ()
      %mul3A_178 = arith.constant 8 : i32
      %mul3A_179 = arith.muli %add3A_34, %mul3A_178 : i32
      %add3A_180 = arith.constant 7 : i32
      %add3A_181 = arith.addi %mul3A_179, %add3A_180 : i32
      %add3A_182 = arith.constant 1 : i32
      %add3A_183 = arith.addi %add3A_181, %add3A_182 : i32
      %lt3A_184 = arith.constant 80 : i32
      %lt3A_185 = arith.cmpi slt, %add3A_183, %lt3A_184 : i32
      %convert_element_type3A_186 = arith.extui %lt3A_185 : i1 to i32
      %cond3A_187 = arith.constant 0 : i32
      %cond3A_188 = arith.cmpi ne, %convert_element_type3A_186, %cond3A_187 : i32
      scf.if %cond3A_188 {
        %add3A_366 = arith.constant 1 : i32
        %add3A_367 = arith.addi %add3A_181, %add3A_366 : i32
        %mul3A_368 = arith.constant 128 : i32
        %mul3A_369 = arith.muli %add3A_367, %mul3A_368 : i32
        %dma_start3A_370 = tpu.memref_slice %arg7[%mul3A_369] : memref<10240xi32, #tpu.memory_space<vmem>> -> memref<128xi32, #tpu.memory_space<vmem>>
        %dma_start3A_371 = arith.constant 0 : i32
        %dma_start3A_372 = arith.constant 0 : i32
        %dma_start3A_373 = tpu.memref_slice %arg2[%dma_start3A_371, %dma_start3A_372] : memref<10240x128xf32, #tpu.memory_space<hbm>> -> memref<10240x128xf32, #tpu.memory_space<hbm>>
        tpu.enqueue_indirect_dma source(%dma_start3A_373 : memref<10240x128xf32, #tpu.memory_space<hbm>>) target(%arg9 : memref<128x128xf32, #tpu.memory_space<vmem>>) offsets(%dma_start3A_370 : memref<128xi32, #tpu.memory_space<vmem>>) semaphore(%arg12 : memref<!tpu.dma_semaphore, #tpu.memory_space<semaphore_mem>>)
      } else {
      }
      %dma_wait3A_189 = arith.constant 0 : i32
      %dma_wait3A_190 = tpu.memref_slice %arg7[%dma_wait3A_189] : memref<10240xi32, #tpu.memory_space<vmem>> -> memref<128xi32, #tpu.memory_space<vmem>>
      %dma_wait3A_191 = arith.constant 0 : i32
      %dma_wait3A_192 = arith.constant 0 : i32
      %dma_wait3A_193 = tpu.memref_slice %arg2[%dma_wait3A_191, %dma_wait3A_192] : memref<10240x128xf32, #tpu.memory_space<hbm>> -> memref<10240x128xf32, #tpu.memory_space<hbm>>
      tpu.wait_indirect_dma semaphore(%arg13 : memref<!tpu.dma_semaphore, #tpu.memory_space<semaphore_mem>>) src(%dma_wait3A_193 : memref<10240x128xf32, #tpu.memory_space<hbm>>) dst(%arg10 : memref<128x128xf32, #tpu.memory_space<vmem>>)
      %run_scoped3A_194 = arith.constant 0 : i32
      %run_scoped3A_195 = arith.constant 7 : i32
      "tpu.region"() ({
        %run_scoped3A_366 = tpu.sem_alloc : memref<!tpu.dma_semaphore, #tpu.memory_space<semaphore_mem>>
        %dma_start3A_367 = arith.constant 0 : i32
        %dma_start3A_368 = tpu.memref_slice %arg8[%run_scoped3A_194, %run_scoped3A_195, %dma_start3A_367] : memref<2x8x128xi32, #tpu.memory_space<vmem>> -> memref<1x1x128xi32, #tpu.memory_space<vmem>>
        %dma_start3A_369 = tpu.memref_squeeze %dma_start3A_368 : memref<1x1x128xi32, #tpu.memory_space<vmem>> -> memref<128xi32, #tpu.memory_space<vmem>>
        %dma_start3A_370 = arith.constant 0 : i32
        %dma_start3A_371 = arith.constant 0 : i32
        %dma_start3A_372 = tpu.memref_slice %arg11[%dma_start3A_370, %dma_start3A_371] : memref<10240x128xf32, #tpu.memory_space<vmem_shared>> -> memref<10240x128xf32, #tpu.memory_space<vmem_shared>>
        tpu.enqueue_indirect_dma source(%arg10 : memref<128x128xf32, #tpu.memory_space<vmem>>) target(%dma_start3A_372 : memref<10240x128xf32, #tpu.memory_space<vmem_shared>>) offsets(%dma_start3A_369 : memref<128xi32, #tpu.memory_space<vmem>>) semaphore(%run_scoped3A_366 : memref<!tpu.dma_semaphore, #tpu.memory_space<semaphore_mem>>) {add = true}
        %dma_wait3A_373 = arith.constant 0 : i32
        %dma_wait3A_374 = tpu.memref_slice %arg8[%run_scoped3A_194, %run_scoped3A_195, %dma_wait3A_373] : memref<2x8x128xi32, #tpu.memory_space<vmem>> -> memref<1x1x128xi32, #tpu.memory_space<vmem>>
        %dma_wait3A_375 = tpu.memref_squeeze %dma_wait3A_374 : memref<1x1x128xi32, #tpu.memory_space<vmem>> -> memref<128xi32, #tpu.memory_space<vmem>>
        %dma_wait3A_376 = arith.constant 0 : i32
        %dma_wait3A_377 = arith.constant 0 : i32
        %dma_wait3A_378 = tpu.memref_slice %arg11[%dma_wait3A_376, %dma_wait3A_377] : memref<10240x128xf32, #tpu.memory_space<vmem_shared>> -> memref<10240x128xf32, #tpu.memory_space<vmem_shared>>
        tpu.wait_indirect_dma semaphore(%run_scoped3A_366 : memref<!tpu.dma_semaphore, #tpu.memory_space<semaphore_mem>>) src(%arg10 : memref<128x128xf32, #tpu.memory_space<vmem>>) dst(%dma_wait3A_378 : memref<10240x128xf32, #tpu.memory_space<vmem_shared>>)
        tpu.yield
      }) : () -> ()
      %mul3A_196 = arith.constant 2 : i32
      %mul3A_197 = arith.muli %mul3A_196, %scan3A_30 : i32
      %add3A_198 = arith.constant 1 : i32
      %add3A_199 = arith.addi %mul3A_197, %add3A_198 : i32
      %lt3A_200 = arith.constant 9 : i32
      %lt3A_201 = arith.cmpi slt, %add3A_199, %lt3A_200 : i32
      %convert_element_type3A_202 = arith.extui %lt3A_201 : i1 to i32
      %cond3A_203 = arith.constant 0 : i32
      %cond3A_204 = arith.cmpi ne, %convert_element_type3A_202, %cond3A_203 : i32
      scf.if %cond3A_204 {
        %add3A_366 = arith.constant 1 : i32
        %add3A_367 = arith.addi %add3A_199, %add3A_366 : i32
        %mul3A_368 = arith.constant 8 : i32
        %mul3A_369 = arith.muli %add3A_367, %mul3A_368 : i32
        %dma_start3A_370 = arith.constant 0 : i32
        %dma_start3A_371 = arith.constant 0 : i32
        %dma_start3A_372 = arith.constant 0 : i32
        %dma_start3A_373 = tpu.memref_slice %arg8[%dma_start3A_370, %dma_start3A_371, %dma_start3A_372] : memref<2x8x128xi32, #tpu.memory_space<vmem>> -> memref<1x8x128xi32, #tpu.memory_space<vmem>>
        %dma_start3A_374 = tpu.memref_squeeze %dma_start3A_373 : memref<1x8x128xi32, #tpu.memory_space<vmem>> -> memref<8x128xi32, #tpu.memory_space<vmem>>
        %dma_start3A_375 = arith.constant 0 : i32
        %dma_start3A_376 = tpu.memref_slice %arg4[%add3A, %mul3A_369, %dma_start3A_375] : memref<32x80x128xi32, #tpu.memory_space<hbm>> -> memref<1x8x128xi32, #tpu.memory_space<hbm>>
        %dma_start3A_377 = tpu.memref_squeeze %dma_start3A_376 : memref<1x8x128xi32, #tpu.memory_space<hbm>> -> memref<8x128xi32, #tpu.memory_space<hbm>>
        %dma_start3A_378 = arith.constant 0 : i32
        %dma_start3A_379 = arith.constant 0 : i32
        %dma_start3A_380 = tpu.memref_slice %arg8[%dma_start3A_370, %dma_start3A_378, %dma_start3A_379] : memref<2x8x128xi32, #tpu.memory_space<vmem>> -> memref<1x8x128xi32, #tpu.memory_space<vmem>>
        %dma_start3A_381 = tpu.memref_squeeze %dma_start3A_380 : memref<1x8x128xi32, #tpu.memory_space<vmem>> -> memref<8x128xi32, #tpu.memory_space<vmem>>
        %dma_start3A_382 = arith.constant 0 : i32
        %dma_start3A_383 = tpu.memref_slice %arg4[%add3A, %mul3A_369, %dma_start3A_382] : memref<32x80x128xi32, #tpu.memory_space<hbm>> -> memref<1x8x128xi32, #tpu.memory_space<hbm>>
        %dma_start3A_384 = tpu.memref_squeeze %dma_start3A_383 : memref<1x8x128xi32, #tpu.memory_space<hbm>> -> memref<8x128xi32, #tpu.memory_space<hbm>>
        tpu.enqueue_dma source(%dma_start3A_384 : memref<8x128xi32, #tpu.memory_space<hbm>>) target(%dma_start3A_381 : memref<8x128xi32, #tpu.memory_space<vmem>>) target_semaphore(%arg14 : memref<!tpu.dma_semaphore, #tpu.memory_space<semaphore_mem>>)
      } else {
      }
      %dma_wait3A_205 = arith.constant 1 : i32
      %dma_wait3A_206 = arith.constant 0 : i32
      %dma_wait3A_207 = arith.constant 0 : i32
      %dma_wait3A_208 = tpu.memref_slice %arg8[%dma_wait3A_205, %dma_wait3A_206, %dma_wait3A_207] : memref<2x8x128xi32, #tpu.memory_space<vmem>> -> memref<1x8x128xi32, #tpu.memory_space<vmem>>
      %dma_wait3A_209 = tpu.memref_squeeze %dma_wait3A_208 : memref<1x8x128xi32, #tpu.memory_space<vmem>> -> memref<8x128xi32, #tpu.memory_space<vmem>>
      %dma_wait3A_210 = arith.constant 0 : i32
      %dma_wait3A_211 = arith.constant 0 : i32
      %dma_wait3A_212 = tpu.memref_slice %arg4[%add3A, %dma_wait3A_210, %dma_wait3A_211] : memref<32x80x128xi32, #tpu.memory_space<hbm>> -> memref<1x8x128xi32, #tpu.memory_space<hbm>>
      %dma_wait3A_213 = tpu.memref_squeeze %dma_wait3A_212 : memref<1x8x128xi32, #tpu.memory_space<hbm>> -> memref<8x128xi32, #tpu.memory_space<hbm>>
      %dma_wait3A_214 = arith.constant 0 : i32
      %dma_wait3A_215 = arith.constant 0 : i32
      %dma_wait3A_216 = tpu.memref_slice %arg8[%dma_wait3A_205, %dma_wait3A_214, %dma_wait3A_215] : memref<2x8x128xi32, #tpu.memory_space<vmem>> -> memref<1x8x128xi32, #tpu.memory_space<vmem>>
      %dma_wait3A_217 = tpu.memref_squeeze %dma_wait3A_216 : memref<1x8x128xi32, #tpu.memory_space<vmem>> -> memref<8x128xi32, #tpu.memory_space<vmem>>
      %dma_wait3A_218 = arith.constant 0 : i32
      %dma_wait3A_219 = arith.constant 0 : i32
      %dma_wait3A_220 = tpu.memref_slice %arg4[%add3A, %dma_wait3A_218, %dma_wait3A_219] : memref<32x80x128xi32, #tpu.memory_space<hbm>> -> memref<1x8x128xi32, #tpu.memory_space<hbm>>
      %dma_wait3A_221 = tpu.memref_squeeze %dma_wait3A_220 : memref<1x8x128xi32, #tpu.memory_space<hbm>> -> memref<8x128xi32, #tpu.memory_space<hbm>>
      tpu.wait_dma2 semaphore(%arg15 : memref<!tpu.dma_semaphore, #tpu.memory_space<semaphore_mem>>) src(%dma_wait3A_221 : memref<8x128xi32, #tpu.memory_space<hbm>>) dst(%dma_wait3A_217 : memref<8x128xi32, #tpu.memory_space<vmem>>)
      %mul3A_222 = arith.constant 8 : i32
      %mul3A_223 = arith.muli %add3A_199, %mul3A_222 : i32
      %add3A_224 = arith.constant 0 : i32
      %add3A_225 = arith.addi %mul3A_223, %add3A_224 : i32
      %add3A_226 = arith.constant 1 : i32
      %add3A_227 = arith.addi %add3A_225, %add3A_226 : i32
      %lt3A_228 = arith.constant 80 : i32
      %lt3A_229 = arith.cmpi slt, %add3A_227, %lt3A_228 : i32
      %convert_element_type3A_230 = arith.extui %lt3A_229 : i1 to i32
      %cond3A_231 = arith.constant 0 : i32
      %cond3A_232 = arith.cmpi ne, %convert_element_type3A_230, %cond3A_231 : i32
      scf.if %cond3A_232 {
        %add3A_366 = arith.constant 1 : i32
        %add3A_367 = arith.addi %add3A_225, %add3A_366 : i32
        %mul3A_368 = arith.constant 128 : i32
        %mul3A_369 = arith.muli %add3A_367, %mul3A_368 : i32
        %dma_start3A_370 = tpu.memref_slice %arg7[%mul3A_369] : memref<10240xi32, #tpu.memory_space<vmem>> -> memref<128xi32, #tpu.memory_space<vmem>>
        %dma_start3A_371 = arith.constant 0 : i32
        %dma_start3A_372 = arith.constant 0 : i32
        %dma_start3A_373 = tpu.memref_slice %arg2[%dma_start3A_371, %dma_start3A_372] : memref<10240x128xf32, #tpu.memory_space<hbm>> -> memref<10240x128xf32, #tpu.memory_space<hbm>>
        tpu.enqueue_indirect_dma source(%dma_start3A_373 : memref<10240x128xf32, #tpu.memory_space<hbm>>) target(%arg10 : memref<128x128xf32, #tpu.memory_space<vmem>>) offsets(%dma_start3A_370 : memref<128xi32, #tpu.memory_space<vmem>>) semaphore(%arg13 : memref<!tpu.dma_semaphore, #tpu.memory_space<semaphore_mem>>)
      } else {
      }
      %dma_wait3A_233 = arith.constant 0 : i32
      %dma_wait3A_234 = tpu.memref_slice %arg7[%dma_wait3A_233] : memref<10240xi32, #tpu.memory_space<vmem>> -> memref<128xi32, #tpu.memory_space<vmem>>
      %dma_wait3A_235 = arith.constant 0 : i32
      %dma_wait3A_236 = arith.constant 0 : i32
      %dma_wait3A_237 = tpu.memref_slice %arg2[%dma_wait3A_235, %dma_wait3A_236] : memref<10240x128xf32, #tpu.memory_space<hbm>> -> memref<10240x128xf32, #tpu.memory_space<hbm>>
      tpu.wait_indirect_dma semaphore(%arg12 : memref<!tpu.dma_semaphore, #tpu.memory_space<semaphore_mem>>) src(%dma_wait3A_237 : memref<10240x128xf32, #tpu.memory_space<hbm>>) dst(%arg9 : memref<128x128xf32, #tpu.memory_space<vmem>>)
      %run_scoped3A_238 = arith.constant 1 : i32
      %run_scoped3A_239 = arith.constant 0 : i32
      "tpu.region"() ({
        %run_scoped3A_366 = tpu.sem_alloc : memref<!tpu.dma_semaphore, #tpu.memory_space<semaphore_mem>>
        %dma_start3A_367 = arith.constant 0 : i32
        %dma_start3A_368 = tpu.memref_slice %arg8[%run_scoped3A_238, %run_scoped3A_239, %dma_start3A_367] : memref<2x8x128xi32, #tpu.memory_space<vmem>> -> memref<1x1x128xi32, #tpu.memory_space<vmem>>
        %dma_start3A_369 = tpu.memref_squeeze %dma_start3A_368 : memref<1x1x128xi32, #tpu.memory_space<vmem>> -> memref<128xi32, #tpu.memory_space<vmem>>
        %dma_start3A_370 = arith.constant 0 : i32
        %dma_start3A_371 = arith.constant 0 : i32
        %dma_start3A_372 = tpu.memref_slice %arg11[%dma_start3A_370, %dma_start3A_371] : memref<10240x128xf32, #tpu.memory_space<vmem_shared>> -> memref<10240x128xf32, #tpu.memory_space<vmem_shared>>
        tpu.enqueue_indirect_dma source(%arg9 : memref<128x128xf32, #tpu.memory_space<vmem>>) target(%dma_start3A_372 : memref<10240x128xf32, #tpu.memory_space<vmem_shared>>) offsets(%dma_start3A_369 : memref<128xi32, #tpu.memory_space<vmem>>) semaphore(%run_scoped3A_366 : memref<!tpu.dma_semaphore, #tpu.memory_space<semaphore_mem>>) {add = true}
        %dma_wait3A_373 = arith.constant 0 : i32
        %dma_wait3A_374 = tpu.memref_slice %arg8[%run_scoped3A_238, %run_scoped3A_239, %dma_wait3A_373] : memref<2x8x128xi32, #tpu.memory_space<vmem>> -> memref<1x1x128xi32, #tpu.memory_space<vmem>>
        %dma_wait3A_375 = tpu.memref_squeeze %dma_wait3A_374 : memref<1x1x128xi32, #tpu.memory_space<vmem>> -> memref<128xi32, #tpu.memory_space<vmem>>
        %dma_wait3A_376 = arith.constant 0 : i32
        %dma_wait3A_377 = arith.constant 0 : i32
        %dma_wait3A_378 = tpu.memref_slice %arg11[%dma_wait3A_376, %dma_wait3A_377] : memref<10240x128xf32, #tpu.memory_space<vmem_shared>> -> memref<10240x128xf32, #tpu.memory_space<vmem_shared>>
        tpu.wait_indirect_dma semaphore(%run_scoped3A_366 : memref<!tpu.dma_semaphore, #tpu.memory_space<semaphore_mem>>) src(%arg9 : memref<128x128xf32, #tpu.memory_space<vmem>>) dst(%dma_wait3A_378 : memref<10240x128xf32, #tpu.memory_space<vmem_shared>>)
        tpu.yield
      }) : () -> ()
      %mul3A_240 = arith.constant 8 : i32
      %mul3A_241 = arith.muli %add3A_199, %mul3A_240 : i32
      %add3A_242 = arith.constant 1 : i32
      %add3A_243 = arith.addi %mul3A_241, %add3A_242 : i32
      %add3A_244 = arith.constant 1 : i32
      %add3A_245 = arith.addi %add3A_243, %add3A_244 : i32
      %lt3A_246 = arith.constant 80 : i32
      %lt3A_247 = arith.cmpi slt, %add3A_245, %lt3A_246 : i32
      %convert_element_type3A_248 = arith.extui %lt3A_247 : i1 to i32
      %cond3A_249 = arith.constant 0 : i32
      %cond3A_250 = arith.cmpi ne, %convert_element_type3A_248, %cond3A_249 : i32
      scf.if %cond3A_250 {
        %add3A_366 = arith.constant 1 : i32
        %add3A_367 = arith.addi %add3A_243, %add3A_366 : i32
        %mul3A_368 = arith.constant 128 : i32
        %mul3A_369 = arith.muli %add3A_367, %mul3A_368 : i32
        %dma_start3A_370 = tpu.memref_slice %arg7[%mul3A_369] : memref<10240xi32, #tpu.memory_space<vmem>> -> memref<128xi32, #tpu.memory_space<vmem>>
        %dma_start3A_371 = arith.constant 0 : i32
        %dma_start3A_372 = arith.constant 0 : i32
        %dma_start3A_373 = tpu.memref_slice %arg2[%dma_start3A_371, %dma_start3A_372] : memref<10240x128xf32, #tpu.memory_space<hbm>> -> memref<10240x128xf32, #tpu.memory_space<hbm>>
        tpu.enqueue_indirect_dma source(%dma_start3A_373 : memref<10240x128xf32, #tpu.memory_space<hbm>>) target(%arg9 : memref<128x128xf32, #tpu.memory_space<vmem>>) offsets(%dma_start3A_370 : memref<128xi32, #tpu.memory_space<vmem>>) semaphore(%arg12 : memref<!tpu.dma_semaphore, #tpu.memory_space<semaphore_mem>>)
      } else {
      }
      %dma_wait3A_251 = arith.constant 0 : i32
      %dma_wait3A_252 = tpu.memref_slice %arg7[%dma_wait3A_251] : memref<10240xi32, #tpu.memory_space<vmem>> -> memref<128xi32, #tpu.memory_space<vmem>>
      %dma_wait3A_253 = arith.constant 0 : i32
      %dma_wait3A_254 = arith.constant 0 : i32
      %dma_wait3A_255 = tpu.memref_slice %arg2[%dma_wait3A_253, %dma_wait3A_254] : memref<10240x128xf32, #tpu.memory_space<hbm>> -> memref<10240x128xf32, #tpu.memory_space<hbm>>
      tpu.wait_indirect_dma semaphore(%arg13 : memref<!tpu.dma_semaphore, #tpu.memory_space<semaphore_mem>>) src(%dma_wait3A_255 : memref<10240x128xf32, #tpu.memory_space<hbm>>) dst(%arg10 : memref<128x128xf32, #tpu.memory_space<vmem>>)
      %run_scoped3A_256 = arith.constant 1 : i32
      %run_scoped3A_257 = arith.constant 1 : i32
      "tpu.region"() ({
        %run_scoped3A_366 = tpu.sem_alloc : memref<!tpu.dma_semaphore, #tpu.memory_space<semaphore_mem>>
        %dma_start3A_367 = arith.constant 0 : i32
        %dma_start3A_368 = tpu.memref_slice %arg8[%run_scoped3A_256, %run_scoped3A_257, %dma_start3A_367] : memref<2x8x128xi32, #tpu.memory_space<vmem>> -> memref<1x1x128xi32, #tpu.memory_space<vmem>>
        %dma_start3A_369 = tpu.memref_squeeze %dma_start3A_368 : memref<1x1x128xi32, #tpu.memory_space<vmem>> -> memref<128xi32, #tpu.memory_space<vmem>>
        %dma_start3A_370 = arith.constant 0 : i32
        %dma_start3A_371 = arith.constant 0 : i32
        %dma_start3A_372 = tpu.memref_slice %arg11[%dma_start3A_370, %dma_start3A_371] : memref<10240x128xf32, #tpu.memory_space<vmem_shared>> -> memref<10240x128xf32, #tpu.memory_space<vmem_shared>>
        tpu.enqueue_indirect_dma source(%arg10 : memref<128x128xf32, #tpu.memory_space<vmem>>) target(%dma_start3A_372 : memref<10240x128xf32, #tpu.memory_space<vmem_shared>>) offsets(%dma_start3A_369 : memref<128xi32, #tpu.memory_space<vmem>>) semaphore(%run_scoped3A_366 : memref<!tpu.dma_semaphore, #tpu.memory_space<semaphore_mem>>) {add = true}
        %dma_wait3A_373 = arith.constant 0 : i32
        %dma_wait3A_374 = tpu.memref_slice %arg8[%run_scoped3A_256, %run_scoped3A_257, %dma_wait3A_373] : memref<2x8x128xi32, #tpu.memory_space<vmem>> -> memref<1x1x128xi32, #tpu.memory_space<vmem>>
        %dma_wait3A_375 = tpu.memref_squeeze %dma_wait3A_374 : memref<1x1x128xi32, #tpu.memory_space<vmem>> -> memref<128xi32, #tpu.memory_space<vmem>>
        %dma_wait3A_376 = arith.constant 0 : i32
        %dma_wait3A_377 = arith.constant 0 : i32
        %dma_wait3A_378 = tpu.memref_slice %arg11[%dma_wait3A_376, %dma_wait3A_377] : memref<10240x128xf32, #tpu.memory_space<vmem_shared>> -> memref<10240x128xf32, #tpu.memory_space<vmem_shared>>
        tpu.wait_indirect_dma semaphore(%run_scoped3A_366 : memref<!tpu.dma_semaphore, #tpu.memory_space<semaphore_mem>>) src(%arg10 : memref<128x128xf32, #tpu.memory_space<vmem>>) dst(%dma_wait3A_378 : memref<10240x128xf32, #tpu.memory_space<vmem_shared>>)
        tpu.yield
      }) : () -> ()
      %mul3A_258 = arith.constant 8 : i32
      %mul3A_259 = arith.muli %add3A_199, %mul3A_258 : i32
      %add3A_260 = arith.constant 2 : i32
      %add3A_261 = arith.addi %mul3A_259, %add3A_260 : i32
      %add3A_262 = arith.constant 1 : i32
      %add3A_263 = arith.addi %add3A_261, %add3A_262 : i32
      %lt3A_264 = arith.constant 80 : i32
      %lt3A_265 = arith.cmpi slt, %add3A_263, %lt3A_264 : i32
      %convert_element_type3A_266 = arith.extui %lt3A_265 : i1 to i32
      %cond3A_267 = arith.constant 0 : i32
      %cond3A_268 = arith.cmpi ne, %convert_element_type3A_266, %cond3A_267 : i32
      scf.if %cond3A_268 {
        %add3A_366 = arith.constant 1 : i32
        %add3A_367 = arith.addi %add3A_261, %add3A_366 : i32
        %mul3A_368 = arith.constant 128 : i32
        %mul3A_369 = arith.muli %add3A_367, %mul3A_368 : i32
        %dma_start3A_370 = tpu.memref_slice %arg7[%mul3A_369] : memref<10240xi32, #tpu.memory_space<vmem>> -> memref<128xi32, #tpu.memory_space<vmem>>
        %dma_start3A_371 = arith.constant 0 : i32
        %dma_start3A_372 = arith.constant 0 : i32
        %dma_start3A_373 = tpu.memref_slice %arg2[%dma_start3A_371, %dma_start3A_372] : memref<10240x128xf32, #tpu.memory_space<hbm>> -> memref<10240x128xf32, #tpu.memory_space<hbm>>
        tpu.enqueue_indirect_dma source(%dma_start3A_373 : memref<10240x128xf32, #tpu.memory_space<hbm>>) target(%arg10 : memref<128x128xf32, #tpu.memory_space<vmem>>) offsets(%dma_start3A_370 : memref<128xi32, #tpu.memory_space<vmem>>) semaphore(%arg13 : memref<!tpu.dma_semaphore, #tpu.memory_space<semaphore_mem>>)
      } else {
      }
      %dma_wait3A_269 = arith.constant 0 : i32
      %dma_wait3A_270 = tpu.memref_slice %arg7[%dma_wait3A_269] : memref<10240xi32, #tpu.memory_space<vmem>> -> memref<128xi32, #tpu.memory_space<vmem>>
      %dma_wait3A_271 = arith.constant 0 : i32
      %dma_wait3A_272 = arith.constant 0 : i32
      %dma_wait3A_273 = tpu.memref_slice %arg2[%dma_wait3A_271, %dma_wait3A_272] : memref<10240x128xf32, #tpu.memory_space<hbm>> -> memref<10240x128xf32, #tpu.memory_space<hbm>>
      tpu.wait_indirect_dma semaphore(%arg12 : memref<!tpu.dma_semaphore, #tpu.memory_space<semaphore_mem>>) src(%dma_wait3A_273 : memref<10240x128xf32, #tpu.memory_space<hbm>>) dst(%arg9 : memref<128x128xf32, #tpu.memory_space<vmem>>)
      %run_scoped3A_274 = arith.constant 1 : i32
      %run_scoped3A_275 = arith.constant 2 : i32
      "tpu.region"() ({
        %run_scoped3A_366 = tpu.sem_alloc : memref<!tpu.dma_semaphore, #tpu.memory_space<semaphore_mem>>
        %dma_start3A_367 = arith.constant 0 : i32
        %dma_start3A_368 = tpu.memref_slice %arg8[%run_scoped3A_274, %run_scoped3A_275, %dma_start3A_367] : memref<2x8x128xi32, #tpu.memory_space<vmem>> -> memref<1x1x128xi32, #tpu.memory_space<vmem>>
        %dma_start3A_369 = tpu.memref_squeeze %dma_start3A_368 : memref<1x1x128xi32, #tpu.memory_space<vmem>> -> memref<128xi32, #tpu.memory_space<vmem>>
        %dma_start3A_370 = arith.constant 0 : i32
        %dma_start3A_371 = arith.constant 0 : i32
        %dma_start3A_372 = tpu.memref_slice %arg11[%dma_start3A_370, %dma_start3A_371] : memref<10240x128xf32, #tpu.memory_space<vmem_shared>> -> memref<10240x128xf32, #tpu.memory_space<vmem_shared>>
        tpu.enqueue_indirect_dma source(%arg9 : memref<128x128xf32, #tpu.memory_space<vmem>>) target(%dma_start3A_372 : memref<10240x128xf32, #tpu.memory_space<vmem_shared>>) offsets(%dma_start3A_369 : memref<128xi32, #tpu.memory_space<vmem>>) semaphore(%run_scoped3A_366 : memref<!tpu.dma_semaphore, #tpu.memory_space<semaphore_mem>>) {add = true}
        %dma_wait3A_373 = arith.constant 0 : i32
        %dma_wait3A_374 = tpu.memref_slice %arg8[%run_scoped3A_274, %run_scoped3A_275, %dma_wait3A_373] : memref<2x8x128xi32, #tpu.memory_space<vmem>> -> memref<1x1x128xi32, #tpu.memory_space<vmem>>
        %dma_wait3A_375 = tpu.memref_squeeze %dma_wait3A_374 : memref<1x1x128xi32, #tpu.memory_space<vmem>> -> memref<128xi32, #tpu.memory_space<vmem>>
        %dma_wait3A_376 = arith.constant 0 : i32
        %dma_wait3A_377 = arith.constant 0 : i32
        %dma_wait3A_378 = tpu.memref_slice %arg11[%dma_wait3A_376, %dma_wait3A_377] : memref<10240x128xf32, #tpu.memory_space<vmem_shared>> -> memref<10240x128xf32, #tpu.memory_space<vmem_shared>>
        tpu.wait_indirect_dma semaphore(%run_scoped3A_366 : memref<!tpu.dma_semaphore, #tpu.memory_space<semaphore_mem>>) src(%arg9 : memref<128x128xf32, #tpu.memory_space<vmem>>) dst(%dma_wait3A_378 : memref<10240x128xf32, #tpu.memory_space<vmem_shared>>)
        tpu.yield
      }) : () -> ()
      %mul3A_276 = arith.constant 8 : i32
      %mul3A_277 = arith.muli %add3A_199, %mul3A_276 : i32
      %add3A_278 = arith.constant 3 : i32
      %add3A_279 = arith.addi %mul3A_277, %add3A_278 : i32
      %add3A_280 = arith.constant 1 : i32
      %add3A_281 = arith.addi %add3A_279, %add3A_280 : i32
      %lt3A_282 = arith.constant 80 : i32
      %lt3A_283 = arith.cmpi slt, %add3A_281, %lt3A_282 : i32
      %convert_element_type3A_284 = arith.extui %lt3A_283 : i1 to i32
      %cond3A_285 = arith.constant 0 : i32
      %cond3A_286 = arith.cmpi ne, %convert_element_type3A_284, %cond3A_285 : i32
      scf.if %cond3A_286 {
        %add3A_366 = arith.constant 1 : i32
        %add3A_367 = arith.addi %add3A_279, %add3A_366 : i32
        %mul3A_368 = arith.constant 128 : i32
        %mul3A_369 = arith.muli %add3A_367, %mul3A_368 : i32
        %dma_start3A_370 = tpu.memref_slice %arg7[%mul3A_369] : memref<10240xi32, #tpu.memory_space<vmem>> -> memref<128xi32, #tpu.memory_space<vmem>>
        %dma_start3A_371 = arith.constant 0 : i32
        %dma_start3A_372 = arith.constant 0 : i32
        %dma_start3A_373 = tpu.memref_slice %arg2[%dma_start3A_371, %dma_start3A_372] : memref<10240x128xf32, #tpu.memory_space<hbm>> -> memref<10240x128xf32, #tpu.memory_space<hbm>>
        tpu.enqueue_indirect_dma source(%dma_start3A_373 : memref<10240x128xf32, #tpu.memory_space<hbm>>) target(%arg9 : memref<128x128xf32, #tpu.memory_space<vmem>>) offsets(%dma_start3A_370 : memref<128xi32, #tpu.memory_space<vmem>>) semaphore(%arg12 : memref<!tpu.dma_semaphore, #tpu.memory_space<semaphore_mem>>)
      } else {
      }
      %dma_wait3A_287 = arith.constant 0 : i32
      %dma_wait3A_288 = tpu.memref_slice %arg7[%dma_wait3A_287] : memref<10240xi32, #tpu.memory_space<vmem>> -> memref<128xi32, #tpu.memory_space<vmem>>
      %dma_wait3A_289 = arith.constant 0 : i32
      %dma_wait3A_290 = arith.constant 0 : i32
      %dma_wait3A_291 = tpu.memref_slice %arg2[%dma_wait3A_289, %dma_wait3A_290] : memref<10240x128xf32, #tpu.memory_space<hbm>> -> memref<10240x128xf32, #tpu.memory_space<hbm>>
      tpu.wait_indirect_dma semaphore(%arg13 : memref<!tpu.dma_semaphore, #tpu.memory_space<semaphore_mem>>) src(%dma_wait3A_291 : memref<10240x128xf32, #tpu.memory_space<hbm>>) dst(%arg10 : memref<128x128xf32, #tpu.memory_space<vmem>>)
      %run_scoped3A_292 = arith.constant 1 : i32
      %run_scoped3A_293 = arith.constant 3 : i32
      "tpu.region"() ({
        %run_scoped3A_366 = tpu.sem_alloc : memref<!tpu.dma_semaphore, #tpu.memory_space<semaphore_mem>>
        %dma_start3A_367 = arith.constant 0 : i32
        %dma_start3A_368 = tpu.memref_slice %arg8[%run_scoped3A_292, %run_scoped3A_293, %dma_start3A_367] : memref<2x8x128xi32, #tpu.memory_space<vmem>> -> memref<1x1x128xi32, #tpu.memory_space<vmem>>
        %dma_start3A_369 = tpu.memref_squeeze %dma_start3A_368 : memref<1x1x128xi32, #tpu.memory_space<vmem>> -> memref<128xi32, #tpu.memory_space<vmem>>
        %dma_start3A_370 = arith.constant 0 : i32
        %dma_start3A_371 = arith.constant 0 : i32
        %dma_start3A_372 = tpu.memref_slice %arg11[%dma_start3A_370, %dma_start3A_371] : memref<10240x128xf32, #tpu.memory_space<vmem_shared>> -> memref<10240x128xf32, #tpu.memory_space<vmem_shared>>
        tpu.enqueue_indirect_dma source(%arg10 : memref<128x128xf32, #tpu.memory_space<vmem>>) target(%dma_start3A_372 : memref<10240x128xf32, #tpu.memory_space<vmem_shared>>) offsets(%dma_start3A_369 : memref<128xi32, #tpu.memory_space<vmem>>) semaphore(%run_scoped3A_366 : memref<!tpu.dma_semaphore, #tpu.memory_space<semaphore_mem>>) {add = true}
        %dma_wait3A_373 = arith.constant 0 : i32
        %dma_wait3A_374 = tpu.memref_slice %arg8[%run_scoped3A_292, %run_scoped3A_293, %dma_wait3A_373] : memref<2x8x128xi32, #tpu.memory_space<vmem>> -> memref<1x1x128xi32, #tpu.memory_space<vmem>>
        %dma_wait3A_375 = tpu.memref_squeeze %dma_wait3A_374 : memref<1x1x128xi32, #tpu.memory_space<vmem>> -> memref<128xi32, #tpu.memory_space<vmem>>
        %dma_wait3A_376 = arith.constant 0 : i32
        %dma_wait3A_377 = arith.constant 0 : i32
        %dma_wait3A_378 = tpu.memref_slice %arg11[%dma_wait3A_376, %dma_wait3A_377] : memref<10240x128xf32, #tpu.memory_space<vmem_shared>> -> memref<10240x128xf32, #tpu.memory_space<vmem_shared>>
        tpu.wait_indirect_dma semaphore(%run_scoped3A_366 : memref<!tpu.dma_semaphore, #tpu.memory_space<semaphore_mem>>) src(%arg10 : memref<128x128xf32, #tpu.memory_space<vmem>>) dst(%dma_wait3A_378 : memref<10240x128xf32, #tpu.memory_space<vmem_shared>>)
        tpu.yield
      }) : () -> ()
      %mul3A_294 = arith.constant 8 : i32
      %mul3A_295 = arith.muli %add3A_199, %mul3A_294 : i32
      %add3A_296 = arith.constant 4 : i32
      %add3A_297 = arith.addi %mul3A_295, %add3A_296 : i32
      %add3A_298 = arith.constant 1 : i32
      %add3A_299 = arith.addi %add3A_297, %add3A_298 : i32
      %lt3A_300 = arith.constant 80 : i32
      %lt3A_301 = arith.cmpi slt, %add3A_299, %lt3A_300 : i32
      %convert_element_type3A_302 = arith.extui %lt3A_301 : i1 to i32
      %cond3A_303 = arith.constant 0 : i32
      %cond3A_304 = arith.cmpi ne, %convert_element_type3A_302, %cond3A_303 : i32
      scf.if %cond3A_304 {
        %add3A_366 = arith.constant 1 : i32
        %add3A_367 = arith.addi %add3A_297, %add3A_366 : i32
        %mul3A_368 = arith.constant 128 : i32
        %mul3A_369 = arith.muli %add3A_367, %mul3A_368 : i32
        %dma_start3A_370 = tpu.memref_slice %arg7[%mul3A_369] : memref<10240xi32, #tpu.memory_space<vmem>> -> memref<128xi32, #tpu.memory_space<vmem>>
        %dma_start3A_371 = arith.constant 0 : i32
        %dma_start3A_372 = arith.constant 0 : i32
        %dma_start3A_373 = tpu.memref_slice %arg2[%dma_start3A_371, %dma_start3A_372] : memref<10240x128xf32, #tpu.memory_space<hbm>> -> memref<10240x128xf32, #tpu.memory_space<hbm>>
        tpu.enqueue_indirect_dma source(%dma_start3A_373 : memref<10240x128xf32, #tpu.memory_space<hbm>>) target(%arg10 : memref<128x128xf32, #tpu.memory_space<vmem>>) offsets(%dma_start3A_370 : memref<128xi32, #tpu.memory_space<vmem>>) semaphore(%arg13 : memref<!tpu.dma_semaphore, #tpu.memory_space<semaphore_mem>>)
      } else {
      }
      %dma_wait3A_305 = arith.constant 0 : i32
      %dma_wait3A_306 = tpu.memref_slice %arg7[%dma_wait3A_305] : memref<10240xi32, #tpu.memory_space<vmem>> -> memref<128xi32, #tpu.memory_space<vmem>>
      %dma_wait3A_307 = arith.constant 0 : i32
      %dma_wait3A_308 = arith.constant 0 : i32
      %dma_wait3A_309 = tpu.memref_slice %arg2[%dma_wait3A_307, %dma_wait3A_308] : memref<10240x128xf32, #tpu.memory_space<hbm>> -> memref<10240x128xf32, #tpu.memory_space<hbm>>
      tpu.wait_indirect_dma semaphore(%arg12 : memref<!tpu.dma_semaphore, #tpu.memory_space<semaphore_mem>>) src(%dma_wait3A_309 : memref<10240x128xf32, #tpu.memory_space<hbm>>) dst(%arg9 : memref<128x128xf32, #tpu.memory_space<vmem>>)
      %run_scoped3A_310 = arith.constant 1 : i32
      %run_scoped3A_311 = arith.constant 4 : i32
      "tpu.region"() ({
        %run_scoped3A_366 = tpu.sem_alloc : memref<!tpu.dma_semaphore, #tpu.memory_space<semaphore_mem>>
        %dma_start3A_367 = arith.constant 0 : i32
        %dma_start3A_368 = tpu.memref_slice %arg8[%run_scoped3A_310, %run_scoped3A_311, %dma_start3A_367] : memref<2x8x128xi32, #tpu.memory_space<vmem>> -> memref<1x1x128xi32, #tpu.memory_space<vmem>>
        %dma_start3A_369 = tpu.memref_squeeze %dma_start3A_368 : memref<1x1x128xi32, #tpu.memory_space<vmem>> -> memref<128xi32, #tpu.memory_space<vmem>>
        %dma_start3A_370 = arith.constant 0 : i32
        %dma_start3A_371 = arith.constant 0 : i32
        %dma_start3A_372 = tpu.memref_slice %arg11[%dma_start3A_370, %dma_start3A_371] : memref<10240x128xf32, #tpu.memory_space<vmem_shared>> -> memref<10240x128xf32, #tpu.memory_space<vmem_shared>>
        tpu.enqueue_indirect_dma source(%arg9 : memref<128x128xf32, #tpu.memory_space<vmem>>) target(%dma_start3A_372 : memref<10240x128xf32, #tpu.memory_space<vmem_shared>>) offsets(%dma_start3A_369 : memref<128xi32, #tpu.memory_space<vmem>>) semaphore(%run_scoped3A_366 : memref<!tpu.dma_semaphore, #tpu.memory_space<semaphore_mem>>) {add = true}
        %dma_wait3A_373 = arith.constant 0 : i32
        %dma_wait3A_374 = tpu.memref_slice %arg8[%run_scoped3A_310, %run_scoped3A_311, %dma_wait3A_373] : memref<2x8x128xi32, #tpu.memory_space<vmem>> -> memref<1x1x128xi32, #tpu.memory_space<vmem>>
        %dma_wait3A_375 = tpu.memref_squeeze %dma_wait3A_374 : memref<1x1x128xi32, #tpu.memory_space<vmem>> -> memref<128xi32, #tpu.memory_space<vmem>>
        %dma_wait3A_376 = arith.constant 0 : i32
        %dma_wait3A_377 = arith.constant 0 : i32
        %dma_wait3A_378 = tpu.memref_slice %arg11[%dma_wait3A_376, %dma_wait3A_377] : memref<10240x128xf32, #tpu.memory_space<vmem_shared>> -> memref<10240x128xf32, #tpu.memory_space<vmem_shared>>
        tpu.wait_indirect_dma semaphore(%run_scoped3A_366 : memref<!tpu.dma_semaphore, #tpu.memory_space<semaphore_mem>>) src(%arg9 : memref<128x128xf32, #tpu.memory_space<vmem>>) dst(%dma_wait3A_378 : memref<10240x128xf32, #tpu.memory_space<vmem_shared>>)
        tpu.yield
      }) : () -> ()
      %mul3A_312 = arith.constant 8 : i32
      %mul3A_313 = arith.muli %add3A_199, %mul3A_312 : i32
      %add3A_314 = arith.constant 5 : i32
      %add3A_315 = arith.addi %mul3A_313, %add3A_314 : i32
      %add3A_316 = arith.constant 1 : i32
      %add3A_317 = arith.addi %add3A_315, %add3A_316 : i32
      %lt3A_318 = arith.constant 80 : i32
      %lt3A_319 = arith.cmpi slt, %add3A_317, %lt3A_318 : i32
      %convert_element_type3A_320 = arith.extui %lt3A_319 : i1 to i32
      %cond3A_321 = arith.constant 0 : i32
      %cond3A_322 = arith.cmpi ne, %convert_element_type3A_320, %cond3A_321 : i32
      scf.if %cond3A_322 {
        %add3A_366 = arith.constant 1 : i32
        %add3A_367 = arith.addi %add3A_315, %add3A_366 : i32
        %mul3A_368 = arith.constant 128 : i32
        %mul3A_369 = arith.muli %add3A_367, %mul3A_368 : i32
        %dma_start3A_370 = tpu.memref_slice %arg7[%mul3A_369] : memref<10240xi32, #tpu.memory_space<vmem>> -> memref<128xi32, #tpu.memory_space<vmem>>
        %dma_start3A_371 = arith.constant 0 : i32
        %dma_start3A_372 = arith.constant 0 : i32
        %dma_start3A_373 = tpu.memref_slice %arg2[%dma_start3A_371, %dma_start3A_372] : memref<10240x128xf32, #tpu.memory_space<hbm>> -> memref<10240x128xf32, #tpu.memory_space<hbm>>
        tpu.enqueue_indirect_dma source(%dma_start3A_373 : memref<10240x128xf32, #tpu.memory_space<hbm>>) target(%arg9 : memref<128x128xf32, #tpu.memory_space<vmem>>) offsets(%dma_start3A_370 : memref<128xi32, #tpu.memory_space<vmem>>) semaphore(%arg12 : memref<!tpu.dma_semaphore, #tpu.memory_space<semaphore_mem>>)
      } else {
      }
      %dma_wait3A_323 = arith.constant 0 : i32
      %dma_wait3A_324 = tpu.memref_slice %arg7[%dma_wait3A_323] : memref<10240xi32, #tpu.memory_space<vmem>> -> memref<128xi32, #tpu.memory_space<vmem>>
      %dma_wait3A_325 = arith.constant 0 : i32
      %dma_wait3A_326 = arith.constant 0 : i32
      %dma_wait3A_327 = tpu.memref_slice %arg2[%dma_wait3A_325, %dma_wait3A_326] : memref<10240x128xf32, #tpu.memory_space<hbm>> -> memref<10240x128xf32, #tpu.memory_space<hbm>>
      tpu.wait_indirect_dma semaphore(%arg13 : memref<!tpu.dma_semaphore, #tpu.memory_space<semaphore_mem>>) src(%dma_wait3A_327 : memref<10240x128xf32, #tpu.memory_space<hbm>>) dst(%arg10 : memref<128x128xf32, #tpu.memory_space<vmem>>)
      %run_scoped3A_328 = arith.constant 1 : i32
      %run_scoped3A_329 = arith.constant 5 : i32
      "tpu.region"() ({
        %run_scoped3A_366 = tpu.sem_alloc : memref<!tpu.dma_semaphore, #tpu.memory_space<semaphore_mem>>
        %dma_start3A_367 = arith.constant 0 : i32
        %dma_start3A_368 = tpu.memref_slice %arg8[%run_scoped3A_328, %run_scoped3A_329, %dma_start3A_367] : memref<2x8x128xi32, #tpu.memory_space<vmem>> -> memref<1x1x128xi32, #tpu.memory_space<vmem>>
        %dma_start3A_369 = tpu.memref_squeeze %dma_start3A_368 : memref<1x1x128xi32, #tpu.memory_space<vmem>> -> memref<128xi32, #tpu.memory_space<vmem>>
        %dma_start3A_370 = arith.constant 0 : i32
        %dma_start3A_371 = arith.constant 0 : i32
        %dma_start3A_372 = tpu.memref_slice %arg11[%dma_start3A_370, %dma_start3A_371] : memref<10240x128xf32, #tpu.memory_space<vmem_shared>> -> memref<10240x128xf32, #tpu.memory_space<vmem_shared>>
        tpu.enqueue_indirect_dma source(%arg10 : memref<128x128xf32, #tpu.memory_space<vmem>>) target(%dma_start3A_372 : memref<10240x128xf32, #tpu.memory_space<vmem_shared>>) offsets(%dma_start3A_369 : memref<128xi32, #tpu.memory_space<vmem>>) semaphore(%run_scoped3A_366 : memref<!tpu.dma_semaphore, #tpu.memory_space<semaphore_mem>>) {add = true}
        %dma_wait3A_373 = arith.constant 0 : i32
        %dma_wait3A_374 = tpu.memref_slice %arg8[%run_scoped3A_328, %run_scoped3A_329, %dma_wait3A_373] : memref<2x8x128xi32, #tpu.memory_space<vmem>> -> memref<1x1x128xi32, #tpu.memory_space<vmem>>
        %dma_wait3A_375 = tpu.memref_squeeze %dma_wait3A_374 : memref<1x1x128xi32, #tpu.memory_space<vmem>> -> memref<128xi32, #tpu.memory_space<vmem>>
        %dma_wait3A_376 = arith.constant 0 : i32
        %dma_wait3A_377 = arith.constant 0 : i32
        %dma_wait3A_378 = tpu.memref_slice %arg11[%dma_wait3A_376, %dma_wait3A_377] : memref<10240x128xf32, #tpu.memory_space<vmem_shared>> -> memref<10240x128xf32, #tpu.memory_space<vmem_shared>>
        tpu.wait_indirect_dma semaphore(%run_scoped3A_366 : memref<!tpu.dma_semaphore, #tpu.memory_space<semaphore_mem>>) src(%arg10 : memref<128x128xf32, #tpu.memory_space<vmem>>) dst(%dma_wait3A_378 : memref<10240x128xf32, #tpu.memory_space<vmem_shared>>)
        tpu.yield
      }) : () -> ()
      %mul3A_330 = arith.constant 8 : i32
      %mul3A_331 = arith.muli %add3A_199, %mul3A_330 : i32
      %add3A_332 = arith.constant 6 : i32
      %add3A_333 = arith.addi %mul3A_331, %add3A_332 : i32
      %add3A_334 = arith.constant 1 : i32
      %add3A_335 = arith.addi %add3A_333, %add3A_334 : i32
      %lt3A_336 = arith.constant 80 : i32
      %lt3A_337 = arith.cmpi slt, %add3A_335, %lt3A_336 : i32
      %convert_element_type3A_338 = arith.extui %lt3A_337 : i1 to i32
      %cond3A_339 = arith.constant 0 : i32
      %cond3A_340 = arith.cmpi ne, %convert_element_type3A_338, %cond3A_339 : i32
      scf.if %cond3A_340 {
        %add3A_366 = arith.constant 1 : i32
        %add3A_367 = arith.addi %add3A_333, %add3A_366 : i32
        %mul3A_368 = arith.constant 128 : i32
        %mul3A_369 = arith.muli %add3A_367, %mul3A_368 : i32
        %dma_start3A_370 = tpu.memref_slice %arg7[%mul3A_369] : memref<10240xi32, #tpu.memory_space<vmem>> -> memref<128xi32, #tpu.memory_space<vmem>>
        %dma_start3A_371 = arith.constant 0 : i32
        %dma_start3A_372 = arith.constant 0 : i32
        %dma_start3A_373 = tpu.memref_slice %arg2[%dma_start3A_371, %dma_start3A_372] : memref<10240x128xf32, #tpu.memory_space<hbm>> -> memref<10240x128xf32, #tpu.memory_space<hbm>>
        tpu.enqueue_indirect_dma source(%dma_start3A_373 : memref<10240x128xf32, #tpu.memory_space<hbm>>) target(%arg10 : memref<128x128xf32, #tpu.memory_space<vmem>>) offsets(%dma_start3A_370 : memref<128xi32, #tpu.memory_space<vmem>>) semaphore(%arg13 : memref<!tpu.dma_semaphore, #tpu.memory_space<semaphore_mem>>)
      } else {
      }
      %dma_wait3A_341 = arith.constant 0 : i32
      %dma_wait3A_342 = tpu.memref_slice %arg7[%dma_wait3A_341] : memref<10240xi32, #tpu.memory_space<vmem>> -> memref<128xi32, #tpu.memory_space<vmem>>
      %dma_wait3A_343 = arith.constant 0 : i32
      %dma_wait3A_344 = arith.constant 0 : i32
      %dma_wait3A_345 = tpu.memref_slice %arg2[%dma_wait3A_343, %dma_wait3A_344] : memref<10240x128xf32, #tpu.memory_space<hbm>> -> memref<10240x128xf32, #tpu.memory_space<hbm>>
      tpu.wait_indirect_dma semaphore(%arg12 : memref<!tpu.dma_semaphore, #tpu.memory_space<semaphore_mem>>) src(%dma_wait3A_345 : memref<10240x128xf32, #tpu.memory_space<hbm>>) dst(%arg9 : memref<128x128xf32, #tpu.memory_space<vmem>>)
      %run_scoped3A_346 = arith.constant 1 : i32
      %run_scoped3A_347 = arith.constant 6 : i32
      "tpu.region"() ({
        %run_scoped3A_366 = tpu.sem_alloc : memref<!tpu.dma_semaphore, #tpu.memory_space<semaphore_mem>>
        %dma_start3A_367 = arith.constant 0 : i32
        %dma_start3A_368 = tpu.memref_slice %arg8[%run_scoped3A_346, %run_scoped3A_347, %dma_start3A_367] : memref<2x8x128xi32, #tpu.memory_space<vmem>> -> memref<1x1x128xi32, #tpu.memory_space<vmem>>
        %dma_start3A_369 = tpu.memref_squeeze %dma_start3A_368 : memref<1x1x128xi32, #tpu.memory_space<vmem>> -> memref<128xi32, #tpu.memory_space<vmem>>
        %dma_start3A_370 = arith.constant 0 : i32
        %dma_start3A_371 = arith.constant 0 : i32
        %dma_start3A_372 = tpu.memref_slice %arg11[%dma_start3A_370, %dma_start3A_371] : memref<10240x128xf32, #tpu.memory_space<vmem_shared>> -> memref<10240x128xf32, #tpu.memory_space<vmem_shared>>
        tpu.enqueue_indirect_dma source(%arg9 : memref<128x128xf32, #tpu.memory_space<vmem>>) target(%dma_start3A_372 : memref<10240x128xf32, #tpu.memory_space<vmem_shared>>) offsets(%dma_start3A_369 : memref<128xi32, #tpu.memory_space<vmem>>) semaphore(%run_scoped3A_366 : memref<!tpu.dma_semaphore, #tpu.memory_space<semaphore_mem>>) {add = true}
        %dma_wait3A_373 = arith.constant 0 : i32
        %dma_wait3A_374 = tpu.memref_slice %arg8[%run_scoped3A_346, %run_scoped3A_347, %dma_wait3A_373] : memref<2x8x128xi32, #tpu.memory_space<vmem>> -> memref<1x1x128xi32, #tpu.memory_space<vmem>>
        %dma_wait3A_375 = tpu.memref_squeeze %dma_wait3A_374 : memref<1x1x128xi32, #tpu.memory_space<vmem>> -> memref<128xi32, #tpu.memory_space<vmem>>
        %dma_wait3A_376 = arith.constant 0 : i32
        %dma_wait3A_377 = arith.constant 0 : i32
        %dma_wait3A_378 = tpu.memref_slice %arg11[%dma_wait3A_376, %dma_wait3A_377] : memref<10240x128xf32, #tpu.memory_space<vmem_shared>> -> memref<10240x128xf32, #tpu.memory_space<vmem_shared>>
        tpu.wait_indirect_dma semaphore(%run_scoped3A_366 : memref<!tpu.dma_semaphore, #tpu.memory_space<semaphore_mem>>) src(%arg9 : memref<128x128xf32, #tpu.memory_space<vmem>>) dst(%dma_wait3A_378 : memref<10240x128xf32, #tpu.memory_space<vmem_shared>>)
        tpu.yield
      }) : () -> ()
      %mul3A_348 = arith.constant 8 : i32
      %mul3A_349 = arith.muli %add3A_199, %mul3A_348 : i32
      %add3A_350 = arith.constant 7 : i32
      %add3A_351 = arith.addi %mul3A_349, %add3A_350 : i32
      %add3A_352 = arith.constant 1 : i32
      %add3A_353 = arith.addi %add3A_351, %add3A_352 : i32
      %lt3A_354 = arith.constant 80 : i32
      %lt3A_355 = arith.cmpi slt, %add3A_353, %lt3A_354 : i32
      %convert_element_type3A_356 = arith.extui %lt3A_355 : i1 to i32
      %cond3A_357 = arith.constant 0 : i32
      %cond3A_358 = arith.cmpi ne, %convert_element_type3A_356, %cond3A_357 : i32
      scf.if %cond3A_358 {
        %add3A_366 = arith.constant 1 : i32
        %add3A_367 = arith.addi %add3A_351, %add3A_366 : i32
        %mul3A_368 = arith.constant 128 : i32
        %mul3A_369 = arith.muli %add3A_367, %mul3A_368 : i32
        %dma_start3A_370 = tpu.memref_slice %arg7[%mul3A_369] : memref<10240xi32, #tpu.memory_space<vmem>> -> memref<128xi32, #tpu.memory_space<vmem>>
        %dma_start3A_371 = arith.constant 0 : i32
        %dma_start3A_372 = arith.constant 0 : i32
        %dma_start3A_373 = tpu.memref_slice %arg2[%dma_start3A_371, %dma_start3A_372] : memref<10240x128xf32, #tpu.memory_space<hbm>> -> memref<10240x128xf32, #tpu.memory_space<hbm>>
        tpu.enqueue_indirect_dma source(%dma_start3A_373 : memref<10240x128xf32, #tpu.memory_space<hbm>>) target(%arg9 : memref<128x128xf32, #tpu.memory_space<vmem>>) offsets(%dma_start3A_370 : memref<128xi32, #tpu.memory_space<vmem>>) semaphore(%arg12 : memref<!tpu.dma_semaphore, #tpu.memory_space<semaphore_mem>>)
      } else {
      }
      %dma_wait3A_359 = arith.constant 0 : i32
      %dma_wait3A_360 = tpu.memref_slice %arg7[%dma_wait3A_359] : memref<10240xi32, #tpu.memory_space<vmem>> -> memref<128xi32, #tpu.memory_space<vmem>>
      %dma_wait3A_361 = arith.constant 0 : i32
      %dma_wait3A_362 = arith.constant 0 : i32
      %dma_wait3A_363 = tpu.memref_slice %arg2[%dma_wait3A_361, %dma_wait3A_362] : memref<10240x128xf32, #tpu.memory_space<hbm>> -> memref<10240x128xf32, #tpu.memory_space<hbm>>
      tpu.wait_indirect_dma semaphore(%arg13 : memref<!tpu.dma_semaphore, #tpu.memory_space<semaphore_mem>>) src(%dma_wait3A_363 : memref<10240x128xf32, #tpu.memory_space<hbm>>) dst(%arg10 : memref<128x128xf32, #tpu.memory_space<vmem>>)
      %run_scoped3A_364 = arith.constant 1 : i32
      %run_scoped3A_365 = arith.constant 7 : i32
      "tpu.region"() ({
        %run_scoped3A_366 = tpu.sem_alloc : memref<!tpu.dma_semaphore, #tpu.memory_space<semaphore_mem>>
        %dma_start3A_367 = arith.constant 0 : i32
        %dma_start3A_368 = tpu.memref_slice %arg8[%run_scoped3A_364, %run_scoped3A_365, %dma_start3A_367] : memref<2x8x128xi32, #tpu.memory_space<vmem>> -> memref<1x1x128xi32, #tpu.memory_space<vmem>>
        %dma_start3A_369 = tpu.memref_squeeze %dma_start3A_368 : memref<1x1x128xi32, #tpu.memory_space<vmem>> -> memref<128xi32, #tpu.memory_space<vmem>>
        %dma_start3A_370 = arith.constant 0 : i32
        %dma_start3A_371 = arith.constant 0 : i32
        %dma_start3A_372 = tpu.memref_slice %arg11[%dma_start3A_370, %dma_start3A_371] : memref<10240x128xf32, #tpu.memory_space<vmem_shared>> -> memref<10240x128xf32, #tpu.memory_space<vmem_shared>>
        tpu.enqueue_indirect_dma source(%arg10 : memref<128x128xf32, #tpu.memory_space<vmem>>) target(%dma_start3A_372 : memref<10240x128xf32, #tpu.memory_space<vmem_shared>>) offsets(%dma_start3A_369 : memref<128xi32, #tpu.memory_space<vmem>>) semaphore(%run_scoped3A_366 : memref<!tpu.dma_semaphore, #tpu.memory_space<semaphore_mem>>) {add = true}
        %dma_wait3A_373 = arith.constant 0 : i32
        %dma_wait3A_374 = tpu.memref_slice %arg8[%run_scoped3A_364, %run_scoped3A_365, %dma_wait3A_373] : memref<2x8x128xi32, #tpu.memory_space<vmem>> -> memref<1x1x128xi32, #tpu.memory_space<vmem>>
        %dma_wait3A_375 = tpu.memref_squeeze %dma_wait3A_374 : memref<1x1x128xi32, #tpu.memory_space<vmem>> -> memref<128xi32, #tpu.memory_space<vmem>>
        %dma_wait3A_376 = arith.constant 0 : i32
        %dma_wait3A_377 = arith.constant 0 : i32
        %dma_wait3A_378 = tpu.memref_slice %arg11[%dma_wait3A_376, %dma_wait3A_377] : memref<10240x128xf32, #tpu.memory_space<vmem_shared>> -> memref<10240x128xf32, #tpu.memory_space<vmem_shared>>
        tpu.wait_indirect_dma semaphore(%run_scoped3A_366 : memref<!tpu.dma_semaphore, #tpu.memory_space<semaphore_mem>>) src(%arg10 : memref<128x128xf32, #tpu.memory_space<vmem>>) dst(%dma_wait3A_378 : memref<10240x128xf32, #tpu.memory_space<vmem_shared>>)
        tpu.yield
      }) : () -> ()
    }
    %scan3A_28 = arith.constant 5 : i32
    %barrier3A_29 = arith.constant 0 : index
    tpu.barrier barrier_id(%barrier3A_29)
    "tpu.region"() ({
      %run_scoped3A = tpu.sem_alloc : memref<!tpu.dma_semaphore, #tpu.memory_space<semaphore_mem>>
      %dma_start3A_30 = arith.constant 0 : i32
      %dma_start3A_31 = tpu.memref_slice %arg6[%arg0, %mul3A_2, %dma_start3A_30] : memref<2x10240x128xf32, #tpu.memory_space<hbm>> -> memref<1x640x128xf32, #tpu.memory_space<hbm>>
      %dma_start3A_32 = tpu.memref_squeeze %dma_start3A_31 : memref<1x640x128xf32, #tpu.memory_space<hbm>> -> memref<640x128xf32, #tpu.memory_space<hbm>>
      %dma_start3A_33 = arith.constant 0 : i32
      %dma_start3A_34 = tpu.memref_slice %arg11[%mul3A_2, %dma_start3A_33] : memref<10240x128xf32, #tpu.memory_space<vmem_shared>> -> memref<640x128xf32, #tpu.memory_space<vmem_shared>>
      tpu.enqueue_dma source(%dma_start3A_34 : memref<640x128xf32, #tpu.memory_space<vmem_shared>>) target(%dma_start3A_32 : memref<640x128xf32, #tpu.memory_space<hbm>>) target_semaphore(%run_scoped3A : memref<!tpu.dma_semaphore, #tpu.memory_space<semaphore_mem>>)
      %dma_wait3A = arith.constant 0 : i32
      %dma_wait3A_35 = tpu.memref_slice %arg6[%arg0, %mul3A_2, %dma_wait3A] : memref<2x10240x128xf32, #tpu.memory_space<hbm>> -> memref<1x640x128xf32, #tpu.memory_space<hbm>>
      %dma_wait3A_36 = tpu.memref_squeeze %dma_wait3A_35 : memref<1x640x128xf32, #tpu.memory_space<hbm>> -> memref<640x128xf32, #tpu.memory_space<hbm>>
      %dma_wait3A_37 = arith.constant 0 : i32
      %dma_wait3A_38 = tpu.memref_slice %arg11[%mul3A_2, %dma_wait3A_37] : memref<10240x128xf32, #tpu.memory_space<vmem_shared>> -> memref<640x128xf32, #tpu.memory_space<vmem_shared>>
      tpu.wait_dma2 semaphore(%run_scoped3A : memref<!tpu.dma_semaphore, #tpu.memory_space<semaphore_mem>>) src(%dma_wait3A_38 : memref<640x128xf32, #tpu.memory_space<vmem_shared>>) dst(%dma_wait3A_36 : memref<640x128xf32, #tpu.memory_space<hbm>>)
      tpu.yield
    }) : () -> ()
    return
  }
}

#map = affine_map<(d0, d1) -> (0, 0, 0)>
#map1 = affine_map<(d0, d1) -> (0, 0)>
module attributes {stable_mosaic.version = 14 : i64} {
  func.func @_deg_body(%arg0: i32, %arg1: i32, %arg2: memref<32x80x128xi32, #tpu.memory_space<hbm>>, %arg3: memref<128x128xf32, #tpu.memory_space<hbm>>, %arg4: memref<10240x128xf32, #tpu.memory_space<hbm>>, %arg5: memref<2x10240x128xf32, #tpu.memory_space<hbm>>, %arg6: memref<80x128xi32, #tpu.memory_space<vmem>>, %arg7: memref<128x128xf32, #tpu.memory_space<vmem>>, %arg8: memref<10240x128xf32, #tpu.memory_space<vmem_shared>>) attributes {dimension_semantics = [#tpu.dimension_semantics<core_parallel>, #tpu.dimension_semantics<subcore_parallel>], iteration_bounds = array<i64: 2, 16>, scalar_prefetch = 0 : i64, scratch_operands = 3 : i64, tpu.core_type = #tpu.core_type<sc_vector_subcore>, window_params = [{transform_indices = #map}, {transform_indices = #map1}, {transform_indices = #map1}, {transform_indices = #map}]} {
    %mul3A = arith.constant 2 : i32
    %mul3A_0 = arith.muli %arg1, %mul3A : i32
    %add3A = arith.addi %mul3A_0, %arg0 : i32
    %mul3A_1 = arith.constant 640 : i32
    %mul3A_2 = arith.muli %arg1, %mul3A_1 : i32
    "tpu.region"() ({
      %run_scoped3A = tpu.sem_alloc : memref<!tpu.dma_semaphore, #tpu.memory_space<semaphore_mem>>
      %dma_start3A = arith.constant 0 : i32
      %dma_start3A_9 = tpu.memref_slice %arg8[%mul3A_2, %dma_start3A] : memref<10240x128xf32, #tpu.memory_space<vmem_shared>> -> memref<640x128xf32, #tpu.memory_space<vmem_shared>>
      %dma_start3A_10 = arith.constant 0 : i32
      %dma_start3A_11 = tpu.memref_slice %arg4[%mul3A_2, %dma_start3A_10] : memref<10240x128xf32, #tpu.memory_space<hbm>> -> memref<640x128xf32, #tpu.memory_space<hbm>>
      tpu.enqueue_dma source(%dma_start3A_11 : memref<640x128xf32, #tpu.memory_space<hbm>>) target(%dma_start3A_9 : memref<640x128xf32, #tpu.memory_space<vmem_shared>>) target_semaphore(%run_scoped3A : memref<!tpu.dma_semaphore, #tpu.memory_space<semaphore_mem>>)
      %dma_wait3A = arith.constant 0 : i32
      %dma_wait3A_12 = tpu.memref_slice %arg8[%mul3A_2, %dma_wait3A] : memref<10240x128xf32, #tpu.memory_space<vmem_shared>> -> memref<640x128xf32, #tpu.memory_space<vmem_shared>>
      %dma_wait3A_13 = arith.constant 0 : i32
      %dma_wait3A_14 = tpu.memref_slice %arg4[%mul3A_2, %dma_wait3A_13] : memref<10240x128xf32, #tpu.memory_space<hbm>> -> memref<640x128xf32, #tpu.memory_space<hbm>>
      tpu.wait_dma2 semaphore(%run_scoped3A : memref<!tpu.dma_semaphore, #tpu.memory_space<semaphore_mem>>) src(%dma_wait3A_14 : memref<640x128xf32, #tpu.memory_space<hbm>>) dst(%dma_wait3A_12 : memref<640x128xf32, #tpu.memory_space<vmem_shared>>)
      tpu.yield
    }) : () -> ()
    "tpu.region"() ({
      %run_scoped3A = tpu.sem_alloc : memref<!tpu.dma_semaphore, #tpu.memory_space<semaphore_mem>>
      tpu.enqueue_dma source(%arg3 : memref<128x128xf32, #tpu.memory_space<hbm>>) target(%arg7 : memref<128x128xf32, #tpu.memory_space<vmem>>) target_semaphore(%run_scoped3A : memref<!tpu.dma_semaphore, #tpu.memory_space<semaphore_mem>>)
      tpu.wait_dma2 semaphore(%run_scoped3A : memref<!tpu.dma_semaphore, #tpu.memory_space<semaphore_mem>>) src(%arg3 : memref<128x128xf32, #tpu.memory_space<hbm>>) dst(%arg7 : memref<128x128xf32, #tpu.memory_space<vmem>>)
      tpu.yield
    }) : () -> ()
    "tpu.region"() ({
      %run_scoped3A = tpu.sem_alloc : memref<!tpu.dma_semaphore, #tpu.memory_space<semaphore_mem>>
      %dma_start3A = arith.constant 0 : i32
      %dma_start3A_9 = arith.constant 0 : i32
      %dma_start3A_10 = tpu.memref_slice %arg2[%add3A, %dma_start3A, %dma_start3A_9] : memref<32x80x128xi32, #tpu.memory_space<hbm>> -> memref<1x80x128xi32, #tpu.memory_space<hbm>>
      %dma_start3A_11 = tpu.memref_squeeze %dma_start3A_10 : memref<1x80x128xi32, #tpu.memory_space<hbm>> -> memref<80x128xi32, #tpu.memory_space<hbm>>
      %dma_start3A_12 = arith.constant 0 : i32
      %dma_start3A_13 = arith.constant 0 : i32
      %dma_start3A_14 = tpu.memref_slice %arg2[%add3A, %dma_start3A_12, %dma_start3A_13] : memref<32x80x128xi32, #tpu.memory_space<hbm>> -> memref<1x80x128xi32, #tpu.memory_space<hbm>>
      %dma_start3A_15 = tpu.memref_squeeze %dma_start3A_14 : memref<1x80x128xi32, #tpu.memory_space<hbm>> -> memref<80x128xi32, #tpu.memory_space<hbm>>
      tpu.enqueue_dma source(%dma_start3A_15 : memref<80x128xi32, #tpu.memory_space<hbm>>) target(%arg6 : memref<80x128xi32, #tpu.memory_space<vmem>>) target_semaphore(%run_scoped3A : memref<!tpu.dma_semaphore, #tpu.memory_space<semaphore_mem>>)
      %dma_wait3A = arith.constant 0 : i32
      %dma_wait3A_16 = arith.constant 0 : i32
      %dma_wait3A_17 = tpu.memref_slice %arg2[%add3A, %dma_wait3A, %dma_wait3A_16] : memref<32x80x128xi32, #tpu.memory_space<hbm>> -> memref<1x80x128xi32, #tpu.memory_space<hbm>>
      %dma_wait3A_18 = tpu.memref_squeeze %dma_wait3A_17 : memref<1x80x128xi32, #tpu.memory_space<hbm>> -> memref<80x128xi32, #tpu.memory_space<hbm>>
      %dma_wait3A_19 = arith.constant 0 : i32
      %dma_wait3A_20 = arith.constant 0 : i32
      %dma_wait3A_21 = tpu.memref_slice %arg2[%add3A, %dma_wait3A_19, %dma_wait3A_20] : memref<32x80x128xi32, #tpu.memory_space<hbm>> -> memref<1x80x128xi32, #tpu.memory_space<hbm>>
      %dma_wait3A_22 = tpu.memref_squeeze %dma_wait3A_21 : memref<1x80x128xi32, #tpu.memory_space<hbm>> -> memref<80x128xi32, #tpu.memory_space<hbm>>
      tpu.wait_dma2 semaphore(%run_scoped3A : memref<!tpu.dma_semaphore, #tpu.memory_space<semaphore_mem>>) src(%dma_wait3A_22 : memref<80x128xi32, #tpu.memory_space<hbm>>) dst(%arg6 : memref<80x128xi32, #tpu.memory_space<vmem>>)
      tpu.yield
    }) : () -> ()
    %barrier3A = arith.constant 0 : index
    tpu.barrier barrier_id(%barrier3A)
    %scan3A = arith.constant 0 : i32
    %scan3A_3 = arith.constant 0 : i32
    %scan3A_4 = arith.constant 80 : i32
    %scan3A_5 = arith.addi %scan3A_3, %scan3A_4 : i32
    %scan3A_6 = arith.constant 1 : i32
    scf.for %scan3A_9 = %scan3A_3 to %scan3A_5 step %scan3A_6  : i32 {
      "tpu.region"() ({
        %run_scoped3A = tpu.sem_alloc : memref<!tpu.dma_semaphore, #tpu.memory_space<semaphore_mem>>
        %dma_start3A = arith.constant 0 : i32
        %dma_start3A_10 = tpu.memref_slice %arg6[%scan3A_9, %dma_start3A] : memref<80x128xi32, #tpu.memory_space<vmem>> -> memref<1x128xi32, #tpu.memory_space<vmem>>
        %dma_start3A_11 = tpu.memref_squeeze %dma_start3A_10 : memref<1x128xi32, #tpu.memory_space<vmem>> -> memref<128xi32, #tpu.memory_space<vmem>>
        %dma_start3A_12 = arith.constant 0 : i32
        %dma_start3A_13 = arith.constant 0 : i32
        %dma_start3A_14 = tpu.memref_slice %arg8[%dma_start3A_12, %dma_start3A_13] : memref<10240x128xf32, #tpu.memory_space<vmem_shared>> -> memref<10240x128xf32, #tpu.memory_space<vmem_shared>>
        tpu.enqueue_indirect_dma source(%arg7 : memref<128x128xf32, #tpu.memory_space<vmem>>) target(%dma_start3A_14 : memref<10240x128xf32, #tpu.memory_space<vmem_shared>>) offsets(%dma_start3A_11 : memref<128xi32, #tpu.memory_space<vmem>>) semaphore(%run_scoped3A : memref<!tpu.dma_semaphore, #tpu.memory_space<semaphore_mem>>) {add = true}
        %dma_wait3A = arith.constant 0 : i32
        %dma_wait3A_15 = tpu.memref_slice %arg6[%scan3A_9, %dma_wait3A] : memref<80x128xi32, #tpu.memory_space<vmem>> -> memref<1x128xi32, #tpu.memory_space<vmem>>
        %dma_wait3A_16 = tpu.memref_squeeze %dma_wait3A_15 : memref<1x128xi32, #tpu.memory_space<vmem>> -> memref<128xi32, #tpu.memory_space<vmem>>
        %dma_wait3A_17 = arith.constant 0 : i32
        %dma_wait3A_18 = arith.constant 0 : i32
        %dma_wait3A_19 = tpu.memref_slice %arg8[%dma_wait3A_17, %dma_wait3A_18] : memref<10240x128xf32, #tpu.memory_space<vmem_shared>> -> memref<10240x128xf32, #tpu.memory_space<vmem_shared>>
        tpu.wait_indirect_dma semaphore(%run_scoped3A : memref<!tpu.dma_semaphore, #tpu.memory_space<semaphore_mem>>) src(%arg7 : memref<128x128xf32, #tpu.memory_space<vmem>>) dst(%dma_wait3A_19 : memref<10240x128xf32, #tpu.memory_space<vmem_shared>>)
        tpu.yield
      }) : () -> ()
    }
    %scan3A_7 = arith.constant 80 : i32
    %barrier3A_8 = arith.constant 0 : index
    tpu.barrier barrier_id(%barrier3A_8)
    "tpu.region"() ({
      %run_scoped3A = tpu.sem_alloc : memref<!tpu.dma_semaphore, #tpu.memory_space<semaphore_mem>>
      %dma_start3A = arith.constant 0 : i32
      %dma_start3A_9 = tpu.memref_slice %arg5[%arg0, %mul3A_2, %dma_start3A] : memref<2x10240x128xf32, #tpu.memory_space<hbm>> -> memref<1x640x128xf32, #tpu.memory_space<hbm>>
      %dma_start3A_10 = tpu.memref_squeeze %dma_start3A_9 : memref<1x640x128xf32, #tpu.memory_space<hbm>> -> memref<640x128xf32, #tpu.memory_space<hbm>>
      %dma_start3A_11 = arith.constant 0 : i32
      %dma_start3A_12 = tpu.memref_slice %arg8[%mul3A_2, %dma_start3A_11] : memref<10240x128xf32, #tpu.memory_space<vmem_shared>> -> memref<640x128xf32, #tpu.memory_space<vmem_shared>>
      tpu.enqueue_dma source(%dma_start3A_12 : memref<640x128xf32, #tpu.memory_space<vmem_shared>>) target(%dma_start3A_10 : memref<640x128xf32, #tpu.memory_space<hbm>>) target_semaphore(%run_scoped3A : memref<!tpu.dma_semaphore, #tpu.memory_space<semaphore_mem>>)
      %dma_wait3A = arith.constant 0 : i32
      %dma_wait3A_13 = tpu.memref_slice %arg5[%arg0, %mul3A_2, %dma_wait3A] : memref<2x10240x128xf32, #tpu.memory_space<hbm>> -> memref<1x640x128xf32, #tpu.memory_space<hbm>>
      %dma_wait3A_14 = tpu.memref_squeeze %dma_wait3A_13 : memref<1x640x128xf32, #tpu.memory_space<hbm>> -> memref<640x128xf32, #tpu.memory_space<hbm>>
      %dma_wait3A_15 = arith.constant 0 : i32
      %dma_wait3A_16 = tpu.memref_slice %arg8[%mul3A_2, %dma_wait3A_15] : memref<10240x128xf32, #tpu.memory_space<vmem_shared>> -> memref<640x128xf32, #tpu.memory_space<vmem_shared>>
      tpu.wait_dma2 semaphore(%run_scoped3A : memref<!tpu.dma_semaphore, #tpu.memory_space<semaphore_mem>>) src(%dma_wait3A_16 : memref<640x128xf32, #tpu.memory_space<vmem_shared>>) dst(%dma_wait3A_14 : memref<640x128xf32, #tpu.memory_space<hbm>>)
      tpu.yield
    }) : () -> ()
    return
  }
}

#map = affine_map<(d0, d1) -> (0, 0)>
#map1 = affine_map<(d0, d1) -> (0, 0, 0)>
module attributes {stable_mosaic.version = 14 : i64} {
  func.func @_edge_body(%arg0: i32, %arg1: i32, %arg2: memref<10240x128xf32, #tpu.memory_space<hbm>>, %arg3: memref<32x10240xi32, #tpu.memory_space<hbm>>, %arg4: memref<32x80x128xi32, #tpu.memory_space<hbm>>, %arg5: memref<10240x128xf32, #tpu.memory_space<hbm>>, %arg6: memref<2x10240x128xf32, #tpu.memory_space<hbm>>, %arg7: memref<10240xi32, #tpu.memory_space<vmem>>, %arg8: memref<2x8x128xi32, #tpu.memory_space<vmem>>, %arg9: memref<128x128xf32, #tpu.memory_space<vmem>>, %arg10: memref<128x128xf32, #tpu.memory_space<vmem>>, %arg11: memref<10240x128xf32, #tpu.memory_space<vmem_shared>>, %arg12: memref<!tpu.dma_semaphore, #tpu.memory_space<semaphore_mem>>, %arg13: memref<!tpu.dma_semaphore, #tpu.memory_space<semaphore_mem>>, %arg14: memref<!tpu.dma_semaphore, #tpu.memory_space<semaphore_mem>>, %arg15: memref<!tpu.dma_semaphore, #tpu.memory_space<semaphore_mem>>) attributes {dimension_semantics = [#tpu.dimension_semantics<core_parallel>, #tpu.dimension_semantics<subcore_parallel>], iteration_bounds = array<i64: 2, 16>, scalar_prefetch = 0 : i64, scratch_operands = 9 : i64, tpu.core_type = #tpu.core_type<sc_vector_subcore>, window_params = [{transform_indices = #map}, {transform_indices = #map}, {transform_indices = #map1}, {transform_indices = #map}, {transform_indices = #map1}]} {
    %mul3A = arith.constant 2 : i32
    %mul3A_0 = arith.muli %arg1, %mul3A : i32
    %add3A = arith.addi %mul3A_0, %arg0 : i32
    %mul3A_1 = arith.constant 640 : i32
    %mul3A_2 = arith.muli %arg1, %mul3A_1 : i32
    "tpu.region"() ({
      %run_scoped3A = tpu.sem_alloc : memref<!tpu.dma_semaphore, #tpu.memory_space<semaphore_mem>>
      %dma_start3A_30 = arith.constant 0 : i32
      %dma_start3A_31 = tpu.memref_slice %arg11[%mul3A_2, %dma_start3A_30] : memref<10240x128xf32, #tpu.memory_space<vmem_shared>> -> memref<640x128xf32, #tpu.memory_space<vmem_shared>>
      %dma_start3A_32 = arith.constant 0 : i32
      %dma_start3A_33 = tpu.memref_slice %arg5[%mul3A_2, %dma_start3A_32] : memref<10240x128xf32, #tpu.memory_space<hbm>> -> memref<640x128xf32, #tpu.memory_space<hbm>>
      tpu.enqueue_dma source(%dma_start3A_33 : memref<640x128xf32, #tpu.memory_space<hbm>>) target(%dma_start3A_31 : memref<640x128xf32, #tpu.memory_space<vmem_shared>>) target_semaphore(%run_scoped3A : memref<!tpu.dma_semaphore, #tpu.memory_space<semaphore_mem>>)
      %dma_wait3A = arith.constant 0 : i32
      %dma_wait3A_34 = tpu.memref_slice %arg11[%mul3A_2, %dma_wait3A] : memref<10240x128xf32, #tpu.memory_space<vmem_shared>> -> memref<640x128xf32, #tpu.memory_space<vmem_shared>>
      %dma_wait3A_35 = arith.constant 0 : i32
      %dma_wait3A_36 = tpu.memref_slice %arg5[%mul3A_2, %dma_wait3A_35] : memref<10240x128xf32, #tpu.memory_space<hbm>> -> memref<640x128xf32, #tpu.memory_space<hbm>>
      tpu.wait_dma2 semaphore(%run_scoped3A : memref<!tpu.dma_semaphore, #tpu.memory_space<semaphore_mem>>) src(%dma_wait3A_36 : memref<640x128xf32, #tpu.memory_space<hbm>>) dst(%dma_wait3A_34 : memref<640x128xf32, #tpu.memory_space<vmem_shared>>)
      tpu.yield
    }) : () -> ()
    "tpu.region"() ({
      %run_scoped3A = tpu.sem_alloc : memref<!tpu.dma_semaphore, #tpu.memory_space<semaphore_mem>>
      %dma_start3A_30 = arith.constant 0 : i32
      %dma_start3A_31 = tpu.memref_slice %arg3[%add3A, %dma_start3A_30] : memref<32x10240xi32, #tpu.memory_space<hbm>> -> memref<1x10240xi32, #tpu.memory_space<hbm>>
      %dma_start3A_32 = tpu.memref_squeeze %dma_start3A_31 : memref<1x10240xi32, #tpu.memory_space<hbm>> -> memref<10240xi32, #tpu.memory_space<hbm>>
      %dma_start3A_33 = arith.constant 0 : i32
      %dma_start3A_34 = tpu.memref_slice %arg3[%add3A, %dma_start3A_33] : memref<32x10240xi32, #tpu.memory_space<hbm>> -> memref<1x10240xi32, #tpu.memory_space<hbm>>
      %dma_start3A_35 = tpu.memref_squeeze %dma_start3A_34 : memref<1x10240xi32, #tpu.memory_space<hbm>> -> memref<10240xi32, #tpu.memory_space<hbm>>
      tpu.enqueue_dma source(%dma_start3A_35 : memref<10240xi32, #tpu.memory_space<hbm>>) target(%arg7 : memref<10240xi32, #tpu.memory_space<vmem>>) target_semaphore(%run_scoped3A : memref<!tpu.dma_semaphore, #tpu.memory_space<semaphore_mem>>)
      %dma_wait3A = arith.constant 0 : i32
      %dma_wait3A_36 = tpu.memref_slice %arg3[%add3A, %dma_wait3A] : memref<32x10240xi32, #tpu.memory_space<hbm>> -> memref<1x10240xi32, #tpu.memory_space<hbm>>
      %dma_wait3A_37 = tpu.memref_squeeze %dma_wait3A_36 : memref<1x10240xi32, #tpu.memory_space<hbm>> -> memref<10240xi32, #tpu.memory_space<hbm>>
      %dma_wait3A_38 = arith.constant 0 : i32
      %dma_wait3A_39 = tpu.memref_slice %arg3[%add3A, %dma_wait3A_38] : memref<32x10240xi32, #tpu.memory_space<hbm>> -> memref<1x10240xi32, #tpu.memory_space<hbm>>
      %dma_wait3A_40 = tpu.memref_squeeze %dma_wait3A_39 : memref<1x10240xi32, #tpu.memory_space<hbm>> -> memref<10240xi32, #tpu.memory_space<hbm>>
      tpu.wait_dma2 semaphore(%run_scoped3A : memref<!tpu.dma_semaphore, #tpu.memory_space<semaphore_mem>>) src(%dma_wait3A_40 : memref<10240xi32, #tpu.memory_space<hbm>>) dst(%arg7 : memref<10240xi32, #tpu.memory_space<vmem>>)
      tpu.yield
    }) : () -> ()
    %barrier3A = arith.constant 0 : index
    tpu.barrier barrier_id(%barrier3A)
    %dma_start3A = arith.constant 0 : i32
    %dma_start3A_3 = arith.constant 0 : i32
    %dma_start3A_4 = arith.constant 0 : i32
    %dma_start3A_5 = tpu.memref_slice %arg8[%dma_start3A, %dma_start3A_3, %dma_start3A_4] : memref<2x8x128xi32, #tpu.memory_space<vmem>> -> memref<1x8x128xi32, #tpu.memory_space<vmem>>
    %dma_start3A_6 = tpu.memref_squeeze %dma_start3A_5 : memref<1x8x128xi32, #tpu.memory_space<vmem>> -> memref<8x128xi32, #tpu.memory_space<vmem>>
    %dma_start3A_7 = arith.constant 0 : i32
    %dma_start3A_8 = arith.constant 0 : i32
    %dma_start3A_9 = tpu.memref_slice %arg4[%add3A, %dma_start3A_7, %dma_start3A_8] : memref<32x80x128xi32, #tpu.memory_space<hbm>> -> memref<1x8x128xi32, #tpu.memory_space<hbm>>
    %dma_start3A_10 = tpu.memref_squeeze %dma_start3A_9 : memref<1x8x128xi32, #tpu.memory_space<hbm>> -> memref<8x128xi32, #tpu.memory_space<hbm>>
    %dma_start3A_11 = arith.constant 0 : i32
    %dma_start3A_12 = arith.constant 0 : i32
    %dma_start3A_13 = tpu.memref_slice %arg8[%dma_start3A, %dma_start3A_11, %dma_start3A_12] : memref<2x8x128xi32, #tpu.memory_space<vmem>> -> memref<1x8x128xi32, #tpu.memory_space<vmem>>
    %dma_start3A_14 = tpu.memref_squeeze %dma_start3A_13 : memref<1x8x128xi32, #tpu.memory_space<vmem>> -> memref<8x128xi32, #tpu.memory_space<vmem>>
    %dma_start3A_15 = arith.constant 0 : i32
    %dma_start3A_16 = arith.constant 0 : i32
    %dma_start3A_17 = tpu.memref_slice %arg4[%add3A, %dma_start3A_15, %dma_start3A_16] : memref<32x80x128xi32, #tpu.memory_space<hbm>> -> memref<1x8x128xi32, #tpu.memory_space<hbm>>
    %dma_start3A_18 = tpu.memref_squeeze %dma_start3A_17 : memref<1x8x128xi32, #tpu.memory_space<hbm>> -> memref<8x128xi32, #tpu.memory_space<hbm>>
    tpu.enqueue_dma source(%dma_start3A_18 : memref<8x128xi32, #tpu.memory_space<hbm>>) target(%dma_start3A_14 : memref<8x128xi32, #tpu.memory_space<vmem>>) target_semaphore(%arg14 : memref<!tpu.dma_semaphore, #tpu.memory_space<semaphore_mem>>)
    %dma_start3A_19 = arith.constant 0 : i32
    %dma_start3A_20 = tpu.memref_slice %arg7[%dma_start3A_19] : memref<10240xi32, #tpu.memory_space<vmem>> -> memref<128xi32, #tpu.memory_space<vmem>>
    %dma_start3A_21 = arith.constant 0 : i32
    %dma_start3A_22 = arith.constant 0 : i32
    %dma_start3A_23 = tpu.memref_slice %arg2[%dma_start3A_21, %dma_start3A_22] : memref<10240x128xf32, #tpu.memory_space<hbm>> -> memref<10240x128xf32, #tpu.memory_space<hbm>>
    tpu.enqueue_indirect_dma source(%dma_start3A_23 : memref<10240x128xf32, #tpu.memory_space<hbm>>) target(%arg9 : memref<128x128xf32, #tpu.memory_space<vmem>>) offsets(%dma_start3A_20 : memref<128xi32, #tpu.memory_space<vmem>>) semaphore(%arg12 : memref<!tpu.dma_semaphore, #tpu.memory_space<semaphore_mem>>)
    %scan3A = arith.constant 0 : i32
    %scan3A_24 = arith.constant 0 : i32
    %scan3A_25 = arith.constant 5 : i32
    %scan3A_26 = arith.addi %scan3A_24, %scan3A_25 : i32
    %scan3A_27 = arith.constant 1 : i32
    scf.for %scan3A_30 = %scan3A_24 to %scan3A_26 step %scan3A_27  : i32 {
      %mul3A_31 = arith.constant 2 : i32
      %mul3A_32 = arith.muli %mul3A_31, %scan3A_30 : i32
      %add3A_33 = arith.constant 0 : i32
      %add3A_34 = arith.addi %mul3A_32, %add3A_33 : i32
      %lt3A = arith.constant 9 : i32
      %lt3A_35 = arith.cmpi slt, %add3A_34, %lt3A : i32
      %convert_element_type3A = arith.extui %lt3A_35 : i1 to i32
      %cond3A = arith.constant 0 : i32
      %cond3A_36 = arith.cmpi ne, %convert_element_type3A, %cond3A : i32
      scf.if %cond3A_36 {
        %add3A_366 = arith.constant 1 : i32
        %add3A_367 = arith.addi %add3A_34, %add3A_366 : i32
        %mul3A_368 = arith.constant 8 : i32
        %mul3A_369 = arith.muli %add3A_367, %mul3A_368 : i32
        %dma_start3A_370 = arith.constant 1 : i32
        %dma_start3A_371 = arith.constant 0 : i32
        %dma_start3A_372 = arith.constant 0 : i32
        %dma_start3A_373 = tpu.memref_slice %arg8[%dma_start3A_370, %dma_start3A_371, %dma_start3A_372] : memref<2x8x128xi32, #tpu.memory_space<vmem>> -> memref<1x8x128xi32, #tpu.memory_space<vmem>>
        %dma_start3A_374 = tpu.memref_squeeze %dma_start3A_373 : memref<1x8x128xi32, #tpu.memory_space<vmem>> -> memref<8x128xi32, #tpu.memory_space<vmem>>
        %dma_start3A_375 = arith.constant 0 : i32
        %dma_start3A_376 = tpu.memref_slice %arg4[%add3A, %mul3A_369, %dma_start3A_375] : memref<32x80x128xi32, #tpu.memory_space<hbm>> -> memref<1x8x128xi32, #tpu.memory_space<hbm>>
        %dma_start3A_377 = tpu.memref_squeeze %dma_start3A_376 : memref<1x8x128xi32, #tpu.memory_space<hbm>> -> memref<8x128xi32, #tpu.memory_space<hbm>>
        %dma_start3A_378 = arith.constant 0 : i32
        %dma_start3A_379 = arith.constant 0 : i32
        %dma_start3A_380 = tpu.memref_slice %arg8[%dma_start3A_370, %dma_start3A_378, %dma_start3A_379] : memref<2x8x128xi32, #tpu.memory_space<vmem>> -> memref<1x8x128xi32, #tpu.memory_space<vmem>>
        %dma_start3A_381 = tpu.memref_squeeze %dma_start3A_380 : memref<1x8x128xi32, #tpu.memory_space<vmem>> -> memref<8x128xi32, #tpu.memory_space<vmem>>
        %dma_start3A_382 = arith.constant 0 : i32
        %dma_start3A_383 = tpu.memref_slice %arg4[%add3A, %mul3A_369, %dma_start3A_382] : memref<32x80x128xi32, #tpu.memory_space<hbm>> -> memref<1x8x128xi32, #tpu.memory_space<hbm>>
        %dma_start3A_384 = tpu.memref_squeeze %dma_start3A_383 : memref<1x8x128xi32, #tpu.memory_space<hbm>> -> memref<8x128xi32, #tpu.memory_space<hbm>>
        tpu.enqueue_dma source(%dma_start3A_384 : memref<8x128xi32, #tpu.memory_space<hbm>>) target(%dma_start3A_381 : memref<8x128xi32, #tpu.memory_space<vmem>>) target_semaphore(%arg15 : memref<!tpu.dma_semaphore, #tpu.memory_space<semaphore_mem>>)
      } else {
      }
      %dma_wait3A = arith.constant 0 : i32
      %dma_wait3A_37 = arith.constant 0 : i32
      %dma_wait3A_38 = arith.constant 0 : i32
      %dma_wait3A_39 = tpu.memref_slice %arg8[%dma_wait3A, %dma_wait3A_37, %dma_wait3A_38] : memref<2x8x128xi32, #tpu.memory_space<vmem>> -> memref<1x8x128xi32, #tpu.memory_space<vmem>>
      %dma_wait3A_40 = tpu.memref_squeeze %dma_wait3A_39 : memref<1x8x128xi32, #tpu.memory_space<vmem>> -> memref<8x128xi32, #tpu.memory_space<vmem>>
      %dma_wait3A_41 = arith.constant 0 : i32
      %dma_wait3A_42 = arith.constant 0 : i32
      %dma_wait3A_43 = tpu.memref_slice %arg4[%add3A, %dma_wait3A_41, %dma_wait3A_42] : memref<32x80x128xi32, #tpu.memory_space<hbm>> -> memref<1x8x128xi32, #tpu.memory_space<hbm>>
      %dma_wait3A_44 = tpu.memref_squeeze %dma_wait3A_43 : memref<1x8x128xi32, #tpu.memory_space<hbm>> -> memref<8x128xi32, #tpu.memory_space<hbm>>
      %dma_wait3A_45 = arith.constant 0 : i32
      %dma_wait3A_46 = arith.constant 0 : i32
      %dma_wait3A_47 = tpu.memref_slice %arg8[%dma_wait3A, %dma_wait3A_45, %dma_wait3A_46] : memref<2x8x128xi32, #tpu.memory_space<vmem>> -> memref<1x8x128xi32, #tpu.memory_space<vmem>>
      %dma_wait3A_48 = tpu.memref_squeeze %dma_wait3A_47 : memref<1x8x128xi32, #tpu.memory_space<vmem>> -> memref<8x128xi32, #tpu.memory_space<vmem>>
      %dma_wait3A_49 = arith.constant 0 : i32
      %dma_wait3A_50 = arith.constant 0 : i32
      %dma_wait3A_51 = tpu.memref_slice %arg4[%add3A, %dma_wait3A_49, %dma_wait3A_50] : memref<32x80x128xi32, #tpu.memory_space<hbm>> -> memref<1x8x128xi32, #tpu.memory_space<hbm>>
      %dma_wait3A_52 = tpu.memref_squeeze %dma_wait3A_51 : memref<1x8x128xi32, #tpu.memory_space<hbm>> -> memref<8x128xi32, #tpu.memory_space<hbm>>
      tpu.wait_dma2 semaphore(%arg14 : memref<!tpu.dma_semaphore, #tpu.memory_space<semaphore_mem>>) src(%dma_wait3A_52 : memref<8x128xi32, #tpu.memory_space<hbm>>) dst(%dma_wait3A_48 : memref<8x128xi32, #tpu.memory_space<vmem>>)
      %mul3A_53 = arith.constant 8 : i32
      %mul3A_54 = arith.muli %add3A_34, %mul3A_53 : i32
      %add3A_55 = arith.constant 0 : i32
      %add3A_56 = arith.addi %mul3A_54, %add3A_55 : i32
      %add3A_57 = arith.constant 1 : i32
      %add3A_58 = arith.addi %add3A_56, %add3A_57 : i32
      %lt3A_59 = arith.constant 80 : i32
      %lt3A_60 = arith.cmpi slt, %add3A_58, %lt3A_59 : i32
      %convert_element_type3A_61 = arith.extui %lt3A_60 : i1 to i32
      %cond3A_62 = arith.constant 0 : i32
      %cond3A_63 = arith.cmpi ne, %convert_element_type3A_61, %cond3A_62 : i32
      scf.if %cond3A_63 {
        %add3A_366 = arith.constant 1 : i32
        %add3A_367 = arith.addi %add3A_56, %add3A_366 : i32
        %mul3A_368 = arith.constant 128 : i32
        %mul3A_369 = arith.muli %add3A_367, %mul3A_368 : i32
        %dma_start3A_370 = tpu.memref_slice %arg7[%mul3A_369] : memref<10240xi32, #tpu.memory_space<vmem>> -> memref<128xi32, #tpu.memory_space<vmem>>
        %dma_start3A_371 = arith.constant 0 : i32
        %dma_start3A_372 = arith.constant 0 : i32
        %dma_start3A_373 = tpu.memref_slice %arg2[%dma_start3A_371, %dma_start3A_372] : memref<10240x128xf32, #tpu.memory_space<hbm>> -> memref<10240x128xf32, #tpu.memory_space<hbm>>
        tpu.enqueue_indirect_dma source(%dma_start3A_373 : memref<10240x128xf32, #tpu.memory_space<hbm>>) target(%arg10 : memref<128x128xf32, #tpu.memory_space<vmem>>) offsets(%dma_start3A_370 : memref<128xi32, #tpu.memory_space<vmem>>) semaphore(%arg13 : memref<!tpu.dma_semaphore, #tpu.memory_space<semaphore_mem>>)
      } else {
      }
      %dma_wait3A_64 = arith.constant 0 : i32
      %dma_wait3A_65 = tpu.memref_slice %arg7[%dma_wait3A_64] : memref<10240xi32, #tpu.memory_space<vmem>> -> memref<128xi32, #tpu.memory_space<vmem>>
      %dma_wait3A_66 = arith.constant 0 : i32
      %dma_wait3A_67 = arith.constant 0 : i32
      %dma_wait3A_68 = tpu.memref_slice %arg2[%dma_wait3A_66, %dma_wait3A_67] : memref<10240x128xf32, #tpu.memory_space<hbm>> -> memref<10240x128xf32, #tpu.memory_space<hbm>>
      tpu.wait_indirect_dma semaphore(%arg12 : memref<!tpu.dma_semaphore, #tpu.memory_space<semaphore_mem>>) src(%dma_wait3A_68 : memref<10240x128xf32, #tpu.memory_space<hbm>>) dst(%arg9 : memref<128x128xf32, #tpu.memory_space<vmem>>)
      %run_scoped3A = arith.constant 0 : i32
      %run_scoped3A_69 = arith.constant 0 : i32
      "tpu.region"() ({
        %run_scoped3A_366 = tpu.sem_alloc : memref<!tpu.dma_semaphore, #tpu.memory_space<semaphore_mem>>
        %dma_start3A_367 = arith.constant 0 : i32
        %dma_start3A_368 = tpu.memref_slice %arg8[%run_scoped3A, %run_scoped3A_69, %dma_start3A_367] : memref<2x8x128xi32, #tpu.memory_space<vmem>> -> memref<1x1x128xi32, #tpu.memory_space<vmem>>
        %dma_start3A_369 = tpu.memref_squeeze %dma_start3A_368 : memref<1x1x128xi32, #tpu.memory_space<vmem>> -> memref<128xi32, #tpu.memory_space<vmem>>
        %dma_start3A_370 = arith.constant 0 : i32
        %dma_start3A_371 = arith.constant 0 : i32
        %dma_start3A_372 = tpu.memref_slice %arg11[%dma_start3A_370, %dma_start3A_371] : memref<10240x128xf32, #tpu.memory_space<vmem_shared>> -> memref<10240x128xf32, #tpu.memory_space<vmem_shared>>
        tpu.enqueue_indirect_dma source(%arg9 : memref<128x128xf32, #tpu.memory_space<vmem>>) target(%dma_start3A_372 : memref<10240x128xf32, #tpu.memory_space<vmem_shared>>) offsets(%dma_start3A_369 : memref<128xi32, #tpu.memory_space<vmem>>) semaphore(%run_scoped3A_366 : memref<!tpu.dma_semaphore, #tpu.memory_space<semaphore_mem>>) {add = true}
        %dma_wait3A_373 = arith.constant 0 : i32
        %dma_wait3A_374 = tpu.memref_slice %arg8[%run_scoped3A, %run_scoped3A_69, %dma_wait3A_373] : memref<2x8x128xi32, #tpu.memory_space<vmem>> -> memref<1x1x128xi32, #tpu.memory_space<vmem>>
        %dma_wait3A_375 = tpu.memref_squeeze %dma_wait3A_374 : memref<1x1x128xi32, #tpu.memory_space<vmem>> -> memref<128xi32, #tpu.memory_space<vmem>>
        %dma_wait3A_376 = arith.constant 0 : i32
        %dma_wait3A_377 = arith.constant 0 : i32
        %dma_wait3A_378 = tpu.memref_slice %arg11[%dma_wait3A_376, %dma_wait3A_377] : memref<10240x128xf32, #tpu.memory_space<vmem_shared>> -> memref<10240x128xf32, #tpu.memory_space<vmem_shared>>
        tpu.wait_indirect_dma semaphore(%run_scoped3A_366 : memref<!tpu.dma_semaphore, #tpu.memory_space<semaphore_mem>>) src(%arg9 : memref<128x128xf32, #tpu.memory_space<vmem>>) dst(%dma_wait3A_378 : memref<10240x128xf32, #tpu.memory_space<vmem_shared>>)
        tpu.yield
      }) : () -> ()
      %mul3A_70 = arith.constant 8 : i32
      %mul3A_71 = arith.muli %add3A_34, %mul3A_70 : i32
      %add3A_72 = arith.constant 1 : i32
      %add3A_73 = arith.addi %mul3A_71, %add3A_72 : i32
      %add3A_74 = arith.constant 1 : i32
      %add3A_75 = arith.addi %add3A_73, %add3A_74 : i32
      %lt3A_76 = arith.constant 80 : i32
      %lt3A_77 = arith.cmpi slt, %add3A_75, %lt3A_76 : i32
      %convert_element_type3A_78 = arith.extui %lt3A_77 : i1 to i32
      %cond3A_79 = arith.constant 0 : i32
      %cond3A_80 = arith.cmpi ne, %convert_element_type3A_78, %cond3A_79 : i32
      scf.if %cond3A_80 {
        %add3A_366 = arith.constant 1 : i32
        %add3A_367 = arith.addi %add3A_73, %add3A_366 : i32
        %mul3A_368 = arith.constant 128 : i32
        %mul3A_369 = arith.muli %add3A_367, %mul3A_368 : i32
        %dma_start3A_370 = tpu.memref_slice %arg7[%mul3A_369] : memref<10240xi32, #tpu.memory_space<vmem>> -> memref<128xi32, #tpu.memory_space<vmem>>
        %dma_start3A_371 = arith.constant 0 : i32
        %dma_start3A_372 = arith.constant 0 : i32
        %dma_start3A_373 = tpu.memref_slice %arg2[%dma_start3A_371, %dma_start3A_372] : memref<10240x128xf32, #tpu.memory_space<hbm>> -> memref<10240x128xf32, #tpu.memory_space<hbm>>
        tpu.enqueue_indirect_dma source(%dma_start3A_373 : memref<10240x128xf32, #tpu.memory_space<hbm>>) target(%arg9 : memref<128x128xf32, #tpu.memory_space<vmem>>) offsets(%dma_start3A_370 : memref<128xi32, #tpu.memory_space<vmem>>) semaphore(%arg12 : memref<!tpu.dma_semaphore, #tpu.memory_space<semaphore_mem>>)
      } else {
      }
      %dma_wait3A_81 = arith.constant 0 : i32
      %dma_wait3A_82 = tpu.memref_slice %arg7[%dma_wait3A_81] : memref<10240xi32, #tpu.memory_space<vmem>> -> memref<128xi32, #tpu.memory_space<vmem>>
      %dma_wait3A_83 = arith.constant 0 : i32
      %dma_wait3A_84 = arith.constant 0 : i32
      %dma_wait3A_85 = tpu.memref_slice %arg2[%dma_wait3A_83, %dma_wait3A_84] : memref<10240x128xf32, #tpu.memory_space<hbm>> -> memref<10240x128xf32, #tpu.memory_space<hbm>>
      tpu.wait_indirect_dma semaphore(%arg13 : memref<!tpu.dma_semaphore, #tpu.memory_space<semaphore_mem>>) src(%dma_wait3A_85 : memref<10240x128xf32, #tpu.memory_space<hbm>>) dst(%arg10 : memref<128x128xf32, #tpu.memory_space<vmem>>)
      %run_scoped3A_86 = arith.constant 0 : i32
      %run_scoped3A_87 = arith.constant 1 : i32
      "tpu.region"() ({
        %run_scoped3A_366 = tpu.sem_alloc : memref<!tpu.dma_semaphore, #tpu.memory_space<semaphore_mem>>
        %dma_start3A_367 = arith.constant 0 : i32
        %dma_start3A_368 = tpu.memref_slice %arg8[%run_scoped3A_86, %run_scoped3A_87, %dma_start3A_367] : memref<2x8x128xi32, #tpu.memory_space<vmem>> -> memref<1x1x128xi32, #tpu.memory_space<vmem>>
        %dma_start3A_369 = tpu.memref_squeeze %dma_start3A_368 : memref<1x1x128xi32, #tpu.memory_space<vmem>> -> memref<128xi32, #tpu.memory_space<vmem>>
        %dma_start3A_370 = arith.constant 0 : i32
        %dma_start3A_371 = arith.constant 0 : i32
        %dma_start3A_372 = tpu.memref_slice %arg11[%dma_start3A_370, %dma_start3A_371] : memref<10240x128xf32, #tpu.memory_space<vmem_shared>> -> memref<10240x128xf32, #tpu.memory_space<vmem_shared>>
        tpu.enqueue_indirect_dma source(%arg10 : memref<128x128xf32, #tpu.memory_space<vmem>>) target(%dma_start3A_372 : memref<10240x128xf32, #tpu.memory_space<vmem_shared>>) offsets(%dma_start3A_369 : memref<128xi32, #tpu.memory_space<vmem>>) semaphore(%run_scoped3A_366 : memref<!tpu.dma_semaphore, #tpu.memory_space<semaphore_mem>>) {add = true}
        %dma_wait3A_373 = arith.constant 0 : i32
        %dma_wait3A_374 = tpu.memref_slice %arg8[%run_scoped3A_86, %run_scoped3A_87, %dma_wait3A_373] : memref<2x8x128xi32, #tpu.memory_space<vmem>> -> memref<1x1x128xi32, #tpu.memory_space<vmem>>
        %dma_wait3A_375 = tpu.memref_squeeze %dma_wait3A_374 : memref<1x1x128xi32, #tpu.memory_space<vmem>> -> memref<128xi32, #tpu.memory_space<vmem>>
        %dma_wait3A_376 = arith.constant 0 : i32
        %dma_wait3A_377 = arith.constant 0 : i32
        %dma_wait3A_378 = tpu.memref_slice %arg11[%dma_wait3A_376, %dma_wait3A_377] : memref<10240x128xf32, #tpu.memory_space<vmem_shared>> -> memref<10240x128xf32, #tpu.memory_space<vmem_shared>>
        tpu.wait_indirect_dma semaphore(%run_scoped3A_366 : memref<!tpu.dma_semaphore, #tpu.memory_space<semaphore_mem>>) src(%arg10 : memref<128x128xf32, #tpu.memory_space<vmem>>) dst(%dma_wait3A_378 : memref<10240x128xf32, #tpu.memory_space<vmem_shared>>)
        tpu.yield
      }) : () -> ()
      %mul3A_88 = arith.constant 8 : i32
      %mul3A_89 = arith.muli %add3A_34, %mul3A_88 : i32
      %add3A_90 = arith.constant 2 : i32
      %add3A_91 = arith.addi %mul3A_89, %add3A_90 : i32
      %add3A_92 = arith.constant 1 : i32
      %add3A_93 = arith.addi %add3A_91, %add3A_92 : i32
      %lt3A_94 = arith.constant 80 : i32
      %lt3A_95 = arith.cmpi slt, %add3A_93, %lt3A_94 : i32
      %convert_element_type3A_96 = arith.extui %lt3A_95 : i1 to i32
      %cond3A_97 = arith.constant 0 : i32
      %cond3A_98 = arith.cmpi ne, %convert_element_type3A_96, %cond3A_97 : i32
      scf.if %cond3A_98 {
        %add3A_366 = arith.constant 1 : i32
        %add3A_367 = arith.addi %add3A_91, %add3A_366 : i32
        %mul3A_368 = arith.constant 128 : i32
        %mul3A_369 = arith.muli %add3A_367, %mul3A_368 : i32
        %dma_start3A_370 = tpu.memref_slice %arg7[%mul3A_369] : memref<10240xi32, #tpu.memory_space<vmem>> -> memref<128xi32, #tpu.memory_space<vmem>>
        %dma_start3A_371 = arith.constant 0 : i32
        %dma_start3A_372 = arith.constant 0 : i32
        %dma_start3A_373 = tpu.memref_slice %arg2[%dma_start3A_371, %dma_start3A_372] : memref<10240x128xf32, #tpu.memory_space<hbm>> -> memref<10240x128xf32, #tpu.memory_space<hbm>>
        tpu.enqueue_indirect_dma source(%dma_start3A_373 : memref<10240x128xf32, #tpu.memory_space<hbm>>) target(%arg10 : memref<128x128xf32, #tpu.memory_space<vmem>>) offsets(%dma_start3A_370 : memref<128xi32, #tpu.memory_space<vmem>>) semaphore(%arg13 : memref<!tpu.dma_semaphore, #tpu.memory_space<semaphore_mem>>)
      } else {
      }
      %dma_wait3A_99 = arith.constant 0 : i32
      %dma_wait3A_100 = tpu.memref_slice %arg7[%dma_wait3A_99] : memref<10240xi32, #tpu.memory_space<vmem>> -> memref<128xi32, #tpu.memory_space<vmem>>
      %dma_wait3A_101 = arith.constant 0 : i32
      %dma_wait3A_102 = arith.constant 0 : i32
      %dma_wait3A_103 = tpu.memref_slice %arg2[%dma_wait3A_101, %dma_wait3A_102] : memref<10240x128xf32, #tpu.memory_space<hbm>> -> memref<10240x128xf32, #tpu.memory_space<hbm>>
      tpu.wait_indirect_dma semaphore(%arg12 : memref<!tpu.dma_semaphore, #tpu.memory_space<semaphore_mem>>) src(%dma_wait3A_103 : memref<10240x128xf32, #tpu.memory_space<hbm>>) dst(%arg9 : memref<128x128xf32, #tpu.memory_space<vmem>>)
      %run_scoped3A_104 = arith.constant 0 : i32
      %run_scoped3A_105 = arith.constant 2 : i32
      "tpu.region"() ({
        %run_scoped3A_366 = tpu.sem_alloc : memref<!tpu.dma_semaphore, #tpu.memory_space<semaphore_mem>>
        %dma_start3A_367 = arith.constant 0 : i32
        %dma_start3A_368 = tpu.memref_slice %arg8[%run_scoped3A_104, %run_scoped3A_105, %dma_start3A_367] : memref<2x8x128xi32, #tpu.memory_space<vmem>> -> memref<1x1x128xi32, #tpu.memory_space<vmem>>
        %dma_start3A_369 = tpu.memref_squeeze %dma_start3A_368 : memref<1x1x128xi32, #tpu.memory_space<vmem>> -> memref<128xi32, #tpu.memory_space<vmem>>
        %dma_start3A_370 = arith.constant 0 : i32
        %dma_start3A_371 = arith.constant 0 : i32
        %dma_start3A_372 = tpu.memref_slice %arg11[%dma_start3A_370, %dma_start3A_371] : memref<10240x128xf32, #tpu.memory_space<vmem_shared>> -> memref<10240x128xf32, #tpu.memory_space<vmem_shared>>
        tpu.enqueue_indirect_dma source(%arg9 : memref<128x128xf32, #tpu.memory_space<vmem>>) target(%dma_start3A_372 : memref<10240x128xf32, #tpu.memory_space<vmem_shared>>) offsets(%dma_start3A_369 : memref<128xi32, #tpu.memory_space<vmem>>) semaphore(%run_scoped3A_366 : memref<!tpu.dma_semaphore, #tpu.memory_space<semaphore_mem>>) {add = true}
        %dma_wait3A_373 = arith.constant 0 : i32
        %dma_wait3A_374 = tpu.memref_slice %arg8[%run_scoped3A_104, %run_scoped3A_105, %dma_wait3A_373] : memref<2x8x128xi32, #tpu.memory_space<vmem>> -> memref<1x1x128xi32, #tpu.memory_space<vmem>>
        %dma_wait3A_375 = tpu.memref_squeeze %dma_wait3A_374 : memref<1x1x128xi32, #tpu.memory_space<vmem>> -> memref<128xi32, #tpu.memory_space<vmem>>
        %dma_wait3A_376 = arith.constant 0 : i32
        %dma_wait3A_377 = arith.constant 0 : i32
        %dma_wait3A_378 = tpu.memref_slice %arg11[%dma_wait3A_376, %dma_wait3A_377] : memref<10240x128xf32, #tpu.memory_space<vmem_shared>> -> memref<10240x128xf32, #tpu.memory_space<vmem_shared>>
        tpu.wait_indirect_dma semaphore(%run_scoped3A_366 : memref<!tpu.dma_semaphore, #tpu.memory_space<semaphore_mem>>) src(%arg9 : memref<128x128xf32, #tpu.memory_space<vmem>>) dst(%dma_wait3A_378 : memref<10240x128xf32, #tpu.memory_space<vmem_shared>>)
        tpu.yield
      }) : () -> ()
      %mul3A_106 = arith.constant 8 : i32
      %mul3A_107 = arith.muli %add3A_34, %mul3A_106 : i32
      %add3A_108 = arith.constant 3 : i32
      %add3A_109 = arith.addi %mul3A_107, %add3A_108 : i32
      %add3A_110 = arith.constant 1 : i32
      %add3A_111 = arith.addi %add3A_109, %add3A_110 : i32
      %lt3A_112 = arith.constant 80 : i32
      %lt3A_113 = arith.cmpi slt, %add3A_111, %lt3A_112 : i32
      %convert_element_type3A_114 = arith.extui %lt3A_113 : i1 to i32
      %cond3A_115 = arith.constant 0 : i32
      %cond3A_116 = arith.cmpi ne, %convert_element_type3A_114, %cond3A_115 : i32
      scf.if %cond3A_116 {
        %add3A_366 = arith.constant 1 : i32
        %add3A_367 = arith.addi %add3A_109, %add3A_366 : i32
        %mul3A_368 = arith.constant 128 : i32
        %mul3A_369 = arith.muli %add3A_367, %mul3A_368 : i32
        %dma_start3A_370 = tpu.memref_slice %arg7[%mul3A_369] : memref<10240xi32, #tpu.memory_space<vmem>> -> memref<128xi32, #tpu.memory_space<vmem>>
        %dma_start3A_371 = arith.constant 0 : i32
        %dma_start3A_372 = arith.constant 0 : i32
        %dma_start3A_373 = tpu.memref_slice %arg2[%dma_start3A_371, %dma_start3A_372] : memref<10240x128xf32, #tpu.memory_space<hbm>> -> memref<10240x128xf32, #tpu.memory_space<hbm>>
        tpu.enqueue_indirect_dma source(%dma_start3A_373 : memref<10240x128xf32, #tpu.memory_space<hbm>>) target(%arg9 : memref<128x128xf32, #tpu.memory_space<vmem>>) offsets(%dma_start3A_370 : memref<128xi32, #tpu.memory_space<vmem>>) semaphore(%arg12 : memref<!tpu.dma_semaphore, #tpu.memory_space<semaphore_mem>>)
      } else {
      }
      %dma_wait3A_117 = arith.constant 0 : i32
      %dma_wait3A_118 = tpu.memref_slice %arg7[%dma_wait3A_117] : memref<10240xi32, #tpu.memory_space<vmem>> -> memref<128xi32, #tpu.memory_space<vmem>>
      %dma_wait3A_119 = arith.constant 0 : i32
      %dma_wait3A_120 = arith.constant 0 : i32
      %dma_wait3A_121 = tpu.memref_slice %arg2[%dma_wait3A_119, %dma_wait3A_120] : memref<10240x128xf32, #tpu.memory_space<hbm>> -> memref<10240x128xf32, #tpu.memory_space<hbm>>
      tpu.wait_indirect_dma semaphore(%arg13 : memref<!tpu.dma_semaphore, #tpu.memory_space<semaphore_mem>>) src(%dma_wait3A_121 : memref<10240x128xf32, #tpu.memory_space<hbm>>) dst(%arg10 : memref<128x128xf32, #tpu.memory_space<vmem>>)
      %run_scoped3A_122 = arith.constant 0 : i32
      %run_scoped3A_123 = arith.constant 3 : i32
      "tpu.region"() ({
        %run_scoped3A_366 = tpu.sem_alloc : memref<!tpu.dma_semaphore, #tpu.memory_space<semaphore_mem>>
        %dma_start3A_367 = arith.constant 0 : i32
        %dma_start3A_368 = tpu.memref_slice %arg8[%run_scoped3A_122, %run_scoped3A_123, %dma_start3A_367] : memref<2x8x128xi32, #tpu.memory_space<vmem>> -> memref<1x1x128xi32, #tpu.memory_space<vmem>>
        %dma_start3A_369 = tpu.memref_squeeze %dma_start3A_368 : memref<1x1x128xi32, #tpu.memory_space<vmem>> -> memref<128xi32, #tpu.memory_space<vmem>>
        %dma_start3A_370 = arith.constant 0 : i32
        %dma_start3A_371 = arith.constant 0 : i32
        %dma_start3A_372 = tpu.memref_slice %arg11[%dma_start3A_370, %dma_start3A_371] : memref<10240x128xf32, #tpu.memory_space<vmem_shared>> -> memref<10240x128xf32, #tpu.memory_space<vmem_shared>>
        tpu.enqueue_indirect_dma source(%arg10 : memref<128x128xf32, #tpu.memory_space<vmem>>) target(%dma_start3A_372 : memref<10240x128xf32, #tpu.memory_space<vmem_shared>>) offsets(%dma_start3A_369 : memref<128xi32, #tpu.memory_space<vmem>>) semaphore(%run_scoped3A_366 : memref<!tpu.dma_semaphore, #tpu.memory_space<semaphore_mem>>) {add = true}
        %dma_wait3A_373 = arith.constant 0 : i32
        %dma_wait3A_374 = tpu.memref_slice %arg8[%run_scoped3A_122, %run_scoped3A_123, %dma_wait3A_373] : memref<2x8x128xi32, #tpu.memory_space<vmem>> -> memref<1x1x128xi32, #tpu.memory_space<vmem>>
        %dma_wait3A_375 = tpu.memref_squeeze %dma_wait3A_374 : memref<1x1x128xi32, #tpu.memory_space<vmem>> -> memref<128xi32, #tpu.memory_space<vmem>>
        %dma_wait3A_376 = arith.constant 0 : i32
        %dma_wait3A_377 = arith.constant 0 : i32
        %dma_wait3A_378 = tpu.memref_slice %arg11[%dma_wait3A_376, %dma_wait3A_377] : memref<10240x128xf32, #tpu.memory_space<vmem_shared>> -> memref<10240x128xf32, #tpu.memory_space<vmem_shared>>
        tpu.wait_indirect_dma semaphore(%run_scoped3A_366 : memref<!tpu.dma_semaphore, #tpu.memory_space<semaphore_mem>>) src(%arg10 : memref<128x128xf32, #tpu.memory_space<vmem>>) dst(%dma_wait3A_378 : memref<10240x128xf32, #tpu.memory_space<vmem_shared>>)
        tpu.yield
      }) : () -> ()
      %mul3A_124 = arith.constant 8 : i32
      %mul3A_125 = arith.muli %add3A_34, %mul3A_124 : i32
      %add3A_126 = arith.constant 4 : i32
      %add3A_127 = arith.addi %mul3A_125, %add3A_126 : i32
      %add3A_128 = arith.constant 1 : i32
      %add3A_129 = arith.addi %add3A_127, %add3A_128 : i32
      %lt3A_130 = arith.constant 80 : i32
      %lt3A_131 = arith.cmpi slt, %add3A_129, %lt3A_130 : i32
      %convert_element_type3A_132 = arith.extui %lt3A_131 : i1 to i32
      %cond3A_133 = arith.constant 0 : i32
      %cond3A_134 = arith.cmpi ne, %convert_element_type3A_132, %cond3A_133 : i32
      scf.if %cond3A_134 {
        %add3A_366 = arith.constant 1 : i32
        %add3A_367 = arith.addi %add3A_127, %add3A_366 : i32
        %mul3A_368 = arith.constant 128 : i32
        %mul3A_369 = arith.muli %add3A_367, %mul3A_368 : i32
        %dma_start3A_370 = tpu.memref_slice %arg7[%mul3A_369] : memref<10240xi32, #tpu.memory_space<vmem>> -> memref<128xi32, #tpu.memory_space<vmem>>
        %dma_start3A_371 = arith.constant 0 : i32
        %dma_start3A_372 = arith.constant 0 : i32
        %dma_start3A_373 = tpu.memref_slice %arg2[%dma_start3A_371, %dma_start3A_372] : memref<10240x128xf32, #tpu.memory_space<hbm>> -> memref<10240x128xf32, #tpu.memory_space<hbm>>
        tpu.enqueue_indirect_dma source(%dma_start3A_373 : memref<10240x128xf32, #tpu.memory_space<hbm>>) target(%arg10 : memref<128x128xf32, #tpu.memory_space<vmem>>) offsets(%dma_start3A_370 : memref<128xi32, #tpu.memory_space<vmem>>) semaphore(%arg13 : memref<!tpu.dma_semaphore, #tpu.memory_space<semaphore_mem>>)
      } else {
      }
      %dma_wait3A_135 = arith.constant 0 : i32
      %dma_wait3A_136 = tpu.memref_slice %arg7[%dma_wait3A_135] : memref<10240xi32, #tpu.memory_space<vmem>> -> memref<128xi32, #tpu.memory_space<vmem>>
      %dma_wait3A_137 = arith.constant 0 : i32
      %dma_wait3A_138 = arith.constant 0 : i32
      %dma_wait3A_139 = tpu.memref_slice %arg2[%dma_wait3A_137, %dma_wait3A_138] : memref<10240x128xf32, #tpu.memory_space<hbm>> -> memref<10240x128xf32, #tpu.memory_space<hbm>>
      tpu.wait_indirect_dma semaphore(%arg12 : memref<!tpu.dma_semaphore, #tpu.memory_space<semaphore_mem>>) src(%dma_wait3A_139 : memref<10240x128xf32, #tpu.memory_space<hbm>>) dst(%arg9 : memref<128x128xf32, #tpu.memory_space<vmem>>)
      %run_scoped3A_140 = arith.constant 0 : i32
      %run_scoped3A_141 = arith.constant 4 : i32
      "tpu.region"() ({
        %run_scoped3A_366 = tpu.sem_alloc : memref<!tpu.dma_semaphore, #tpu.memory_space<semaphore_mem>>
        %dma_start3A_367 = arith.constant 0 : i32
        %dma_start3A_368 = tpu.memref_slice %arg8[%run_scoped3A_140, %run_scoped3A_141, %dma_start3A_367] : memref<2x8x128xi32, #tpu.memory_space<vmem>> -> memref<1x1x128xi32, #tpu.memory_space<vmem>>
        %dma_start3A_369 = tpu.memref_squeeze %dma_start3A_368 : memref<1x1x128xi32, #tpu.memory_space<vmem>> -> memref<128xi32, #tpu.memory_space<vmem>>
        %dma_start3A_370 = arith.constant 0 : i32
        %dma_start3A_371 = arith.constant 0 : i32
        %dma_start3A_372 = tpu.memref_slice %arg11[%dma_start3A_370, %dma_start3A_371] : memref<10240x128xf32, #tpu.memory_space<vmem_shared>> -> memref<10240x128xf32, #tpu.memory_space<vmem_shared>>
        tpu.enqueue_indirect_dma source(%arg9 : memref<128x128xf32, #tpu.memory_space<vmem>>) target(%dma_start3A_372 : memref<10240x128xf32, #tpu.memory_space<vmem_shared>>) offsets(%dma_start3A_369 : memref<128xi32, #tpu.memory_space<vmem>>) semaphore(%run_scoped3A_366 : memref<!tpu.dma_semaphore, #tpu.memory_space<semaphore_mem>>) {add = true}
        %dma_wait3A_373 = arith.constant 0 : i32
        %dma_wait3A_374 = tpu.memref_slice %arg8[%run_scoped3A_140, %run_scoped3A_141, %dma_wait3A_373] : memref<2x8x128xi32, #tpu.memory_space<vmem>> -> memref<1x1x128xi32, #tpu.memory_space<vmem>>
        %dma_wait3A_375 = tpu.memref_squeeze %dma_wait3A_374 : memref<1x1x128xi32, #tpu.memory_space<vmem>> -> memref<128xi32, #tpu.memory_space<vmem>>
        %dma_wait3A_376 = arith.constant 0 : i32
        %dma_wait3A_377 = arith.constant 0 : i32
        %dma_wait3A_378 = tpu.memref_slice %arg11[%dma_wait3A_376, %dma_wait3A_377] : memref<10240x128xf32, #tpu.memory_space<vmem_shared>> -> memref<10240x128xf32, #tpu.memory_space<vmem_shared>>
        tpu.wait_indirect_dma semaphore(%run_scoped3A_366 : memref<!tpu.dma_semaphore, #tpu.memory_space<semaphore_mem>>) src(%arg9 : memref<128x128xf32, #tpu.memory_space<vmem>>) dst(%dma_wait3A_378 : memref<10240x128xf32, #tpu.memory_space<vmem_shared>>)
        tpu.yield
      }) : () -> ()
      %mul3A_142 = arith.constant 8 : i32
      %mul3A_143 = arith.muli %add3A_34, %mul3A_142 : i32
      %add3A_144 = arith.constant 5 : i32
      %add3A_145 = arith.addi %mul3A_143, %add3A_144 : i32
      %add3A_146 = arith.constant 1 : i32
      %add3A_147 = arith.addi %add3A_145, %add3A_146 : i32
      %lt3A_148 = arith.constant 80 : i32
      %lt3A_149 = arith.cmpi slt, %add3A_147, %lt3A_148 : i32
      %convert_element_type3A_150 = arith.extui %lt3A_149 : i1 to i32
      %cond3A_151 = arith.constant 0 : i32
      %cond3A_152 = arith.cmpi ne, %convert_element_type3A_150, %cond3A_151 : i32
      scf.if %cond3A_152 {
        %add3A_366 = arith.constant 1 : i32
        %add3A_367 = arith.addi %add3A_145, %add3A_366 : i32
        %mul3A_368 = arith.constant 128 : i32
        %mul3A_369 = arith.muli %add3A_367, %mul3A_368 : i32
        %dma_start3A_370 = tpu.memref_slice %arg7[%mul3A_369] : memref<10240xi32, #tpu.memory_space<vmem>> -> memref<128xi32, #tpu.memory_space<vmem>>
        %dma_start3A_371 = arith.constant 0 : i32
        %dma_start3A_372 = arith.constant 0 : i32
        %dma_start3A_373 = tpu.memref_slice %arg2[%dma_start3A_371, %dma_start3A_372] : memref<10240x128xf32, #tpu.memory_space<hbm>> -> memref<10240x128xf32, #tpu.memory_space<hbm>>
        tpu.enqueue_indirect_dma source(%dma_start3A_373 : memref<10240x128xf32, #tpu.memory_space<hbm>>) target(%arg9 : memref<128x128xf32, #tpu.memory_space<vmem>>) offsets(%dma_start3A_370 : memref<128xi32, #tpu.memory_space<vmem>>) semaphore(%arg12 : memref<!tpu.dma_semaphore, #tpu.memory_space<semaphore_mem>>)
      } else {
      }
      %dma_wait3A_153 = arith.constant 0 : i32
      %dma_wait3A_154 = tpu.memref_slice %arg7[%dma_wait3A_153] : memref<10240xi32, #tpu.memory_space<vmem>> -> memref<128xi32, #tpu.memory_space<vmem>>
      %dma_wait3A_155 = arith.constant 0 : i32
      %dma_wait3A_156 = arith.constant 0 : i32
      %dma_wait3A_157 = tpu.memref_slice %arg2[%dma_wait3A_155, %dma_wait3A_156] : memref<10240x128xf32, #tpu.memory_space<hbm>> -> memref<10240x128xf32, #tpu.memory_space<hbm>>
      tpu.wait_indirect_dma semaphore(%arg13 : memref<!tpu.dma_semaphore, #tpu.memory_space<semaphore_mem>>) src(%dma_wait3A_157 : memref<10240x128xf32, #tpu.memory_space<hbm>>) dst(%arg10 : memref<128x128xf32, #tpu.memory_space<vmem>>)
      %run_scoped3A_158 = arith.constant 0 : i32
      %run_scoped3A_159 = arith.constant 5 : i32
      "tpu.region"() ({
        %run_scoped3A_366 = tpu.sem_alloc : memref<!tpu.dma_semaphore, #tpu.memory_space<semaphore_mem>>
        %dma_start3A_367 = arith.constant 0 : i32
        %dma_start3A_368 = tpu.memref_slice %arg8[%run_scoped3A_158, %run_scoped3A_159, %dma_start3A_367] : memref<2x8x128xi32, #tpu.memory_space<vmem>> -> memref<1x1x128xi32, #tpu.memory_space<vmem>>
        %dma_start3A_369 = tpu.memref_squeeze %dma_start3A_368 : memref<1x1x128xi32, #tpu.memory_space<vmem>> -> memref<128xi32, #tpu.memory_space<vmem>>
        %dma_start3A_370 = arith.constant 0 : i32
        %dma_start3A_371 = arith.constant 0 : i32
        %dma_start3A_372 = tpu.memref_slice %arg11[%dma_start3A_370, %dma_start3A_371] : memref<10240x128xf32, #tpu.memory_space<vmem_shared>> -> memref<10240x128xf32, #tpu.memory_space<vmem_shared>>
        tpu.enqueue_indirect_dma source(%arg10 : memref<128x128xf32, #tpu.memory_space<vmem>>) target(%dma_start3A_372 : memref<10240x128xf32, #tpu.memory_space<vmem_shared>>) offsets(%dma_start3A_369 : memref<128xi32, #tpu.memory_space<vmem>>) semaphore(%run_scoped3A_366 : memref<!tpu.dma_semaphore, #tpu.memory_space<semaphore_mem>>) {add = true}
        %dma_wait3A_373 = arith.constant 0 : i32
        %dma_wait3A_374 = tpu.memref_slice %arg8[%run_scoped3A_158, %run_scoped3A_159, %dma_wait3A_373] : memref<2x8x128xi32, #tpu.memory_space<vmem>> -> memref<1x1x128xi32, #tpu.memory_space<vmem>>
        %dma_wait3A_375 = tpu.memref_squeeze %dma_wait3A_374 : memref<1x1x128xi32, #tpu.memory_space<vmem>> -> memref<128xi32, #tpu.memory_space<vmem>>
        %dma_wait3A_376 = arith.constant 0 : i32
        %dma_wait3A_377 = arith.constant 0 : i32
        %dma_wait3A_378 = tpu.memref_slice %arg11[%dma_wait3A_376, %dma_wait3A_377] : memref<10240x128xf32, #tpu.memory_space<vmem_shared>> -> memref<10240x128xf32, #tpu.memory_space<vmem_shared>>
        tpu.wait_indirect_dma semaphore(%run_scoped3A_366 : memref<!tpu.dma_semaphore, #tpu.memory_space<semaphore_mem>>) src(%arg10 : memref<128x128xf32, #tpu.memory_space<vmem>>) dst(%dma_wait3A_378 : memref<10240x128xf32, #tpu.memory_space<vmem_shared>>)
        tpu.yield
      }) : () -> ()
      %mul3A_160 = arith.constant 8 : i32
      %mul3A_161 = arith.muli %add3A_34, %mul3A_160 : i32
      %add3A_162 = arith.constant 6 : i32
      %add3A_163 = arith.addi %mul3A_161, %add3A_162 : i32
      %add3A_164 = arith.constant 1 : i32
      %add3A_165 = arith.addi %add3A_163, %add3A_164 : i32
      %lt3A_166 = arith.constant 80 : i32
      %lt3A_167 = arith.cmpi slt, %add3A_165, %lt3A_166 : i32
      %convert_element_type3A_168 = arith.extui %lt3A_167 : i1 to i32
      %cond3A_169 = arith.constant 0 : i32
      %cond3A_170 = arith.cmpi ne, %convert_element_type3A_168, %cond3A_169 : i32
      scf.if %cond3A_170 {
        %add3A_366 = arith.constant 1 : i32
        %add3A_367 = arith.addi %add3A_163, %add3A_366 : i32
        %mul3A_368 = arith.constant 128 : i32
        %mul3A_369 = arith.muli %add3A_367, %mul3A_368 : i32
        %dma_start3A_370 = tpu.memref_slice %arg7[%mul3A_369] : memref<10240xi32, #tpu.memory_space<vmem>> -> memref<128xi32, #tpu.memory_space<vmem>>
        %dma_start3A_371 = arith.constant 0 : i32
        %dma_start3A_372 = arith.constant 0 : i32
        %dma_start3A_373 = tpu.memref_slice %arg2[%dma_start3A_371, %dma_start3A_372] : memref<10240x128xf32, #tpu.memory_space<hbm>> -> memref<10240x128xf32, #tpu.memory_space<hbm>>
        tpu.enqueue_indirect_dma source(%dma_start3A_373 : memref<10240x128xf32, #tpu.memory_space<hbm>>) target(%arg10 : memref<128x128xf32, #tpu.memory_space<vmem>>) offsets(%dma_start3A_370 : memref<128xi32, #tpu.memory_space<vmem>>) semaphore(%arg13 : memref<!tpu.dma_semaphore, #tpu.memory_space<semaphore_mem>>)
      } else {
      }
      %dma_wait3A_171 = arith.constant 0 : i32
      %dma_wait3A_172 = tpu.memref_slice %arg7[%dma_wait3A_171] : memref<10240xi32, #tpu.memory_space<vmem>> -> memref<128xi32, #tpu.memory_space<vmem>>
      %dma_wait3A_173 = arith.constant 0 : i32
      %dma_wait3A_174 = arith.constant 0 : i32
      %dma_wait3A_175 = tpu.memref_slice %arg2[%dma_wait3A_173, %dma_wait3A_174] : memref<10240x128xf32, #tpu.memory_space<hbm>> -> memref<10240x128xf32, #tpu.memory_space<hbm>>
      tpu.wait_indirect_dma semaphore(%arg12 : memref<!tpu.dma_semaphore, #tpu.memory_space<semaphore_mem>>) src(%dma_wait3A_175 : memref<10240x128xf32, #tpu.memory_space<hbm>>) dst(%arg9 : memref<128x128xf32, #tpu.memory_space<vmem>>)
      %run_scoped3A_176 = arith.constant 0 : i32
      %run_scoped3A_177 = arith.constant 6 : i32
      "tpu.region"() ({
        %run_scoped3A_366 = tpu.sem_alloc : memref<!tpu.dma_semaphore, #tpu.memory_space<semaphore_mem>>
        %dma_start3A_367 = arith.constant 0 : i32
        %dma_start3A_368 = tpu.memref_slice %arg8[%run_scoped3A_176, %run_scoped3A_177, %dma_start3A_367] : memref<2x8x128xi32, #tpu.memory_space<vmem>> -> memref<1x1x128xi32, #tpu.memory_space<vmem>>
        %dma_start3A_369 = tpu.memref_squeeze %dma_start3A_368 : memref<1x1x128xi32, #tpu.memory_space<vmem>> -> memref<128xi32, #tpu.memory_space<vmem>>
        %dma_start3A_370 = arith.constant 0 : i32
        %dma_start3A_371 = arith.constant 0 : i32
        %dma_start3A_372 = tpu.memref_slice %arg11[%dma_start3A_370, %dma_start3A_371] : memref<10240x128xf32, #tpu.memory_space<vmem_shared>> -> memref<10240x128xf32, #tpu.memory_space<vmem_shared>>
        tpu.enqueue_indirect_dma source(%arg9 : memref<128x128xf32, #tpu.memory_space<vmem>>) target(%dma_start3A_372 : memref<10240x128xf32, #tpu.memory_space<vmem_shared>>) offsets(%dma_start3A_369 : memref<128xi32, #tpu.memory_space<vmem>>) semaphore(%run_scoped3A_366 : memref<!tpu.dma_semaphore, #tpu.memory_space<semaphore_mem>>) {add = true}
        %dma_wait3A_373 = arith.constant 0 : i32
        %dma_wait3A_374 = tpu.memref_slice %arg8[%run_scoped3A_176, %run_scoped3A_177, %dma_wait3A_373] : memref<2x8x128xi32, #tpu.memory_space<vmem>> -> memref<1x1x128xi32, #tpu.memory_space<vmem>>
        %dma_wait3A_375 = tpu.memref_squeeze %dma_wait3A_374 : memref<1x1x128xi32, #tpu.memory_space<vmem>> -> memref<128xi32, #tpu.memory_space<vmem>>
        %dma_wait3A_376 = arith.constant 0 : i32
        %dma_wait3A_377 = arith.constant 0 : i32
        %dma_wait3A_378 = tpu.memref_slice %arg11[%dma_wait3A_376, %dma_wait3A_377] : memref<10240x128xf32, #tpu.memory_space<vmem_shared>> -> memref<10240x128xf32, #tpu.memory_space<vmem_shared>>
        tpu.wait_indirect_dma semaphore(%run_scoped3A_366 : memref<!tpu.dma_semaphore, #tpu.memory_space<semaphore_mem>>) src(%arg9 : memref<128x128xf32, #tpu.memory_space<vmem>>) dst(%dma_wait3A_378 : memref<10240x128xf32, #tpu.memory_space<vmem_shared>>)
        tpu.yield
      }) : () -> ()
      %mul3A_178 = arith.constant 8 : i32
      %mul3A_179 = arith.muli %add3A_34, %mul3A_178 : i32
      %add3A_180 = arith.constant 7 : i32
      %add3A_181 = arith.addi %mul3A_179, %add3A_180 : i32
      %add3A_182 = arith.constant 1 : i32
      %add3A_183 = arith.addi %add3A_181, %add3A_182 : i32
      %lt3A_184 = arith.constant 80 : i32
      %lt3A_185 = arith.cmpi slt, %add3A_183, %lt3A_184 : i32
      %convert_element_type3A_186 = arith.extui %lt3A_185 : i1 to i32
      %cond3A_187 = arith.constant 0 : i32
      %cond3A_188 = arith.cmpi ne, %convert_element_type3A_186, %cond3A_187 : i32
      scf.if %cond3A_188 {
        %add3A_366 = arith.constant 1 : i32
        %add3A_367 = arith.addi %add3A_181, %add3A_366 : i32
        %mul3A_368 = arith.constant 128 : i32
        %mul3A_369 = arith.muli %add3A_367, %mul3A_368 : i32
        %dma_start3A_370 = tpu.memref_slice %arg7[%mul3A_369] : memref<10240xi32, #tpu.memory_space<vmem>> -> memref<128xi32, #tpu.memory_space<vmem>>
        %dma_start3A_371 = arith.constant 0 : i32
        %dma_start3A_372 = arith.constant 0 : i32
        %dma_start3A_373 = tpu.memref_slice %arg2[%dma_start3A_371, %dma_start3A_372] : memref<10240x128xf32, #tpu.memory_space<hbm>> -> memref<10240x128xf32, #tpu.memory_space<hbm>>
        tpu.enqueue_indirect_dma source(%dma_start3A_373 : memref<10240x128xf32, #tpu.memory_space<hbm>>) target(%arg9 : memref<128x128xf32, #tpu.memory_space<vmem>>) offsets(%dma_start3A_370 : memref<128xi32, #tpu.memory_space<vmem>>) semaphore(%arg12 : memref<!tpu.dma_semaphore, #tpu.memory_space<semaphore_mem>>)
      } else {
      }
      %dma_wait3A_189 = arith.constant 0 : i32
      %dma_wait3A_190 = tpu.memref_slice %arg7[%dma_wait3A_189] : memref<10240xi32, #tpu.memory_space<vmem>> -> memref<128xi32, #tpu.memory_space<vmem>>
      %dma_wait3A_191 = arith.constant 0 : i32
      %dma_wait3A_192 = arith.constant 0 : i32
      %dma_wait3A_193 = tpu.memref_slice %arg2[%dma_wait3A_191, %dma_wait3A_192] : memref<10240x128xf32, #tpu.memory_space<hbm>> -> memref<10240x128xf32, #tpu.memory_space<hbm>>
      tpu.wait_indirect_dma semaphore(%arg13 : memref<!tpu.dma_semaphore, #tpu.memory_space<semaphore_mem>>) src(%dma_wait3A_193 : memref<10240x128xf32, #tpu.memory_space<hbm>>) dst(%arg10 : memref<128x128xf32, #tpu.memory_space<vmem>>)
      %run_scoped3A_194 = arith.constant 0 : i32
      %run_scoped3A_195 = arith.constant 7 : i32
      "tpu.region"() ({
        %run_scoped3A_366 = tpu.sem_alloc : memref<!tpu.dma_semaphore, #tpu.memory_space<semaphore_mem>>
        %dma_start3A_367 = arith.constant 0 : i32
        %dma_start3A_368 = tpu.memref_slice %arg8[%run_scoped3A_194, %run_scoped3A_195, %dma_start3A_367] : memref<2x8x128xi32, #tpu.memory_space<vmem>> -> memref<1x1x128xi32, #tpu.memory_space<vmem>>
        %dma_start3A_369 = tpu.memref_squeeze %dma_start3A_368 : memref<1x1x128xi32, #tpu.memory_space<vmem>> -> memref<128xi32, #tpu.memory_space<vmem>>
        %dma_start3A_370 = arith.constant 0 : i32
        %dma_start3A_371 = arith.constant 0 : i32
        %dma_start3A_372 = tpu.memref_slice %arg11[%dma_start3A_370, %dma_start3A_371] : memref<10240x128xf32, #tpu.memory_space<vmem_shared>> -> memref<10240x128xf32, #tpu.memory_space<vmem_shared>>
        tpu.enqueue_indirect_dma source(%arg10 : memref<128x128xf32, #tpu.memory_space<vmem>>) target(%dma_start3A_372 : memref<10240x128xf32, #tpu.memory_space<vmem_shared>>) offsets(%dma_start3A_369 : memref<128xi32, #tpu.memory_space<vmem>>) semaphore(%run_scoped3A_366 : memref<!tpu.dma_semaphore, #tpu.memory_space<semaphore_mem>>) {add = true}
        %dma_wait3A_373 = arith.constant 0 : i32
        %dma_wait3A_374 = tpu.memref_slice %arg8[%run_scoped3A_194, %run_scoped3A_195, %dma_wait3A_373] : memref<2x8x128xi32, #tpu.memory_space<vmem>> -> memref<1x1x128xi32, #tpu.memory_space<vmem>>
        %dma_wait3A_375 = tpu.memref_squeeze %dma_wait3A_374 : memref<1x1x128xi32, #tpu.memory_space<vmem>> -> memref<128xi32, #tpu.memory_space<vmem>>
        %dma_wait3A_376 = arith.constant 0 : i32
        %dma_wait3A_377 = arith.constant 0 : i32
        %dma_wait3A_378 = tpu.memref_slice %arg11[%dma_wait3A_376, %dma_wait3A_377] : memref<10240x128xf32, #tpu.memory_space<vmem_shared>> -> memref<10240x128xf32, #tpu.memory_space<vmem_shared>>
        tpu.wait_indirect_dma semaphore(%run_scoped3A_366 : memref<!tpu.dma_semaphore, #tpu.memory_space<semaphore_mem>>) src(%arg10 : memref<128x128xf32, #tpu.memory_space<vmem>>) dst(%dma_wait3A_378 : memref<10240x128xf32, #tpu.memory_space<vmem_shared>>)
        tpu.yield
      }) : () -> ()
      %mul3A_196 = arith.constant 2 : i32
      %mul3A_197 = arith.muli %mul3A_196, %scan3A_30 : i32
      %add3A_198 = arith.constant 1 : i32
      %add3A_199 = arith.addi %mul3A_197, %add3A_198 : i32
      %lt3A_200 = arith.constant 9 : i32
      %lt3A_201 = arith.cmpi slt, %add3A_199, %lt3A_200 : i32
      %convert_element_type3A_202 = arith.extui %lt3A_201 : i1 to i32
      %cond3A_203 = arith.constant 0 : i32
      %cond3A_204 = arith.cmpi ne, %convert_element_type3A_202, %cond3A_203 : i32
      scf.if %cond3A_204 {
        %add3A_366 = arith.constant 1 : i32
        %add3A_367 = arith.addi %add3A_199, %add3A_366 : i32
        %mul3A_368 = arith.constant 8 : i32
        %mul3A_369 = arith.muli %add3A_367, %mul3A_368 : i32
        %dma_start3A_370 = arith.constant 0 : i32
        %dma_start3A_371 = arith.constant 0 : i32
        %dma_start3A_372 = arith.constant 0 : i32
        %dma_start3A_373 = tpu.memref_slice %arg8[%dma_start3A_370, %dma_start3A_371, %dma_start3A_372] : memref<2x8x128xi32, #tpu.memory_space<vmem>> -> memref<1x8x128xi32, #tpu.memory_space<vmem>>
        %dma_start3A_374 = tpu.memref_squeeze %dma_start3A_373 : memref<1x8x128xi32, #tpu.memory_space<vmem>> -> memref<8x128xi32, #tpu.memory_space<vmem>>
        %dma_start3A_375 = arith.constant 0 : i32
        %dma_start3A_376 = tpu.memref_slice %arg4[%add3A, %mul3A_369, %dma_start3A_375] : memref<32x80x128xi32, #tpu.memory_space<hbm>> -> memref<1x8x128xi32, #tpu.memory_space<hbm>>
        %dma_start3A_377 = tpu.memref_squeeze %dma_start3A_376 : memref<1x8x128xi32, #tpu.memory_space<hbm>> -> memref<8x128xi32, #tpu.memory_space<hbm>>
        %dma_start3A_378 = arith.constant 0 : i32
        %dma_start3A_379 = arith.constant 0 : i32
        %dma_start3A_380 = tpu.memref_slice %arg8[%dma_start3A_370, %dma_start3A_378, %dma_start3A_379] : memref<2x8x128xi32, #tpu.memory_space<vmem>> -> memref<1x8x128xi32, #tpu.memory_space<vmem>>
        %dma_start3A_381 = tpu.memref_squeeze %dma_start3A_380 : memref<1x8x128xi32, #tpu.memory_space<vmem>> -> memref<8x128xi32, #tpu.memory_space<vmem>>
        %dma_start3A_382 = arith.constant 0 : i32
        %dma_start3A_383 = tpu.memref_slice %arg4[%add3A, %mul3A_369, %dma_start3A_382] : memref<32x80x128xi32, #tpu.memory_space<hbm>> -> memref<1x8x128xi32, #tpu.memory_space<hbm>>
        %dma_start3A_384 = tpu.memref_squeeze %dma_start3A_383 : memref<1x8x128xi32, #tpu.memory_space<hbm>> -> memref<8x128xi32, #tpu.memory_space<hbm>>
        tpu.enqueue_dma source(%dma_start3A_384 : memref<8x128xi32, #tpu.memory_space<hbm>>) target(%dma_start3A_381 : memref<8x128xi32, #tpu.memory_space<vmem>>) target_semaphore(%arg14 : memref<!tpu.dma_semaphore, #tpu.memory_space<semaphore_mem>>)
      } else {
      }
      %dma_wait3A_205 = arith.constant 1 : i32
      %dma_wait3A_206 = arith.constant 0 : i32
      %dma_wait3A_207 = arith.constant 0 : i32
      %dma_wait3A_208 = tpu.memref_slice %arg8[%dma_wait3A_205, %dma_wait3A_206, %dma_wait3A_207] : memref<2x8x128xi32, #tpu.memory_space<vmem>> -> memref<1x8x128xi32, #tpu.memory_space<vmem>>
      %dma_wait3A_209 = tpu.memref_squeeze %dma_wait3A_208 : memref<1x8x128xi32, #tpu.memory_space<vmem>> -> memref<8x128xi32, #tpu.memory_space<vmem>>
      %dma_wait3A_210 = arith.constant 0 : i32
      %dma_wait3A_211 = arith.constant 0 : i32
      %dma_wait3A_212 = tpu.memref_slice %arg4[%add3A, %dma_wait3A_210, %dma_wait3A_211] : memref<32x80x128xi32, #tpu.memory_space<hbm>> -> memref<1x8x128xi32, #tpu.memory_space<hbm>>
      %dma_wait3A_213 = tpu.memref_squeeze %dma_wait3A_212 : memref<1x8x128xi32, #tpu.memory_space<hbm>> -> memref<8x128xi32, #tpu.memory_space<hbm>>
      %dma_wait3A_214 = arith.constant 0 : i32
      %dma_wait3A_215 = arith.constant 0 : i32
      %dma_wait3A_216 = tpu.memref_slice %arg8[%dma_wait3A_205, %dma_wait3A_214, %dma_wait3A_215] : memref<2x8x128xi32, #tpu.memory_space<vmem>> -> memref<1x8x128xi32, #tpu.memory_space<vmem>>
      %dma_wait3A_217 = tpu.memref_squeeze %dma_wait3A_216 : memref<1x8x128xi32, #tpu.memory_space<vmem>> -> memref<8x128xi32, #tpu.memory_space<vmem>>
      %dma_wait3A_218 = arith.constant 0 : i32
      %dma_wait3A_219 = arith.constant 0 : i32
      %dma_wait3A_220 = tpu.memref_slice %arg4[%add3A, %dma_wait3A_218, %dma_wait3A_219] : memref<32x80x128xi32, #tpu.memory_space<hbm>> -> memref<1x8x128xi32, #tpu.memory_space<hbm>>
      %dma_wait3A_221 = tpu.memref_squeeze %dma_wait3A_220 : memref<1x8x128xi32, #tpu.memory_space<hbm>> -> memref<8x128xi32, #tpu.memory_space<hbm>>
      tpu.wait_dma2 semaphore(%arg15 : memref<!tpu.dma_semaphore, #tpu.memory_space<semaphore_mem>>) src(%dma_wait3A_221 : memref<8x128xi32, #tpu.memory_space<hbm>>) dst(%dma_wait3A_217 : memref<8x128xi32, #tpu.memory_space<vmem>>)
      %mul3A_222 = arith.constant 8 : i32
      %mul3A_223 = arith.muli %add3A_199, %mul3A_222 : i32
      %add3A_224 = arith.constant 0 : i32
      %add3A_225 = arith.addi %mul3A_223, %add3A_224 : i32
      %add3A_226 = arith.constant 1 : i32
      %add3A_227 = arith.addi %add3A_225, %add3A_226 : i32
      %lt3A_228 = arith.constant 80 : i32
      %lt3A_229 = arith.cmpi slt, %add3A_227, %lt3A_228 : i32
      %convert_element_type3A_230 = arith.extui %lt3A_229 : i1 to i32
      %cond3A_231 = arith.constant 0 : i32
      %cond3A_232 = arith.cmpi ne, %convert_element_type3A_230, %cond3A_231 : i32
      scf.if %cond3A_232 {
        %add3A_366 = arith.constant 1 : i32
        %add3A_367 = arith.addi %add3A_225, %add3A_366 : i32
        %mul3A_368 = arith.constant 128 : i32
        %mul3A_369 = arith.muli %add3A_367, %mul3A_368 : i32
        %dma_start3A_370 = tpu.memref_slice %arg7[%mul3A_369] : memref<10240xi32, #tpu.memory_space<vmem>> -> memref<128xi32, #tpu.memory_space<vmem>>
        %dma_start3A_371 = arith.constant 0 : i32
        %dma_start3A_372 = arith.constant 0 : i32
        %dma_start3A_373 = tpu.memref_slice %arg2[%dma_start3A_371, %dma_start3A_372] : memref<10240x128xf32, #tpu.memory_space<hbm>> -> memref<10240x128xf32, #tpu.memory_space<hbm>>
        tpu.enqueue_indirect_dma source(%dma_start3A_373 : memref<10240x128xf32, #tpu.memory_space<hbm>>) target(%arg10 : memref<128x128xf32, #tpu.memory_space<vmem>>) offsets(%dma_start3A_370 : memref<128xi32, #tpu.memory_space<vmem>>) semaphore(%arg13 : memref<!tpu.dma_semaphore, #tpu.memory_space<semaphore_mem>>)
      } else {
      }
      %dma_wait3A_233 = arith.constant 0 : i32
      %dma_wait3A_234 = tpu.memref_slice %arg7[%dma_wait3A_233] : memref<10240xi32, #tpu.memory_space<vmem>> -> memref<128xi32, #tpu.memory_space<vmem>>
      %dma_wait3A_235 = arith.constant 0 : i32
      %dma_wait3A_236 = arith.constant 0 : i32
      %dma_wait3A_237 = tpu.memref_slice %arg2[%dma_wait3A_235, %dma_wait3A_236] : memref<10240x128xf32, #tpu.memory_space<hbm>> -> memref<10240x128xf32, #tpu.memory_space<hbm>>
      tpu.wait_indirect_dma semaphore(%arg12 : memref<!tpu.dma_semaphore, #tpu.memory_space<semaphore_mem>>) src(%dma_wait3A_237 : memref<10240x128xf32, #tpu.memory_space<hbm>>) dst(%arg9 : memref<128x128xf32, #tpu.memory_space<vmem>>)
      %run_scoped3A_238 = arith.constant 1 : i32
      %run_scoped3A_239 = arith.constant 0 : i32
      "tpu.region"() ({
        %run_scoped3A_366 = tpu.sem_alloc : memref<!tpu.dma_semaphore, #tpu.memory_space<semaphore_mem>>
        %dma_start3A_367 = arith.constant 0 : i32
        %dma_start3A_368 = tpu.memref_slice %arg8[%run_scoped3A_238, %run_scoped3A_239, %dma_start3A_367] : memref<2x8x128xi32, #tpu.memory_space<vmem>> -> memref<1x1x128xi32, #tpu.memory_space<vmem>>
        %dma_start3A_369 = tpu.memref_squeeze %dma_start3A_368 : memref<1x1x128xi32, #tpu.memory_space<vmem>> -> memref<128xi32, #tpu.memory_space<vmem>>
        %dma_start3A_370 = arith.constant 0 : i32
        %dma_start3A_371 = arith.constant 0 : i32
        %dma_start3A_372 = tpu.memref_slice %arg11[%dma_start3A_370, %dma_start3A_371] : memref<10240x128xf32, #tpu.memory_space<vmem_shared>> -> memref<10240x128xf32, #tpu.memory_space<vmem_shared>>
        tpu.enqueue_indirect_dma source(%arg9 : memref<128x128xf32, #tpu.memory_space<vmem>>) target(%dma_start3A_372 : memref<10240x128xf32, #tpu.memory_space<vmem_shared>>) offsets(%dma_start3A_369 : memref<128xi32, #tpu.memory_space<vmem>>) semaphore(%run_scoped3A_366 : memref<!tpu.dma_semaphore, #tpu.memory_space<semaphore_mem>>) {add = true}
        %dma_wait3A_373 = arith.constant 0 : i32
        %dma_wait3A_374 = tpu.memref_slice %arg8[%run_scoped3A_238, %run_scoped3A_239, %dma_wait3A_373] : memref<2x8x128xi32, #tpu.memory_space<vmem>> -> memref<1x1x128xi32, #tpu.memory_space<vmem>>
        %dma_wait3A_375 = tpu.memref_squeeze %dma_wait3A_374 : memref<1x1x128xi32, #tpu.memory_space<vmem>> -> memref<128xi32, #tpu.memory_space<vmem>>
        %dma_wait3A_376 = arith.constant 0 : i32
        %dma_wait3A_377 = arith.constant 0 : i32
        %dma_wait3A_378 = tpu.memref_slice %arg11[%dma_wait3A_376, %dma_wait3A_377] : memref<10240x128xf32, #tpu.memory_space<vmem_shared>> -> memref<10240x128xf32, #tpu.memory_space<vmem_shared>>
        tpu.wait_indirect_dma semaphore(%run_scoped3A_366 : memref<!tpu.dma_semaphore, #tpu.memory_space<semaphore_mem>>) src(%arg9 : memref<128x128xf32, #tpu.memory_space<vmem>>) dst(%dma_wait3A_378 : memref<10240x128xf32, #tpu.memory_space<vmem_shared>>)
        tpu.yield
      }) : () -> ()
      %mul3A_240 = arith.constant 8 : i32
      %mul3A_241 = arith.muli %add3A_199, %mul3A_240 : i32
      %add3A_242 = arith.constant 1 : i32
      %add3A_243 = arith.addi %mul3A_241, %add3A_242 : i32
      %add3A_244 = arith.constant 1 : i32
      %add3A_245 = arith.addi %add3A_243, %add3A_244 : i32
      %lt3A_246 = arith.constant 80 : i32
      %lt3A_247 = arith.cmpi slt, %add3A_245, %lt3A_246 : i32
      %convert_element_type3A_248 = arith.extui %lt3A_247 : i1 to i32
      %cond3A_249 = arith.constant 0 : i32
      %cond3A_250 = arith.cmpi ne, %convert_element_type3A_248, %cond3A_249 : i32
      scf.if %cond3A_250 {
        %add3A_366 = arith.constant 1 : i32
        %add3A_367 = arith.addi %add3A_243, %add3A_366 : i32
        %mul3A_368 = arith.constant 128 : i32
        %mul3A_369 = arith.muli %add3A_367, %mul3A_368 : i32
        %dma_start3A_370 = tpu.memref_slice %arg7[%mul3A_369] : memref<10240xi32, #tpu.memory_space<vmem>> -> memref<128xi32, #tpu.memory_space<vmem>>
        %dma_start3A_371 = arith.constant 0 : i32
        %dma_start3A_372 = arith.constant 0 : i32
        %dma_start3A_373 = tpu.memref_slice %arg2[%dma_start3A_371, %dma_start3A_372] : memref<10240x128xf32, #tpu.memory_space<hbm>> -> memref<10240x128xf32, #tpu.memory_space<hbm>>
        tpu.enqueue_indirect_dma source(%dma_start3A_373 : memref<10240x128xf32, #tpu.memory_space<hbm>>) target(%arg9 : memref<128x128xf32, #tpu.memory_space<vmem>>) offsets(%dma_start3A_370 : memref<128xi32, #tpu.memory_space<vmem>>) semaphore(%arg12 : memref<!tpu.dma_semaphore, #tpu.memory_space<semaphore_mem>>)
      } else {
      }
      %dma_wait3A_251 = arith.constant 0 : i32
      %dma_wait3A_252 = tpu.memref_slice %arg7[%dma_wait3A_251] : memref<10240xi32, #tpu.memory_space<vmem>> -> memref<128xi32, #tpu.memory_space<vmem>>
      %dma_wait3A_253 = arith.constant 0 : i32
      %dma_wait3A_254 = arith.constant 0 : i32
      %dma_wait3A_255 = tpu.memref_slice %arg2[%dma_wait3A_253, %dma_wait3A_254] : memref<10240x128xf32, #tpu.memory_space<hbm>> -> memref<10240x128xf32, #tpu.memory_space<hbm>>
      tpu.wait_indirect_dma semaphore(%arg13 : memref<!tpu.dma_semaphore, #tpu.memory_space<semaphore_mem>>) src(%dma_wait3A_255 : memref<10240x128xf32, #tpu.memory_space<hbm>>) dst(%arg10 : memref<128x128xf32, #tpu.memory_space<vmem>>)
      %run_scoped3A_256 = arith.constant 1 : i32
      %run_scoped3A_257 = arith.constant 1 : i32
      "tpu.region"() ({
        %run_scoped3A_366 = tpu.sem_alloc : memref<!tpu.dma_semaphore, #tpu.memory_space<semaphore_mem>>
        %dma_start3A_367 = arith.constant 0 : i32
        %dma_start3A_368 = tpu.memref_slice %arg8[%run_scoped3A_256, %run_scoped3A_257, %dma_start3A_367] : memref<2x8x128xi32, #tpu.memory_space<vmem>> -> memref<1x1x128xi32, #tpu.memory_space<vmem>>
        %dma_start3A_369 = tpu.memref_squeeze %dma_start3A_368 : memref<1x1x128xi32, #tpu.memory_space<vmem>> -> memref<128xi32, #tpu.memory_space<vmem>>
        %dma_start3A_370 = arith.constant 0 : i32
        %dma_start3A_371 = arith.constant 0 : i32
        %dma_start3A_372 = tpu.memref_slice %arg11[%dma_start3A_370, %dma_start3A_371] : memref<10240x128xf32, #tpu.memory_space<vmem_shared>> -> memref<10240x128xf32, #tpu.memory_space<vmem_shared>>
        tpu.enqueue_indirect_dma source(%arg10 : memref<128x128xf32, #tpu.memory_space<vmem>>) target(%dma_start3A_372 : memref<10240x128xf32, #tpu.memory_space<vmem_shared>>) offsets(%dma_start3A_369 : memref<128xi32, #tpu.memory_space<vmem>>) semaphore(%run_scoped3A_366 : memref<!tpu.dma_semaphore, #tpu.memory_space<semaphore_mem>>) {add = true}
        %dma_wait3A_373 = arith.constant 0 : i32
        %dma_wait3A_374 = tpu.memref_slice %arg8[%run_scoped3A_256, %run_scoped3A_257, %dma_wait3A_373] : memref<2x8x128xi32, #tpu.memory_space<vmem>> -> memref<1x1x128xi32, #tpu.memory_space<vmem>>
        %dma_wait3A_375 = tpu.memref_squeeze %dma_wait3A_374 : memref<1x1x128xi32, #tpu.memory_space<vmem>> -> memref<128xi32, #tpu.memory_space<vmem>>
        %dma_wait3A_376 = arith.constant 0 : i32
        %dma_wait3A_377 = arith.constant 0 : i32
        %dma_wait3A_378 = tpu.memref_slice %arg11[%dma_wait3A_376, %dma_wait3A_377] : memref<10240x128xf32, #tpu.memory_space<vmem_shared>> -> memref<10240x128xf32, #tpu.memory_space<vmem_shared>>
        tpu.wait_indirect_dma semaphore(%run_scoped3A_366 : memref<!tpu.dma_semaphore, #tpu.memory_space<semaphore_mem>>) src(%arg10 : memref<128x128xf32, #tpu.memory_space<vmem>>) dst(%dma_wait3A_378 : memref<10240x128xf32, #tpu.memory_space<vmem_shared>>)
        tpu.yield
      }) : () -> ()
      %mul3A_258 = arith.constant 8 : i32
      %mul3A_259 = arith.muli %add3A_199, %mul3A_258 : i32
      %add3A_260 = arith.constant 2 : i32
      %add3A_261 = arith.addi %mul3A_259, %add3A_260 : i32
      %add3A_262 = arith.constant 1 : i32
      %add3A_263 = arith.addi %add3A_261, %add3A_262 : i32
      %lt3A_264 = arith.constant 80 : i32
      %lt3A_265 = arith.cmpi slt, %add3A_263, %lt3A_264 : i32
      %convert_element_type3A_266 = arith.extui %lt3A_265 : i1 to i32
      %cond3A_267 = arith.constant 0 : i32
      %cond3A_268 = arith.cmpi ne, %convert_element_type3A_266, %cond3A_267 : i32
      scf.if %cond3A_268 {
        %add3A_366 = arith.constant 1 : i32
        %add3A_367 = arith.addi %add3A_261, %add3A_366 : i32
        %mul3A_368 = arith.constant 128 : i32
        %mul3A_369 = arith.muli %add3A_367, %mul3A_368 : i32
        %dma_start3A_370 = tpu.memref_slice %arg7[%mul3A_369] : memref<10240xi32, #tpu.memory_space<vmem>> -> memref<128xi32, #tpu.memory_space<vmem>>
        %dma_start3A_371 = arith.constant 0 : i32
        %dma_start3A_372 = arith.constant 0 : i32
        %dma_start3A_373 = tpu.memref_slice %arg2[%dma_start3A_371, %dma_start3A_372] : memref<10240x128xf32, #tpu.memory_space<hbm>> -> memref<10240x128xf32, #tpu.memory_space<hbm>>
        tpu.enqueue_indirect_dma source(%dma_start3A_373 : memref<10240x128xf32, #tpu.memory_space<hbm>>) target(%arg10 : memref<128x128xf32, #tpu.memory_space<vmem>>) offsets(%dma_start3A_370 : memref<128xi32, #tpu.memory_space<vmem>>) semaphore(%arg13 : memref<!tpu.dma_semaphore, #tpu.memory_space<semaphore_mem>>)
      } else {
      }
      %dma_wait3A_269 = arith.constant 0 : i32
      %dma_wait3A_270 = tpu.memref_slice %arg7[%dma_wait3A_269] : memref<10240xi32, #tpu.memory_space<vmem>> -> memref<128xi32, #tpu.memory_space<vmem>>
      %dma_wait3A_271 = arith.constant 0 : i32
      %dma_wait3A_272 = arith.constant 0 : i32
      %dma_wait3A_273 = tpu.memref_slice %arg2[%dma_wait3A_271, %dma_wait3A_272] : memref<10240x128xf32, #tpu.memory_space<hbm>> -> memref<10240x128xf32, #tpu.memory_space<hbm>>
      tpu.wait_indirect_dma semaphore(%arg12 : memref<!tpu.dma_semaphore, #tpu.memory_space<semaphore_mem>>) src(%dma_wait3A_273 : memref<10240x128xf32, #tpu.memory_space<hbm>>) dst(%arg9 : memref<128x128xf32, #tpu.memory_space<vmem>>)
      %run_scoped3A_274 = arith.constant 1 : i32
      %run_scoped3A_275 = arith.constant 2 : i32
      "tpu.region"() ({
        %run_scoped3A_366 = tpu.sem_alloc : memref<!tpu.dma_semaphore, #tpu.memory_space<semaphore_mem>>
        %dma_start3A_367 = arith.constant 0 : i32
        %dma_start3A_368 = tpu.memref_slice %arg8[%run_scoped3A_274, %run_scoped3A_275, %dma_start3A_367] : memref<2x8x128xi32, #tpu.memory_space<vmem>> -> memref<1x1x128xi32, #tpu.memory_space<vmem>>
        %dma_start3A_369 = tpu.memref_squeeze %dma_start3A_368 : memref<1x1x128xi32, #tpu.memory_space<vmem>> -> memref<128xi32, #tpu.memory_space<vmem>>
        %dma_start3A_370 = arith.constant 0 : i32
        %dma_start3A_371 = arith.constant 0 : i32
        %dma_start3A_372 = tpu.memref_slice %arg11[%dma_start3A_370, %dma_start3A_371] : memref<10240x128xf32, #tpu.memory_space<vmem_shared>> -> memref<10240x128xf32, #tpu.memory_space<vmem_shared>>
        tpu.enqueue_indirect_dma source(%arg9 : memref<128x128xf32, #tpu.memory_space<vmem>>) target(%dma_start3A_372 : memref<10240x128xf32, #tpu.memory_space<vmem_shared>>) offsets(%dma_start3A_369 : memref<128xi32, #tpu.memory_space<vmem>>) semaphore(%run_scoped3A_366 : memref<!tpu.dma_semaphore, #tpu.memory_space<semaphore_mem>>) {add = true}
        %dma_wait3A_373 = arith.constant 0 : i32
        %dma_wait3A_374 = tpu.memref_slice %arg8[%run_scoped3A_274, %run_scoped3A_275, %dma_wait3A_373] : memref<2x8x128xi32, #tpu.memory_space<vmem>> -> memref<1x1x128xi32, #tpu.memory_space<vmem>>
        %dma_wait3A_375 = tpu.memref_squeeze %dma_wait3A_374 : memref<1x1x128xi32, #tpu.memory_space<vmem>> -> memref<128xi32, #tpu.memory_space<vmem>>
        %dma_wait3A_376 = arith.constant 0 : i32
        %dma_wait3A_377 = arith.constant 0 : i32
        %dma_wait3A_378 = tpu.memref_slice %arg11[%dma_wait3A_376, %dma_wait3A_377] : memref<10240x128xf32, #tpu.memory_space<vmem_shared>> -> memref<10240x128xf32, #tpu.memory_space<vmem_shared>>
        tpu.wait_indirect_dma semaphore(%run_scoped3A_366 : memref<!tpu.dma_semaphore, #tpu.memory_space<semaphore_mem>>) src(%arg9 : memref<128x128xf32, #tpu.memory_space<vmem>>) dst(%dma_wait3A_378 : memref<10240x128xf32, #tpu.memory_space<vmem_shared>>)
        tpu.yield
      }) : () -> ()
      %mul3A_276 = arith.constant 8 : i32
      %mul3A_277 = arith.muli %add3A_199, %mul3A_276 : i32
      %add3A_278 = arith.constant 3 : i32
      %add3A_279 = arith.addi %mul3A_277, %add3A_278 : i32
      %add3A_280 = arith.constant 1 : i32
      %add3A_281 = arith.addi %add3A_279, %add3A_280 : i32
      %lt3A_282 = arith.constant 80 : i32
      %lt3A_283 = arith.cmpi slt, %add3A_281, %lt3A_282 : i32
      %convert_element_type3A_284 = arith.extui %lt3A_283 : i1 to i32
      %cond3A_285 = arith.constant 0 : i32
      %cond3A_286 = arith.cmpi ne, %convert_element_type3A_284, %cond3A_285 : i32
      scf.if %cond3A_286 {
        %add3A_366 = arith.constant 1 : i32
        %add3A_367 = arith.addi %add3A_279, %add3A_366 : i32
        %mul3A_368 = arith.constant 128 : i32
        %mul3A_369 = arith.muli %add3A_367, %mul3A_368 : i32
        %dma_start3A_370 = tpu.memref_slice %arg7[%mul3A_369] : memref<10240xi32, #tpu.memory_space<vmem>> -> memref<128xi32, #tpu.memory_space<vmem>>
        %dma_start3A_371 = arith.constant 0 : i32
        %dma_start3A_372 = arith.constant 0 : i32
        %dma_start3A_373 = tpu.memref_slice %arg2[%dma_start3A_371, %dma_start3A_372] : memref<10240x128xf32, #tpu.memory_space<hbm>> -> memref<10240x128xf32, #tpu.memory_space<hbm>>
        tpu.enqueue_indirect_dma source(%dma_start3A_373 : memref<10240x128xf32, #tpu.memory_space<hbm>>) target(%arg9 : memref<128x128xf32, #tpu.memory_space<vmem>>) offsets(%dma_start3A_370 : memref<128xi32, #tpu.memory_space<vmem>>) semaphore(%arg12 : memref<!tpu.dma_semaphore, #tpu.memory_space<semaphore_mem>>)
      } else {
      }
      %dma_wait3A_287 = arith.constant 0 : i32
      %dma_wait3A_288 = tpu.memref_slice %arg7[%dma_wait3A_287] : memref<10240xi32, #tpu.memory_space<vmem>> -> memref<128xi32, #tpu.memory_space<vmem>>
      %dma_wait3A_289 = arith.constant 0 : i32
      %dma_wait3A_290 = arith.constant 0 : i32
      %dma_wait3A_291 = tpu.memref_slice %arg2[%dma_wait3A_289, %dma_wait3A_290] : memref<10240x128xf32, #tpu.memory_space<hbm>> -> memref<10240x128xf32, #tpu.memory_space<hbm>>
      tpu.wait_indirect_dma semaphore(%arg13 : memref<!tpu.dma_semaphore, #tpu.memory_space<semaphore_mem>>) src(%dma_wait3A_291 : memref<10240x128xf32, #tpu.memory_space<hbm>>) dst(%arg10 : memref<128x128xf32, #tpu.memory_space<vmem>>)
      %run_scoped3A_292 = arith.constant 1 : i32
      %run_scoped3A_293 = arith.constant 3 : i32
      "tpu.region"() ({
        %run_scoped3A_366 = tpu.sem_alloc : memref<!tpu.dma_semaphore, #tpu.memory_space<semaphore_mem>>
        %dma_start3A_367 = arith.constant 0 : i32
        %dma_start3A_368 = tpu.memref_slice %arg8[%run_scoped3A_292, %run_scoped3A_293, %dma_start3A_367] : memref<2x8x128xi32, #tpu.memory_space<vmem>> -> memref<1x1x128xi32, #tpu.memory_space<vmem>>
        %dma_start3A_369 = tpu.memref_squeeze %dma_start3A_368 : memref<1x1x128xi32, #tpu.memory_space<vmem>> -> memref<128xi32, #tpu.memory_space<vmem>>
        %dma_start3A_370 = arith.constant 0 : i32
        %dma_start3A_371 = arith.constant 0 : i32
        %dma_start3A_372 = tpu.memref_slice %arg11[%dma_start3A_370, %dma_start3A_371] : memref<10240x128xf32, #tpu.memory_space<vmem_shared>> -> memref<10240x128xf32, #tpu.memory_space<vmem_shared>>
        tpu.enqueue_indirect_dma source(%arg10 : memref<128x128xf32, #tpu.memory_space<vmem>>) target(%dma_start3A_372 : memref<10240x128xf32, #tpu.memory_space<vmem_shared>>) offsets(%dma_start3A_369 : memref<128xi32, #tpu.memory_space<vmem>>) semaphore(%run_scoped3A_366 : memref<!tpu.dma_semaphore, #tpu.memory_space<semaphore_mem>>) {add = true}
        %dma_wait3A_373 = arith.constant 0 : i32
        %dma_wait3A_374 = tpu.memref_slice %arg8[%run_scoped3A_292, %run_scoped3A_293, %dma_wait3A_373] : memref<2x8x128xi32, #tpu.memory_space<vmem>> -> memref<1x1x128xi32, #tpu.memory_space<vmem>>
        %dma_wait3A_375 = tpu.memref_squeeze %dma_wait3A_374 : memref<1x1x128xi32, #tpu.memory_space<vmem>> -> memref<128xi32, #tpu.memory_space<vmem>>
        %dma_wait3A_376 = arith.constant 0 : i32
        %dma_wait3A_377 = arith.constant 0 : i32
        %dma_wait3A_378 = tpu.memref_slice %arg11[%dma_wait3A_376, %dma_wait3A_377] : memref<10240x128xf32, #tpu.memory_space<vmem_shared>> -> memref<10240x128xf32, #tpu.memory_space<vmem_shared>>
        tpu.wait_indirect_dma semaphore(%run_scoped3A_366 : memref<!tpu.dma_semaphore, #tpu.memory_space<semaphore_mem>>) src(%arg10 : memref<128x128xf32, #tpu.memory_space<vmem>>) dst(%dma_wait3A_378 : memref<10240x128xf32, #tpu.memory_space<vmem_shared>>)
        tpu.yield
      }) : () -> ()
      %mul3A_294 = arith.constant 8 : i32
      %mul3A_295 = arith.muli %add3A_199, %mul3A_294 : i32
      %add3A_296 = arith.constant 4 : i32
      %add3A_297 = arith.addi %mul3A_295, %add3A_296 : i32
      %add3A_298 = arith.constant 1 : i32
      %add3A_299 = arith.addi %add3A_297, %add3A_298 : i32
      %lt3A_300 = arith.constant 80 : i32
      %lt3A_301 = arith.cmpi slt, %add3A_299, %lt3A_300 : i32
      %convert_element_type3A_302 = arith.extui %lt3A_301 : i1 to i32
      %cond3A_303 = arith.constant 0 : i32
      %cond3A_304 = arith.cmpi ne, %convert_element_type3A_302, %cond3A_303 : i32
      scf.if %cond3A_304 {
        %add3A_366 = arith.constant 1 : i32
        %add3A_367 = arith.addi %add3A_297, %add3A_366 : i32
        %mul3A_368 = arith.constant 128 : i32
        %mul3A_369 = arith.muli %add3A_367, %mul3A_368 : i32
        %dma_start3A_370 = tpu.memref_slice %arg7[%mul3A_369] : memref<10240xi32, #tpu.memory_space<vmem>> -> memref<128xi32, #tpu.memory_space<vmem>>
        %dma_start3A_371 = arith.constant 0 : i32
        %dma_start3A_372 = arith.constant 0 : i32
        %dma_start3A_373 = tpu.memref_slice %arg2[%dma_start3A_371, %dma_start3A_372] : memref<10240x128xf32, #tpu.memory_space<hbm>> -> memref<10240x128xf32, #tpu.memory_space<hbm>>
        tpu.enqueue_indirect_dma source(%dma_start3A_373 : memref<10240x128xf32, #tpu.memory_space<hbm>>) target(%arg10 : memref<128x128xf32, #tpu.memory_space<vmem>>) offsets(%dma_start3A_370 : memref<128xi32, #tpu.memory_space<vmem>>) semaphore(%arg13 : memref<!tpu.dma_semaphore, #tpu.memory_space<semaphore_mem>>)
      } else {
      }
      %dma_wait3A_305 = arith.constant 0 : i32
      %dma_wait3A_306 = tpu.memref_slice %arg7[%dma_wait3A_305] : memref<10240xi32, #tpu.memory_space<vmem>> -> memref<128xi32, #tpu.memory_space<vmem>>
      %dma_wait3A_307 = arith.constant 0 : i32
      %dma_wait3A_308 = arith.constant 0 : i32
      %dma_wait3A_309 = tpu.memref_slice %arg2[%dma_wait3A_307, %dma_wait3A_308] : memref<10240x128xf32, #tpu.memory_space<hbm>> -> memref<10240x128xf32, #tpu.memory_space<hbm>>
      tpu.wait_indirect_dma semaphore(%arg12 : memref<!tpu.dma_semaphore, #tpu.memory_space<semaphore_mem>>) src(%dma_wait3A_309 : memref<10240x128xf32, #tpu.memory_space<hbm>>) dst(%arg9 : memref<128x128xf32, #tpu.memory_space<vmem>>)
      %run_scoped3A_310 = arith.constant 1 : i32
      %run_scoped3A_311 = arith.constant 4 : i32
      "tpu.region"() ({
        %run_scoped3A_366 = tpu.sem_alloc : memref<!tpu.dma_semaphore, #tpu.memory_space<semaphore_mem>>
        %dma_start3A_367 = arith.constant 0 : i32
        %dma_start3A_368 = tpu.memref_slice %arg8[%run_scoped3A_310, %run_scoped3A_311, %dma_start3A_367] : memref<2x8x128xi32, #tpu.memory_space<vmem>> -> memref<1x1x128xi32, #tpu.memory_space<vmem>>
        %dma_start3A_369 = tpu.memref_squeeze %dma_start3A_368 : memref<1x1x128xi32, #tpu.memory_space<vmem>> -> memref<128xi32, #tpu.memory_space<vmem>>
        %dma_start3A_370 = arith.constant 0 : i32
        %dma_start3A_371 = arith.constant 0 : i32
        %dma_start3A_372 = tpu.memref_slice %arg11[%dma_start3A_370, %dma_start3A_371] : memref<10240x128xf32, #tpu.memory_space<vmem_shared>> -> memref<10240x128xf32, #tpu.memory_space<vmem_shared>>
        tpu.enqueue_indirect_dma source(%arg9 : memref<128x128xf32, #tpu.memory_space<vmem>>) target(%dma_start3A_372 : memref<10240x128xf32, #tpu.memory_space<vmem_shared>>) offsets(%dma_start3A_369 : memref<128xi32, #tpu.memory_space<vmem>>) semaphore(%run_scoped3A_366 : memref<!tpu.dma_semaphore, #tpu.memory_space<semaphore_mem>>) {add = true}
        %dma_wait3A_373 = arith.constant 0 : i32
        %dma_wait3A_374 = tpu.memref_slice %arg8[%run_scoped3A_310, %run_scoped3A_311, %dma_wait3A_373] : memref<2x8x128xi32, #tpu.memory_space<vmem>> -> memref<1x1x128xi32, #tpu.memory_space<vmem>>
        %dma_wait3A_375 = tpu.memref_squeeze %dma_wait3A_374 : memref<1x1x128xi32, #tpu.memory_space<vmem>> -> memref<128xi32, #tpu.memory_space<vmem>>
        %dma_wait3A_376 = arith.constant 0 : i32
        %dma_wait3A_377 = arith.constant 0 : i32
        %dma_wait3A_378 = tpu.memref_slice %arg11[%dma_wait3A_376, %dma_wait3A_377] : memref<10240x128xf32, #tpu.memory_space<vmem_shared>> -> memref<10240x128xf32, #tpu.memory_space<vmem_shared>>
        tpu.wait_indirect_dma semaphore(%run_scoped3A_366 : memref<!tpu.dma_semaphore, #tpu.memory_space<semaphore_mem>>) src(%arg9 : memref<128x128xf32, #tpu.memory_space<vmem>>) dst(%dma_wait3A_378 : memref<10240x128xf32, #tpu.memory_space<vmem_shared>>)
        tpu.yield
      }) : () -> ()
      %mul3A_312 = arith.constant 8 : i32
      %mul3A_313 = arith.muli %add3A_199, %mul3A_312 : i32
      %add3A_314 = arith.constant 5 : i32
      %add3A_315 = arith.addi %mul3A_313, %add3A_314 : i32
      %add3A_316 = arith.constant 1 : i32
      %add3A_317 = arith.addi %add3A_315, %add3A_316 : i32
      %lt3A_318 = arith.constant 80 : i32
      %lt3A_319 = arith.cmpi slt, %add3A_317, %lt3A_318 : i32
      %convert_element_type3A_320 = arith.extui %lt3A_319 : i1 to i32
      %cond3A_321 = arith.constant 0 : i32
      %cond3A_322 = arith.cmpi ne, %convert_element_type3A_320, %cond3A_321 : i32
      scf.if %cond3A_322 {
        %add3A_366 = arith.constant 1 : i32
        %add3A_367 = arith.addi %add3A_315, %add3A_366 : i32
        %mul3A_368 = arith.constant 128 : i32
        %mul3A_369 = arith.muli %add3A_367, %mul3A_368 : i32
        %dma_start3A_370 = tpu.memref_slice %arg7[%mul3A_369] : memref<10240xi32, #tpu.memory_space<vmem>> -> memref<128xi32, #tpu.memory_space<vmem>>
        %dma_start3A_371 = arith.constant 0 : i32
        %dma_start3A_372 = arith.constant 0 : i32
        %dma_start3A_373 = tpu.memref_slice %arg2[%dma_start3A_371, %dma_start3A_372] : memref<10240x128xf32, #tpu.memory_space<hbm>> -> memref<10240x128xf32, #tpu.memory_space<hbm>>
        tpu.enqueue_indirect_dma source(%dma_start3A_373 : memref<10240x128xf32, #tpu.memory_space<hbm>>) target(%arg9 : memref<128x128xf32, #tpu.memory_space<vmem>>) offsets(%dma_start3A_370 : memref<128xi32, #tpu.memory_space<vmem>>) semaphore(%arg12 : memref<!tpu.dma_semaphore, #tpu.memory_space<semaphore_mem>>)
      } else {
      }
      %dma_wait3A_323 = arith.constant 0 : i32
      %dma_wait3A_324 = tpu.memref_slice %arg7[%dma_wait3A_323] : memref<10240xi32, #tpu.memory_space<vmem>> -> memref<128xi32, #tpu.memory_space<vmem>>
      %dma_wait3A_325 = arith.constant 0 : i32
      %dma_wait3A_326 = arith.constant 0 : i32
      %dma_wait3A_327 = tpu.memref_slice %arg2[%dma_wait3A_325, %dma_wait3A_326] : memref<10240x128xf32, #tpu.memory_space<hbm>> -> memref<10240x128xf32, #tpu.memory_space<hbm>>
      tpu.wait_indirect_dma semaphore(%arg13 : memref<!tpu.dma_semaphore, #tpu.memory_space<semaphore_mem>>) src(%dma_wait3A_327 : memref<10240x128xf32, #tpu.memory_space<hbm>>) dst(%arg10 : memref<128x128xf32, #tpu.memory_space<vmem>>)
      %run_scoped3A_328 = arith.constant 1 : i32
      %run_scoped3A_329 = arith.constant 5 : i32
      "tpu.region"() ({
        %run_scoped3A_366 = tpu.sem_alloc : memref<!tpu.dma_semaphore, #tpu.memory_space<semaphore_mem>>
        %dma_start3A_367 = arith.constant 0 : i32
        %dma_start3A_368 = tpu.memref_slice %arg8[%run_scoped3A_328, %run_scoped3A_329, %dma_start3A_367] : memref<2x8x128xi32, #tpu.memory_space<vmem>> -> memref<1x1x128xi32, #tpu.memory_space<vmem>>
        %dma_start3A_369 = tpu.memref_squeeze %dma_start3A_368 : memref<1x1x128xi32, #tpu.memory_space<vmem>> -> memref<128xi32, #tpu.memory_space<vmem>>
        %dma_start3A_370 = arith.constant 0 : i32
        %dma_start3A_371 = arith.constant 0 : i32
        %dma_start3A_372 = tpu.memref_slice %arg11[%dma_start3A_370, %dma_start3A_371] : memref<10240x128xf32, #tpu.memory_space<vmem_shared>> -> memref<10240x128xf32, #tpu.memory_space<vmem_shared>>
        tpu.enqueue_indirect_dma source(%arg10 : memref<128x128xf32, #tpu.memory_space<vmem>>) target(%dma_start3A_372 : memref<10240x128xf32, #tpu.memory_space<vmem_shared>>) offsets(%dma_start3A_369 : memref<128xi32, #tpu.memory_space<vmem>>) semaphore(%run_scoped3A_366 : memref<!tpu.dma_semaphore, #tpu.memory_space<semaphore_mem>>) {add = true}
        %dma_wait3A_373 = arith.constant 0 : i32
        %dma_wait3A_374 = tpu.memref_slice %arg8[%run_scoped3A_328, %run_scoped3A_329, %dma_wait3A_373] : memref<2x8x128xi32, #tpu.memory_space<vmem>> -> memref<1x1x128xi32, #tpu.memory_space<vmem>>
        %dma_wait3A_375 = tpu.memref_squeeze %dma_wait3A_374 : memref<1x1x128xi32, #tpu.memory_space<vmem>> -> memref<128xi32, #tpu.memory_space<vmem>>
        %dma_wait3A_376 = arith.constant 0 : i32
        %dma_wait3A_377 = arith.constant 0 : i32
        %dma_wait3A_378 = tpu.memref_slice %arg11[%dma_wait3A_376, %dma_wait3A_377] : memref<10240x128xf32, #tpu.memory_space<vmem_shared>> -> memref<10240x128xf32, #tpu.memory_space<vmem_shared>>
        tpu.wait_indirect_dma semaphore(%run_scoped3A_366 : memref<!tpu.dma_semaphore, #tpu.memory_space<semaphore_mem>>) src(%arg10 : memref<128x128xf32, #tpu.memory_space<vmem>>) dst(%dma_wait3A_378 : memref<10240x128xf32, #tpu.memory_space<vmem_shared>>)
        tpu.yield
      }) : () -> ()
      %mul3A_330 = arith.constant 8 : i32
      %mul3A_331 = arith.muli %add3A_199, %mul3A_330 : i32
      %add3A_332 = arith.constant 6 : i32
      %add3A_333 = arith.addi %mul3A_331, %add3A_332 : i32
      %add3A_334 = arith.constant 1 : i32
      %add3A_335 = arith.addi %add3A_333, %add3A_334 : i32
      %lt3A_336 = arith.constant 80 : i32
      %lt3A_337 = arith.cmpi slt, %add3A_335, %lt3A_336 : i32
      %convert_element_type3A_338 = arith.extui %lt3A_337 : i1 to i32
      %cond3A_339 = arith.constant 0 : i32
      %cond3A_340 = arith.cmpi ne, %convert_element_type3A_338, %cond3A_339 : i32
      scf.if %cond3A_340 {
        %add3A_366 = arith.constant 1 : i32
        %add3A_367 = arith.addi %add3A_333, %add3A_366 : i32
        %mul3A_368 = arith.constant 128 : i32
        %mul3A_369 = arith.muli %add3A_367, %mul3A_368 : i32
        %dma_start3A_370 = tpu.memref_slice %arg7[%mul3A_369] : memref<10240xi32, #tpu.memory_space<vmem>> -> memref<128xi32, #tpu.memory_space<vmem>>
        %dma_start3A_371 = arith.constant 0 : i32
        %dma_start3A_372 = arith.constant 0 : i32
        %dma_start3A_373 = tpu.memref_slice %arg2[%dma_start3A_371, %dma_start3A_372] : memref<10240x128xf32, #tpu.memory_space<hbm>> -> memref<10240x128xf32, #tpu.memory_space<hbm>>
        tpu.enqueue_indirect_dma source(%dma_start3A_373 : memref<10240x128xf32, #tpu.memory_space<hbm>>) target(%arg10 : memref<128x128xf32, #tpu.memory_space<vmem>>) offsets(%dma_start3A_370 : memref<128xi32, #tpu.memory_space<vmem>>) semaphore(%arg13 : memref<!tpu.dma_semaphore, #tpu.memory_space<semaphore_mem>>)
      } else {
      }
      %dma_wait3A_341 = arith.constant 0 : i32
      %dma_wait3A_342 = tpu.memref_slice %arg7[%dma_wait3A_341] : memref<10240xi32, #tpu.memory_space<vmem>> -> memref<128xi32, #tpu.memory_space<vmem>>
      %dma_wait3A_343 = arith.constant 0 : i32
      %dma_wait3A_344 = arith.constant 0 : i32
      %dma_wait3A_345 = tpu.memref_slice %arg2[%dma_wait3A_343, %dma_wait3A_344] : memref<10240x128xf32, #tpu.memory_space<hbm>> -> memref<10240x128xf32, #tpu.memory_space<hbm>>
      tpu.wait_indirect_dma semaphore(%arg12 : memref<!tpu.dma_semaphore, #tpu.memory_space<semaphore_mem>>) src(%dma_wait3A_345 : memref<10240x128xf32, #tpu.memory_space<hbm>>) dst(%arg9 : memref<128x128xf32, #tpu.memory_space<vmem>>)
      %run_scoped3A_346 = arith.constant 1 : i32
      %run_scoped3A_347 = arith.constant 6 : i32
      "tpu.region"() ({
        %run_scoped3A_366 = tpu.sem_alloc : memref<!tpu.dma_semaphore, #tpu.memory_space<semaphore_mem>>
        %dma_start3A_367 = arith.constant 0 : i32
        %dma_start3A_368 = tpu.memref_slice %arg8[%run_scoped3A_346, %run_scoped3A_347, %dma_start3A_367] : memref<2x8x128xi32, #tpu.memory_space<vmem>> -> memref<1x1x128xi32, #tpu.memory_space<vmem>>
        %dma_start3A_369 = tpu.memref_squeeze %dma_start3A_368 : memref<1x1x128xi32, #tpu.memory_space<vmem>> -> memref<128xi32, #tpu.memory_space<vmem>>
        %dma_start3A_370 = arith.constant 0 : i32
        %dma_start3A_371 = arith.constant 0 : i32
        %dma_start3A_372 = tpu.memref_slice %arg11[%dma_start3A_370, %dma_start3A_371] : memref<10240x128xf32, #tpu.memory_space<vmem_shared>> -> memref<10240x128xf32, #tpu.memory_space<vmem_shared>>
        tpu.enqueue_indirect_dma source(%arg9 : memref<128x128xf32, #tpu.memory_space<vmem>>) target(%dma_start3A_372 : memref<10240x128xf32, #tpu.memory_space<vmem_shared>>) offsets(%dma_start3A_369 : memref<128xi32, #tpu.memory_space<vmem>>) semaphore(%run_scoped3A_366 : memref<!tpu.dma_semaphore, #tpu.memory_space<semaphore_mem>>) {add = true}
        %dma_wait3A_373 = arith.constant 0 : i32
        %dma_wait3A_374 = tpu.memref_slice %arg8[%run_scoped3A_346, %run_scoped3A_347, %dma_wait3A_373] : memref<2x8x128xi32, #tpu.memory_space<vmem>> -> memref<1x1x128xi32, #tpu.memory_space<vmem>>
        %dma_wait3A_375 = tpu.memref_squeeze %dma_wait3A_374 : memref<1x1x128xi32, #tpu.memory_space<vmem>> -> memref<128xi32, #tpu.memory_space<vmem>>
        %dma_wait3A_376 = arith.constant 0 : i32
        %dma_wait3A_377 = arith.constant 0 : i32
        %dma_wait3A_378 = tpu.memref_slice %arg11[%dma_wait3A_376, %dma_wait3A_377] : memref<10240x128xf32, #tpu.memory_space<vmem_shared>> -> memref<10240x128xf32, #tpu.memory_space<vmem_shared>>
        tpu.wait_indirect_dma semaphore(%run_scoped3A_366 : memref<!tpu.dma_semaphore, #tpu.memory_space<semaphore_mem>>) src(%arg9 : memref<128x128xf32, #tpu.memory_space<vmem>>) dst(%dma_wait3A_378 : memref<10240x128xf32, #tpu.memory_space<vmem_shared>>)
        tpu.yield
      }) : () -> ()
      %mul3A_348 = arith.constant 8 : i32
      %mul3A_349 = arith.muli %add3A_199, %mul3A_348 : i32
      %add3A_350 = arith.constant 7 : i32
      %add3A_351 = arith.addi %mul3A_349, %add3A_350 : i32
      %add3A_352 = arith.constant 1 : i32
      %add3A_353 = arith.addi %add3A_351, %add3A_352 : i32
      %lt3A_354 = arith.constant 80 : i32
      %lt3A_355 = arith.cmpi slt, %add3A_353, %lt3A_354 : i32
      %convert_element_type3A_356 = arith.extui %lt3A_355 : i1 to i32
      %cond3A_357 = arith.constant 0 : i32
      %cond3A_358 = arith.cmpi ne, %convert_element_type3A_356, %cond3A_357 : i32
      scf.if %cond3A_358 {
        %add3A_366 = arith.constant 1 : i32
        %add3A_367 = arith.addi %add3A_351, %add3A_366 : i32
        %mul3A_368 = arith.constant 128 : i32
        %mul3A_369 = arith.muli %add3A_367, %mul3A_368 : i32
        %dma_start3A_370 = tpu.memref_slice %arg7[%mul3A_369] : memref<10240xi32, #tpu.memory_space<vmem>> -> memref<128xi32, #tpu.memory_space<vmem>>
        %dma_start3A_371 = arith.constant 0 : i32
        %dma_start3A_372 = arith.constant 0 : i32
        %dma_start3A_373 = tpu.memref_slice %arg2[%dma_start3A_371, %dma_start3A_372] : memref<10240x128xf32, #tpu.memory_space<hbm>> -> memref<10240x128xf32, #tpu.memory_space<hbm>>
        tpu.enqueue_indirect_dma source(%dma_start3A_373 : memref<10240x128xf32, #tpu.memory_space<hbm>>) target(%arg9 : memref<128x128xf32, #tpu.memory_space<vmem>>) offsets(%dma_start3A_370 : memref<128xi32, #tpu.memory_space<vmem>>) semaphore(%arg12 : memref<!tpu.dma_semaphore, #tpu.memory_space<semaphore_mem>>)
      } else {
      }
      %dma_wait3A_359 = arith.constant 0 : i32
      %dma_wait3A_360 = tpu.memref_slice %arg7[%dma_wait3A_359] : memref<10240xi32, #tpu.memory_space<vmem>> -> memref<128xi32, #tpu.memory_space<vmem>>
      %dma_wait3A_361 = arith.constant 0 : i32
      %dma_wait3A_362 = arith.constant 0 : i32
      %dma_wait3A_363 = tpu.memref_slice %arg2[%dma_wait3A_361, %dma_wait3A_362] : memref<10240x128xf32, #tpu.memory_space<hbm>> -> memref<10240x128xf32, #tpu.memory_space<hbm>>
      tpu.wait_indirect_dma semaphore(%arg13 : memref<!tpu.dma_semaphore, #tpu.memory_space<semaphore_mem>>) src(%dma_wait3A_363 : memref<10240x128xf32, #tpu.memory_space<hbm>>) dst(%arg10 : memref<128x128xf32, #tpu.memory_space<vmem>>)
      %run_scoped3A_364 = arith.constant 1 : i32
      %run_scoped3A_365 = arith.constant 7 : i32
      "tpu.region"() ({
        %run_scoped3A_366 = tpu.sem_alloc : memref<!tpu.dma_semaphore, #tpu.memory_space<semaphore_mem>>
        %dma_start3A_367 = arith.constant 0 : i32
        %dma_start3A_368 = tpu.memref_slice %arg8[%run_scoped3A_364, %run_scoped3A_365, %dma_start3A_367] : memref<2x8x128xi32, #tpu.memory_space<vmem>> -> memref<1x1x128xi32, #tpu.memory_space<vmem>>
        %dma_start3A_369 = tpu.memref_squeeze %dma_start3A_368 : memref<1x1x128xi32, #tpu.memory_space<vmem>> -> memref<128xi32, #tpu.memory_space<vmem>>
        %dma_start3A_370 = arith.constant 0 : i32
        %dma_start3A_371 = arith.constant 0 : i32
        %dma_start3A_372 = tpu.memref_slice %arg11[%dma_start3A_370, %dma_start3A_371] : memref<10240x128xf32, #tpu.memory_space<vmem_shared>> -> memref<10240x128xf32, #tpu.memory_space<vmem_shared>>
        tpu.enqueue_indirect_dma source(%arg10 : memref<128x128xf32, #tpu.memory_space<vmem>>) target(%dma_start3A_372 : memref<10240x128xf32, #tpu.memory_space<vmem_shared>>) offsets(%dma_start3A_369 : memref<128xi32, #tpu.memory_space<vmem>>) semaphore(%run_scoped3A_366 : memref<!tpu.dma_semaphore, #tpu.memory_space<semaphore_mem>>) {add = true}
        %dma_wait3A_373 = arith.constant 0 : i32
        %dma_wait3A_374 = tpu.memref_slice %arg8[%run_scoped3A_364, %run_scoped3A_365, %dma_wait3A_373] : memref<2x8x128xi32, #tpu.memory_space<vmem>> -> memref<1x1x128xi32, #tpu.memory_space<vmem>>
        %dma_wait3A_375 = tpu.memref_squeeze %dma_wait3A_374 : memref<1x1x128xi32, #tpu.memory_space<vmem>> -> memref<128xi32, #tpu.memory_space<vmem>>
        %dma_wait3A_376 = arith.constant 0 : i32
        %dma_wait3A_377 = arith.constant 0 : i32
        %dma_wait3A_378 = tpu.memref_slice %arg11[%dma_wait3A_376, %dma_wait3A_377] : memref<10240x128xf32, #tpu.memory_space<vmem_shared>> -> memref<10240x128xf32, #tpu.memory_space<vmem_shared>>
        tpu.wait_indirect_dma semaphore(%run_scoped3A_366 : memref<!tpu.dma_semaphore, #tpu.memory_space<semaphore_mem>>) src(%arg10 : memref<128x128xf32, #tpu.memory_space<vmem>>) dst(%dma_wait3A_378 : memref<10240x128xf32, #tpu.memory_space<vmem_shared>>)
        tpu.yield
      }) : () -> ()
    }
    %scan3A_28 = arith.constant 5 : i32
    %barrier3A_29 = arith.constant 0 : index
    tpu.barrier barrier_id(%barrier3A_29)
    "tpu.region"() ({
      %run_scoped3A = tpu.sem_alloc : memref<!tpu.dma_semaphore, #tpu.memory_space<semaphore_mem>>
      %dma_start3A_30 = arith.constant 0 : i32
      %dma_start3A_31 = tpu.memref_slice %arg6[%arg0, %mul3A_2, %dma_start3A_30] : memref<2x10240x128xf32, #tpu.memory_space<hbm>> -> memref<1x640x128xf32, #tpu.memory_space<hbm>>
      %dma_start3A_32 = tpu.memref_squeeze %dma_start3A_31 : memref<1x640x128xf32, #tpu.memory_space<hbm>> -> memref<640x128xf32, #tpu.memory_space<hbm>>
      %dma_start3A_33 = arith.constant 0 : i32
      %dma_start3A_34 = tpu.memref_slice %arg11[%mul3A_2, %dma_start3A_33] : memref<10240x128xf32, #tpu.memory_space<vmem_shared>> -> memref<640x128xf32, #tpu.memory_space<vmem_shared>>
      tpu.enqueue_dma source(%dma_start3A_34 : memref<640x128xf32, #tpu.memory_space<vmem_shared>>) target(%dma_start3A_32 : memref<640x128xf32, #tpu.memory_space<hbm>>) target_semaphore(%run_scoped3A : memref<!tpu.dma_semaphore, #tpu.memory_space<semaphore_mem>>)
      %dma_wait3A = arith.constant 0 : i32
      %dma_wait3A_35 = tpu.memref_slice %arg6[%arg0, %mul3A_2, %dma_wait3A] : memref<2x10240x128xf32, #tpu.memory_space<hbm>> -> memref<1x640x128xf32, #tpu.memory_space<hbm>>
      %dma_wait3A_36 = tpu.memref_squeeze %dma_wait3A_35 : memref<1x640x128xf32, #tpu.memory_space<hbm>> -> memref<640x128xf32, #tpu.memory_space<hbm>>
      %dma_wait3A_37 = arith.constant 0 : i32
      %dma_wait3A_38 = tpu.memref_slice %arg11[%mul3A_2, %dma_wait3A_37] : memref<10240x128xf32, #tpu.memory_space<vmem_shared>> -> memref<640x128xf32, #tpu.memory_space<vmem_shared>>
      tpu.wait_dma2 semaphore(%run_scoped3A : memref<!tpu.dma_semaphore, #tpu.memory_space<semaphore_mem>>) src(%dma_wait3A_38 : memref<640x128xf32, #tpu.memory_space<vmem_shared>>) dst(%dma_wait3A_36 : memref<640x128xf32, #tpu.memory_space<hbm>>)
      tpu.yield
    }) : () -> ()
    return
  }
}

#map = affine_map<(d0, d1) -> (0, 0)>
#map1 = affine_map<(d0, d1) -> (0, 0, 0)>
module attributes {stable_mosaic.version = 14 : i64} {
  func.func @_edge_body(%arg0: i32, %arg1: i32, %arg2: memref<10240x128xf32, #tpu.memory_space<hbm>>, %arg3: memref<32x10240xi32, #tpu.memory_space<hbm>>, %arg4: memref<32x80x128xi32, #tpu.memory_space<hbm>>, %arg5: memref<10240x128xf32, #tpu.memory_space<hbm>>, %arg6: memref<2x10240x128xf32, #tpu.memory_space<hbm>>, %arg7: memref<10240xi32, #tpu.memory_space<vmem>>, %arg8: memref<2x8x128xi32, #tpu.memory_space<vmem>>, %arg9: memref<128x128xf32, #tpu.memory_space<vmem>>, %arg10: memref<128x128xf32, #tpu.memory_space<vmem>>, %arg11: memref<10240x128xf32, #tpu.memory_space<vmem_shared>>, %arg12: memref<!tpu.dma_semaphore, #tpu.memory_space<semaphore_mem>>, %arg13: memref<!tpu.dma_semaphore, #tpu.memory_space<semaphore_mem>>, %arg14: memref<!tpu.dma_semaphore, #tpu.memory_space<semaphore_mem>>, %arg15: memref<!tpu.dma_semaphore, #tpu.memory_space<semaphore_mem>>) attributes {dimension_semantics = [#tpu.dimension_semantics<core_parallel>, #tpu.dimension_semantics<subcore_parallel>], iteration_bounds = array<i64: 2, 16>, scalar_prefetch = 0 : i64, scratch_operands = 9 : i64, tpu.core_type = #tpu.core_type<sc_vector_subcore>, window_params = [{transform_indices = #map}, {transform_indices = #map}, {transform_indices = #map1}, {transform_indices = #map}, {transform_indices = #map1}]} {
    %mul3A = arith.constant 2 : i32
    %mul3A_0 = arith.muli %arg1, %mul3A : i32
    %add3A = arith.addi %mul3A_0, %arg0 : i32
    %mul3A_1 = arith.constant 640 : i32
    %mul3A_2 = arith.muli %arg1, %mul3A_1 : i32
    "tpu.region"() ({
      %run_scoped3A = tpu.sem_alloc : memref<!tpu.dma_semaphore, #tpu.memory_space<semaphore_mem>>
      %dma_start3A_30 = arith.constant 0 : i32
      %dma_start3A_31 = tpu.memref_slice %arg11[%mul3A_2, %dma_start3A_30] : memref<10240x128xf32, #tpu.memory_space<vmem_shared>> -> memref<640x128xf32, #tpu.memory_space<vmem_shared>>
      %dma_start3A_32 = arith.constant 0 : i32
      %dma_start3A_33 = tpu.memref_slice %arg5[%mul3A_2, %dma_start3A_32] : memref<10240x128xf32, #tpu.memory_space<hbm>> -> memref<640x128xf32, #tpu.memory_space<hbm>>
      tpu.enqueue_dma source(%dma_start3A_33 : memref<640x128xf32, #tpu.memory_space<hbm>>) target(%dma_start3A_31 : memref<640x128xf32, #tpu.memory_space<vmem_shared>>) target_semaphore(%run_scoped3A : memref<!tpu.dma_semaphore, #tpu.memory_space<semaphore_mem>>)
      %dma_wait3A = arith.constant 0 : i32
      %dma_wait3A_34 = tpu.memref_slice %arg11[%mul3A_2, %dma_wait3A] : memref<10240x128xf32, #tpu.memory_space<vmem_shared>> -> memref<640x128xf32, #tpu.memory_space<vmem_shared>>
      %dma_wait3A_35 = arith.constant 0 : i32
      %dma_wait3A_36 = tpu.memref_slice %arg5[%mul3A_2, %dma_wait3A_35] : memref<10240x128xf32, #tpu.memory_space<hbm>> -> memref<640x128xf32, #tpu.memory_space<hbm>>
      tpu.wait_dma2 semaphore(%run_scoped3A : memref<!tpu.dma_semaphore, #tpu.memory_space<semaphore_mem>>) src(%dma_wait3A_36 : memref<640x128xf32, #tpu.memory_space<hbm>>) dst(%dma_wait3A_34 : memref<640x128xf32, #tpu.memory_space<vmem_shared>>)
      tpu.yield
    }) : () -> ()
    "tpu.region"() ({
      %run_scoped3A = tpu.sem_alloc : memref<!tpu.dma_semaphore, #tpu.memory_space<semaphore_mem>>
      %dma_start3A_30 = arith.constant 0 : i32
      %dma_start3A_31 = tpu.memref_slice %arg3[%add3A, %dma_start3A_30] : memref<32x10240xi32, #tpu.memory_space<hbm>> -> memref<1x10240xi32, #tpu.memory_space<hbm>>
      %dma_start3A_32 = tpu.memref_squeeze %dma_start3A_31 : memref<1x10240xi32, #tpu.memory_space<hbm>> -> memref<10240xi32, #tpu.memory_space<hbm>>
      %dma_start3A_33 = arith.constant 0 : i32
      %dma_start3A_34 = tpu.memref_slice %arg3[%add3A, %dma_start3A_33] : memref<32x10240xi32, #tpu.memory_space<hbm>> -> memref<1x10240xi32, #tpu.memory_space<hbm>>
      %dma_start3A_35 = tpu.memref_squeeze %dma_start3A_34 : memref<1x10240xi32, #tpu.memory_space<hbm>> -> memref<10240xi32, #tpu.memory_space<hbm>>
      tpu.enqueue_dma source(%dma_start3A_35 : memref<10240xi32, #tpu.memory_space<hbm>>) target(%arg7 : memref<10240xi32, #tpu.memory_space<vmem>>) target_semaphore(%run_scoped3A : memref<!tpu.dma_semaphore, #tpu.memory_space<semaphore_mem>>)
      %dma_wait3A = arith.constant 0 : i32
      %dma_wait3A_36 = tpu.memref_slice %arg3[%add3A, %dma_wait3A] : memref<32x10240xi32, #tpu.memory_space<hbm>> -> memref<1x10240xi32, #tpu.memory_space<hbm>>
      %dma_wait3A_37 = tpu.memref_squeeze %dma_wait3A_36 : memref<1x10240xi32, #tpu.memory_space<hbm>> -> memref<10240xi32, #tpu.memory_space<hbm>>
      %dma_wait3A_38 = arith.constant 0 : i32
      %dma_wait3A_39 = tpu.memref_slice %arg3[%add3A, %dma_wait3A_38] : memref<32x10240xi32, #tpu.memory_space<hbm>> -> memref<1x10240xi32, #tpu.memory_space<hbm>>
      %dma_wait3A_40 = tpu.memref_squeeze %dma_wait3A_39 : memref<1x10240xi32, #tpu.memory_space<hbm>> -> memref<10240xi32, #tpu.memory_space<hbm>>
      tpu.wait_dma2 semaphore(%run_scoped3A : memref<!tpu.dma_semaphore, #tpu.memory_space<semaphore_mem>>) src(%dma_wait3A_40 : memref<10240xi32, #tpu.memory_space<hbm>>) dst(%arg7 : memref<10240xi32, #tpu.memory_space<vmem>>)
      tpu.yield
    }) : () -> ()
    %barrier3A = arith.constant 0 : index
    tpu.barrier barrier_id(%barrier3A)
    %dma_start3A = arith.constant 0 : i32
    %dma_start3A_3 = arith.constant 0 : i32
    %dma_start3A_4 = arith.constant 0 : i32
    %dma_start3A_5 = tpu.memref_slice %arg8[%dma_start3A, %dma_start3A_3, %dma_start3A_4] : memref<2x8x128xi32, #tpu.memory_space<vmem>> -> memref<1x8x128xi32, #tpu.memory_space<vmem>>
    %dma_start3A_6 = tpu.memref_squeeze %dma_start3A_5 : memref<1x8x128xi32, #tpu.memory_space<vmem>> -> memref<8x128xi32, #tpu.memory_space<vmem>>
    %dma_start3A_7 = arith.constant 0 : i32
    %dma_start3A_8 = arith.constant 0 : i32
    %dma_start3A_9 = tpu.memref_slice %arg4[%add3A, %dma_start3A_7, %dma_start3A_8] : memref<32x80x128xi32, #tpu.memory_space<hbm>> -> memref<1x8x128xi32, #tpu.memory_space<hbm>>
    %dma_start3A_10 = tpu.memref_squeeze %dma_start3A_9 : memref<1x8x128xi32, #tpu.memory_space<hbm>> -> memref<8x128xi32, #tpu.memory_space<hbm>>
    %dma_start3A_11 = arith.constant 0 : i32
    %dma_start3A_12 = arith.constant 0 : i32
    %dma_start3A_13 = tpu.memref_slice %arg8[%dma_start3A, %dma_start3A_11, %dma_start3A_12] : memref<2x8x128xi32, #tpu.memory_space<vmem>> -> memref<1x8x128xi32, #tpu.memory_space<vmem>>
    %dma_start3A_14 = tpu.memref_squeeze %dma_start3A_13 : memref<1x8x128xi32, #tpu.memory_space<vmem>> -> memref<8x128xi32, #tpu.memory_space<vmem>>
    %dma_start3A_15 = arith.constant 0 : i32
    %dma_start3A_16 = arith.constant 0 : i32
    %dma_start3A_17 = tpu.memref_slice %arg4[%add3A, %dma_start3A_15, %dma_start3A_16] : memref<32x80x128xi32, #tpu.memory_space<hbm>> -> memref<1x8x128xi32, #tpu.memory_space<hbm>>
    %dma_start3A_18 = tpu.memref_squeeze %dma_start3A_17 : memref<1x8x128xi32, #tpu.memory_space<hbm>> -> memref<8x128xi32, #tpu.memory_space<hbm>>
    tpu.enqueue_dma source(%dma_start3A_18 : memref<8x128xi32, #tpu.memory_space<hbm>>) target(%dma_start3A_14 : memref<8x128xi32, #tpu.memory_space<vmem>>) target_semaphore(%arg14 : memref<!tpu.dma_semaphore, #tpu.memory_space<semaphore_mem>>)
    %dma_start3A_19 = arith.constant 0 : i32
    %dma_start3A_20 = tpu.memref_slice %arg7[%dma_start3A_19] : memref<10240xi32, #tpu.memory_space<vmem>> -> memref<128xi32, #tpu.memory_space<vmem>>
    %dma_start3A_21 = arith.constant 0 : i32
    %dma_start3A_22 = arith.constant 0 : i32
    %dma_start3A_23 = tpu.memref_slice %arg2[%dma_start3A_21, %dma_start3A_22] : memref<10240x128xf32, #tpu.memory_space<hbm>> -> memref<10240x128xf32, #tpu.memory_space<hbm>>
    tpu.enqueue_indirect_dma source(%dma_start3A_23 : memref<10240x128xf32, #tpu.memory_space<hbm>>) target(%arg9 : memref<128x128xf32, #tpu.memory_space<vmem>>) offsets(%dma_start3A_20 : memref<128xi32, #tpu.memory_space<vmem>>) semaphore(%arg12 : memref<!tpu.dma_semaphore, #tpu.memory_space<semaphore_mem>>)
    %scan3A = arith.constant 0 : i32
    %scan3A_24 = arith.constant 0 : i32
    %scan3A_25 = arith.constant 5 : i32
    %scan3A_26 = arith.addi %scan3A_24, %scan3A_25 : i32
    %scan3A_27 = arith.constant 1 : i32
    scf.for %scan3A_30 = %scan3A_24 to %scan3A_26 step %scan3A_27  : i32 {
      %mul3A_31 = arith.constant 2 : i32
      %mul3A_32 = arith.muli %mul3A_31, %scan3A_30 : i32
      %add3A_33 = arith.constant 0 : i32
      %add3A_34 = arith.addi %mul3A_32, %add3A_33 : i32
      %lt3A = arith.constant 9 : i32
      %lt3A_35 = arith.cmpi slt, %add3A_34, %lt3A : i32
      %convert_element_type3A = arith.extui %lt3A_35 : i1 to i32
      %cond3A = arith.constant 0 : i32
      %cond3A_36 = arith.cmpi ne, %convert_element_type3A, %cond3A : i32
      scf.if %cond3A_36 {
        %add3A_366 = arith.constant 1 : i32
        %add3A_367 = arith.addi %add3A_34, %add3A_366 : i32
        %mul3A_368 = arith.constant 8 : i32
        %mul3A_369 = arith.muli %add3A_367, %mul3A_368 : i32
        %dma_start3A_370 = arith.constant 1 : i32
        %dma_start3A_371 = arith.constant 0 : i32
        %dma_start3A_372 = arith.constant 0 : i32
        %dma_start3A_373 = tpu.memref_slice %arg8[%dma_start3A_370, %dma_start3A_371, %dma_start3A_372] : memref<2x8x128xi32, #tpu.memory_space<vmem>> -> memref<1x8x128xi32, #tpu.memory_space<vmem>>
        %dma_start3A_374 = tpu.memref_squeeze %dma_start3A_373 : memref<1x8x128xi32, #tpu.memory_space<vmem>> -> memref<8x128xi32, #tpu.memory_space<vmem>>
        %dma_start3A_375 = arith.constant 0 : i32
        %dma_start3A_376 = tpu.memref_slice %arg4[%add3A, %mul3A_369, %dma_start3A_375] : memref<32x80x128xi32, #tpu.memory_space<hbm>> -> memref<1x8x128xi32, #tpu.memory_space<hbm>>
        %dma_start3A_377 = tpu.memref_squeeze %dma_start3A_376 : memref<1x8x128xi32, #tpu.memory_space<hbm>> -> memref<8x128xi32, #tpu.memory_space<hbm>>
        %dma_start3A_378 = arith.constant 0 : i32
        %dma_start3A_379 = arith.constant 0 : i32
        %dma_start3A_380 = tpu.memref_slice %arg8[%dma_start3A_370, %dma_start3A_378, %dma_start3A_379] : memref<2x8x128xi32, #tpu.memory_space<vmem>> -> memref<1x8x128xi32, #tpu.memory_space<vmem>>
        %dma_start3A_381 = tpu.memref_squeeze %dma_start3A_380 : memref<1x8x128xi32, #tpu.memory_space<vmem>> -> memref<8x128xi32, #tpu.memory_space<vmem>>
        %dma_start3A_382 = arith.constant 0 : i32
        %dma_start3A_383 = tpu.memref_slice %arg4[%add3A, %mul3A_369, %dma_start3A_382] : memref<32x80x128xi32, #tpu.memory_space<hbm>> -> memref<1x8x128xi32, #tpu.memory_space<hbm>>
        %dma_start3A_384 = tpu.memref_squeeze %dma_start3A_383 : memref<1x8x128xi32, #tpu.memory_space<hbm>> -> memref<8x128xi32, #tpu.memory_space<hbm>>
        tpu.enqueue_dma source(%dma_start3A_384 : memref<8x128xi32, #tpu.memory_space<hbm>>) target(%dma_start3A_381 : memref<8x128xi32, #tpu.memory_space<vmem>>) target_semaphore(%arg15 : memref<!tpu.dma_semaphore, #tpu.memory_space<semaphore_mem>>)
      } else {
      }
      %dma_wait3A = arith.constant 0 : i32
      %dma_wait3A_37 = arith.constant 0 : i32
      %dma_wait3A_38 = arith.constant 0 : i32
      %dma_wait3A_39 = tpu.memref_slice %arg8[%dma_wait3A, %dma_wait3A_37, %dma_wait3A_38] : memref<2x8x128xi32, #tpu.memory_space<vmem>> -> memref<1x8x128xi32, #tpu.memory_space<vmem>>
      %dma_wait3A_40 = tpu.memref_squeeze %dma_wait3A_39 : memref<1x8x128xi32, #tpu.memory_space<vmem>> -> memref<8x128xi32, #tpu.memory_space<vmem>>
      %dma_wait3A_41 = arith.constant 0 : i32
      %dma_wait3A_42 = arith.constant 0 : i32
      %dma_wait3A_43 = tpu.memref_slice %arg4[%add3A, %dma_wait3A_41, %dma_wait3A_42] : memref<32x80x128xi32, #tpu.memory_space<hbm>> -> memref<1x8x128xi32, #tpu.memory_space<hbm>>
      %dma_wait3A_44 = tpu.memref_squeeze %dma_wait3A_43 : memref<1x8x128xi32, #tpu.memory_space<hbm>> -> memref<8x128xi32, #tpu.memory_space<hbm>>
      %dma_wait3A_45 = arith.constant 0 : i32
      %dma_wait3A_46 = arith.constant 0 : i32
      %dma_wait3A_47 = tpu.memref_slice %arg8[%dma_wait3A, %dma_wait3A_45, %dma_wait3A_46] : memref<2x8x128xi32, #tpu.memory_space<vmem>> -> memref<1x8x128xi32, #tpu.memory_space<vmem>>
      %dma_wait3A_48 = tpu.memref_squeeze %dma_wait3A_47 : memref<1x8x128xi32, #tpu.memory_space<vmem>> -> memref<8x128xi32, #tpu.memory_space<vmem>>
      %dma_wait3A_49 = arith.constant 0 : i32
      %dma_wait3A_50 = arith.constant 0 : i32
      %dma_wait3A_51 = tpu.memref_slice %arg4[%add3A, %dma_wait3A_49, %dma_wait3A_50] : memref<32x80x128xi32, #tpu.memory_space<hbm>> -> memref<1x8x128xi32, #tpu.memory_space<hbm>>
      %dma_wait3A_52 = tpu.memref_squeeze %dma_wait3A_51 : memref<1x8x128xi32, #tpu.memory_space<hbm>> -> memref<8x128xi32, #tpu.memory_space<hbm>>
      tpu.wait_dma2 semaphore(%arg14 : memref<!tpu.dma_semaphore, #tpu.memory_space<semaphore_mem>>) src(%dma_wait3A_52 : memref<8x128xi32, #tpu.memory_space<hbm>>) dst(%dma_wait3A_48 : memref<8x128xi32, #tpu.memory_space<vmem>>)
      %mul3A_53 = arith.constant 8 : i32
      %mul3A_54 = arith.muli %add3A_34, %mul3A_53 : i32
      %add3A_55 = arith.constant 0 : i32
      %add3A_56 = arith.addi %mul3A_54, %add3A_55 : i32
      %add3A_57 = arith.constant 1 : i32
      %add3A_58 = arith.addi %add3A_56, %add3A_57 : i32
      %lt3A_59 = arith.constant 80 : i32
      %lt3A_60 = arith.cmpi slt, %add3A_58, %lt3A_59 : i32
      %convert_element_type3A_61 = arith.extui %lt3A_60 : i1 to i32
      %cond3A_62 = arith.constant 0 : i32
      %cond3A_63 = arith.cmpi ne, %convert_element_type3A_61, %cond3A_62 : i32
      scf.if %cond3A_63 {
        %add3A_366 = arith.constant 1 : i32
        %add3A_367 = arith.addi %add3A_56, %add3A_366 : i32
        %mul3A_368 = arith.constant 128 : i32
        %mul3A_369 = arith.muli %add3A_367, %mul3A_368 : i32
        %dma_start3A_370 = tpu.memref_slice %arg7[%mul3A_369] : memref<10240xi32, #tpu.memory_space<vmem>> -> memref<128xi32, #tpu.memory_space<vmem>>
        %dma_start3A_371 = arith.constant 0 : i32
        %dma_start3A_372 = arith.constant 0 : i32
        %dma_start3A_373 = tpu.memref_slice %arg2[%dma_start3A_371, %dma_start3A_372] : memref<10240x128xf32, #tpu.memory_space<hbm>> -> memref<10240x128xf32, #tpu.memory_space<hbm>>
        tpu.enqueue_indirect_dma source(%dma_start3A_373 : memref<10240x128xf32, #tpu.memory_space<hbm>>) target(%arg10 : memref<128x128xf32, #tpu.memory_space<vmem>>) offsets(%dma_start3A_370 : memref<128xi32, #tpu.memory_space<vmem>>) semaphore(%arg13 : memref<!tpu.dma_semaphore, #tpu.memory_space<semaphore_mem>>)
      } else {
      }
      %dma_wait3A_64 = arith.constant 0 : i32
      %dma_wait3A_65 = tpu.memref_slice %arg7[%dma_wait3A_64] : memref<10240xi32, #tpu.memory_space<vmem>> -> memref<128xi32, #tpu.memory_space<vmem>>
      %dma_wait3A_66 = arith.constant 0 : i32
      %dma_wait3A_67 = arith.constant 0 : i32
      %dma_wait3A_68 = tpu.memref_slice %arg2[%dma_wait3A_66, %dma_wait3A_67] : memref<10240x128xf32, #tpu.memory_space<hbm>> -> memref<10240x128xf32, #tpu.memory_space<hbm>>
      tpu.wait_indirect_dma semaphore(%arg12 : memref<!tpu.dma_semaphore, #tpu.memory_space<semaphore_mem>>) src(%dma_wait3A_68 : memref<10240x128xf32, #tpu.memory_space<hbm>>) dst(%arg9 : memref<128x128xf32, #tpu.memory_space<vmem>>)
      %run_scoped3A = arith.constant 0 : i32
      %run_scoped3A_69 = arith.constant 0 : i32
      "tpu.region"() ({
        %run_scoped3A_366 = tpu.sem_alloc : memref<!tpu.dma_semaphore, #tpu.memory_space<semaphore_mem>>
        %dma_start3A_367 = arith.constant 0 : i32
        %dma_start3A_368 = tpu.memref_slice %arg8[%run_scoped3A, %run_scoped3A_69, %dma_start3A_367] : memref<2x8x128xi32, #tpu.memory_space<vmem>> -> memref<1x1x128xi32, #tpu.memory_space<vmem>>
        %dma_start3A_369 = tpu.memref_squeeze %dma_start3A_368 : memref<1x1x128xi32, #tpu.memory_space<vmem>> -> memref<128xi32, #tpu.memory_space<vmem>>
        %dma_start3A_370 = arith.constant 0 : i32
        %dma_start3A_371 = arith.constant 0 : i32
        %dma_start3A_372 = tpu.memref_slice %arg11[%dma_start3A_370, %dma_start3A_371] : memref<10240x128xf32, #tpu.memory_space<vmem_shared>> -> memref<10240x128xf32, #tpu.memory_space<vmem_shared>>
        tpu.enqueue_indirect_dma source(%arg9 : memref<128x128xf32, #tpu.memory_space<vmem>>) target(%dma_start3A_372 : memref<10240x128xf32, #tpu.memory_space<vmem_shared>>) offsets(%dma_start3A_369 : memref<128xi32, #tpu.memory_space<vmem>>) semaphore(%run_scoped3A_366 : memref<!tpu.dma_semaphore, #tpu.memory_space<semaphore_mem>>) {add = true}
        %dma_wait3A_373 = arith.constant 0 : i32
        %dma_wait3A_374 = tpu.memref_slice %arg8[%run_scoped3A, %run_scoped3A_69, %dma_wait3A_373] : memref<2x8x128xi32, #tpu.memory_space<vmem>> -> memref<1x1x128xi32, #tpu.memory_space<vmem>>
        %dma_wait3A_375 = tpu.memref_squeeze %dma_wait3A_374 : memref<1x1x128xi32, #tpu.memory_space<vmem>> -> memref<128xi32, #tpu.memory_space<vmem>>
        %dma_wait3A_376 = arith.constant 0 : i32
        %dma_wait3A_377 = arith.constant 0 : i32
        %dma_wait3A_378 = tpu.memref_slice %arg11[%dma_wait3A_376, %dma_wait3A_377] : memref<10240x128xf32, #tpu.memory_space<vmem_shared>> -> memref<10240x128xf32, #tpu.memory_space<vmem_shared>>
        tpu.wait_indirect_dma semaphore(%run_scoped3A_366 : memref<!tpu.dma_semaphore, #tpu.memory_space<semaphore_mem>>) src(%arg9 : memref<128x128xf32, #tpu.memory_space<vmem>>) dst(%dma_wait3A_378 : memref<10240x128xf32, #tpu.memory_space<vmem_shared>>)
        tpu.yield
      }) : () -> ()
      %mul3A_70 = arith.constant 8 : i32
      %mul3A_71 = arith.muli %add3A_34, %mul3A_70 : i32
      %add3A_72 = arith.constant 1 : i32
      %add3A_73 = arith.addi %mul3A_71, %add3A_72 : i32
      %add3A_74 = arith.constant 1 : i32
      %add3A_75 = arith.addi %add3A_73, %add3A_74 : i32
      %lt3A_76 = arith.constant 80 : i32
      %lt3A_77 = arith.cmpi slt, %add3A_75, %lt3A_76 : i32
      %convert_element_type3A_78 = arith.extui %lt3A_77 : i1 to i32
      %cond3A_79 = arith.constant 0 : i32
      %cond3A_80 = arith.cmpi ne, %convert_element_type3A_78, %cond3A_79 : i32
      scf.if %cond3A_80 {
        %add3A_366 = arith.constant 1 : i32
        %add3A_367 = arith.addi %add3A_73, %add3A_366 : i32
        %mul3A_368 = arith.constant 128 : i32
        %mul3A_369 = arith.muli %add3A_367, %mul3A_368 : i32
        %dma_start3A_370 = tpu.memref_slice %arg7[%mul3A_369] : memref<10240xi32, #tpu.memory_space<vmem>> -> memref<128xi32, #tpu.memory_space<vmem>>
        %dma_start3A_371 = arith.constant 0 : i32
        %dma_start3A_372 = arith.constant 0 : i32
        %dma_start3A_373 = tpu.memref_slice %arg2[%dma_start3A_371, %dma_start3A_372] : memref<10240x128xf32, #tpu.memory_space<hbm>> -> memref<10240x128xf32, #tpu.memory_space<hbm>>
        tpu.enqueue_indirect_dma source(%dma_start3A_373 : memref<10240x128xf32, #tpu.memory_space<hbm>>) target(%arg9 : memref<128x128xf32, #tpu.memory_space<vmem>>) offsets(%dma_start3A_370 : memref<128xi32, #tpu.memory_space<vmem>>) semaphore(%arg12 : memref<!tpu.dma_semaphore, #tpu.memory_space<semaphore_mem>>)
      } else {
      }
      %dma_wait3A_81 = arith.constant 0 : i32
      %dma_wait3A_82 = tpu.memref_slice %arg7[%dma_wait3A_81] : memref<10240xi32, #tpu.memory_space<vmem>> -> memref<128xi32, #tpu.memory_space<vmem>>
      %dma_wait3A_83 = arith.constant 0 : i32
      %dma_wait3A_84 = arith.constant 0 : i32
      %dma_wait3A_85 = tpu.memref_slice %arg2[%dma_wait3A_83, %dma_wait3A_84] : memref<10240x128xf32, #tpu.memory_space<hbm>> -> memref<10240x128xf32, #tpu.memory_space<hbm>>
      tpu.wait_indirect_dma semaphore(%arg13 : memref<!tpu.dma_semaphore, #tpu.memory_space<semaphore_mem>>) src(%dma_wait3A_85 : memref<10240x128xf32, #tpu.memory_space<hbm>>) dst(%arg10 : memref<128x128xf32, #tpu.memory_space<vmem>>)
      %run_scoped3A_86 = arith.constant 0 : i32
      %run_scoped3A_87 = arith.constant 1 : i32
      "tpu.region"() ({
        %run_scoped3A_366 = tpu.sem_alloc : memref<!tpu.dma_semaphore, #tpu.memory_space<semaphore_mem>>
        %dma_start3A_367 = arith.constant 0 : i32
        %dma_start3A_368 = tpu.memref_slice %arg8[%run_scoped3A_86, %run_scoped3A_87, %dma_start3A_367] : memref<2x8x128xi32, #tpu.memory_space<vmem>> -> memref<1x1x128xi32, #tpu.memory_space<vmem>>
        %dma_start3A_369 = tpu.memref_squeeze %dma_start3A_368 : memref<1x1x128xi32, #tpu.memory_space<vmem>> -> memref<128xi32, #tpu.memory_space<vmem>>
        %dma_start3A_370 = arith.constant 0 : i32
        %dma_start3A_371 = arith.constant 0 : i32
        %dma_start3A_372 = tpu.memref_slice %arg11[%dma_start3A_370, %dma_start3A_371] : memref<10240x128xf32, #tpu.memory_space<vmem_shared>> -> memref<10240x128xf32, #tpu.memory_space<vmem_shared>>
        tpu.enqueue_indirect_dma source(%arg10 : memref<128x128xf32, #tpu.memory_space<vmem>>) target(%dma_start3A_372 : memref<10240x128xf32, #tpu.memory_space<vmem_shared>>) offsets(%dma_start3A_369 : memref<128xi32, #tpu.memory_space<vmem>>) semaphore(%run_scoped3A_366 : memref<!tpu.dma_semaphore, #tpu.memory_space<semaphore_mem>>) {add = true}
        %dma_wait3A_373 = arith.constant 0 : i32
        %dma_wait3A_374 = tpu.memref_slice %arg8[%run_scoped3A_86, %run_scoped3A_87, %dma_wait3A_373] : memref<2x8x128xi32, #tpu.memory_space<vmem>> -> memref<1x1x128xi32, #tpu.memory_space<vmem>>
        %dma_wait3A_375 = tpu.memref_squeeze %dma_wait3A_374 : memref<1x1x128xi32, #tpu.memory_space<vmem>> -> memref<128xi32, #tpu.memory_space<vmem>>
        %dma_wait3A_376 = arith.constant 0 : i32
        %dma_wait3A_377 = arith.constant 0 : i32
        %dma_wait3A_378 = tpu.memref_slice %arg11[%dma_wait3A_376, %dma_wait3A_377] : memref<10240x128xf32, #tpu.memory_space<vmem_shared>> -> memref<10240x128xf32, #tpu.memory_space<vmem_shared>>
        tpu.wait_indirect_dma semaphore(%run_scoped3A_366 : memref<!tpu.dma_semaphore, #tpu.memory_space<semaphore_mem>>) src(%arg10 : memref<128x128xf32, #tpu.memory_space<vmem>>) dst(%dma_wait3A_378 : memref<10240x128xf32, #tpu.memory_space<vmem_shared>>)
        tpu.yield
      }) : () -> ()
      %mul3A_88 = arith.constant 8 : i32
      %mul3A_89 = arith.muli %add3A_34, %mul3A_88 : i32
      %add3A_90 = arith.constant 2 : i32
      %add3A_91 = arith.addi %mul3A_89, %add3A_90 : i32
      %add3A_92 = arith.constant 1 : i32
      %add3A_93 = arith.addi %add3A_91, %add3A_92 : i32
      %lt3A_94 = arith.constant 80 : i32
      %lt3A_95 = arith.cmpi slt, %add3A_93, %lt3A_94 : i32
      %convert_element_type3A_96 = arith.extui %lt3A_95 : i1 to i32
      %cond3A_97 = arith.constant 0 : i32
      %cond3A_98 = arith.cmpi ne, %convert_element_type3A_96, %cond3A_97 : i32
      scf.if %cond3A_98 {
        %add3A_366 = arith.constant 1 : i32
        %add3A_367 = arith.addi %add3A_91, %add3A_366 : i32
        %mul3A_368 = arith.constant 128 : i32
        %mul3A_369 = arith.muli %add3A_367, %mul3A_368 : i32
        %dma_start3A_370 = tpu.memref_slice %arg7[%mul3A_369] : memref<10240xi32, #tpu.memory_space<vmem>> -> memref<128xi32, #tpu.memory_space<vmem>>
        %dma_start3A_371 = arith.constant 0 : i32
        %dma_start3A_372 = arith.constant 0 : i32
        %dma_start3A_373 = tpu.memref_slice %arg2[%dma_start3A_371, %dma_start3A_372] : memref<10240x128xf32, #tpu.memory_space<hbm>> -> memref<10240x128xf32, #tpu.memory_space<hbm>>
        tpu.enqueue_indirect_dma source(%dma_start3A_373 : memref<10240x128xf32, #tpu.memory_space<hbm>>) target(%arg10 : memref<128x128xf32, #tpu.memory_space<vmem>>) offsets(%dma_start3A_370 : memref<128xi32, #tpu.memory_space<vmem>>) semaphore(%arg13 : memref<!tpu.dma_semaphore, #tpu.memory_space<semaphore_mem>>)
      } else {
      }
      %dma_wait3A_99 = arith.constant 0 : i32
      %dma_wait3A_100 = tpu.memref_slice %arg7[%dma_wait3A_99] : memref<10240xi32, #tpu.memory_space<vmem>> -> memref<128xi32, #tpu.memory_space<vmem>>
      %dma_wait3A_101 = arith.constant 0 : i32
      %dma_wait3A_102 = arith.constant 0 : i32
      %dma_wait3A_103 = tpu.memref_slice %arg2[%dma_wait3A_101, %dma_wait3A_102] : memref<10240x128xf32, #tpu.memory_space<hbm>> -> memref<10240x128xf32, #tpu.memory_space<hbm>>
      tpu.wait_indirect_dma semaphore(%arg12 : memref<!tpu.dma_semaphore, #tpu.memory_space<semaphore_mem>>) src(%dma_wait3A_103 : memref<10240x128xf32, #tpu.memory_space<hbm>>) dst(%arg9 : memref<128x128xf32, #tpu.memory_space<vmem>>)
      %run_scoped3A_104 = arith.constant 0 : i32
      %run_scoped3A_105 = arith.constant 2 : i32
      "tpu.region"() ({
        %run_scoped3A_366 = tpu.sem_alloc : memref<!tpu.dma_semaphore, #tpu.memory_space<semaphore_mem>>
        %dma_start3A_367 = arith.constant 0 : i32
        %dma_start3A_368 = tpu.memref_slice %arg8[%run_scoped3A_104, %run_scoped3A_105, %dma_start3A_367] : memref<2x8x128xi32, #tpu.memory_space<vmem>> -> memref<1x1x128xi32, #tpu.memory_space<vmem>>
        %dma_start3A_369 = tpu.memref_squeeze %dma_start3A_368 : memref<1x1x128xi32, #tpu.memory_space<vmem>> -> memref<128xi32, #tpu.memory_space<vmem>>
        %dma_start3A_370 = arith.constant 0 : i32
        %dma_start3A_371 = arith.constant 0 : i32
        %dma_start3A_372 = tpu.memref_slice %arg11[%dma_start3A_370, %dma_start3A_371] : memref<10240x128xf32, #tpu.memory_space<vmem_shared>> -> memref<10240x128xf32, #tpu.memory_space<vmem_shared>>
        tpu.enqueue_indirect_dma source(%arg9 : memref<128x128xf32, #tpu.memory_space<vmem>>) target(%dma_start3A_372 : memref<10240x128xf32, #tpu.memory_space<vmem_shared>>) offsets(%dma_start3A_369 : memref<128xi32, #tpu.memory_space<vmem>>) semaphore(%run_scoped3A_366 : memref<!tpu.dma_semaphore, #tpu.memory_space<semaphore_mem>>) {add = true}
        %dma_wait3A_373 = arith.constant 0 : i32
        %dma_wait3A_374 = tpu.memref_slice %arg8[%run_scoped3A_104, %run_scoped3A_105, %dma_wait3A_373] : memref<2x8x128xi32, #tpu.memory_space<vmem>> -> memref<1x1x128xi32, #tpu.memory_space<vmem>>
        %dma_wait3A_375 = tpu.memref_squeeze %dma_wait3A_374 : memref<1x1x128xi32, #tpu.memory_space<vmem>> -> memref<128xi32, #tpu.memory_space<vmem>>
        %dma_wait3A_376 = arith.constant 0 : i32
        %dma_wait3A_377 = arith.constant 0 : i32
        %dma_wait3A_378 = tpu.memref_slice %arg11[%dma_wait3A_376, %dma_wait3A_377] : memref<10240x128xf32, #tpu.memory_space<vmem_shared>> -> memref<10240x128xf32, #tpu.memory_space<vmem_shared>>
        tpu.wait_indirect_dma semaphore(%run_scoped3A_366 : memref<!tpu.dma_semaphore, #tpu.memory_space<semaphore_mem>>) src(%arg9 : memref<128x128xf32, #tpu.memory_space<vmem>>) dst(%dma_wait3A_378 : memref<10240x128xf32, #tpu.memory_space<vmem_shared>>)
        tpu.yield
      }) : () -> ()
      %mul3A_106 = arith.constant 8 : i32
      %mul3A_107 = arith.muli %add3A_34, %mul3A_106 : i32
      %add3A_108 = arith.constant 3 : i32
      %add3A_109 = arith.addi %mul3A_107, %add3A_108 : i32
      %add3A_110 = arith.constant 1 : i32
      %add3A_111 = arith.addi %add3A_109, %add3A_110 : i32
      %lt3A_112 = arith.constant 80 : i32
      %lt3A_113 = arith.cmpi slt, %add3A_111, %lt3A_112 : i32
      %convert_element_type3A_114 = arith.extui %lt3A_113 : i1 to i32
      %cond3A_115 = arith.constant 0 : i32
      %cond3A_116 = arith.cmpi ne, %convert_element_type3A_114, %cond3A_115 : i32
      scf.if %cond3A_116 {
        %add3A_366 = arith.constant 1 : i32
        %add3A_367 = arith.addi %add3A_109, %add3A_366 : i32
        %mul3A_368 = arith.constant 128 : i32
        %mul3A_369 = arith.muli %add3A_367, %mul3A_368 : i32
        %dma_start3A_370 = tpu.memref_slice %arg7[%mul3A_369] : memref<10240xi32, #tpu.memory_space<vmem>> -> memref<128xi32, #tpu.memory_space<vmem>>
        %dma_start3A_371 = arith.constant 0 : i32
        %dma_start3A_372 = arith.constant 0 : i32
        %dma_start3A_373 = tpu.memref_slice %arg2[%dma_start3A_371, %dma_start3A_372] : memref<10240x128xf32, #tpu.memory_space<hbm>> -> memref<10240x128xf32, #tpu.memory_space<hbm>>
        tpu.enqueue_indirect_dma source(%dma_start3A_373 : memref<10240x128xf32, #tpu.memory_space<hbm>>) target(%arg9 : memref<128x128xf32, #tpu.memory_space<vmem>>) offsets(%dma_start3A_370 : memref<128xi32, #tpu.memory_space<vmem>>) semaphore(%arg12 : memref<!tpu.dma_semaphore, #tpu.memory_space<semaphore_mem>>)
      } else {
      }
      %dma_wait3A_117 = arith.constant 0 : i32
      %dma_wait3A_118 = tpu.memref_slice %arg7[%dma_wait3A_117] : memref<10240xi32, #tpu.memory_space<vmem>> -> memref<128xi32, #tpu.memory_space<vmem>>
      %dma_wait3A_119 = arith.constant 0 : i32
      %dma_wait3A_120 = arith.constant 0 : i32
      %dma_wait3A_121 = tpu.memref_slice %arg2[%dma_wait3A_119, %dma_wait3A_120] : memref<10240x128xf32, #tpu.memory_space<hbm>> -> memref<10240x128xf32, #tpu.memory_space<hbm>>
      tpu.wait_indirect_dma semaphore(%arg13 : memref<!tpu.dma_semaphore, #tpu.memory_space<semaphore_mem>>) src(%dma_wait3A_121 : memref<10240x128xf32, #tpu.memory_space<hbm>>) dst(%arg10 : memref<128x128xf32, #tpu.memory_space<vmem>>)
      %run_scoped3A_122 = arith.constant 0 : i32
      %run_scoped3A_123 = arith.constant 3 : i32
      "tpu.region"() ({
        %run_scoped3A_366 = tpu.sem_alloc : memref<!tpu.dma_semaphore, #tpu.memory_space<semaphore_mem>>
        %dma_start3A_367 = arith.constant 0 : i32
        %dma_start3A_368 = tpu.memref_slice %arg8[%run_scoped3A_122, %run_scoped3A_123, %dma_start3A_367] : memref<2x8x128xi32, #tpu.memory_space<vmem>> -> memref<1x1x128xi32, #tpu.memory_space<vmem>>
        %dma_start3A_369 = tpu.memref_squeeze %dma_start3A_368 : memref<1x1x128xi32, #tpu.memory_space<vmem>> -> memref<128xi32, #tpu.memory_space<vmem>>
        %dma_start3A_370 = arith.constant 0 : i32
        %dma_start3A_371 = arith.constant 0 : i32
        %dma_start3A_372 = tpu.memref_slice %arg11[%dma_start3A_370, %dma_start3A_371] : memref<10240x128xf32, #tpu.memory_space<vmem_shared>> -> memref<10240x128xf32, #tpu.memory_space<vmem_shared>>
        tpu.enqueue_indirect_dma source(%arg10 : memref<128x128xf32, #tpu.memory_space<vmem>>) target(%dma_start3A_372 : memref<10240x128xf32, #tpu.memory_space<vmem_shared>>) offsets(%dma_start3A_369 : memref<128xi32, #tpu.memory_space<vmem>>) semaphore(%run_scoped3A_366 : memref<!tpu.dma_semaphore, #tpu.memory_space<semaphore_mem>>) {add = true}
        %dma_wait3A_373 = arith.constant 0 : i32
        %dma_wait3A_374 = tpu.memref_slice %arg8[%run_scoped3A_122, %run_scoped3A_123, %dma_wait3A_373] : memref<2x8x128xi32, #tpu.memory_space<vmem>> -> memref<1x1x128xi32, #tpu.memory_space<vmem>>
        %dma_wait3A_375 = tpu.memref_squeeze %dma_wait3A_374 : memref<1x1x128xi32, #tpu.memory_space<vmem>> -> memref<128xi32, #tpu.memory_space<vmem>>
        %dma_wait3A_376 = arith.constant 0 : i32
        %dma_wait3A_377 = arith.constant 0 : i32
        %dma_wait3A_378 = tpu.memref_slice %arg11[%dma_wait3A_376, %dma_wait3A_377] : memref<10240x128xf32, #tpu.memory_space<vmem_shared>> -> memref<10240x128xf32, #tpu.memory_space<vmem_shared>>
        tpu.wait_indirect_dma semaphore(%run_scoped3A_366 : memref<!tpu.dma_semaphore, #tpu.memory_space<semaphore_mem>>) src(%arg10 : memref<128x128xf32, #tpu.memory_space<vmem>>) dst(%dma_wait3A_378 : memref<10240x128xf32, #tpu.memory_space<vmem_shared>>)
        tpu.yield
      }) : () -> ()
      %mul3A_124 = arith.constant 8 : i32
      %mul3A_125 = arith.muli %add3A_34, %mul3A_124 : i32
      %add3A_126 = arith.constant 4 : i32
      %add3A_127 = arith.addi %mul3A_125, %add3A_126 : i32
      %add3A_128 = arith.constant 1 : i32
      %add3A_129 = arith.addi %add3A_127, %add3A_128 : i32
      %lt3A_130 = arith.constant 80 : i32
      %lt3A_131 = arith.cmpi slt, %add3A_129, %lt3A_130 : i32
      %convert_element_type3A_132 = arith.extui %lt3A_131 : i1 to i32
      %cond3A_133 = arith.constant 0 : i32
      %cond3A_134 = arith.cmpi ne, %convert_element_type3A_132, %cond3A_133 : i32
      scf.if %cond3A_134 {
        %add3A_366 = arith.constant 1 : i32
        %add3A_367 = arith.addi %add3A_127, %add3A_366 : i32
        %mul3A_368 = arith.constant 128 : i32
        %mul3A_369 = arith.muli %add3A_367, %mul3A_368 : i32
        %dma_start3A_370 = tpu.memref_slice %arg7[%mul3A_369] : memref<10240xi32, #tpu.memory_space<vmem>> -> memref<128xi32, #tpu.memory_space<vmem>>
        %dma_start3A_371 = arith.constant 0 : i32
        %dma_start3A_372 = arith.constant 0 : i32
        %dma_start3A_373 = tpu.memref_slice %arg2[%dma_start3A_371, %dma_start3A_372] : memref<10240x128xf32, #tpu.memory_space<hbm>> -> memref<10240x128xf32, #tpu.memory_space<hbm>>
        tpu.enqueue_indirect_dma source(%dma_start3A_373 : memref<10240x128xf32, #tpu.memory_space<hbm>>) target(%arg10 : memref<128x128xf32, #tpu.memory_space<vmem>>) offsets(%dma_start3A_370 : memref<128xi32, #tpu.memory_space<vmem>>) semaphore(%arg13 : memref<!tpu.dma_semaphore, #tpu.memory_space<semaphore_mem>>)
      } else {
      }
      %dma_wait3A_135 = arith.constant 0 : i32
      %dma_wait3A_136 = tpu.memref_slice %arg7[%dma_wait3A_135] : memref<10240xi32, #tpu.memory_space<vmem>> -> memref<128xi32, #tpu.memory_space<vmem>>
      %dma_wait3A_137 = arith.constant 0 : i32
      %dma_wait3A_138 = arith.constant 0 : i32
      %dma_wait3A_139 = tpu.memref_slice %arg2[%dma_wait3A_137, %dma_wait3A_138] : memref<10240x128xf32, #tpu.memory_space<hbm>> -> memref<10240x128xf32, #tpu.memory_space<hbm>>
      tpu.wait_indirect_dma semaphore(%arg12 : memref<!tpu.dma_semaphore, #tpu.memory_space<semaphore_mem>>) src(%dma_wait3A_139 : memref<10240x128xf32, #tpu.memory_space<hbm>>) dst(%arg9 : memref<128x128xf32, #tpu.memory_space<vmem>>)
      %run_scoped3A_140 = arith.constant 0 : i32
      %run_scoped3A_141 = arith.constant 4 : i32
      "tpu.region"() ({
        %run_scoped3A_366 = tpu.sem_alloc : memref<!tpu.dma_semaphore, #tpu.memory_space<semaphore_mem>>
        %dma_start3A_367 = arith.constant 0 : i32
        %dma_start3A_368 = tpu.memref_slice %arg8[%run_scoped3A_140, %run_scoped3A_141, %dma_start3A_367] : memref<2x8x128xi32, #tpu.memory_space<vmem>> -> memref<1x1x128xi32, #tpu.memory_space<vmem>>
        %dma_start3A_369 = tpu.memref_squeeze %dma_start3A_368 : memref<1x1x128xi32, #tpu.memory_space<vmem>> -> memref<128xi32, #tpu.memory_space<vmem>>
        %dma_start3A_370 = arith.constant 0 : i32
        %dma_start3A_371 = arith.constant 0 : i32
        %dma_start3A_372 = tpu.memref_slice %arg11[%dma_start3A_370, %dma_start3A_371] : memref<10240x128xf32, #tpu.memory_space<vmem_shared>> -> memref<10240x128xf32, #tpu.memory_space<vmem_shared>>
        tpu.enqueue_indirect_dma source(%arg9 : memref<128x128xf32, #tpu.memory_space<vmem>>) target(%dma_start3A_372 : memref<10240x128xf32, #tpu.memory_space<vmem_shared>>) offsets(%dma_start3A_369 : memref<128xi32, #tpu.memory_space<vmem>>) semaphore(%run_scoped3A_366 : memref<!tpu.dma_semaphore, #tpu.memory_space<semaphore_mem>>) {add = true}
        %dma_wait3A_373 = arith.constant 0 : i32
        %dma_wait3A_374 = tpu.memref_slice %arg8[%run_scoped3A_140, %run_scoped3A_141, %dma_wait3A_373] : memref<2x8x128xi32, #tpu.memory_space<vmem>> -> memref<1x1x128xi32, #tpu.memory_space<vmem>>
        %dma_wait3A_375 = tpu.memref_squeeze %dma_wait3A_374 : memref<1x1x128xi32, #tpu.memory_space<vmem>> -> memref<128xi32, #tpu.memory_space<vmem>>
        %dma_wait3A_376 = arith.constant 0 : i32
        %dma_wait3A_377 = arith.constant 0 : i32
        %dma_wait3A_378 = tpu.memref_slice %arg11[%dma_wait3A_376, %dma_wait3A_377] : memref<10240x128xf32, #tpu.memory_space<vmem_shared>> -> memref<10240x128xf32, #tpu.memory_space<vmem_shared>>
        tpu.wait_indirect_dma semaphore(%run_scoped3A_366 : memref<!tpu.dma_semaphore, #tpu.memory_space<semaphore_mem>>) src(%arg9 : memref<128x128xf32, #tpu.memory_space<vmem>>) dst(%dma_wait3A_378 : memref<10240x128xf32, #tpu.memory_space<vmem_shared>>)
        tpu.yield
      }) : () -> ()
      %mul3A_142 = arith.constant 8 : i32
      %mul3A_143 = arith.muli %add3A_34, %mul3A_142 : i32
      %add3A_144 = arith.constant 5 : i32
      %add3A_145 = arith.addi %mul3A_143, %add3A_144 : i32
      %add3A_146 = arith.constant 1 : i32
      %add3A_147 = arith.addi %add3A_145, %add3A_146 : i32
      %lt3A_148 = arith.constant 80 : i32
      %lt3A_149 = arith.cmpi slt, %add3A_147, %lt3A_148 : i32
      %convert_element_type3A_150 = arith.extui %lt3A_149 : i1 to i32
      %cond3A_151 = arith.constant 0 : i32
      %cond3A_152 = arith.cmpi ne, %convert_element_type3A_150, %cond3A_151 : i32
      scf.if %cond3A_152 {
        %add3A_366 = arith.constant 1 : i32
        %add3A_367 = arith.addi %add3A_145, %add3A_366 : i32
        %mul3A_368 = arith.constant 128 : i32
        %mul3A_369 = arith.muli %add3A_367, %mul3A_368 : i32
        %dma_start3A_370 = tpu.memref_slice %arg7[%mul3A_369] : memref<10240xi32, #tpu.memory_space<vmem>> -> memref<128xi32, #tpu.memory_space<vmem>>
        %dma_start3A_371 = arith.constant 0 : i32
        %dma_start3A_372 = arith.constant 0 : i32
        %dma_start3A_373 = tpu.memref_slice %arg2[%dma_start3A_371, %dma_start3A_372] : memref<10240x128xf32, #tpu.memory_space<hbm>> -> memref<10240x128xf32, #tpu.memory_space<hbm>>
        tpu.enqueue_indirect_dma source(%dma_start3A_373 : memref<10240x128xf32, #tpu.memory_space<hbm>>) target(%arg9 : memref<128x128xf32, #tpu.memory_space<vmem>>) offsets(%dma_start3A_370 : memref<128xi32, #tpu.memory_space<vmem>>) semaphore(%arg12 : memref<!tpu.dma_semaphore, #tpu.memory_space<semaphore_mem>>)
      } else {
      }
      %dma_wait3A_153 = arith.constant 0 : i32
      %dma_wait3A_154 = tpu.memref_slice %arg7[%dma_wait3A_153] : memref<10240xi32, #tpu.memory_space<vmem>> -> memref<128xi32, #tpu.memory_space<vmem>>
      %dma_wait3A_155 = arith.constant 0 : i32
      %dma_wait3A_156 = arith.constant 0 : i32
      %dma_wait3A_157 = tpu.memref_slice %arg2[%dma_wait3A_155, %dma_wait3A_156] : memref<10240x128xf32, #tpu.memory_space<hbm>> -> memref<10240x128xf32, #tpu.memory_space<hbm>>
      tpu.wait_indirect_dma semaphore(%arg13 : memref<!tpu.dma_semaphore, #tpu.memory_space<semaphore_mem>>) src(%dma_wait3A_157 : memref<10240x128xf32, #tpu.memory_space<hbm>>) dst(%arg10 : memref<128x128xf32, #tpu.memory_space<vmem>>)
      %run_scoped3A_158 = arith.constant 0 : i32
      %run_scoped3A_159 = arith.constant 5 : i32
      "tpu.region"() ({
        %run_scoped3A_366 = tpu.sem_alloc : memref<!tpu.dma_semaphore, #tpu.memory_space<semaphore_mem>>
        %dma_start3A_367 = arith.constant 0 : i32
        %dma_start3A_368 = tpu.memref_slice %arg8[%run_scoped3A_158, %run_scoped3A_159, %dma_start3A_367] : memref<2x8x128xi32, #tpu.memory_space<vmem>> -> memref<1x1x128xi32, #tpu.memory_space<vmem>>
        %dma_start3A_369 = tpu.memref_squeeze %dma_start3A_368 : memref<1x1x128xi32, #tpu.memory_space<vmem>> -> memref<128xi32, #tpu.memory_space<vmem>>
        %dma_start3A_370 = arith.constant 0 : i32
        %dma_start3A_371 = arith.constant 0 : i32
        %dma_start3A_372 = tpu.memref_slice %arg11[%dma_start3A_370, %dma_start3A_371] : memref<10240x128xf32, #tpu.memory_space<vmem_shared>> -> memref<10240x128xf32, #tpu.memory_space<vmem_shared>>
        tpu.enqueue_indirect_dma source(%arg10 : memref<128x128xf32, #tpu.memory_space<vmem>>) target(%dma_start3A_372 : memref<10240x128xf32, #tpu.memory_space<vmem_shared>>) offsets(%dma_start3A_369 : memref<128xi32, #tpu.memory_space<vmem>>) semaphore(%run_scoped3A_366 : memref<!tpu.dma_semaphore, #tpu.memory_space<semaphore_mem>>) {add = true}
        %dma_wait3A_373 = arith.constant 0 : i32
        %dma_wait3A_374 = tpu.memref_slice %arg8[%run_scoped3A_158, %run_scoped3A_159, %dma_wait3A_373] : memref<2x8x128xi32, #tpu.memory_space<vmem>> -> memref<1x1x128xi32, #tpu.memory_space<vmem>>
        %dma_wait3A_375 = tpu.memref_squeeze %dma_wait3A_374 : memref<1x1x128xi32, #tpu.memory_space<vmem>> -> memref<128xi32, #tpu.memory_space<vmem>>
        %dma_wait3A_376 = arith.constant 0 : i32
        %dma_wait3A_377 = arith.constant 0 : i32
        %dma_wait3A_378 = tpu.memref_slice %arg11[%dma_wait3A_376, %dma_wait3A_377] : memref<10240x128xf32, #tpu.memory_space<vmem_shared>> -> memref<10240x128xf32, #tpu.memory_space<vmem_shared>>
        tpu.wait_indirect_dma semaphore(%run_scoped3A_366 : memref<!tpu.dma_semaphore, #tpu.memory_space<semaphore_mem>>) src(%arg10 : memref<128x128xf32, #tpu.memory_space<vmem>>) dst(%dma_wait3A_378 : memref<10240x128xf32, #tpu.memory_space<vmem_shared>>)
        tpu.yield
      }) : () -> ()
      %mul3A_160 = arith.constant 8 : i32
      %mul3A_161 = arith.muli %add3A_34, %mul3A_160 : i32
      %add3A_162 = arith.constant 6 : i32
      %add3A_163 = arith.addi %mul3A_161, %add3A_162 : i32
      %add3A_164 = arith.constant 1 : i32
      %add3A_165 = arith.addi %add3A_163, %add3A_164 : i32
      %lt3A_166 = arith.constant 80 : i32
      %lt3A_167 = arith.cmpi slt, %add3A_165, %lt3A_166 : i32
      %convert_element_type3A_168 = arith.extui %lt3A_167 : i1 to i32
      %cond3A_169 = arith.constant 0 : i32
      %cond3A_170 = arith.cmpi ne, %convert_element_type3A_168, %cond3A_169 : i32
      scf.if %cond3A_170 {
        %add3A_366 = arith.constant 1 : i32
        %add3A_367 = arith.addi %add3A_163, %add3A_366 : i32
        %mul3A_368 = arith.constant 128 : i32
        %mul3A_369 = arith.muli %add3A_367, %mul3A_368 : i32
        %dma_start3A_370 = tpu.memref_slice %arg7[%mul3A_369] : memref<10240xi32, #tpu.memory_space<vmem>> -> memref<128xi32, #tpu.memory_space<vmem>>
        %dma_start3A_371 = arith.constant 0 : i32
        %dma_start3A_372 = arith.constant 0 : i32
        %dma_start3A_373 = tpu.memref_slice %arg2[%dma_start3A_371, %dma_start3A_372] : memref<10240x128xf32, #tpu.memory_space<hbm>> -> memref<10240x128xf32, #tpu.memory_space<hbm>>
        tpu.enqueue_indirect_dma source(%dma_start3A_373 : memref<10240x128xf32, #tpu.memory_space<hbm>>) target(%arg10 : memref<128x128xf32, #tpu.memory_space<vmem>>) offsets(%dma_start3A_370 : memref<128xi32, #tpu.memory_space<vmem>>) semaphore(%arg13 : memref<!tpu.dma_semaphore, #tpu.memory_space<semaphore_mem>>)
      } else {
      }
      %dma_wait3A_171 = arith.constant 0 : i32
      %dma_wait3A_172 = tpu.memref_slice %arg7[%dma_wait3A_171] : memref<10240xi32, #tpu.memory_space<vmem>> -> memref<128xi32, #tpu.memory_space<vmem>>
      %dma_wait3A_173 = arith.constant 0 : i32
      %dma_wait3A_174 = arith.constant 0 : i32
      %dma_wait3A_175 = tpu.memref_slice %arg2[%dma_wait3A_173, %dma_wait3A_174] : memref<10240x128xf32, #tpu.memory_space<hbm>> -> memref<10240x128xf32, #tpu.memory_space<hbm>>
      tpu.wait_indirect_dma semaphore(%arg12 : memref<!tpu.dma_semaphore, #tpu.memory_space<semaphore_mem>>) src(%dma_wait3A_175 : memref<10240x128xf32, #tpu.memory_space<hbm>>) dst(%arg9 : memref<128x128xf32, #tpu.memory_space<vmem>>)
      %run_scoped3A_176 = arith.constant 0 : i32
      %run_scoped3A_177 = arith.constant 6 : i32
      "tpu.region"() ({
        %run_scoped3A_366 = tpu.sem_alloc : memref<!tpu.dma_semaphore, #tpu.memory_space<semaphore_mem>>
        %dma_start3A_367 = arith.constant 0 : i32
        %dma_start3A_368 = tpu.memref_slice %arg8[%run_scoped3A_176, %run_scoped3A_177, %dma_start3A_367] : memref<2x8x128xi32, #tpu.memory_space<vmem>> -> memref<1x1x128xi32, #tpu.memory_space<vmem>>
        %dma_start3A_369 = tpu.memref_squeeze %dma_start3A_368 : memref<1x1x128xi32, #tpu.memory_space<vmem>> -> memref<128xi32, #tpu.memory_space<vmem>>
        %dma_start3A_370 = arith.constant 0 : i32
        %dma_start3A_371 = arith.constant 0 : i32
        %dma_start3A_372 = tpu.memref_slice %arg11[%dma_start3A_370, %dma_start3A_371] : memref<10240x128xf32, #tpu.memory_space<vmem_shared>> -> memref<10240x128xf32, #tpu.memory_space<vmem_shared>>
        tpu.enqueue_indirect_dma source(%arg9 : memref<128x128xf32, #tpu.memory_space<vmem>>) target(%dma_start3A_372 : memref<10240x128xf32, #tpu.memory_space<vmem_shared>>) offsets(%dma_start3A_369 : memref<128xi32, #tpu.memory_space<vmem>>) semaphore(%run_scoped3A_366 : memref<!tpu.dma_semaphore, #tpu.memory_space<semaphore_mem>>) {add = true}
        %dma_wait3A_373 = arith.constant 0 : i32
        %dma_wait3A_374 = tpu.memref_slice %arg8[%run_scoped3A_176, %run_scoped3A_177, %dma_wait3A_373] : memref<2x8x128xi32, #tpu.memory_space<vmem>> -> memref<1x1x128xi32, #tpu.memory_space<vmem>>
        %dma_wait3A_375 = tpu.memref_squeeze %dma_wait3A_374 : memref<1x1x128xi32, #tpu.memory_space<vmem>> -> memref<128xi32, #tpu.memory_space<vmem>>
        %dma_wait3A_376 = arith.constant 0 : i32
        %dma_wait3A_377 = arith.constant 0 : i32
        %dma_wait3A_378 = tpu.memref_slice %arg11[%dma_wait3A_376, %dma_wait3A_377] : memref<10240x128xf32, #tpu.memory_space<vmem_shared>> -> memref<10240x128xf32, #tpu.memory_space<vmem_shared>>
        tpu.wait_indirect_dma semaphore(%run_scoped3A_366 : memref<!tpu.dma_semaphore, #tpu.memory_space<semaphore_mem>>) src(%arg9 : memref<128x128xf32, #tpu.memory_space<vmem>>) dst(%dma_wait3A_378 : memref<10240x128xf32, #tpu.memory_space<vmem_shared>>)
        tpu.yield
      }) : () -> ()
      %mul3A_178 = arith.constant 8 : i32
      %mul3A_179 = arith.muli %add3A_34, %mul3A_178 : i32
      %add3A_180 = arith.constant 7 : i32
      %add3A_181 = arith.addi %mul3A_179, %add3A_180 : i32
      %add3A_182 = arith.constant 1 : i32
      %add3A_183 = arith.addi %add3A_181, %add3A_182 : i32
      %lt3A_184 = arith.constant 80 : i32
      %lt3A_185 = arith.cmpi slt, %add3A_183, %lt3A_184 : i32
      %convert_element_type3A_186 = arith.extui %lt3A_185 : i1 to i32
      %cond3A_187 = arith.constant 0 : i32
      %cond3A_188 = arith.cmpi ne, %convert_element_type3A_186, %cond3A_187 : i32
      scf.if %cond3A_188 {
        %add3A_366 = arith.constant 1 : i32
        %add3A_367 = arith.addi %add3A_181, %add3A_366 : i32
        %mul3A_368 = arith.constant 128 : i32
        %mul3A_369 = arith.muli %add3A_367, %mul3A_368 : i32
        %dma_start3A_370 = tpu.memref_slice %arg7[%mul3A_369] : memref<10240xi32, #tpu.memory_space<vmem>> -> memref<128xi32, #tpu.memory_space<vmem>>
        %dma_start3A_371 = arith.constant 0 : i32
        %dma_start3A_372 = arith.constant 0 : i32
        %dma_start3A_373 = tpu.memref_slice %arg2[%dma_start3A_371, %dma_start3A_372] : memref<10240x128xf32, #tpu.memory_space<hbm>> -> memref<10240x128xf32, #tpu.memory_space<hbm>>
        tpu.enqueue_indirect_dma source(%dma_start3A_373 : memref<10240x128xf32, #tpu.memory_space<hbm>>) target(%arg9 : memref<128x128xf32, #tpu.memory_space<vmem>>) offsets(%dma_start3A_370 : memref<128xi32, #tpu.memory_space<vmem>>) semaphore(%arg12 : memref<!tpu.dma_semaphore, #tpu.memory_space<semaphore_mem>>)
      } else {
      }
      %dma_wait3A_189 = arith.constant 0 : i32
      %dma_wait3A_190 = tpu.memref_slice %arg7[%dma_wait3A_189] : memref<10240xi32, #tpu.memory_space<vmem>> -> memref<128xi32, #tpu.memory_space<vmem>>
      %dma_wait3A_191 = arith.constant 0 : i32
      %dma_wait3A_192 = arith.constant 0 : i32
      %dma_wait3A_193 = tpu.memref_slice %arg2[%dma_wait3A_191, %dma_wait3A_192] : memref<10240x128xf32, #tpu.memory_space<hbm>> -> memref<10240x128xf32, #tpu.memory_space<hbm>>
      tpu.wait_indirect_dma semaphore(%arg13 : memref<!tpu.dma_semaphore, #tpu.memory_space<semaphore_mem>>) src(%dma_wait3A_193 : memref<10240x128xf32, #tpu.memory_space<hbm>>) dst(%arg10 : memref<128x128xf32, #tpu.memory_space<vmem>>)
      %run_scoped3A_194 = arith.constant 0 : i32
      %run_scoped3A_195 = arith.constant 7 : i32
      "tpu.region"() ({
        %run_scoped3A_366 = tpu.sem_alloc : memref<!tpu.dma_semaphore, #tpu.memory_space<semaphore_mem>>
        %dma_start3A_367 = arith.constant 0 : i32
        %dma_start3A_368 = tpu.memref_slice %arg8[%run_scoped3A_194, %run_scoped3A_195, %dma_start3A_367] : memref<2x8x128xi32, #tpu.memory_space<vmem>> -> memref<1x1x128xi32, #tpu.memory_space<vmem>>
        %dma_start3A_369 = tpu.memref_squeeze %dma_start3A_368 : memref<1x1x128xi32, #tpu.memory_space<vmem>> -> memref<128xi32, #tpu.memory_space<vmem>>
        %dma_start3A_370 = arith.constant 0 : i32
        %dma_start3A_371 = arith.constant 0 : i32
        %dma_start3A_372 = tpu.memref_slice %arg11[%dma_start3A_370, %dma_start3A_371] : memref<10240x128xf32, #tpu.memory_space<vmem_shared>> -> memref<10240x128xf32, #tpu.memory_space<vmem_shared>>
        tpu.enqueue_indirect_dma source(%arg10 : memref<128x128xf32, #tpu.memory_space<vmem>>) target(%dma_start3A_372 : memref<10240x128xf32, #tpu.memory_space<vmem_shared>>) offsets(%dma_start3A_369 : memref<128xi32, #tpu.memory_space<vmem>>) semaphore(%run_scoped3A_366 : memref<!tpu.dma_semaphore, #tpu.memory_space<semaphore_mem>>) {add = true}
        %dma_wait3A_373 = arith.constant 0 : i32
        %dma_wait3A_374 = tpu.memref_slice %arg8[%run_scoped3A_194, %run_scoped3A_195, %dma_wait3A_373] : memref<2x8x128xi32, #tpu.memory_space<vmem>> -> memref<1x1x128xi32, #tpu.memory_space<vmem>>
        %dma_wait3A_375 = tpu.memref_squeeze %dma_wait3A_374 : memref<1x1x128xi32, #tpu.memory_space<vmem>> -> memref<128xi32, #tpu.memory_space<vmem>>
        %dma_wait3A_376 = arith.constant 0 : i32
        %dma_wait3A_377 = arith.constant 0 : i32
        %dma_wait3A_378 = tpu.memref_slice %arg11[%dma_wait3A_376, %dma_wait3A_377] : memref<10240x128xf32, #tpu.memory_space<vmem_shared>> -> memref<10240x128xf32, #tpu.memory_space<vmem_shared>>
        tpu.wait_indirect_dma semaphore(%run_scoped3A_366 : memref<!tpu.dma_semaphore, #tpu.memory_space<semaphore_mem>>) src(%arg10 : memref<128x128xf32, #tpu.memory_space<vmem>>) dst(%dma_wait3A_378 : memref<10240x128xf32, #tpu.memory_space<vmem_shared>>)
        tpu.yield
      }) : () -> ()
      %mul3A_196 = arith.constant 2 : i32
      %mul3A_197 = arith.muli %mul3A_196, %scan3A_30 : i32
      %add3A_198 = arith.constant 1 : i32
      %add3A_199 = arith.addi %mul3A_197, %add3A_198 : i32
      %lt3A_200 = arith.constant 9 : i32
      %lt3A_201 = arith.cmpi slt, %add3A_199, %lt3A_200 : i32
      %convert_element_type3A_202 = arith.extui %lt3A_201 : i1 to i32
      %cond3A_203 = arith.constant 0 : i32
      %cond3A_204 = arith.cmpi ne, %convert_element_type3A_202, %cond3A_203 : i32
      scf.if %cond3A_204 {
        %add3A_366 = arith.constant 1 : i32
        %add3A_367 = arith.addi %add3A_199, %add3A_366 : i32
        %mul3A_368 = arith.constant 8 : i32
        %mul3A_369 = arith.muli %add3A_367, %mul3A_368 : i32
        %dma_start3A_370 = arith.constant 0 : i32
        %dma_start3A_371 = arith.constant 0 : i32
        %dma_start3A_372 = arith.constant 0 : i32
        %dma_start3A_373 = tpu.memref_slice %arg8[%dma_start3A_370, %dma_start3A_371, %dma_start3A_372] : memref<2x8x128xi32, #tpu.memory_space<vmem>> -> memref<1x8x128xi32, #tpu.memory_space<vmem>>
        %dma_start3A_374 = tpu.memref_squeeze %dma_start3A_373 : memref<1x8x128xi32, #tpu.memory_space<vmem>> -> memref<8x128xi32, #tpu.memory_space<vmem>>
        %dma_start3A_375 = arith.constant 0 : i32
        %dma_start3A_376 = tpu.memref_slice %arg4[%add3A, %mul3A_369, %dma_start3A_375] : memref<32x80x128xi32, #tpu.memory_space<hbm>> -> memref<1x8x128xi32, #tpu.memory_space<hbm>>
        %dma_start3A_377 = tpu.memref_squeeze %dma_start3A_376 : memref<1x8x128xi32, #tpu.memory_space<hbm>> -> memref<8x128xi32, #tpu.memory_space<hbm>>
        %dma_start3A_378 = arith.constant 0 : i32
        %dma_start3A_379 = arith.constant 0 : i32
        %dma_start3A_380 = tpu.memref_slice %arg8[%dma_start3A_370, %dma_start3A_378, %dma_start3A_379] : memref<2x8x128xi32, #tpu.memory_space<vmem>> -> memref<1x8x128xi32, #tpu.memory_space<vmem>>
        %dma_start3A_381 = tpu.memref_squeeze %dma_start3A_380 : memref<1x8x128xi32, #tpu.memory_space<vmem>> -> memref<8x128xi32, #tpu.memory_space<vmem>>
        %dma_start3A_382 = arith.constant 0 : i32
        %dma_start3A_383 = tpu.memref_slice %arg4[%add3A, %mul3A_369, %dma_start3A_382] : memref<32x80x128xi32, #tpu.memory_space<hbm>> -> memref<1x8x128xi32, #tpu.memory_space<hbm>>
        %dma_start3A_384 = tpu.memref_squeeze %dma_start3A_383 : memref<1x8x128xi32, #tpu.memory_space<hbm>> -> memref<8x128xi32, #tpu.memory_space<hbm>>
        tpu.enqueue_dma source(%dma_start3A_384 : memref<8x128xi32, #tpu.memory_space<hbm>>) target(%dma_start3A_381 : memref<8x128xi32, #tpu.memory_space<vmem>>) target_semaphore(%arg14 : memref<!tpu.dma_semaphore, #tpu.memory_space<semaphore_mem>>)
      } else {
      }
      %dma_wait3A_205 = arith.constant 1 : i32
      %dma_wait3A_206 = arith.constant 0 : i32
      %dma_wait3A_207 = arith.constant 0 : i32
      %dma_wait3A_208 = tpu.memref_slice %arg8[%dma_wait3A_205, %dma_wait3A_206, %dma_wait3A_207] : memref<2x8x128xi32, #tpu.memory_space<vmem>> -> memref<1x8x128xi32, #tpu.memory_space<vmem>>
      %dma_wait3A_209 = tpu.memref_squeeze %dma_wait3A_208 : memref<1x8x128xi32, #tpu.memory_space<vmem>> -> memref<8x128xi32, #tpu.memory_space<vmem>>
      %dma_wait3A_210 = arith.constant 0 : i32
      %dma_wait3A_211 = arith.constant 0 : i32
      %dma_wait3A_212 = tpu.memref_slice %arg4[%add3A, %dma_wait3A_210, %dma_wait3A_211] : memref<32x80x128xi32, #tpu.memory_space<hbm>> -> memref<1x8x128xi32, #tpu.memory_space<hbm>>
      %dma_wait3A_213 = tpu.memref_squeeze %dma_wait3A_212 : memref<1x8x128xi32, #tpu.memory_space<hbm>> -> memref<8x128xi32, #tpu.memory_space<hbm>>
      %dma_wait3A_214 = arith.constant 0 : i32
      %dma_wait3A_215 = arith.constant 0 : i32
      %dma_wait3A_216 = tpu.memref_slice %arg8[%dma_wait3A_205, %dma_wait3A_214, %dma_wait3A_215] : memref<2x8x128xi32, #tpu.memory_space<vmem>> -> memref<1x8x128xi32, #tpu.memory_space<vmem>>
      %dma_wait3A_217 = tpu.memref_squeeze %dma_wait3A_216 : memref<1x8x128xi32, #tpu.memory_space<vmem>> -> memref<8x128xi32, #tpu.memory_space<vmem>>
      %dma_wait3A_218 = arith.constant 0 : i32
      %dma_wait3A_219 = arith.constant 0 : i32
      %dma_wait3A_220 = tpu.memref_slice %arg4[%add3A, %dma_wait3A_218, %dma_wait3A_219] : memref<32x80x128xi32, #tpu.memory_space<hbm>> -> memref<1x8x128xi32, #tpu.memory_space<hbm>>
      %dma_wait3A_221 = tpu.memref_squeeze %dma_wait3A_220 : memref<1x8x128xi32, #tpu.memory_space<hbm>> -> memref<8x128xi32, #tpu.memory_space<hbm>>
      tpu.wait_dma2 semaphore(%arg15 : memref<!tpu.dma_semaphore, #tpu.memory_space<semaphore_mem>>) src(%dma_wait3A_221 : memref<8x128xi32, #tpu.memory_space<hbm>>) dst(%dma_wait3A_217 : memref<8x128xi32, #tpu.memory_space<vmem>>)
      %mul3A_222 = arith.constant 8 : i32
      %mul3A_223 = arith.muli %add3A_199, %mul3A_222 : i32
      %add3A_224 = arith.constant 0 : i32
      %add3A_225 = arith.addi %mul3A_223, %add3A_224 : i32
      %add3A_226 = arith.constant 1 : i32
      %add3A_227 = arith.addi %add3A_225, %add3A_226 : i32
      %lt3A_228 = arith.constant 80 : i32
      %lt3A_229 = arith.cmpi slt, %add3A_227, %lt3A_228 : i32
      %convert_element_type3A_230 = arith.extui %lt3A_229 : i1 to i32
      %cond3A_231 = arith.constant 0 : i32
      %cond3A_232 = arith.cmpi ne, %convert_element_type3A_230, %cond3A_231 : i32
      scf.if %cond3A_232 {
        %add3A_366 = arith.constant 1 : i32
        %add3A_367 = arith.addi %add3A_225, %add3A_366 : i32
        %mul3A_368 = arith.constant 128 : i32
        %mul3A_369 = arith.muli %add3A_367, %mul3A_368 : i32
        %dma_start3A_370 = tpu.memref_slice %arg7[%mul3A_369] : memref<10240xi32, #tpu.memory_space<vmem>> -> memref<128xi32, #tpu.memory_space<vmem>>
        %dma_start3A_371 = arith.constant 0 : i32
        %dma_start3A_372 = arith.constant 0 : i32
        %dma_start3A_373 = tpu.memref_slice %arg2[%dma_start3A_371, %dma_start3A_372] : memref<10240x128xf32, #tpu.memory_space<hbm>> -> memref<10240x128xf32, #tpu.memory_space<hbm>>
        tpu.enqueue_indirect_dma source(%dma_start3A_373 : memref<10240x128xf32, #tpu.memory_space<hbm>>) target(%arg10 : memref<128x128xf32, #tpu.memory_space<vmem>>) offsets(%dma_start3A_370 : memref<128xi32, #tpu.memory_space<vmem>>) semaphore(%arg13 : memref<!tpu.dma_semaphore, #tpu.memory_space<semaphore_mem>>)
      } else {
      }
      %dma_wait3A_233 = arith.constant 0 : i32
      %dma_wait3A_234 = tpu.memref_slice %arg7[%dma_wait3A_233] : memref<10240xi32, #tpu.memory_space<vmem>> -> memref<128xi32, #tpu.memory_space<vmem>>
      %dma_wait3A_235 = arith.constant 0 : i32
      %dma_wait3A_236 = arith.constant 0 : i32
      %dma_wait3A_237 = tpu.memref_slice %arg2[%dma_wait3A_235, %dma_wait3A_236] : memref<10240x128xf32, #tpu.memory_space<hbm>> -> memref<10240x128xf32, #tpu.memory_space<hbm>>
      tpu.wait_indirect_dma semaphore(%arg12 : memref<!tpu.dma_semaphore, #tpu.memory_space<semaphore_mem>>) src(%dma_wait3A_237 : memref<10240x128xf32, #tpu.memory_space<hbm>>) dst(%arg9 : memref<128x128xf32, #tpu.memory_space<vmem>>)
      %run_scoped3A_238 = arith.constant 1 : i32
      %run_scoped3A_239 = arith.constant 0 : i32
      "tpu.region"() ({
        %run_scoped3A_366 = tpu.sem_alloc : memref<!tpu.dma_semaphore, #tpu.memory_space<semaphore_mem>>
        %dma_start3A_367 = arith.constant 0 : i32
        %dma_start3A_368 = tpu.memref_slice %arg8[%run_scoped3A_238, %run_scoped3A_239, %dma_start3A_367] : memref<2x8x128xi32, #tpu.memory_space<vmem>> -> memref<1x1x128xi32, #tpu.memory_space<vmem>>
        %dma_start3A_369 = tpu.memref_squeeze %dma_start3A_368 : memref<1x1x128xi32, #tpu.memory_space<vmem>> -> memref<128xi32, #tpu.memory_space<vmem>>
        %dma_start3A_370 = arith.constant 0 : i32
        %dma_start3A_371 = arith.constant 0 : i32
        %dma_start3A_372 = tpu.memref_slice %arg11[%dma_start3A_370, %dma_start3A_371] : memref<10240x128xf32, #tpu.memory_space<vmem_shared>> -> memref<10240x128xf32, #tpu.memory_space<vmem_shared>>
        tpu.enqueue_indirect_dma source(%arg9 : memref<128x128xf32, #tpu.memory_space<vmem>>) target(%dma_start3A_372 : memref<10240x128xf32, #tpu.memory_space<vmem_shared>>) offsets(%dma_start3A_369 : memref<128xi32, #tpu.memory_space<vmem>>) semaphore(%run_scoped3A_366 : memref<!tpu.dma_semaphore, #tpu.memory_space<semaphore_mem>>) {add = true}
        %dma_wait3A_373 = arith.constant 0 : i32
        %dma_wait3A_374 = tpu.memref_slice %arg8[%run_scoped3A_238, %run_scoped3A_239, %dma_wait3A_373] : memref<2x8x128xi32, #tpu.memory_space<vmem>> -> memref<1x1x128xi32, #tpu.memory_space<vmem>>
        %dma_wait3A_375 = tpu.memref_squeeze %dma_wait3A_374 : memref<1x1x128xi32, #tpu.memory_space<vmem>> -> memref<128xi32, #tpu.memory_space<vmem>>
        %dma_wait3A_376 = arith.constant 0 : i32
        %dma_wait3A_377 = arith.constant 0 : i32
        %dma_wait3A_378 = tpu.memref_slice %arg11[%dma_wait3A_376, %dma_wait3A_377] : memref<10240x128xf32, #tpu.memory_space<vmem_shared>> -> memref<10240x128xf32, #tpu.memory_space<vmem_shared>>
        tpu.wait_indirect_dma semaphore(%run_scoped3A_366 : memref<!tpu.dma_semaphore, #tpu.memory_space<semaphore_mem>>) src(%arg9 : memref<128x128xf32, #tpu.memory_space<vmem>>) dst(%dma_wait3A_378 : memref<10240x128xf32, #tpu.memory_space<vmem_shared>>)
        tpu.yield
      }) : () -> ()
      %mul3A_240 = arith.constant 8 : i32
      %mul3A_241 = arith.muli %add3A_199, %mul3A_240 : i32
      %add3A_242 = arith.constant 1 : i32
      %add3A_243 = arith.addi %mul3A_241, %add3A_242 : i32
      %add3A_244 = arith.constant 1 : i32
      %add3A_245 = arith.addi %add3A_243, %add3A_244 : i32
      %lt3A_246 = arith.constant 80 : i32
      %lt3A_247 = arith.cmpi slt, %add3A_245, %lt3A_246 : i32
      %convert_element_type3A_248 = arith.extui %lt3A_247 : i1 to i32
      %cond3A_249 = arith.constant 0 : i32
      %cond3A_250 = arith.cmpi ne, %convert_element_type3A_248, %cond3A_249 : i32
      scf.if %cond3A_250 {
        %add3A_366 = arith.constant 1 : i32
        %add3A_367 = arith.addi %add3A_243, %add3A_366 : i32
        %mul3A_368 = arith.constant 128 : i32
        %mul3A_369 = arith.muli %add3A_367, %mul3A_368 : i32
        %dma_start3A_370 = tpu.memref_slice %arg7[%mul3A_369] : memref<10240xi32, #tpu.memory_space<vmem>> -> memref<128xi32, #tpu.memory_space<vmem>>
        %dma_start3A_371 = arith.constant 0 : i32
        %dma_start3A_372 = arith.constant 0 : i32
        %dma_start3A_373 = tpu.memref_slice %arg2[%dma_start3A_371, %dma_start3A_372] : memref<10240x128xf32, #tpu.memory_space<hbm>> -> memref<10240x128xf32, #tpu.memory_space<hbm>>
        tpu.enqueue_indirect_dma source(%dma_start3A_373 : memref<10240x128xf32, #tpu.memory_space<hbm>>) target(%arg9 : memref<128x128xf32, #tpu.memory_space<vmem>>) offsets(%dma_start3A_370 : memref<128xi32, #tpu.memory_space<vmem>>) semaphore(%arg12 : memref<!tpu.dma_semaphore, #tpu.memory_space<semaphore_mem>>)
      } else {
      }
      %dma_wait3A_251 = arith.constant 0 : i32
      %dma_wait3A_252 = tpu.memref_slice %arg7[%dma_wait3A_251] : memref<10240xi32, #tpu.memory_space<vmem>> -> memref<128xi32, #tpu.memory_space<vmem>>
      %dma_wait3A_253 = arith.constant 0 : i32
      %dma_wait3A_254 = arith.constant 0 : i32
      %dma_wait3A_255 = tpu.memref_slice %arg2[%dma_wait3A_253, %dma_wait3A_254] : memref<10240x128xf32, #tpu.memory_space<hbm>> -> memref<10240x128xf32, #tpu.memory_space<hbm>>
      tpu.wait_indirect_dma semaphore(%arg13 : memref<!tpu.dma_semaphore, #tpu.memory_space<semaphore_mem>>) src(%dma_wait3A_255 : memref<10240x128xf32, #tpu.memory_space<hbm>>) dst(%arg10 : memref<128x128xf32, #tpu.memory_space<vmem>>)
      %run_scoped3A_256 = arith.constant 1 : i32
      %run_scoped3A_257 = arith.constant 1 : i32
      "tpu.region"() ({
        %run_scoped3A_366 = tpu.sem_alloc : memref<!tpu.dma_semaphore, #tpu.memory_space<semaphore_mem>>
        %dma_start3A_367 = arith.constant 0 : i32
        %dma_start3A_368 = tpu.memref_slice %arg8[%run_scoped3A_256, %run_scoped3A_257, %dma_start3A_367] : memref<2x8x128xi32, #tpu.memory_space<vmem>> -> memref<1x1x128xi32, #tpu.memory_space<vmem>>
        %dma_start3A_369 = tpu.memref_squeeze %dma_start3A_368 : memref<1x1x128xi32, #tpu.memory_space<vmem>> -> memref<128xi32, #tpu.memory_space<vmem>>
        %dma_start3A_370 = arith.constant 0 : i32
        %dma_start3A_371 = arith.constant 0 : i32
        %dma_start3A_372 = tpu.memref_slice %arg11[%dma_start3A_370, %dma_start3A_371] : memref<10240x128xf32, #tpu.memory_space<vmem_shared>> -> memref<10240x128xf32, #tpu.memory_space<vmem_shared>>
        tpu.enqueue_indirect_dma source(%arg10 : memref<128x128xf32, #tpu.memory_space<vmem>>) target(%dma_start3A_372 : memref<10240x128xf32, #tpu.memory_space<vmem_shared>>) offsets(%dma_start3A_369 : memref<128xi32, #tpu.memory_space<vmem>>) semaphore(%run_scoped3A_366 : memref<!tpu.dma_semaphore, #tpu.memory_space<semaphore_mem>>) {add = true}
        %dma_wait3A_373 = arith.constant 0 : i32
        %dma_wait3A_374 = tpu.memref_slice %arg8[%run_scoped3A_256, %run_scoped3A_257, %dma_wait3A_373] : memref<2x8x128xi32, #tpu.memory_space<vmem>> -> memref<1x1x128xi32, #tpu.memory_space<vmem>>
        %dma_wait3A_375 = tpu.memref_squeeze %dma_wait3A_374 : memref<1x1x128xi32, #tpu.memory_space<vmem>> -> memref<128xi32, #tpu.memory_space<vmem>>
        %dma_wait3A_376 = arith.constant 0 : i32
        %dma_wait3A_377 = arith.constant 0 : i32
        %dma_wait3A_378 = tpu.memref_slice %arg11[%dma_wait3A_376, %dma_wait3A_377] : memref<10240x128xf32, #tpu.memory_space<vmem_shared>> -> memref<10240x128xf32, #tpu.memory_space<vmem_shared>>
        tpu.wait_indirect_dma semaphore(%run_scoped3A_366 : memref<!tpu.dma_semaphore, #tpu.memory_space<semaphore_mem>>) src(%arg10 : memref<128x128xf32, #tpu.memory_space<vmem>>) dst(%dma_wait3A_378 : memref<10240x128xf32, #tpu.memory_space<vmem_shared>>)
        tpu.yield
      }) : () -> ()
      %mul3A_258 = arith.constant 8 : i32
      %mul3A_259 = arith.muli %add3A_199, %mul3A_258 : i32
      %add3A_260 = arith.constant 2 : i32
      %add3A_261 = arith.addi %mul3A_259, %add3A_260 : i32
      %add3A_262 = arith.constant 1 : i32
      %add3A_263 = arith.addi %add3A_261, %add3A_262 : i32
      %lt3A_264 = arith.constant 80 : i32
      %lt3A_265 = arith.cmpi slt, %add3A_263, %lt3A_264 : i32
      %convert_element_type3A_266 = arith.extui %lt3A_265 : i1 to i32
      %cond3A_267 = arith.constant 0 : i32
      %cond3A_268 = arith.cmpi ne, %convert_element_type3A_266, %cond3A_267 : i32
      scf.if %cond3A_268 {
        %add3A_366 = arith.constant 1 : i32
        %add3A_367 = arith.addi %add3A_261, %add3A_366 : i32
        %mul3A_368 = arith.constant 128 : i32
        %mul3A_369 = arith.muli %add3A_367, %mul3A_368 : i32
        %dma_start3A_370 = tpu.memref_slice %arg7[%mul3A_369] : memref<10240xi32, #tpu.memory_space<vmem>> -> memref<128xi32, #tpu.memory_space<vmem>>
        %dma_start3A_371 = arith.constant 0 : i32
        %dma_start3A_372 = arith.constant 0 : i32
        %dma_start3A_373 = tpu.memref_slice %arg2[%dma_start3A_371, %dma_start3A_372] : memref<10240x128xf32, #tpu.memory_space<hbm>> -> memref<10240x128xf32, #tpu.memory_space<hbm>>
        tpu.enqueue_indirect_dma source(%dma_start3A_373 : memref<10240x128xf32, #tpu.memory_space<hbm>>) target(%arg10 : memref<128x128xf32, #tpu.memory_space<vmem>>) offsets(%dma_start3A_370 : memref<128xi32, #tpu.memory_space<vmem>>) semaphore(%arg13 : memref<!tpu.dma_semaphore, #tpu.memory_space<semaphore_mem>>)
      } else {
      }
      %dma_wait3A_269 = arith.constant 0 : i32
      %dma_wait3A_270 = tpu.memref_slice %arg7[%dma_wait3A_269] : memref<10240xi32, #tpu.memory_space<vmem>> -> memref<128xi32, #tpu.memory_space<vmem>>
      %dma_wait3A_271 = arith.constant 0 : i32
      %dma_wait3A_272 = arith.constant 0 : i32
      %dma_wait3A_273 = tpu.memref_slice %arg2[%dma_wait3A_271, %dma_wait3A_272] : memref<10240x128xf32, #tpu.memory_space<hbm>> -> memref<10240x128xf32, #tpu.memory_space<hbm>>
      tpu.wait_indirect_dma semaphore(%arg12 : memref<!tpu.dma_semaphore, #tpu.memory_space<semaphore_mem>>) src(%dma_wait3A_273 : memref<10240x128xf32, #tpu.memory_space<hbm>>) dst(%arg9 : memref<128x128xf32, #tpu.memory_space<vmem>>)
      %run_scoped3A_274 = arith.constant 1 : i32
      %run_scoped3A_275 = arith.constant 2 : i32
      "tpu.region"() ({
        %run_scoped3A_366 = tpu.sem_alloc : memref<!tpu.dma_semaphore, #tpu.memory_space<semaphore_mem>>
        %dma_start3A_367 = arith.constant 0 : i32
        %dma_start3A_368 = tpu.memref_slice %arg8[%run_scoped3A_274, %run_scoped3A_275, %dma_start3A_367] : memref<2x8x128xi32, #tpu.memory_space<vmem>> -> memref<1x1x128xi32, #tpu.memory_space<vmem>>
        %dma_start3A_369 = tpu.memref_squeeze %dma_start3A_368 : memref<1x1x128xi32, #tpu.memory_space<vmem>> -> memref<128xi32, #tpu.memory_space<vmem>>
        %dma_start3A_370 = arith.constant 0 : i32
        %dma_start3A_371 = arith.constant 0 : i32
        %dma_start3A_372 = tpu.memref_slice %arg11[%dma_start3A_370, %dma_start3A_371] : memref<10240x128xf32, #tpu.memory_space<vmem_shared>> -> memref<10240x128xf32, #tpu.memory_space<vmem_shared>>
        tpu.enqueue_indirect_dma source(%arg9 : memref<128x128xf32, #tpu.memory_space<vmem>>) target(%dma_start3A_372 : memref<10240x128xf32, #tpu.memory_space<vmem_shared>>) offsets(%dma_start3A_369 : memref<128xi32, #tpu.memory_space<vmem>>) semaphore(%run_scoped3A_366 : memref<!tpu.dma_semaphore, #tpu.memory_space<semaphore_mem>>) {add = true}
        %dma_wait3A_373 = arith.constant 0 : i32
        %dma_wait3A_374 = tpu.memref_slice %arg8[%run_scoped3A_274, %run_scoped3A_275, %dma_wait3A_373] : memref<2x8x128xi32, #tpu.memory_space<vmem>> -> memref<1x1x128xi32, #tpu.memory_space<vmem>>
        %dma_wait3A_375 = tpu.memref_squeeze %dma_wait3A_374 : memref<1x1x128xi32, #tpu.memory_space<vmem>> -> memref<128xi32, #tpu.memory_space<vmem>>
        %dma_wait3A_376 = arith.constant 0 : i32
        %dma_wait3A_377 = arith.constant 0 : i32
        %dma_wait3A_378 = tpu.memref_slice %arg11[%dma_wait3A_376, %dma_wait3A_377] : memref<10240x128xf32, #tpu.memory_space<vmem_shared>> -> memref<10240x128xf32, #tpu.memory_space<vmem_shared>>
        tpu.wait_indirect_dma semaphore(%run_scoped3A_366 : memref<!tpu.dma_semaphore, #tpu.memory_space<semaphore_mem>>) src(%arg9 : memref<128x128xf32, #tpu.memory_space<vmem>>) dst(%dma_wait3A_378 : memref<10240x128xf32, #tpu.memory_space<vmem_shared>>)
        tpu.yield
      }) : () -> ()
      %mul3A_276 = arith.constant 8 : i32
      %mul3A_277 = arith.muli %add3A_199, %mul3A_276 : i32
      %add3A_278 = arith.constant 3 : i32
      %add3A_279 = arith.addi %mul3A_277, %add3A_278 : i32
      %add3A_280 = arith.constant 1 : i32
      %add3A_281 = arith.addi %add3A_279, %add3A_280 : i32
      %lt3A_282 = arith.constant 80 : i32
      %lt3A_283 = arith.cmpi slt, %add3A_281, %lt3A_282 : i32
      %convert_element_type3A_284 = arith.extui %lt3A_283 : i1 to i32
      %cond3A_285 = arith.constant 0 : i32
      %cond3A_286 = arith.cmpi ne, %convert_element_type3A_284, %cond3A_285 : i32
      scf.if %cond3A_286 {
        %add3A_366 = arith.constant 1 : i32
        %add3A_367 = arith.addi %add3A_279, %add3A_366 : i32
        %mul3A_368 = arith.constant 128 : i32
        %mul3A_369 = arith.muli %add3A_367, %mul3A_368 : i32
        %dma_start3A_370 = tpu.memref_slice %arg7[%mul3A_369] : memref<10240xi32, #tpu.memory_space<vmem>> -> memref<128xi32, #tpu.memory_space<vmem>>
        %dma_start3A_371 = arith.constant 0 : i32
        %dma_start3A_372 = arith.constant 0 : i32
        %dma_start3A_373 = tpu.memref_slice %arg2[%dma_start3A_371, %dma_start3A_372] : memref<10240x128xf32, #tpu.memory_space<hbm>> -> memref<10240x128xf32, #tpu.memory_space<hbm>>
        tpu.enqueue_indirect_dma source(%dma_start3A_373 : memref<10240x128xf32, #tpu.memory_space<hbm>>) target(%arg9 : memref<128x128xf32, #tpu.memory_space<vmem>>) offsets(%dma_start3A_370 : memref<128xi32, #tpu.memory_space<vmem>>) semaphore(%arg12 : memref<!tpu.dma_semaphore, #tpu.memory_space<semaphore_mem>>)
      } else {
      }
      %dma_wait3A_287 = arith.constant 0 : i32
      %dma_wait3A_288 = tpu.memref_slice %arg7[%dma_wait3A_287] : memref<10240xi32, #tpu.memory_space<vmem>> -> memref<128xi32, #tpu.memory_space<vmem>>
      %dma_wait3A_289 = arith.constant 0 : i32
      %dma_wait3A_290 = arith.constant 0 : i32
      %dma_wait3A_291 = tpu.memref_slice %arg2[%dma_wait3A_289, %dma_wait3A_290] : memref<10240x128xf32, #tpu.memory_space<hbm>> -> memref<10240x128xf32, #tpu.memory_space<hbm>>
      tpu.wait_indirect_dma semaphore(%arg13 : memref<!tpu.dma_semaphore, #tpu.memory_space<semaphore_mem>>) src(%dma_wait3A_291 : memref<10240x128xf32, #tpu.memory_space<hbm>>) dst(%arg10 : memref<128x128xf32, #tpu.memory_space<vmem>>)
      %run_scoped3A_292 = arith.constant 1 : i32
      %run_scoped3A_293 = arith.constant 3 : i32
      "tpu.region"() ({
        %run_scoped3A_366 = tpu.sem_alloc : memref<!tpu.dma_semaphore, #tpu.memory_space<semaphore_mem>>
        %dma_start3A_367 = arith.constant 0 : i32
        %dma_start3A_368 = tpu.memref_slice %arg8[%run_scoped3A_292, %run_scoped3A_293, %dma_start3A_367] : memref<2x8x128xi32, #tpu.memory_space<vmem>> -> memref<1x1x128xi32, #tpu.memory_space<vmem>>
        %dma_start3A_369 = tpu.memref_squeeze %dma_start3A_368 : memref<1x1x128xi32, #tpu.memory_space<vmem>> -> memref<128xi32, #tpu.memory_space<vmem>>
        %dma_start3A_370 = arith.constant 0 : i32
        %dma_start3A_371 = arith.constant 0 : i32
        %dma_start3A_372 = tpu.memref_slice %arg11[%dma_start3A_370, %dma_start3A_371] : memref<10240x128xf32, #tpu.memory_space<vmem_shared>> -> memref<10240x128xf32, #tpu.memory_space<vmem_shared>>
        tpu.enqueue_indirect_dma source(%arg10 : memref<128x128xf32, #tpu.memory_space<vmem>>) target(%dma_start3A_372 : memref<10240x128xf32, #tpu.memory_space<vmem_shared>>) offsets(%dma_start3A_369 : memref<128xi32, #tpu.memory_space<vmem>>) semaphore(%run_scoped3A_366 : memref<!tpu.dma_semaphore, #tpu.memory_space<semaphore_mem>>) {add = true}
        %dma_wait3A_373 = arith.constant 0 : i32
        %dma_wait3A_374 = tpu.memref_slice %arg8[%run_scoped3A_292, %run_scoped3A_293, %dma_wait3A_373] : memref<2x8x128xi32, #tpu.memory_space<vmem>> -> memref<1x1x128xi32, #tpu.memory_space<vmem>>
        %dma_wait3A_375 = tpu.memref_squeeze %dma_wait3A_374 : memref<1x1x128xi32, #tpu.memory_space<vmem>> -> memref<128xi32, #tpu.memory_space<vmem>>
        %dma_wait3A_376 = arith.constant 0 : i32
        %dma_wait3A_377 = arith.constant 0 : i32
        %dma_wait3A_378 = tpu.memref_slice %arg11[%dma_wait3A_376, %dma_wait3A_377] : memref<10240x128xf32, #tpu.memory_space<vmem_shared>> -> memref<10240x128xf32, #tpu.memory_space<vmem_shared>>
        tpu.wait_indirect_dma semaphore(%run_scoped3A_366 : memref<!tpu.dma_semaphore, #tpu.memory_space<semaphore_mem>>) src(%arg10 : memref<128x128xf32, #tpu.memory_space<vmem>>) dst(%dma_wait3A_378 : memref<10240x128xf32, #tpu.memory_space<vmem_shared>>)
        tpu.yield
      }) : () -> ()
      %mul3A_294 = arith.constant 8 : i32
      %mul3A_295 = arith.muli %add3A_199, %mul3A_294 : i32
      %add3A_296 = arith.constant 4 : i32
      %add3A_297 = arith.addi %mul3A_295, %add3A_296 : i32
      %add3A_298 = arith.constant 1 : i32
      %add3A_299 = arith.addi %add3A_297, %add3A_298 : i32
      %lt3A_300 = arith.constant 80 : i32
      %lt3A_301 = arith.cmpi slt, %add3A_299, %lt3A_300 : i32
      %convert_element_type3A_302 = arith.extui %lt3A_301 : i1 to i32
      %cond3A_303 = arith.constant 0 : i32
      %cond3A_304 = arith.cmpi ne, %convert_element_type3A_302, %cond3A_303 : i32
      scf.if %cond3A_304 {
        %add3A_366 = arith.constant 1 : i32
        %add3A_367 = arith.addi %add3A_297, %add3A_366 : i32
        %mul3A_368 = arith.constant 128 : i32
        %mul3A_369 = arith.muli %add3A_367, %mul3A_368 : i32
        %dma_start3A_370 = tpu.memref_slice %arg7[%mul3A_369] : memref<10240xi32, #tpu.memory_space<vmem>> -> memref<128xi32, #tpu.memory_space<vmem>>
        %dma_start3A_371 = arith.constant 0 : i32
        %dma_start3A_372 = arith.constant 0 : i32
        %dma_start3A_373 = tpu.memref_slice %arg2[%dma_start3A_371, %dma_start3A_372] : memref<10240x128xf32, #tpu.memory_space<hbm>> -> memref<10240x128xf32, #tpu.memory_space<hbm>>
        tpu.enqueue_indirect_dma source(%dma_start3A_373 : memref<10240x128xf32, #tpu.memory_space<hbm>>) target(%arg10 : memref<128x128xf32, #tpu.memory_space<vmem>>) offsets(%dma_start3A_370 : memref<128xi32, #tpu.memory_space<vmem>>) semaphore(%arg13 : memref<!tpu.dma_semaphore, #tpu.memory_space<semaphore_mem>>)
      } else {
      }
      %dma_wait3A_305 = arith.constant 0 : i32
      %dma_wait3A_306 = tpu.memref_slice %arg7[%dma_wait3A_305] : memref<10240xi32, #tpu.memory_space<vmem>> -> memref<128xi32, #tpu.memory_space<vmem>>
      %dma_wait3A_307 = arith.constant 0 : i32
      %dma_wait3A_308 = arith.constant 0 : i32
      %dma_wait3A_309 = tpu.memref_slice %arg2[%dma_wait3A_307, %dma_wait3A_308] : memref<10240x128xf32, #tpu.memory_space<hbm>> -> memref<10240x128xf32, #tpu.memory_space<hbm>>
      tpu.wait_indirect_dma semaphore(%arg12 : memref<!tpu.dma_semaphore, #tpu.memory_space<semaphore_mem>>) src(%dma_wait3A_309 : memref<10240x128xf32, #tpu.memory_space<hbm>>) dst(%arg9 : memref<128x128xf32, #tpu.memory_space<vmem>>)
      %run_scoped3A_310 = arith.constant 1 : i32
      %run_scoped3A_311 = arith.constant 4 : i32
      "tpu.region"() ({
        %run_scoped3A_366 = tpu.sem_alloc : memref<!tpu.dma_semaphore, #tpu.memory_space<semaphore_mem>>
        %dma_start3A_367 = arith.constant 0 : i32
        %dma_start3A_368 = tpu.memref_slice %arg8[%run_scoped3A_310, %run_scoped3A_311, %dma_start3A_367] : memref<2x8x128xi32, #tpu.memory_space<vmem>> -> memref<1x1x128xi32, #tpu.memory_space<vmem>>
        %dma_start3A_369 = tpu.memref_squeeze %dma_start3A_368 : memref<1x1x128xi32, #tpu.memory_space<vmem>> -> memref<128xi32, #tpu.memory_space<vmem>>
        %dma_start3A_370 = arith.constant 0 : i32
        %dma_start3A_371 = arith.constant 0 : i32
        %dma_start3A_372 = tpu.memref_slice %arg11[%dma_start3A_370, %dma_start3A_371] : memref<10240x128xf32, #tpu.memory_space<vmem_shared>> -> memref<10240x128xf32, #tpu.memory_space<vmem_shared>>
        tpu.enqueue_indirect_dma source(%arg9 : memref<128x128xf32, #tpu.memory_space<vmem>>) target(%dma_start3A_372 : memref<10240x128xf32, #tpu.memory_space<vmem_shared>>) offsets(%dma_start3A_369 : memref<128xi32, #tpu.memory_space<vmem>>) semaphore(%run_scoped3A_366 : memref<!tpu.dma_semaphore, #tpu.memory_space<semaphore_mem>>) {add = true}
        %dma_wait3A_373 = arith.constant 0 : i32
        %dma_wait3A_374 = tpu.memref_slice %arg8[%run_scoped3A_310, %run_scoped3A_311, %dma_wait3A_373] : memref<2x8x128xi32, #tpu.memory_space<vmem>> -> memref<1x1x128xi32, #tpu.memory_space<vmem>>
        %dma_wait3A_375 = tpu.memref_squeeze %dma_wait3A_374 : memref<1x1x128xi32, #tpu.memory_space<vmem>> -> memref<128xi32, #tpu.memory_space<vmem>>
        %dma_wait3A_376 = arith.constant 0 : i32
        %dma_wait3A_377 = arith.constant 0 : i32
        %dma_wait3A_378 = tpu.memref_slice %arg11[%dma_wait3A_376, %dma_wait3A_377] : memref<10240x128xf32, #tpu.memory_space<vmem_shared>> -> memref<10240x128xf32, #tpu.memory_space<vmem_shared>>
        tpu.wait_indirect_dma semaphore(%run_scoped3A_366 : memref<!tpu.dma_semaphore, #tpu.memory_space<semaphore_mem>>) src(%arg9 : memref<128x128xf32, #tpu.memory_space<vmem>>) dst(%dma_wait3A_378 : memref<10240x128xf32, #tpu.memory_space<vmem_shared>>)
        tpu.yield
      }) : () -> ()
      %mul3A_312 = arith.constant 8 : i32
      %mul3A_313 = arith.muli %add3A_199, %mul3A_312 : i32
      %add3A_314 = arith.constant 5 : i32
      %add3A_315 = arith.addi %mul3A_313, %add3A_314 : i32
      %add3A_316 = arith.constant 1 : i32
      %add3A_317 = arith.addi %add3A_315, %add3A_316 : i32
      %lt3A_318 = arith.constant 80 : i32
      %lt3A_319 = arith.cmpi slt, %add3A_317, %lt3A_318 : i32
      %convert_element_type3A_320 = arith.extui %lt3A_319 : i1 to i32
      %cond3A_321 = arith.constant 0 : i32
      %cond3A_322 = arith.cmpi ne, %convert_element_type3A_320, %cond3A_321 : i32
      scf.if %cond3A_322 {
        %add3A_366 = arith.constant 1 : i32
        %add3A_367 = arith.addi %add3A_315, %add3A_366 : i32
        %mul3A_368 = arith.constant 128 : i32
        %mul3A_369 = arith.muli %add3A_367, %mul3A_368 : i32
        %dma_start3A_370 = tpu.memref_slice %arg7[%mul3A_369] : memref<10240xi32, #tpu.memory_space<vmem>> -> memref<128xi32, #tpu.memory_space<vmem>>
        %dma_start3A_371 = arith.constant 0 : i32
        %dma_start3A_372 = arith.constant 0 : i32
        %dma_start3A_373 = tpu.memref_slice %arg2[%dma_start3A_371, %dma_start3A_372] : memref<10240x128xf32, #tpu.memory_space<hbm>> -> memref<10240x128xf32, #tpu.memory_space<hbm>>
        tpu.enqueue_indirect_dma source(%dma_start3A_373 : memref<10240x128xf32, #tpu.memory_space<hbm>>) target(%arg9 : memref<128x128xf32, #tpu.memory_space<vmem>>) offsets(%dma_start3A_370 : memref<128xi32, #tpu.memory_space<vmem>>) semaphore(%arg12 : memref<!tpu.dma_semaphore, #tpu.memory_space<semaphore_mem>>)
      } else {
      }
      %dma_wait3A_323 = arith.constant 0 : i32
      %dma_wait3A_324 = tpu.memref_slice %arg7[%dma_wait3A_323] : memref<10240xi32, #tpu.memory_space<vmem>> -> memref<128xi32, #tpu.memory_space<vmem>>
      %dma_wait3A_325 = arith.constant 0 : i32
      %dma_wait3A_326 = arith.constant 0 : i32
      %dma_wait3A_327 = tpu.memref_slice %arg2[%dma_wait3A_325, %dma_wait3A_326] : memref<10240x128xf32, #tpu.memory_space<hbm>> -> memref<10240x128xf32, #tpu.memory_space<hbm>>
      tpu.wait_indirect_dma semaphore(%arg13 : memref<!tpu.dma_semaphore, #tpu.memory_space<semaphore_mem>>) src(%dma_wait3A_327 : memref<10240x128xf32, #tpu.memory_space<hbm>>) dst(%arg10 : memref<128x128xf32, #tpu.memory_space<vmem>>)
      %run_scoped3A_328 = arith.constant 1 : i32
      %run_scoped3A_329 = arith.constant 5 : i32
      "tpu.region"() ({
        %run_scoped3A_366 = tpu.sem_alloc : memref<!tpu.dma_semaphore, #tpu.memory_space<semaphore_mem>>
        %dma_start3A_367 = arith.constant 0 : i32
        %dma_start3A_368 = tpu.memref_slice %arg8[%run_scoped3A_328, %run_scoped3A_329, %dma_start3A_367] : memref<2x8x128xi32, #tpu.memory_space<vmem>> -> memref<1x1x128xi32, #tpu.memory_space<vmem>>
        %dma_start3A_369 = tpu.memref_squeeze %dma_start3A_368 : memref<1x1x128xi32, #tpu.memory_space<vmem>> -> memref<128xi32, #tpu.memory_space<vmem>>
        %dma_start3A_370 = arith.constant 0 : i32
        %dma_start3A_371 = arith.constant 0 : i32
        %dma_start3A_372 = tpu.memref_slice %arg11[%dma_start3A_370, %dma_start3A_371] : memref<10240x128xf32, #tpu.memory_space<vmem_shared>> -> memref<10240x128xf32, #tpu.memory_space<vmem_shared>>
        tpu.enqueue_indirect_dma source(%arg10 : memref<128x128xf32, #tpu.memory_space<vmem>>) target(%dma_start3A_372 : memref<10240x128xf32, #tpu.memory_space<vmem_shared>>) offsets(%dma_start3A_369 : memref<128xi32, #tpu.memory_space<vmem>>) semaphore(%run_scoped3A_366 : memref<!tpu.dma_semaphore, #tpu.memory_space<semaphore_mem>>) {add = true}
        %dma_wait3A_373 = arith.constant 0 : i32
        %dma_wait3A_374 = tpu.memref_slice %arg8[%run_scoped3A_328, %run_scoped3A_329, %dma_wait3A_373] : memref<2x8x128xi32, #tpu.memory_space<vmem>> -> memref<1x1x128xi32, #tpu.memory_space<vmem>>
        %dma_wait3A_375 = tpu.memref_squeeze %dma_wait3A_374 : memref<1x1x128xi32, #tpu.memory_space<vmem>> -> memref<128xi32, #tpu.memory_space<vmem>>
        %dma_wait3A_376 = arith.constant 0 : i32
        %dma_wait3A_377 = arith.constant 0 : i32
        %dma_wait3A_378 = tpu.memref_slice %arg11[%dma_wait3A_376, %dma_wait3A_377] : memref<10240x128xf32, #tpu.memory_space<vmem_shared>> -> memref<10240x128xf32, #tpu.memory_space<vmem_shared>>
        tpu.wait_indirect_dma semaphore(%run_scoped3A_366 : memref<!tpu.dma_semaphore, #tpu.memory_space<semaphore_mem>>) src(%arg10 : memref<128x128xf32, #tpu.memory_space<vmem>>) dst(%dma_wait3A_378 : memref<10240x128xf32, #tpu.memory_space<vmem_shared>>)
        tpu.yield
      }) : () -> ()
      %mul3A_330 = arith.constant 8 : i32
      %mul3A_331 = arith.muli %add3A_199, %mul3A_330 : i32
      %add3A_332 = arith.constant 6 : i32
      %add3A_333 = arith.addi %mul3A_331, %add3A_332 : i32
      %add3A_334 = arith.constant 1 : i32
      %add3A_335 = arith.addi %add3A_333, %add3A_334 : i32
      %lt3A_336 = arith.constant 80 : i32
      %lt3A_337 = arith.cmpi slt, %add3A_335, %lt3A_336 : i32
      %convert_element_type3A_338 = arith.extui %lt3A_337 : i1 to i32
      %cond3A_339 = arith.constant 0 : i32
      %cond3A_340 = arith.cmpi ne, %convert_element_type3A_338, %cond3A_339 : i32
      scf.if %cond3A_340 {
        %add3A_366 = arith.constant 1 : i32
        %add3A_367 = arith.addi %add3A_333, %add3A_366 : i32
        %mul3A_368 = arith.constant 128 : i32
        %mul3A_369 = arith.muli %add3A_367, %mul3A_368 : i32
        %dma_start3A_370 = tpu.memref_slice %arg7[%mul3A_369] : memref<10240xi32, #tpu.memory_space<vmem>> -> memref<128xi32, #tpu.memory_space<vmem>>
        %dma_start3A_371 = arith.constant 0 : i32
        %dma_start3A_372 = arith.constant 0 : i32
        %dma_start3A_373 = tpu.memref_slice %arg2[%dma_start3A_371, %dma_start3A_372] : memref<10240x128xf32, #tpu.memory_space<hbm>> -> memref<10240x128xf32, #tpu.memory_space<hbm>>
        tpu.enqueue_indirect_dma source(%dma_start3A_373 : memref<10240x128xf32, #tpu.memory_space<hbm>>) target(%arg10 : memref<128x128xf32, #tpu.memory_space<vmem>>) offsets(%dma_start3A_370 : memref<128xi32, #tpu.memory_space<vmem>>) semaphore(%arg13 : memref<!tpu.dma_semaphore, #tpu.memory_space<semaphore_mem>>)
      } else {
      }
      %dma_wait3A_341 = arith.constant 0 : i32
      %dma_wait3A_342 = tpu.memref_slice %arg7[%dma_wait3A_341] : memref<10240xi32, #tpu.memory_space<vmem>> -> memref<128xi32, #tpu.memory_space<vmem>>
      %dma_wait3A_343 = arith.constant 0 : i32
      %dma_wait3A_344 = arith.constant 0 : i32
      %dma_wait3A_345 = tpu.memref_slice %arg2[%dma_wait3A_343, %dma_wait3A_344] : memref<10240x128xf32, #tpu.memory_space<hbm>> -> memref<10240x128xf32, #tpu.memory_space<hbm>>
      tpu.wait_indirect_dma semaphore(%arg12 : memref<!tpu.dma_semaphore, #tpu.memory_space<semaphore_mem>>) src(%dma_wait3A_345 : memref<10240x128xf32, #tpu.memory_space<hbm>>) dst(%arg9 : memref<128x128xf32, #tpu.memory_space<vmem>>)
      %run_scoped3A_346 = arith.constant 1 : i32
      %run_scoped3A_347 = arith.constant 6 : i32
      "tpu.region"() ({
        %run_scoped3A_366 = tpu.sem_alloc : memref<!tpu.dma_semaphore, #tpu.memory_space<semaphore_mem>>
        %dma_start3A_367 = arith.constant 0 : i32
        %dma_start3A_368 = tpu.memref_slice %arg8[%run_scoped3A_346, %run_scoped3A_347, %dma_start3A_367] : memref<2x8x128xi32, #tpu.memory_space<vmem>> -> memref<1x1x128xi32, #tpu.memory_space<vmem>>
        %dma_start3A_369 = tpu.memref_squeeze %dma_start3A_368 : memref<1x1x128xi32, #tpu.memory_space<vmem>> -> memref<128xi32, #tpu.memory_space<vmem>>
        %dma_start3A_370 = arith.constant 0 : i32
        %dma_start3A_371 = arith.constant 0 : i32
        %dma_start3A_372 = tpu.memref_slice %arg11[%dma_start3A_370, %dma_start3A_371] : memref<10240x128xf32, #tpu.memory_space<vmem_shared>> -> memref<10240x128xf32, #tpu.memory_space<vmem_shared>>
        tpu.enqueue_indirect_dma source(%arg9 : memref<128x128xf32, #tpu.memory_space<vmem>>) target(%dma_start3A_372 : memref<10240x128xf32, #tpu.memory_space<vmem_shared>>) offsets(%dma_start3A_369 : memref<128xi32, #tpu.memory_space<vmem>>) semaphore(%run_scoped3A_366 : memref<!tpu.dma_semaphore, #tpu.memory_space<semaphore_mem>>) {add = true}
        %dma_wait3A_373 = arith.constant 0 : i32
        %dma_wait3A_374 = tpu.memref_slice %arg8[%run_scoped3A_346, %run_scoped3A_347, %dma_wait3A_373] : memref<2x8x128xi32, #tpu.memory_space<vmem>> -> memref<1x1x128xi32, #tpu.memory_space<vmem>>
        %dma_wait3A_375 = tpu.memref_squeeze %dma_wait3A_374 : memref<1x1x128xi32, #tpu.memory_space<vmem>> -> memref<128xi32, #tpu.memory_space<vmem>>
        %dma_wait3A_376 = arith.constant 0 : i32
        %dma_wait3A_377 = arith.constant 0 : i32
        %dma_wait3A_378 = tpu.memref_slice %arg11[%dma_wait3A_376, %dma_wait3A_377] : memref<10240x128xf32, #tpu.memory_space<vmem_shared>> -> memref<10240x128xf32, #tpu.memory_space<vmem_shared>>
        tpu.wait_indirect_dma semaphore(%run_scoped3A_366 : memref<!tpu.dma_semaphore, #tpu.memory_space<semaphore_mem>>) src(%arg9 : memref<128x128xf32, #tpu.memory_space<vmem>>) dst(%dma_wait3A_378 : memref<10240x128xf32, #tpu.memory_space<vmem_shared>>)
        tpu.yield
      }) : () -> ()
      %mul3A_348 = arith.constant 8 : i32
      %mul3A_349 = arith.muli %add3A_199, %mul3A_348 : i32
      %add3A_350 = arith.constant 7 : i32
      %add3A_351 = arith.addi %mul3A_349, %add3A_350 : i32
      %add3A_352 = arith.constant 1 : i32
      %add3A_353 = arith.addi %add3A_351, %add3A_352 : i32
      %lt3A_354 = arith.constant 80 : i32
      %lt3A_355 = arith.cmpi slt, %add3A_353, %lt3A_354 : i32
      %convert_element_type3A_356 = arith.extui %lt3A_355 : i1 to i32
      %cond3A_357 = arith.constant 0 : i32
      %cond3A_358 = arith.cmpi ne, %convert_element_type3A_356, %cond3A_357 : i32
      scf.if %cond3A_358 {
        %add3A_366 = arith.constant 1 : i32
        %add3A_367 = arith.addi %add3A_351, %add3A_366 : i32
        %mul3A_368 = arith.constant 128 : i32
        %mul3A_369 = arith.muli %add3A_367, %mul3A_368 : i32
        %dma_start3A_370 = tpu.memref_slice %arg7[%mul3A_369] : memref<10240xi32, #tpu.memory_space<vmem>> -> memref<128xi32, #tpu.memory_space<vmem>>
        %dma_start3A_371 = arith.constant 0 : i32
        %dma_start3A_372 = arith.constant 0 : i32
        %dma_start3A_373 = tpu.memref_slice %arg2[%dma_start3A_371, %dma_start3A_372] : memref<10240x128xf32, #tpu.memory_space<hbm>> -> memref<10240x128xf32, #tpu.memory_space<hbm>>
        tpu.enqueue_indirect_dma source(%dma_start3A_373 : memref<10240x128xf32, #tpu.memory_space<hbm>>) target(%arg9 : memref<128x128xf32, #tpu.memory_space<vmem>>) offsets(%dma_start3A_370 : memref<128xi32, #tpu.memory_space<vmem>>) semaphore(%arg12 : memref<!tpu.dma_semaphore, #tpu.memory_space<semaphore_mem>>)
      } else {
      }
      %dma_wait3A_359 = arith.constant 0 : i32
      %dma_wait3A_360 = tpu.memref_slice %arg7[%dma_wait3A_359] : memref<10240xi32, #tpu.memory_space<vmem>> -> memref<128xi32, #tpu.memory_space<vmem>>
      %dma_wait3A_361 = arith.constant 0 : i32
      %dma_wait3A_362 = arith.constant 0 : i32
      %dma_wait3A_363 = tpu.memref_slice %arg2[%dma_wait3A_361, %dma_wait3A_362] : memref<10240x128xf32, #tpu.memory_space<hbm>> -> memref<10240x128xf32, #tpu.memory_space<hbm>>
      tpu.wait_indirect_dma semaphore(%arg13 : memref<!tpu.dma_semaphore, #tpu.memory_space<semaphore_mem>>) src(%dma_wait3A_363 : memref<10240x128xf32, #tpu.memory_space<hbm>>) dst(%arg10 : memref<128x128xf32, #tpu.memory_space<vmem>>)
      %run_scoped3A_364 = arith.constant 1 : i32
      %run_scoped3A_365 = arith.constant 7 : i32
      "tpu.region"() ({
        %run_scoped3A_366 = tpu.sem_alloc : memref<!tpu.dma_semaphore, #tpu.memory_space<semaphore_mem>>
        %dma_start3A_367 = arith.constant 0 : i32
        %dma_start3A_368 = tpu.memref_slice %arg8[%run_scoped3A_364, %run_scoped3A_365, %dma_start3A_367] : memref<2x8x128xi32, #tpu.memory_space<vmem>> -> memref<1x1x128xi32, #tpu.memory_space<vmem>>
        %dma_start3A_369 = tpu.memref_squeeze %dma_start3A_368 : memref<1x1x128xi32, #tpu.memory_space<vmem>> -> memref<128xi32, #tpu.memory_space<vmem>>
        %dma_start3A_370 = arith.constant 0 : i32
        %dma_start3A_371 = arith.constant 0 : i32
        %dma_start3A_372 = tpu.memref_slice %arg11[%dma_start3A_370, %dma_start3A_371] : memref<10240x128xf32, #tpu.memory_space<vmem_shared>> -> memref<10240x128xf32, #tpu.memory_space<vmem_shared>>
        tpu.enqueue_indirect_dma source(%arg10 : memref<128x128xf32, #tpu.memory_space<vmem>>) target(%dma_start3A_372 : memref<10240x128xf32, #tpu.memory_space<vmem_shared>>) offsets(%dma_start3A_369 : memref<128xi32, #tpu.memory_space<vmem>>) semaphore(%run_scoped3A_366 : memref<!tpu.dma_semaphore, #tpu.memory_space<semaphore_mem>>) {add = true}
        %dma_wait3A_373 = arith.constant 0 : i32
        %dma_wait3A_374 = tpu.memref_slice %arg8[%run_scoped3A_364, %run_scoped3A_365, %dma_wait3A_373] : memref<2x8x128xi32, #tpu.memory_space<vmem>> -> memref<1x1x128xi32, #tpu.memory_space<vmem>>
        %dma_wait3A_375 = tpu.memref_squeeze %dma_wait3A_374 : memref<1x1x128xi32, #tpu.memory_space<vmem>> -> memref<128xi32, #tpu.memory_space<vmem>>
        %dma_wait3A_376 = arith.constant 0 : i32
        %dma_wait3A_377 = arith.constant 0 : i32
        %dma_wait3A_378 = tpu.memref_slice %arg11[%dma_wait3A_376, %dma_wait3A_377] : memref<10240x128xf32, #tpu.memory_space<vmem_shared>> -> memref<10240x128xf32, #tpu.memory_space<vmem_shared>>
        tpu.wait_indirect_dma semaphore(%run_scoped3A_366 : memref<!tpu.dma_semaphore, #tpu.memory_space<semaphore_mem>>) src(%arg10 : memref<128x128xf32, #tpu.memory_space<vmem>>) dst(%dma_wait3A_378 : memref<10240x128xf32, #tpu.memory_space<vmem_shared>>)
        tpu.yield
      }) : () -> ()
    }
    %scan3A_28 = arith.constant 5 : i32
    %barrier3A_29 = arith.constant 0 : index
    tpu.barrier barrier_id(%barrier3A_29)
    "tpu.region"() ({
      %run_scoped3A = tpu.sem_alloc : memref<!tpu.dma_semaphore, #tpu.memory_space<semaphore_mem>>
      %dma_start3A_30 = arith.constant 0 : i32
      %dma_start3A_31 = tpu.memref_slice %arg6[%arg0, %mul3A_2, %dma_start3A_30] : memref<2x10240x128xf32, #tpu.memory_space<hbm>> -> memref<1x640x128xf32, #tpu.memory_space<hbm>>
      %dma_start3A_32 = tpu.memref_squeeze %dma_start3A_31 : memref<1x640x128xf32, #tpu.memory_space<hbm>> -> memref<640x128xf32, #tpu.memory_space<hbm>>
      %dma_start3A_33 = arith.constant 0 : i32
      %dma_start3A_34 = tpu.memref_slice %arg11[%mul3A_2, %dma_start3A_33] : memref<10240x128xf32, #tpu.memory_space<vmem_shared>> -> memref<640x128xf32, #tpu.memory_space<vmem_shared>>
      tpu.enqueue_dma source(%dma_start3A_34 : memref<640x128xf32, #tpu.memory_space<vmem_shared>>) target(%dma_start3A_32 : memref<640x128xf32, #tpu.memory_space<hbm>>) target_semaphore(%run_scoped3A : memref<!tpu.dma_semaphore, #tpu.memory_space<semaphore_mem>>)
      %dma_wait3A = arith.constant 0 : i32
      %dma_wait3A_35 = tpu.memref_slice %arg6[%arg0, %mul3A_2, %dma_wait3A] : memref<2x10240x128xf32, #tpu.memory_space<hbm>> -> memref<1x640x128xf32, #tpu.memory_space<hbm>>
      %dma_wait3A_36 = tpu.memref_squeeze %dma_wait3A_35 : memref<1x640x128xf32, #tpu.memory_space<hbm>> -> memref<640x128xf32, #tpu.memory_space<hbm>>
      %dma_wait3A_37 = arith.constant 0 : i32
      %dma_wait3A_38 = tpu.memref_slice %arg11[%mul3A_2, %dma_wait3A_37] : memref<10240x128xf32, #tpu.memory_space<vmem_shared>> -> memref<640x128xf32, #tpu.memory_space<vmem_shared>>
      tpu.wait_dma2 semaphore(%run_scoped3A : memref<!tpu.dma_semaphore, #tpu.memory_space<semaphore_mem>>) src(%dma_wait3A_38 : memref<640x128xf32, #tpu.memory_space<vmem_shared>>) dst(%dma_wait3A_36 : memref<640x128xf32, #tpu.memory_space<hbm>>)
      tpu.yield
    }) : () -> ()
    return
  }
}

module attributes {stable_mosaic.version = 14 : i64} {
  func.func @_first_body(%arg0: i32, %arg1: memref<1024x128xf32, #tpu.memory_space<vmem>>, %arg2: memref<1024x128xf32, #tpu.memory_space<vmem>>, %arg3: memref<1024x128xf32, #tpu.memory_space<vmem>>, %arg4: memref<128x128xf32, #tpu.memory_space<vmem>>, %arg5: memref<1024x16xf32, #tpu.memory_space<vmem>>, %arg6: memref<1024x128xf32, #tpu.memory_space<vmem>>) attributes {dimension_semantics = [#tpu.dimension_semantics<arbitrary>], iteration_bounds = array<i64: 10>, scalar_prefetch = 0 : i64, scratch_operands = 0 : i64, tpu.core_type = #tpu.core_type<tc>, window_params = [{transform_indices = @transform_0, window_bounds = array<i64: 1024, 128>}, {transform_indices = @transform_1, window_bounds = array<i64: 1024, 128>}, {transform_indices = @transform_2, window_bounds = array<i64: 1024, 128>}, {pipeline_mode = #tpu.pipeline_mode<synchronous>, transform_indices = @transform_3, window_bounds = array<i64: 128, 128>}, {transform_indices = @transform_4, window_bounds = array<i64: 1024, 16>}, {transform_indices = @transform_5, window_bounds = array<i64: 1024, 128>}]} {
    %get3A = arith.constant 0 : index
    %get3A_0 = arith.constant 0 : index
    %get3A_1 = vector.load %arg1[%get3A, %get3A_0] : memref<1024x128xf32, #tpu.memory_space<vmem>>, vector<1024x1xf32>
    %get3A_2 = arith.constant 0 : index
    %get3A_3 = arith.constant 0 : index
    %get3A_4 = vector.load %arg2[%get3A_2, %get3A_3] : memref<1024x128xf32, #tpu.memory_space<vmem>>, vector<1024x1xf32>
    %add3A = arith.addf %get3A_1, %get3A_4 : vector<1024x1xf32>
    %add3A_5 = arith.constant 1.000000e+00 : f32
    %add3A_6 = vector.broadcast %add3A_5 : f32 to vector<1024x1xf32>
    %add3A_7 = arith.addf %add3A, %add3A_6 : vector<1024x1xf32>
    %max3A = arith.constant 1.000000e+00 : f32
    %max3A_8 = vector.broadcast %max3A : f32 to vector<1024x1xf32>
    %max3A_9 = arith.maximumf %add3A_7, %max3A_8 : vector<1024x1xf32>
    %rsqrt3A = math.rsqrt %max3A_9 : vector<1024x1xf32>
    %broadcast_in_dim3A = vector.shape_cast %rsqrt3A : vector<1024x1xf32> to vector<1024x1xf32>
    %broadcast_in_dim3A_10 = vector.broadcast %broadcast_in_dim3A : vector<1024x1xf32> to vector<1024x16xf32>
    %swap3A = arith.constant 0 : index
    %swap3A_11 = arith.constant 0 : index
    %swap3A_12 = vector.load %arg5[%swap3A, %swap3A_11] : memref<1024x16xf32, #tpu.memory_space<vmem>>, vector<1024x16xf32>
    tpu.vector_store %arg5[%swap3A, %swap3A_11], %broadcast_in_dim3A_10 {strides = array<i32>} : memref<1024x16xf32, #tpu.memory_space<vmem>>, vector<1024x16xf32>,
    %get3A_13 = arith.constant 0 : index
    %get3A_14 = arith.constant 0 : index
    %get3A_15 = vector.load %arg3[%get3A_13, %get3A_14] : memref<1024x128xf32, #tpu.memory_space<vmem>>, vector<1024x128xf32>
    %get3A_16 = arith.constant 0 : index
    %get3A_17 = arith.constant 0 : index
    %get3A_18 = vector.load %arg4[%get3A_16, %get3A_17] : memref<128x128xf32, #tpu.memory_space<vmem>>, vector<128x128xf32>
    %dot_general3A = arith.constant dense<0.000000e+00> : vector<1024x128xf32>
    %dot_general3A_19 = tpu.matmul %get3A_15, %get3A_18, %dot_general3A {dimension_numbers = #tpu.dot_dimension_numbers<[1], [0], [0], [1], [0, 0, 1, 1], [], []>, transpose_lhs_hint = false} : vector<1024x128xf32>, vector<128x128xf32>, vector<1024x128xf32> -> vector<1024x128xf32>
    %mul3A = vector.broadcast %rsqrt3A : vector<1024x1xf32> to vector<1024x128xf32>
    %mul3A_20 = arith.mulf %dot_general3A_19, %mul3A : vector<1024x128xf32>
    %swap3A_21 = arith.constant 0 : index
    %swap3A_22 = arith.constant 0 : index
    %swap3A_23 = vector.load %arg6[%swap3A_21, %swap3A_22] : memref<1024x128xf32, #tpu.memory_space<vmem>>, vector<1024x128xf32>
    tpu.vector_store %arg6[%swap3A_21, %swap3A_22], %mul3A_20 {strides = array<i32>} : memref<1024x128xf32, #tpu.memory_space<vmem>>, vector<1024x128xf32>,
    return
  }
  func.func @transform_0(%arg0: i32) -> (i32, i32) {
    %c0_i32 = arith.constant 0 : i32
    %c0_i32_0 = arith.constant 0 : i32
    return %arg0, %c0_i32 : i32, i32
  }
  func.func @transform_1(%arg0: i32) -> (i32, i32) {
    %c0_i32 = arith.constant 0 : i32
    %c0_i32_0 = arith.constant 0 : i32
    return %arg0, %c0_i32 : i32, i32
  }
  func.func @transform_2(%arg0: i32) -> (i32, i32) {
    %c0_i32 = arith.constant 0 : i32
    %c0_i32_0 = arith.constant 0 : i32
    return %arg0, %c0_i32 : i32, i32
  }
  func.func @transform_3(%arg0: i32) -> (i32, i32) {
    %c0_i32 = arith.constant 0 : i32
    %c0_i32_0 = arith.constant 0 : i32
    %c0_i32_1 = arith.constant 0 : i32
    return %c0_i32, %c0_i32_0 : i32, i32
  }
  func.func @transform_4(%arg0: i32) -> (i32, i32) {
    %c0_i32 = arith.constant 0 : i32
    %c0_i32_0 = arith.constant 0 : i32
    return %arg0, %c0_i32 : i32, i32
  }
  func.func @transform_5(%arg0: i32) -> (i32, i32) {
    %c0_i32 = arith.constant 0 : i32
    %c0_i32_0 = arith.constant 0 : i32
    return %arg0, %c0_i32 : i32, i32
  }
}

module attributes {stable_mosaic.version = 14 : i64} {
  func.func @_mid_body(%arg0: i32, %arg1: memref<1024x128xf32, #tpu.memory_space<vmem>>, %arg2: memref<1024x128xf32, #tpu.memory_space<vmem>>, %arg3: memref<1024x128xf32, #tpu.memory_space<vmem>>, %arg4: memref<1024x16xf32, #tpu.memory_space<vmem>>, %arg5: memref<1x128xf32, #tpu.memory_space<vmem>>, %arg6: memref<128x128xf32, #tpu.memory_space<vmem>>, %arg7: memref<1024x128xf32, #tpu.memory_space<vmem>>, %arg8: memref<1024x128xf32, #tpu.memory_space<vmem>>) attributes {dimension_semantics = [#tpu.dimension_semantics<arbitrary>], iteration_bounds = array<i64: 10>, scalar_prefetch = 0 : i64, scratch_operands = 0 : i64, tpu.core_type = #tpu.core_type<tc>, window_params = [{transform_indices = @transform_0, window_bounds = array<i64: 1024, 128>}, {transform_indices = @transform_1, window_bounds = array<i64: 1024, 128>}, {transform_indices = @transform_2, window_bounds = array<i64: 1024, 128>}, {transform_indices = @transform_3, window_bounds = array<i64: 1024, 16>}, {pipeline_mode = #tpu.pipeline_mode<synchronous>, transform_indices = @transform_4, window_bounds = array<i64: 1, 128>}, {pipeline_mode = #tpu.pipeline_mode<synchronous>, transform_indices = @transform_5, window_bounds = array<i64: 128, 128>}, {transform_indices = @transform_6, window_bounds = array<i64: 1024, 128>}, {transform_indices = @transform_7, window_bounds = array<i64: 1024, 128>}]} {
    %get3A = arith.constant 0 : index
    %get3A_0 = arith.constant 0 : index
    %get3A_1 = vector.load %arg4[%get3A, %get3A_0] : memref<1024x16xf32, #tpu.memory_space<vmem>>, vector<1024x1xf32>
    %get3A_2 = arith.constant 0 : index
    %get3A_3 = arith.constant 0 : index
    %get3A_4 = vector.load %arg1[%get3A_2, %get3A_3] : memref<1024x128xf32, #tpu.memory_space<vmem>>, vector<1024x128xf32>
    %get3A_5 = arith.constant 0 : index
    %get3A_6 = arith.constant 0 : index
    %get3A_7 = vector.load %arg2[%get3A_5, %get3A_6] : memref<1024x128xf32, #tpu.memory_space<vmem>>, vector<1024x128xf32>
    %add3A = arith.addf %get3A_4, %get3A_7 : vector<1024x128xf32>
    %get3A_8 = arith.constant 0 : index
    %get3A_9 = arith.constant 0 : index
    %get3A_10 = vector.load %arg3[%get3A_8, %get3A_9] : memref<1024x128xf32, #tpu.memory_space<vmem>>, vector<1024x128xf32>
    %add3A_11 = arith.addf %add3A, %get3A_10 : vector<1024x128xf32>
    %mul3A = vector.broadcast %get3A_1 : vector<1024x1xf32> to vector<1024x128xf32>
    %mul3A_12 = arith.mulf %mul3A, %add3A_11 : vector<1024x128xf32>
    %get3A_13 = arith.constant 0 : index
    %get3A_14 = arith.constant 0 : index
    %get3A_15 = vector.load %arg5[%get3A_13, %get3A_14] : memref<1x128xf32, #tpu.memory_space<vmem>>, vector<1x128xf32>
    %add3A_16 = vector.broadcast %get3A_15 : vector<1x128xf32> to vector<1024x128xf32>
    %add3A_17 = arith.addf %mul3A_12, %add3A_16 : vector<1024x128xf32>
    %max3A = arith.constant 0.000000e+00 : f32
    %max3A_18 = vector.broadcast %max3A : f32 to vector<1024x128xf32>
    %max3A_19 = arith.maximumf %add3A_17, %max3A_18 : vector<1024x128xf32>
    %swap3A = arith.constant 0 : index
    %swap3A_20 = arith.constant 0 : index
    %swap3A_21 = vector.load %arg7[%swap3A, %swap3A_20] : memref<1024x128xf32, #tpu.memory_space<vmem>>, vector<1024x128xf32>
    tpu.vector_store %arg7[%swap3A, %swap3A_20], %max3A_19 {strides = array<i32>} : memref<1024x128xf32, #tpu.memory_space<vmem>>, vector<1024x128xf32>,
    %get3A_22 = arith.constant 0 : index
    %get3A_23 = arith.constant 0 : index
    %get3A_24 = vector.load %arg6[%get3A_22, %get3A_23] : memref<128x128xf32, #tpu.memory_space<vmem>>, vector<128x128xf32>
    %dot_general3A = arith.constant dense<0.000000e+00> : vector<1024x128xf32>
    %dot_general3A_25 = tpu.matmul %max3A_19, %get3A_24, %dot_general3A {dimension_numbers = #tpu.dot_dimension_numbers<[1], [0], [0], [1], [0, 0, 1, 1], [], []>, transpose_lhs_hint = false} : vector<1024x128xf32>, vector<128x128xf32>, vector<1024x128xf32> -> vector<1024x128xf32>
    %mul3A_26 = vector.broadcast %get3A_1 : vector<1024x1xf32> to vector<1024x128xf32>
    %mul3A_27 = arith.mulf %dot_general3A_25, %mul3A_26 : vector<1024x128xf32>
    %swap3A_28 = arith.constant 0 : index
    %swap3A_29 = arith.constant 0 : index
    %swap3A_30 = vector.load %arg8[%swap3A_28, %swap3A_29] : memref<1024x128xf32, #tpu.memory_space<vmem>>, vector<1024x128xf32>
    tpu.vector_store %arg8[%swap3A_28, %swap3A_29], %mul3A_27 {strides = array<i32>} : memref<1024x128xf32, #tpu.memory_space<vmem>>, vector<1024x128xf32>,
    return
  }
  func.func @transform_0(%arg0: i32) -> (i32, i32) {
    %c0_i32 = arith.constant 0 : i32
    %c0_i32_0 = arith.constant 0 : i32
    return %arg0, %c0_i32 : i32, i32
  }
  func.func @transform_1(%arg0: i32) -> (i32, i32) {
    %c0_i32 = arith.constant 0 : i32
    %c0_i32_0 = arith.constant 0 : i32
    return %arg0, %c0_i32 : i32, i32
  }
  func.func @transform_2(%arg0: i32) -> (i32, i32) {
    %c0_i32 = arith.constant 0 : i32
    %c0_i32_0 = arith.constant 0 : i32
    return %arg0, %c0_i32 : i32, i32
  }
  func.func @transform_3(%arg0: i32) -> (i32, i32) {
    %c0_i32 = arith.constant 0 : i32
    %c0_i32_0 = arith.constant 0 : i32
    return %arg0, %c0_i32 : i32, i32
  }
  func.func @transform_4(%arg0: i32) -> (i32, i32) {
    %c0_i32 = arith.constant 0 : i32
    %c0_i32_0 = arith.constant 0 : i32
    %c0_i32_1 = arith.constant 0 : i32
    return %c0_i32, %c0_i32_0 : i32, i32
  }
  func.func @transform_5(%arg0: i32) -> (i32, i32) {
    %c0_i32 = arith.constant 0 : i32
    %c0_i32_0 = arith.constant 0 : i32
    %c0_i32_1 = arith.constant 0 : i32
    return %c0_i32, %c0_i32_0 : i32, i32
  }
  func.func @transform_6(%arg0: i32) -> (i32, i32) {
    %c0_i32 = arith.constant 0 : i32
    %c0_i32_0 = arith.constant 0 : i32
    return %arg0, %c0_i32 : i32, i32
  }
  func.func @transform_7(%arg0: i32) -> (i32, i32) {
    %c0_i32 = arith.constant 0 : i32
    %c0_i32_0 = arith.constant 0 : i32
    return %arg0, %c0_i32 : i32, i32
  }
}

module attributes {stable_mosaic.version = 14 : i64} {
  func.func @_final_body(%arg0: i32, %arg1: memref<1024x128xf32, #tpu.memory_space<vmem>>, %arg2: memref<1024x128xf32, #tpu.memory_space<vmem>>, %arg3: memref<1024x128xf32, #tpu.memory_space<vmem>>, %arg4: memref<1024x16xf32, #tpu.memory_space<vmem>>, %arg5: memref<1x128xf32, #tpu.memory_space<vmem>>, %arg6: memref<1024x128xf32, #tpu.memory_space<vmem>>, %arg7: memref<1024x128xf32, #tpu.memory_space<vmem>>, %arg8: memref<128x256xf32, #tpu.memory_space<vmem>>, %arg9: memref<128x256xf32, #tpu.memory_space<vmem>>, %arg10: memref<128x256xf32, #tpu.memory_space<vmem>>, %arg11: memref<1x256xf32, #tpu.memory_space<vmem>>, %arg12: memref<1024x1xi32, #tpu.memory_space<vmem>>, %arg13: memref<256x128xf32, #tpu.memory_space<vmem>>, %arg14: memref<1x128xf32, #tpu.memory_space<vmem>>, %arg15: memref<128x10xf32, #tpu.memory_space<vmem>>, %arg16: memref<1x10xf32, #tpu.memory_space<vmem>>, %arg17: memref<16x10xf32, #tpu.memory_space<vmem>>, %arg18: memref<16x256xf32, #tpu.memory_space<vmem>>, %arg19: memref<16x1xf32, #tpu.memory_space<vmem>>) attributes {dimension_semantics = [#tpu.dimension_semantics<arbitrary>], iteration_bounds = array<i64: 10>, scalar_prefetch = 0 : i64, scratch_operands = 2 : i64, tpu.core_type = #tpu.core_type<tc>, window_params = [{transform_indices = @transform_0, window_bounds = array<i64: 1024, 128>}, {transform_indices = @transform_1, window_bounds = array<i64: 1024, 128>}, {transform_indices = @transform_2, window_bounds = array<i64: 1024, 128>}, {transform_indices = @transform_3, window_bounds = array<i64: 1024, 16>}, {pipeline_mode = #tpu.pipeline_mode<synchronous>, transform_indices = @transform_4, window_bounds = array<i64: 1, 128>}, {transform_indices = @transform_5, window_bounds = array<i64: 1024, 128>}, {transform_indices = @transform_6, window_bounds = array<i64: 1024, 128>}, {pipeline_mode = #tpu.pipeline_mode<synchronous>, transform_indices = @transform_7, window_bounds = array<i64: 128, 256>}, {pipeline_mode = #tpu.pipeline_mode<synchronous>, transform_indices = @transform_8, window_bounds = array<i64: 128, 256>}, {pipeline_mode = #tpu.pipeline_mode<synchronous>, transform_indices = @transform_9, window_bounds = array<i64: 128, 256>}, {pipeline_mode = #tpu.pipeline_mode<synchronous>, transform_indices = @transform_10, window_bounds = array<i64: 1, 256>}, {transform_indices = @transform_11, window_bounds = array<i64: 1024, 1>}, {pipeline_mode = #tpu.pipeline_mode<synchronous>, transform_indices = @transform_12, window_bounds = array<i64: 256, 128>}, {pipeline_mode = #tpu.pipeline_mode<synchronous>, transform_indices = @transform_13, window_bounds = array<i64: 1, 128>}, {pipeline_mode = #tpu.pipeline_mode<synchronous>, transform_indices = @transform_14, window_bounds = array<i64: 128, 10>}, {pipeline_mode = #tpu.pipeline_mode<synchronous>, transform_indices = @transform_15, window_bounds = array<i64: 1, 10>}, {pipeline_mode = #tpu.pipeline_mode<synchronous>, transform_indices = @transform_16, window_bounds = array<i64: 16, 10>}]} {
    %eq3A = arith.constant 0 : i32
    %eq3A_0 = arith.cmpi eq, %arg0, %eq3A : i32
    %convert_element_type3A = arith.extui %eq3A_0 : i1 to i32
    %cond3A = arith.constant 0 : i32
    %cond3A_1 = arith.cmpi ne, %convert_element_type3A, %cond3A : i32
    scf.if %cond3A_1 {
      %broadcast_in_dim3A_82 = arith.constant 0.000000e+00 : f32
      %broadcast_in_dim3A_83 = vector.broadcast %broadcast_in_dim3A_82 : f32 to vector<16x256xf32>
      %swap3A_84 = arith.constant 0 : index
      %swap3A_85 = arith.constant 0 : index
      %swap3A_86 = vector.load %arg18[%swap3A_84, %swap3A_85] : memref<16x256xf32, #tpu.memory_space<vmem>>, vector<16x256xf32>
      tpu.vector_store %arg18[%swap3A_84, %swap3A_85], %broadcast_in_dim3A_83 {strides = array<i32>} : memref<16x256xf32, #tpu.memory_space<vmem>>, vector<16x256xf32>,
      %broadcast_in_dim3A_87 = arith.constant 0.000000e+00 : f32
      %broadcast_in_dim3A_88 = vector.broadcast %broadcast_in_dim3A_87 : f32 to vector<16x1xf32>
      %swap3A_89 = arith.constant 0 : index
      %swap3A_90 = arith.constant 0 : index
      %swap3A_91 = vector.load %arg19[%swap3A_89, %swap3A_90] : memref<16x1xf32, #tpu.memory_space<vmem>>, vector<16x1xf32>
      tpu.vector_store %arg19[%swap3A_89, %swap3A_90], %broadcast_in_dim3A_88 {strides = array<i32>} : memref<16x1xf32, #tpu.memory_space<vmem>>, vector<16x1xf32>,
    } else {
    }
    %get3A = arith.constant 0 : index
    %get3A_2 = arith.constant 0 : index
    %get3A_3 = vector.load %arg4[%get3A, %get3A_2] : memref<1024x16xf32, #tpu.memory_space<vmem>>, vector<1024x1xf32>
    %get3A_4 = arith.constant 0 : index
    %get3A_5 = arith.constant 0 : index
    %get3A_6 = vector.load %arg1[%get3A_4, %get3A_5] : memref<1024x128xf32, #tpu.memory_space<vmem>>, vector<1024x128xf32>
    %get3A_7 = arith.constant 0 : index
    %get3A_8 = arith.constant 0 : index
    %get3A_9 = vector.load %arg2[%get3A_7, %get3A_8] : memref<1024x128xf32, #tpu.memory_space<vmem>>, vector<1024x128xf32>
    %add3A = arith.addf %get3A_6, %get3A_9 : vector<1024x128xf32>
    %get3A_10 = arith.constant 0 : index
    %get3A_11 = arith.constant 0 : index
    %get3A_12 = vector.load %arg3[%get3A_10, %get3A_11] : memref<1024x128xf32, #tpu.memory_space<vmem>>, vector<1024x128xf32>
    %add3A_13 = arith.addf %add3A, %get3A_12 : vector<1024x128xf32>
    %mul3A = vector.broadcast %get3A_3 : vector<1024x1xf32> to vector<1024x128xf32>
    %mul3A_14 = arith.mulf %mul3A, %add3A_13 : vector<1024x128xf32>
    %get3A_15 = arith.constant 0 : index
    %get3A_16 = arith.constant 0 : index
    %get3A_17 = vector.load %arg5[%get3A_15, %get3A_16] : memref<1x128xf32, #tpu.memory_space<vmem>>, vector<1x128xf32>
    %add3A_18 = vector.broadcast %get3A_17 : vector<1x128xf32> to vector<1024x128xf32>
    %add3A_19 = arith.addf %mul3A_14, %add3A_18 : vector<1024x128xf32>
    %max3A = arith.constant 0.000000e+00 : f32
    %max3A_20 = vector.broadcast %max3A : f32 to vector<1024x128xf32>
    %max3A_21 = arith.maximumf %add3A_19, %max3A_20 : vector<1024x128xf32>
    %get3A_22 = arith.constant 0 : index
    %get3A_23 = arith.constant 0 : index
    %get3A_24 = vector.load %arg6[%get3A_22, %get3A_23] : memref<1024x128xf32, #tpu.memory_space<vmem>>, vector<1024x128xf32>
    %get3A_25 = arith.constant 0 : index
    %get3A_26 = arith.constant 0 : index
    %get3A_27 = vector.load %arg8[%get3A_25, %get3A_26] : memref<128x256xf32, #tpu.memory_space<vmem>>, vector<128x256xf32>
    %dot_general3A = arith.constant dense<0.000000e+00> : vector<1024x256xf32>
    %dot_general3A_28 = tpu.matmul %get3A_24, %get3A_27, %dot_general3A {dimension_numbers = #tpu.dot_dimension_numbers<[1], [0], [0], [1], [0, 0, 1, 1], [], []>, transpose_lhs_hint = false} : vector<1024x128xf32>, vector<128x256xf32>, vector<1024x256xf32> -> vector<1024x256xf32>
    %get3A_29 = arith.constant 0 : index
    %get3A_30 = arith.constant 0 : index
    %get3A_31 = vector.load %arg7[%get3A_29, %get3A_30] : memref<1024x128xf32, #tpu.memory_space<vmem>>, vector<1024x128xf32>
    %get3A_32 = arith.constant 0 : index
    %get3A_33 = arith.constant 0 : index
    %get3A_34 = vector.load %arg9[%get3A_32, %get3A_33] : memref<128x256xf32, #tpu.memory_space<vmem>>, vector<128x256xf32>
    %dot_general3A_35 = arith.constant dense<0.000000e+00> : vector<1024x256xf32>
    %dot_general3A_36 = tpu.matmul %get3A_31, %get3A_34, %dot_general3A_35 {dimension_numbers = #tpu.dot_dimension_numbers<[1], [0], [0], [1], [0, 0, 1, 1], [], []>, transpose_lhs_hint = false} : vector<1024x128xf32>, vector<128x256xf32>, vector<1024x256xf32> -> vector<1024x256xf32>
    %add3A_37 = arith.addf %dot_general3A_28, %dot_general3A_36 : vector<1024x256xf32>
    %get3A_38 = arith.constant 0 : index
    %get3A_39 = arith.constant 0 : index
    %get3A_40 = vector.load %arg10[%get3A_38, %get3A_39] : memref<128x256xf32, #tpu.memory_space<vmem>>, vector<128x256xf32>
    %dot_general3A_41 = arith.constant dense<0.000000e+00> : vector<1024x256xf32>
    %dot_general3A_42 = tpu.matmul %max3A_21, %get3A_40, %dot_general3A_41 {dimension_numbers = #tpu.dot_dimension_numbers<[1], [0], [0], [1], [0, 0, 1, 1], [], []>, transpose_lhs_hint = false} : vector<1024x128xf32>, vector<128x256xf32>, vector<1024x256xf32> -> vector<1024x256xf32>
    %add3A_43 = arith.addf %add3A_37, %dot_general3A_42 : vector<1024x256xf32>
    %get3A_44 = arith.constant 0 : index
    %get3A_45 = arith.constant 0 : index
    %get3A_46 = vector.load %arg11[%get3A_44, %get3A_45] : memref<1x256xf32, #tpu.memory_space<vmem>>, vector<1x256xf32>
    %add3A_47 = vector.broadcast %get3A_46 : vector<1x256xf32> to vector<1024x256xf32>
    %add3A_48 = arith.addf %add3A_43, %add3A_47 : vector<1024x256xf32>
    %max3A_49 = arith.constant 0.000000e+00 : f32
    %max3A_50 = vector.broadcast %max3A_49 : f32 to vector<1024x256xf32>
    %max3A_51 = arith.maximumf %add3A_48, %max3A_50 : vector<1024x256xf32>
    %iota3A = tpu.iota {dimensions = array<i32: 1>} : vector<1024x16xi32>
    %get3A_52 = arith.constant 0 : index
    %get3A_53 = arith.constant 0 : index
    %get3A_54 = vector.load %arg12[%get3A_52, %get3A_53] : memref<1024x1xi32, #tpu.memory_space<vmem>>, vector<1024x1xi32>
    %eq3A_55 = vector.broadcast %get3A_54 : vector<1024x1xi32> to vector<1024x16xi32>
    %eq3A_56 = arith.cmpi eq, %eq3A_55, %iota3A : vector<1024x16xi32>
    %convert_element_type3A_57 = arith.extui %eq3A_56 : vector<1024x16xi1> to vector<1024x16xi32>
    %convert_element_type3A_58 = arith.sitofp %convert_element_type3A_57 : vector<1024x16xi32> to vector<1024x16xf32>
    %get3A_59 = arith.constant 0 : index
    %get3A_60 = arith.constant 0 : index
    %get3A_61 = vector.load %arg18[%get3A_59, %get3A_60] : memref<16x256xf32, #tpu.memory_space<vmem>>, vector<16x256xf32>
    %dot_general3A_62 = arith.constant dense<0.000000e+00> : vector<16x256xf32>
    %dot_general3A_63 = tpu.matmul %convert_element_type3A_58, %max3A_51, %dot_general3A_62 {dimension_numbers = #tpu.dot_dimension_numbers<[0], [0], [1], [1], [0, 1, 1, 1], [], []>, transpose_lhs_hint = false} : vector<1024x16xf32>, vector<1024x256xf32>, vector<16x256xf32> -> vector<16x256xf32>
    %add3A_64 = arith.addf %get3A_61, %dot_general3A_63 : vector<16x256xf32>
    %swap3A = arith.constant 0 : index
    %swap3A_65 = arith.constant 0 : index
    %swap3A_66 = vector.load %arg18[%swap3A, %swap3A_65] : memref<16x256xf32, #tpu.memory_space<vmem>>, vector<16x256xf32>
    tpu.vector_store %arg18[%swap3A, %swap3A_65], %add3A_64 {strides = array<i32>} : memref<16x256xf32, #tpu.memory_space<vmem>>, vector<16x256xf32>,
    %broadcast_in_dim3A = arith.constant 1.000000e+00 : f32
    %broadcast_in_dim3A_67 = vector.broadcast %broadcast_in_dim3A : f32 to vector<1024x1xf32>
    %get3A_68 = arith.constant 0 : index
    %get3A_69 = arith.constant 0 : index
    %get3A_70 = vector.load %arg19[%get3A_68, %get3A_69] : memref<16x1xf32, #tpu.memory_space<vmem>>, vector<16x1xf32>
    %dot_general3A_71 = arith.constant dense<0.000000e+00> : vector<16x1xf32>
    %dot_general3A_72 = tpu.matmul %convert_element_type3A_58, %broadcast_in_dim3A_67, %dot_general3A_71 {dimension_numbers = #tpu.dot_dimension_numbers<[0], [0], [1], [1], [0, 1, 1, 1], [], []>, transpose_lhs_hint = false} : vector<1024x16xf32>, vector<1024x1xf32>, vector<16x1xf32> -> vector<16x1xf32>
    %add3A_73 = arith.addf %get3A_70, %dot_general3A_72 : vector<16x1xf32>
    %swap3A_74 = arith.constant 0 : index
    %swap3A_75 = arith.constant 0 : index
    %swap3A_76 = vector.load %arg19[%swap3A_74, %swap3A_75] : memref<16x1xf32, #tpu.memory_space<vmem>>, vector<16x1xf32>
    tpu.vector_store %arg19[%swap3A_74, %swap3A_75], %add3A_73 {strides = array<i32>} : memref<16x1xf32, #tpu.memory_space<vmem>>, vector<16x1xf32>,
    %eq3A_77 = arith.constant 9 : i32
    %eq3A_78 = arith.cmpi eq, %arg0, %eq3A_77 : i32
    %convert_element_type3A_79 = arith.extui %eq3A_78 : i1 to i32
    %cond3A_80 = arith.constant 0 : i32
    %cond3A_81 = arith.cmpi ne, %convert_element_type3A_79, %cond3A_80 : i32
    scf.if %cond3A_81 {
      %get3A_82 = arith.constant 0 : index
      %get3A_83 = arith.constant 0 : index
      %get3A_84 = vector.load %arg18[%get3A_82, %get3A_83] : memref<16x256xf32, #tpu.memory_space<vmem>>, vector<16x256xf32>
      %get3A_85 = arith.constant 0 : index
      %get3A_86 = arith.constant 0 : index
      %get3A_87 = vector.load %arg19[%get3A_85, %get3A_86] : memref<16x1xf32, #tpu.memory_space<vmem>>, vector<16x1xf32>
      %max3A_88 = arith.constant 1.000000e+00 : f32
      %max3A_89 = vector.broadcast %max3A_88 : f32 to vector<16x1xf32>
      %max3A_90 = arith.maximumf %get3A_87, %max3A_89 : vector<16x1xf32>
      %div3A = vector.broadcast %max3A_90 : vector<16x1xf32> to vector<16x256xf32>
      %div3A_91 = arith.divf %get3A_84, %div3A : vector<16x256xf32>
      %get3A_92 = arith.constant 0 : index
      %get3A_93 = arith.constant 0 : index
      %get3A_94 = vector.load %arg13[%get3A_92, %get3A_93] : memref<256x128xf32, #tpu.memory_space<vmem>>, vector<256x128xf32>
      %dot_general3A_95 = arith.constant dense<0.000000e+00> : vector<16x128xf32>
      %dot_general3A_96 = tpu.matmul %div3A_91, %get3A_94, %dot_general3A_95 {dimension_numbers = #tpu.dot_dimension_numbers<[1], [0], [0], [1], [0, 0, 1, 1], [], []>, transpose_lhs_hint = false} : vector<16x256xf32>, vector<256x128xf32>, vector<16x128xf32> -> vector<16x128xf32>
      %get3A_97 = arith.constant 0 : index
      %get3A_98 = arith.constant 0 : index
      %get3A_99 = vector.load %arg14[%get3A_97, %get3A_98] : memref<1x128xf32, #tpu.memory_space<vmem>>, vector<1x128xf32>
      %add3A_100 = vector.broadcast %get3A_99 : vector<1x128xf32> to vector<16x128xf32>
      %add3A_101 = arith.addf %dot_general3A_96, %add3A_100 : vector<16x128xf32>
      %max3A_102 = arith.constant 0.000000e+00 : f32
      %max3A_103 = vector.broadcast %max3A_102 : f32 to vector<16x128xf32>
      %max3A_104 = arith.maximumf %add3A_101, %max3A_103 : vector<16x128xf32>
      %get3A_105 = arith.constant 0 : index
      %get3A_106 = arith.constant 0 : index
      %get3A_107 = vector.load %arg15[%get3A_105, %get3A_106] : memref<128x10xf32, #tpu.memory_space<vmem>>, vector<128x10xf32>
      %dot_general3A_108 = arith.constant dense<0.000000e+00> : vector<16x10xf32>
      %dot_general3A_109 = tpu.matmul %max3A_104, %get3A_107, %dot_general3A_108 {dimension_numbers = #tpu.dot_dimension_numbers<[1], [0], [0], [1], [0, 0, 1, 1], [], []>, transpose_lhs_hint = false} : vector<16x128xf32>, vector<128x10xf32>, vector<16x10xf32> -> vector<16x10xf32>
      %get3A_110 = arith.constant 0 : index
      %get3A_111 = arith.constant 0 : index
      %get3A_112 = vector.load %arg16[%get3A_110, %get3A_111] : memref<1x10xf32, #tpu.memory_space<vmem>>, vector<1x10xf32>
      %add3A_113 = vector.broadcast %get3A_112 : vector<1x10xf32> to vector<16x10xf32>
      %add3A_114 = arith.addf %dot_general3A_109, %add3A_113 : vector<16x10xf32>
      %swap3A_115 = arith.constant 0 : index
      %swap3A_116 = arith.constant 0 : index
      %swap3A_117 = vector.load %arg17[%swap3A_115, %swap3A_116] : memref<16x10xf32, #tpu.memory_space<vmem>>, vector<16x10xf32>
      tpu.vector_store %arg17[%swap3A_115, %swap3A_116], %add3A_114 {strides = array<i32>} : memref<16x10xf32, #tpu.memory_space<vmem>>, vector<16x10xf32>,
    } else {
    }
    return
  }
  func.func @transform_0(%arg0: i32) -> (i32, i32) {
    %c0_i32 = arith.constant 0 : i32
    %c0_i32_0 = arith.constant 0 : i32
    return %arg0, %c0_i32 : i32, i32
  }
  func.func @transform_1(%arg0: i32) -> (i32, i32) {
    %c0_i32 = arith.constant 0 : i32
    %c0_i32_0 = arith.constant 0 : i32
    return %arg0, %c0_i32 : i32, i32
  }
  func.func @transform_2(%arg0: i32) -> (i32, i32) {
    %c0_i32 = arith.constant 0 : i32
    %c0_i32_0 = arith.constant 0 : i32
    return %arg0, %c0_i32 : i32, i32
  }
  func.func @transform_3(%arg0: i32) -> (i32, i32) {
    %c0_i32 = arith.constant 0 : i32
    %c0_i32_0 = arith.constant 0 : i32
    return %arg0, %c0_i32 : i32, i32
  }
  func.func @transform_4(%arg0: i32) -> (i32, i32) {
    %c0_i32 = arith.constant 0 : i32
    %c0_i32_0 = arith.constant 0 : i32
    %c0_i32_1 = arith.constant 0 : i32
    return %c0_i32, %c0_i32_0 : i32, i32
  }
  func.func @transform_5(%arg0: i32) -> (i32, i32) {
    %c0_i32 = arith.constant 0 : i32
    %c0_i32_0 = arith.constant 0 : i32
    return %arg0, %c0_i32 : i32, i32
  }
  func.func @transform_6(%arg0: i32) -> (i32, i32) {
    %c0_i32 = arith.constant 0 : i32
    %c0_i32_0 = arith.constant 0 : i32
    return %arg0, %c0_i32 : i32, i32
  }
  func.func @transform_7(%arg0: i32) -> (i32, i32) {
    %c0_i32 = arith.constant 0 : i32
    %c0_i32_0 = arith.constant 0 : i32
    %c0_i32_1 = arith.constant 0 : i32
    return %c0_i32, %c0_i32_0 : i32, i32
  }
  func.func @transform_8(%arg0: i32) -> (i32, i32) {
    %c0_i32 = arith.constant 0 : i32
    %c0_i32_0 = arith.constant 0 : i32
    %c0_i32_1 = arith.constant 0 : i32
    return %c0_i32, %c0_i32_0 : i32, i32
  }
  func.func @transform_9(%arg0: i32) -> (i32, i32) {
    %c0_i32 = arith.constant 0 : i32
    %c0_i32_0 = arith.constant 0 : i32
    %c0_i32_1 = arith.constant 0 : i32
    return %c0_i32, %c0_i32_0 : i32, i32
  }
  func.func @transform_10(%arg0: i32) -> (i32, i32) {
    %c0_i32 = arith.constant 0 : i32
    %c0_i32_0 = arith.constant 0 : i32
    %c0_i32_1 = arith.constant 0 : i32
    return %c0_i32, %c0_i32_0 : i32, i32
  }
  func.func @transform_11(%arg0: i32) -> (i32, i32) {
    %c0_i32 = arith.constant 0 : i32
    %c0_i32_0 = arith.constant 0 : i32
    return %arg0, %c0_i32 : i32, i32
  }
  func.func @transform_12(%arg0: i32) -> (i32, i32) {
    %c0_i32 = arith.constant 0 : i32
    %c0_i32_0 = arith.constant 0 : i32
    %c0_i32_1 = arith.constant 0 : i32
    return %c0_i32, %c0_i32_0 : i32, i32
  }
  func.func @transform_13(%arg0: i32) -> (i32, i32) {
    %c0_i32 = arith.constant 0 : i32
    %c0_i32_0 = arith.constant 0 : i32
    %c0_i32_1 = arith.constant 0 : i32
    return %c0_i32, %c0_i32_0 : i32, i32
  }
  func.func @transform_14(%arg0: i32) -> (i32, i32) {
    %c0_i32 = arith.constant 0 : i32
    %c0_i32_0 = arith.constant 0 : i32
    %c0_i32_1 = arith.constant 0 : i32
    return %c0_i32, %c0_i32_0 : i32, i32
  }
  func.func @transform_15(%arg0: i32) -> (i32, i32) {
    %c0_i32 = arith.constant 0 : i32
    %c0_i32_0 = arith.constant 0 : i32
    %c0_i32_1 = arith.constant 0 : i32
    return %c0_i32, %c0_i32_0 : i32, i32
  }
  func.func @transform_16(%arg0: i32) -> (i32, i32) {
    %c0_i32 = arith.constant 0 : i32
    %c0_i32_0 = arith.constant 0 : i32
    %c0_i32_1 = arith.constant 0 : i32
    return %c0_i32, %c0_i32_0 : i32, i32
  }
}

</mosaic_0001>

<sc_bundles>
// kernel: kernel.10.cloned.1.call-start
scs
__scs_entry_jumppad:
0x0: {  	(pc) =	sbr.rel $0x88, $3  }
0x1: {  	(tag) =	ssettag $0x0;
	lr =	simm.s32 $0x1  }
0x2: {  	[smem:$0x3F92] =	sst lr;
	_ =	strace $0xD0000000  }
0x3: {  	_ = 	snop  }
0x4: {  	_ = 	snop  }
0x5: {  	_ = 	snop  }
0x6: {  	_ = 	snop  }
0x7: {  	_ = 	snop  }
__scs_overlays_trampoline_lowered:
0x8: {  	[smem:$0x3FA1] =	sst s0  }
0x9: {  	[smem:$0x3FA2] =	sst s1  }
0xa: {  	[smem:$0x3FA3] =	sst s2  }
0xb: {  	[smem:$0x3FA4] =	sst s3  }
0xc: {  	[smem:$0x3FA5] =	sst s4  }
0xd: {  	[smem:$0x3FA6] =	sst s5  }
0xe: {  	[smem:$0x3FA7] =	sst s6  }
0xf: {  	[smem:$0x3FA8] =	sst s7  }
0x10: {  	[smem:$0x3FA9] =	sst s8  }
0x11: {  	[smem:$0x3FAA] =	sst s9;
	s0 =	simm.s32 @!p0 $0x0  }
0x12: {  	s1 =	sld [smem:$0x3F90];
	s0 =	simm.s32 @p0 $0x1  }
0x13: {  	[smem:$0x3FAB] =	sst s0;
	s0 =	simm.s32 @!p1 $0x0  }
0x14: {  	s2 =	sld [smem:$0x3F8F];
	s0 =	simm.s32 @p1 $0x1  }
0x15: {  	[smem:$0x3FAC] =	sst s0;
	s0 =	simm.s32 @!p2 $0x0  }
0x16: {  	s3 =	sld [smem:$0x3FDB];
	s0 =	simm.s32 @p2 $0x1  }
0x17: {  	s4 =	simm.s32 $0x1BF5;
	[smem:$0x3FAE] =	sst s0  }
0x18: {  	s0 =	sld [smem:$0x3F91];
	_ =	swait.ge [sflag:s4], $0x0  }
0x19: {  	s7 =	sld [smem:$0x3F92]  }
0x1a: {  	s8 =	sadd.s32 $0xFFFFE003, lr  }
0x1b: {  	s9 =	sadd.s32 $0xFFFFFEF7, lr;
	s5 =	simm.s32 $0xFFFFFFFF;
	p2 =	slt.u32 s8, $0xFFFFF086  }
0x1c: {  	p1 =	slt.u32 s9, $0xF7A;
	s5 =	simm.s32 @!p2 $0x0  }
0x1d: {  	s5 =	simm.s32 @p1 $0x1;
	p0 =	seq.s32 s7, s2  }
0x1e: {  	s7 =	smul.u32 @!p0 $0xF7A, s2;
	p2 =	seq.s32 @!p0 s5, $0x0  }
0x1f: {  	s9 =	smul.u32 $0xF7A, s1;
	s8 =	simm.s32 @!p0 $0x1BF5;
	p2 =	por !p2, p0  }
0x20: {  	[sflag:s8] =	ssyncset.s32 @!p0 $0xFFFFF086;
	s6 =	sadd.s32 @!p0 s3, s7;
	s7 =	simm.s32 @!p0 $0x108  }
0x21: {  	s3 =	sadd.s32 s3, s9;
	s6 =	sadd.s32 @!p0 $0x88, s6;
	s7 =	simm.s32 @p2 $0x1082  }
0x22: {  	[simem:s7], [sflag:s8] =	dma.local @!p0 [hbm:s6], $0xF7A  }
0x23: {  	s9 =	sor.u32 $0xD0000000, s2;
	s6 =	simm.s32 $0x108;
	_ =	swait.ge @!p0 [sflag:s8], $0x0  }
0x24: {  	s3 =	sadd.s32 $0x88, s3;
	s6 =	simm.s32 @!p1 $0x1082;
	[sflag:s4] =	ssyncset.s32 $0xFFFFF086  }
0x25: {  	[simem:s6], [sflag:s4] =	dma.local [hbm:s3], $0xF7A  }
0x26: {  	[smem:$0x3F92] =	sst s1;
	(tag) =	ssettag s2;
	_ =	strace s9  }
0x27: {  	s1 =	sld [smem:$0x3FA2]  }
0x28: {  	s2 =	sld [smem:$0x3FA3]  }
0x29: {  	s4 =	sld [smem:$0x3FA5]  }
0x2a: {  	p0 =	seq.s32 s5, $0x0;
	s5 =	sld [smem:$0x3FA6]  }
0x2b: {  	s6 =	sld [smem:$0x3FA7]  }
0x2c: {  	s7 =	sld [smem:$0x3FA8]  }
0x2d: {  	s3 =	simm.s32 $0x108;
	s8 =	sld [smem:$0x3FA9]  }
0x2e: {  	s3 =	simm.s32 @!p0 $0x1082;
	s9 =	sld [smem:$0x3FAA]  }
0x2f: {  	lr =	sadd.s32 s0, s3;
	s0 =	sld [smem:$0x3FA1]  }
0x30: {  	s3 =	sld [smem:$0x3FA4]  }
0x31: {  	[smem:$0x3FAD] =	sst s10  }
0x32: {  	s10 =	sld [smem:$0x3FAB];
	_ =	sdelay $0x3  }
0x33: {  	p0 =	seq.s32 s10, $0x1;
	s10 =	sld [smem:$0x3FAD];
	_ =	sdelay $0x3  }
0x34: {  	[smem:$0x3FAD] =	sst s10  }
0x35: {  	s10 =	sld [smem:$0x3FAC];
	_ =	sdelay $0x3  }
0x36: {  	p1 =	seq.s32 s10, $0x1;
	s10 =	sld [smem:$0x3FAD];
	_ =	sdelay $0x3  }
0x37: {  	[smem:$0x3FAD] =	sst s10  }
0x38: {  	s10 =	sld [smem:$0x3FAE]  }
0x39: {  	_ = 	snop;
	(pc) =	sbr.ind lr, $3  }
0x3a: {  	_ = 	snop  }
0x3b: {  	_ = 	snop  }
0x3c: {  	p2 =	seq.s32 s10, $0x1;
	s10 =	sld [smem:$0x3FAD]  }
0x3d: {  	_ =	shalt  }
0x3e: {  	_ =	shalt  }
0x3f: {  	_ =	shalt  }
0x40: {  	_ =	shalt  }
0x41: {  	_ =	shalt  }
0x42: {  	_ =	shalt  }
0x43: {  	_ =	shalt  }
0x44: {  	_ =	shalt  }
0x45: {  	_ =	shalt  }
0x46: {  	_ =	shalt  }
0x47: {  	_ =	shalt  }
0x48: {  	_ =	shalt  }
0x49: {  	_ =	shalt  }
0x4a: {  	_ =	shalt  }
0x4b: {  	_ =	shalt  }
0x4c: {  	_ =	shalt  }
0x4d: {  	_ =	shalt  }
0x4e: {  	_ =	shalt  }
0x4f: {  	_ =	shalt  }
0x50: {  	_ =	shalt  }
0x51: {  	_ =	shalt  }
0x52: {  	_ =	shalt  }
0x53: {  	_ =	shalt  }
0x54: {  	_ =	shalt  }
0x55: {  	_ =	shalt  }
0x56: {  	_ =	shalt  }
0x57: {  	_ =	shalt  }
0x58: {  	_ =	shalt  }
0x59: {  	_ =	shalt  }
0x5a: {  	_ =	shalt  }
0x5b: {  	_ =	shalt  }
0x5c: {  	_ =	shalt  }
0x5d: {  	_ =	shalt  }
0x5e: {  	_ =	shalt  }
0x5f: {  	_ =	shalt  }
0x60: {  	_ =	shalt  }
0x61: {  	_ =	shalt  }
0x62: {  	_ =	shalt  }
0x63: {  	_ =	shalt  }
0x64: {  	_ =	shalt  }
0x65: {  	_ =	shalt  }
0x66: {  	_ =	shalt  }
0x67: {  	_ =	shalt  }
0x68: {  	_ =	shalt  }
0x69: {  	_ =	shalt  }
0x6a: {  	_ =	shalt  }
0x6b: {  	_ =	shalt  }
0x6c: {  	_ =	shalt  }
0x6d: {  	_ =	shalt  }
0x6e: {  	_ =	shalt  }
0x6f: {  	_ =	shalt  }
0x70: {  	_ =	shalt  }
0x71: {  	_ =	shalt  }
0x72: {  	_ =	shalt  }
0x73: {  	_ =	shalt  }
0x74: {  	_ =	shalt  }
0x75: {  	_ =	shalt  }
0x76: {  	_ =	shalt  }
0x77: {  	_ =	shalt  }
0x78: {  	_ =	shalt  }
0x79: {  	_ =	shalt  }
0x7a: {  	_ =	shalt  }
0x7b: {  	_ =	shalt  }
0x7c: {  	_ =	shalt  }
0x7d: {  	_ =	shalt  }
0x7e: {  	_ =	shalt  }
0x7f: {  	_ =	shalt  }
0x80: {  	_ =	shalt  }
0x81: {  	_ =	shalt  }
0x82: {  	_ =	shalt  }
0x83: {  	_ =	shalt  }
0x84: {  	_ =	shalt  }
0x85: {  	_ =	shalt  }
0x86: {  	_ =	shalt  }
0x87: {  	_ =	shalt  }
.Lfunc_end0:
.L_simem_size_0:
called_computation_lowered:
.L_overlay_start_0:
0x88: {  	s2 =	sld [smem:$0x3FD9]  }
0x89: {  	s3 =	sld [smem:$0x3FFE];
	_ =	sdelay $0x1  }
0x8a: {  	s1 =	srdreg.scid  }
0x8b: {  	s0 =	sand.u32 $0x1, s1  }
0x8c: {  	s16 =	sshll.u32 s0, $0xA;
	s2 =	sadd.s32 s3, s2  }
0x8d: {  	s2 =	sadd.s32 s2, s16  }
0x8e: {  	[smem:$0x3FB9] =	sst s2  }
0x8f: {  	_ = 	snop  }
0x90: {  	(tm) =	ssettm $0x1  }
0x91: {  	s17 =	sld [smem:$0x3FFB];
	_ =	sdelay $0x3  }
0x92: {  	_ =	strace s17  }
0x93: {  	s2 =	sld [smem:$0x3FFC];
	_ =	sdelay $0x3  }
0x94: {  	_ =	strace s2  }
0x95: {  	s2 =	sld [smem:$0x3FFD];
	_ =	sdelay $0x3  }
0x96: {  	_ =	strace s2  }
0x97: {  	_ =	strace $0x8FFFFFFF  }
0x98: {  	s18 =	sld [smem:$0x3FDB];
	_ =	sdelay $0x1  }
0x99: {  	s19 =	simm.s32 $_scs_section_size  }
0x9a: {  	s4 =	simm.s32 $_size__tile_overlayer_lowered;
	s5 =	simm.s32 $_tile_overlayer_lowered  }
0x9b: {  	s22 =	simm.s32 $0x1BFF;
	s21 =	sshll.u32 s5, $0x1;
	s2 =	sadd.s32 s19, s18  }
0x9c: {  	s6 =	simm.s32 $0x0;
	s20 =	sshll.u32 s4, $0x1;
	s4 =	sadd.s32 s21, s2  }
0x9d: {  	[timem:s6], [sflag:s22] =	dma.local [hbm:s4], s20  }
0x9e: {  	_ =	swait.ge [sflag:s22], s20  }
0x9f: {  	s3 =	ssub.s32 $0x0, s20;
	[sflag:s22] =	ssyncset.done $0x0  }
0xa0: {  	[sflag:s22] =	ssyncadd.s32 s3;
	_ =	sdelay $0x1  }
0xa1: {  	s23 =	simm.s32 $0x1B8B  }
0xa2: {  	_ =	swait.ge [sflag:s23], $0x1  }
0xa3: {  	[sflag:s23] =	ssyncset.done $0x0  }
0xa4: {  	s25 =	simm.s32 $0x1B8E;
	s24 =	sld [smem:$0x3FFE];
	[sflag:s23] =	ssyncadd.s32 $0xFFFFFFFF  }
0xa5: {  	s26 =	simm.s32 $execute0_lowered;
	[smem:$0x3FD2] =	sst s25  }
0xa6: {  	s4 =	sshll.u32 s26, $0x1;
	_ =	strace $0x80000046;
	[dreg:$0x1] =	wrdreg $0xFFFFFFFF  }
0xa7: {  	s28 =	simm.s32 $_size_execute0_lowered;
	s2 =	sadd.s32 s2, s4;
	[dreg:$0x0] =	wrdreg $0x0  }
0xa8: {  	s4 =	sshll.u32 s28, $0x1;
	[dreg:$0x2] =	wrdreg s2  }
0xa9: {  	[dreg:$0x3] =	wrdreg s4  }
0xaa: {  	[dreg:$0x4] =	wrdreg $0xC0  }
0xab: {  	_ =	task [dreg:s6], $0x5FFFF  }
0xac: {  	[dreg:$0x1] =	wrdreg $0xFFFFFFFF  }
0xad: {  	[dreg:$0x0] =	wrdreg $0x60  }
0xae: {  	[dreg:$0x2] =	wrdreg s24  }
0xaf: {  	[dreg:$0x3] =	wrdreg $0x68000  }
0xb0: {  	[dreg:$0x4] =	wrdreg $0x9  }
0xb1: {  	_ =	task.clear_ibuf [dreg:s6], $0x5FFFF;
	_ =	strace $0x90000046  }
0xb2: {  	s29 =	simm.s32 $0x9;
	_ =	strace $0x80000048  }
0xb3: {  	_ =	swait.ge [sflag:s29], $0x1  }
0xb4: {  	[sflag:s29] =	ssyncadd.s32 $0xFFFFFFFF  }
0xb5: {  	_ =	strace $0x90000048  }
0xb6: {  	_ =	sfence  }
0xb7: {  	s30 =	sld [smem:$0x0];
	_ =	sdelay $0x2  }
0xb8: {  	s31 =	sshll.u32 s1, $0xD;
	s1 =	sshrl.u32 s1, $0x2  }
0xb9: {  	s3 =	sand.u32 $0x4000, s31;
	s1 =	sadd.s32 s1, s30  }
0xba: {  	s0 =	sor.u32 s3, s0;
	s1 =	sshll.u32 s1, $0x11  }
0xbb: {  	s0 =	sor.u32 s1, s0  }
0xbc: {  	s0 =	sadd.s32 $0x8F2B, s0  }
0xbd: {  	[sflag:s0] =	ssyncadd.remote.s32 $0x1  }
0xbe: {  	_ =	sfence.sel $0xFFFF  }
0xbf: {  	[dreg:$0x0] =	wrdreg $0xFFFFFFFF;
	(pc) =	sbr.abs _section_cstart, $3  }
0xc0: {  	[dreg:$0x1] =	wrdreg $0xFFFFFFFF  }
0xc1: {  	_ =	task.clear_ibuf [dreg:s6], $0x2FFFF;
	_ =	strace $0x9FFFFFFF  }
0xc2: {  	(tm) =	ssettm $0x7FFFFFFF  }
0xc3: {  	_ =	shalt  }
tec
execute0_lowered:
.L_overlay_start_1:
0x0: {  	(tag) =	ssettag $0x1  }
0x1: {  	s1 =	srdreg.scid;
	s5 =	rddreg [dreg:$0x0]  }
0x2: {  	s0 =	stileid.u32;
	s2 =	rddreg [dreg:$0x1];
	s3 =	simm.s32 $0x0  }
0x3: {  	s14 =	simm.s32 $0x0;
	s6 =	sand.u32 $0x1, s1;
	s1 =	rddreg [dreg:$0x2]  }
0x4: {  	s28 =	sshll.u32 s0, $0x1;
	[smem:$0x7FF] =	sst s3;
	s7 =	smul.u32 $0x14000, s0  }
0x5: {  	s29 =	smul.u32 $0x50000, s0;
	s31 =	sshll.u32 s0, $0x6;
	s4 =	sor.u32 s6, s28  }
0x6: {  	_ =	strace $0x80000047;
	s8 =	smul.u32 $0x140000, s6;
	s6 =	ssub.s32 $0x2, s6  }
0x7: {  	s4 =	smul.u32 $0x500, s4;
	s10 =	sshrl.u32 s7, $0x3;
	s11 =	sshrl.u32 s6, $0x1  }
0x8: {  	s30 =	sshrl.u32 s29, $0x2;
	s7 =	sadd.s32 s7, s8;
	s10 =	sadd.s32 s10, s5  }
0x9: {  	s11 =	ssub.s32 s6, s11;
	s13 =	sadd.s32 s30, s2;
	s6 =	sor.u32 $0x1C01, s31  }
0xa: {  	s9 =	sadd.s32 s4, s5;
	s4 =	sadd.s32 $0x37800, s5;
	s7 =	sshrl.u32 s7, $0x3  }
0xb: {  	s12 =	sadd.s32 s7, s5;
	s5 =	sadd.s32 $0xF800, s10;
	s7 =	sadd.s32 $0x5800, s9  }
0xc: {  	s9 =	smax.u32 s11, $0x1;
	s10 =	sshrl.u32 s13, $0x3;
	s11 =	simm.s32 $0x1  }
0xd: {  	s13 =	simm.s32 $0x80;
	s8 =	sadd.s32 $0x38000, s12;
	s12 =	simm.s32 $0x2800  }
.LBB2_1:
0xe: {  	[spmem:s10], [sflag:s6] =	dma.local [hbm:s5], $0x2800  }
0xf: {  	_ =	swait.ge [sflag:s11], $0x2800  }
0x10: {  	[sflag:s11] =	ssyncset.done $0x0  }
0x11: {  	[sflag:s11] =	ssyncadd.s32 $0xFFFFD800  }
0x12: {  	[tilespmem:s12], [sflag:$0x1] =	stream.linear.gather [hbm4b:s4+s3], $0x4000, $0x38;
	[tilespmem:$0x1A800] =	vst v63  }
0x13: {  	_ =	swait.ge [sflag:s11], $0x4000  }
0x14: {  	[sflag:s11] =	ssyncset.done $0x0  }
0x15: {  	[sflag:s11] =	ssyncadd.s32 $0xFFFFC000  }
0x16: {  	[tilespmem:s3], [sflag:$0x1] =	stream.linear.gather [hbm4b:s7+s3], $0x2800, $0x38;
	[tilespmem:$0x1A800] =	vst v63  }
0x17: {  	_ =	swait.ge [sflag:s11], $0x2800  }
0x18: {  	[sflag:s11] =	ssyncset.done $0x0  }
0x19: {  	[sflag:s11] =	ssyncadd.s32 $0xFFFFD800  }
0x1a: {  	s15 =	simm.s32 $0x0;
	[bflag:$0x0] =	sbarrier.arrive $0xFFFF  }
0x1b: {  	[spmem:s2] =	stream.indirect.scatter.add.f32 [tilespmem:s12], [sflag:$0x1], $0x80, s15, s13, $0xb8;
	[tilespmem:$0x1A800] =	vst v63  }
0x1c: {  	_ =	swait.ge [sflag:s11], $0x4000  }
0x1d: {  	s15 =	simm.s32 $0x200;
	[sflag:s11] =	ssyncset.done $0x0  }
.LBB2_2:
0x1e: {  	s16 =	sshra.s32 s15, $0x2;
	[sflag:s11] =	ssyncadd.s32 $0xFFFFC000;
	p0 =	sne.s32 s15, $0x9E00  }
0x1f: {  	[spmem:s2] =	stream.indirect.scatter.add.f32 [tilespmem:s12], [sflag:$0x1], $0x80, s16, s13, $0xb8;
	[tilespmem:$0x1A800] =	vst v63  }
.Ltmp0:
0x20: {  	_ = 	snop;
	(pc) =	sbr.rel @p0 .LBB2_2-.Ltmp0, $4  }
0x21: {  	_ = 	snop  }
0x22: {  	s15 =	sadd.s32 $0x200, s15  }
0x23: {  	_ =	swait.ge [sflag:s11], $0x4000  }
0x24: {  	[sflag:s11] =	ssyncset.done $0x0  }
0x25: {  	s14 =	sadd.s32 $0x1, s14  }
0x26: {  	[sflag:s11] =	ssyncadd.s32 $0xFFFFC000;
	p0 =	sne.s32 s14, s9  }
.Ltmp1:
0x27: {  	[bflag:$0x0] =	sbarrier.arrive $0xFFFF;
	(pc) =	sbr.rel @p0 .LBB2_1-.Ltmp1, $4  }
0x28: {  	[hbm:s8], [sflag:s6] =	dma.local [spmem:s10], $0x2800  }
0x29: {  	_ =	swait.ge [sflag:s11], $0x2800  }
0x2a: {  	[sflag:s11] =	ssyncset.done $0x0  }
0x2b: {  	[sflag:s11] =	ssyncadd.s32 $0xFFFFD800  }
0x2c: {  	_ =	sfence.sel $0x180000  }
0x2d: {  	[bflag:$0x0] =	sbarrier.arrive $0xFFFF  }
0x2e: {  	p0 =	sne.s32 s0, $0x0;
	_ =	strace $0x90000047  }
0x2f: {  	s0 =	sadd.s32 @!p0 $0x100000, s1;
	[bflag:$0x2] =	sbarrier.arrive $0xFFFF  }
0x30: {  	[sflag:s0] =	ssyncadd.tile.s32 @!p0 $0x1;
	_ =	shalt  }
.Lfunc_end2:
_tile_overlayer_lowered:
.L_overlay_start_2:
0x31: {  	(tag) =	ssettag $0x2  }
0x32: {  	s0 =	rddreg [dreg:$0x0];
	s2 =	stileid.u32  }
0x33: {  	s1 =	rddreg [dreg:$0x1];
	p0 =	sne.s32 s2, $0x0  }
0x34: {  	s3 =	rddreg [dreg:$0x2];
	[bflag:$0x3] =	sbarrier.arrive $0xFFFF;
	s2 =	simm.s32 @!p0 $0x1C01  }
0x35: {  	[timem:s3], [sflag:s2] =	dma.local @!p0 [hbm:s0], s1  }
0x36: {  	s0 =	simm.s32 @!p0 $0x1  }
0x37: {  	_ =	swait.ge @!p0 [sflag:s0], s1  }
0x38: {  	s1 =	ssub.s32 @!p0 $0x0, s1;
	[sflag:s0] =	ssyncset.done @!p0 $0x0  }
0x39: {  	[sflag:s0] =	ssyncadd.s32 @!p0 s1  }
0x3a: {  	[bflag:$0x3] =	sbarrier.arrive $0xFFFF  }
0x3b: {  	_ =	shalt  }

// kernel: kernel.13.cloned.1.call-start
scs
__scs_entry_jumppad:
0x0: {  	(pc) =	sbr.rel $0x88, $3  }
0x1: {  	(tag) =	ssettag $0x0;
	lr =	simm.s32 $0x1  }
0x2: {  	[smem:$0x3F92] =	sst lr;
	_ =	strace $0xD0000000  }
0x3: {  	_ = 	snop  }
0x4: {  	_ = 	snop  }
0x5: {  	_ = 	snop  }
0x6: {  	_ = 	snop  }
0x7: {  	_ = 	snop  }
__scs_overlays_trampoline_lowered:
0x8: {  	[smem:$0x3FA1] =	sst s0  }
0x9: {  	[smem:$0x3FA2] =	sst s1  }
0xa: {  	[smem:$0x3FA3] =	sst s2  }
0xb: {  	[smem:$0x3FA4] =	sst s3  }
0xc: {  	[smem:$0x3FA5] =	sst s4  }
0xd: {  	[smem:$0x3FA6] =	sst s5  }
0xe: {  	[smem:$0x3FA7] =	sst s6  }
0xf: {  	[smem:$0x3FA8] =	sst s7  }
0x10: {  	[smem:$0x3FA9] =	sst s8  }
0x11: {  	[smem:$0x3FAA] =	sst s9;
	s0 =	simm.s32 @!p0 $0x0  }
0x12: {  	s1 =	sld [smem:$0x3F90];
	s0 =	simm.s32 @p0 $0x1  }
0x13: {  	[smem:$0x3FAB] =	sst s0;
	s0 =	simm.s32 @!p1 $0x0  }
0x14: {  	s2 =	sld [smem:$0x3F8F];
	s0 =	simm.s32 @p1 $0x1  }
0x15: {  	[smem:$0x3FAC] =	sst s0;
	s0 =	simm.s32 @!p2 $0x0  }
0x16: {  	s3 =	sld [smem:$0x3FDB];
	s0 =	simm.s32 @p2 $0x1  }
0x17: {  	s4 =	simm.s32 $0x1BF5;
	[smem:$0x3FAE] =	sst s0  }
0x18: {  	s0 =	sld [smem:$0x3F91];
	_ =	swait.ge [sflag:s4], $0x0  }
0x19: {  	s7 =	sld [smem:$0x3F92]  }
0x1a: {  	s8 =	sadd.s32 $0xFFFFE003, lr  }
0x1b: {  	s9 =	sadd.s32 $0xFFFFFEF7, lr;
	s5 =	simm.s32 $0xFFFFFFFF;
	p2 =	slt.u32 s8, $0xFFFFF086  }
0x1c: {  	p1 =	slt.u32 s9, $0xF7A;
	s5 =	simm.s32 @!p2 $0x0  }
0x1d: {  	s5 =	simm.s32 @p1 $0x1;
	p0 =	seq.s32 s7, s2  }
0x1e: {  	s7 =	smul.u32 @!p0 $0xF7A, s2;
	p2 =	seq.s32 @!p0 s5, $0x0  }
0x1f: {  	s9 =	smul.u32 $0xF7A, s1;
	s8 =	simm.s32 @!p0 $0x1BF5;
	p2 =	por !p2, p0  }
0x20: {  	[sflag:s8] =	ssyncset.s32 @!p0 $0xFFFFF086;
	s6 =	sadd.s32 @!p0 s3, s7;
	s7 =	simm.s32 @!p0 $0x108  }
0x21: {  	s3 =	sadd.s32 s3, s9;
	s6 =	sadd.s32 @!p0 $0x88, s6;
	s7 =	simm.s32 @p2 $0x1082  }
0x22: {  	[simem:s7], [sflag:s8] =	dma.local @!p0 [hbm:s6], $0xF7A  }
0x23: {  	s9 =	sor.u32 $0xD0000000, s2;
	s6 =	simm.s32 $0x108;
	_ =	swait.ge @!p0 [sflag:s8], $0x0  }
0x24: {  	s3 =	sadd.s32 $0x88, s3;
	s6 =	simm.s32 @!p1 $0x1082;
	[sflag:s4] =	ssyncset.s32 $0xFFFFF086  }
0x25: {  	[simem:s6], [sflag:s4] =	dma.local [hbm:s3], $0xF7A  }
0x26: {  	[smem:$0x3F92] =	sst s1;
	(tag) =	ssettag s2;
	_ =	strace s9  }
0x27: {  	s1 =	sld [smem:$0x3FA2]  }
0x28: {  	s2 =	sld [smem:$0x3FA3]  }
0x29: {  	s4 =	sld [smem:$0x3FA5]  }
0x2a: {  	p0 =	seq.s32 s5, $0x0;
	s5 =	sld [smem:$0x3FA6]  }
0x2b: {  	s6 =	sld [smem:$0x3FA7]  }
0x2c: {  	s7 =	sld [smem:$0x3FA8]  }
0x2d: {  	s3 =	simm.s32 $0x108;
	s8 =	sld [smem:$0x3FA9]  }
0x2e: {  	s3 =	simm.s32 @!p0 $0x1082;
	s9 =	sld [smem:$0x3FAA]  }
0x2f: {  	lr =	sadd.s32 s0, s3;
	s0 =	sld [smem:$0x3FA1]  }
0x30: {  	s3 =	sld [smem:$0x3FA4]  }
0x31: {  	[smem:$0x3FAD] =	sst s10  }
0x32: {  	s10 =	sld [smem:$0x3FAB];
	_ =	sdelay $0x3  }
0x33: {  	p0 =	seq.s32 s10, $0x1;
	s10 =	sld [smem:$0x3FAD];
	_ =	sdelay $0x3  }
0x34: {  	[smem:$0x3FAD] =	sst s10  }
0x35: {  	s10 =	sld [smem:$0x3FAC];
	_ =	sdelay $0x3  }
0x36: {  	p1 =	seq.s32 s10, $0x1;
	s10 =	sld [smem:$0x3FAD];
	_ =	sdelay $0x3  }
0x37: {  	[smem:$0x3FAD] =	sst s10  }
0x38: {  	s10 =	sld [smem:$0x3FAE]  }
0x39: {  	_ = 	snop;
	(pc) =	sbr.ind lr, $3  }
0x3a: {  	_ = 	snop  }
0x3b: {  	_ = 	snop  }
0x3c: {  	p2 =	seq.s32 s10, $0x1;
	s10 =	sld [smem:$0x3FAD]  }
0x3d: {  	_ =	shalt  }
0x3e: {  	_ =	shalt  }
0x3f: {  	_ =	shalt  }
0x40: {  	_ =	shalt  }
0x41: {  	_ =	shalt  }
0x42: {  	_ =	shalt  }
0x43: {  	_ =	shalt  }
0x44: {  	_ =	shalt  }
0x45: {  	_ =	shalt  }
0x46: {  	_ =	shalt  }
0x47: {  	_ =	shalt  }
0x48: {  	_ =	shalt  }
0x49: {  	_ =	shalt  }
0x4a: {  	_ =	shalt  }
0x4b: {  	_ =	shalt  }
0x4c: {  	_ =	shalt  }
0x4d: {  	_ =	shalt  }
0x4e: {  	_ =	shalt  }
0x4f: {  	_ =	shalt  }
0x50: {  	_ =	shalt  }
0x51: {  	_ =	shalt  }
0x52: {  	_ =	shalt  }
0x53: {  	_ =	shalt  }
0x54: {  	_ =	shalt  }
0x55: {  	_ =	shalt  }
0x56: {  	_ =	shalt  }
0x57: {  	_ =	shalt  }
0x58: {  	_ =	shalt  }
0x59: {  	_ =	shalt  }
0x5a: {  	_ =	shalt  }
0x5b: {  	_ =	shalt  }
0x5c: {  	_ =	shalt  }
0x5d: {  	_ =	shalt  }
0x5e: {  	_ =	shalt  }
0x5f: {  	_ =	shalt  }
0x60: {  	_ =	shalt  }
0x61: {  	_ =	shalt  }
0x62: {  	_ =	shalt  }
0x63: {  	_ =	shalt  }
0x64: {  	_ =	shalt  }
0x65: {  	_ =	shalt  }
0x66: {  	_ =	shalt  }
0x67: {  	_ =	shalt  }
0x68: {  	_ =	shalt  }
0x69: {  	_ =	shalt  }
0x6a: {  	_ =	shalt  }
0x6b: {  	_ =	shalt  }
0x6c: {  	_ =	shalt  }
0x6d: {  	_ =	shalt  }
0x6e: {  	_ =	shalt  }
0x6f: {  	_ =	shalt  }
0x70: {  	_ =	shalt  }
0x71: {  	_ =	shalt  }
0x72: {  	_ =	shalt  }
0x73: {  	_ =	shalt  }
0x74: {  	_ =	shalt  }
0x75: {  	_ =	shalt  }
0x76: {  	_ =	shalt  }
0x77: {  	_ =	shalt  }
0x78: {  	_ =	shalt  }
0x79: {  	_ =	shalt  }
0x7a: {  	_ =	shalt  }
0x7b: {  	_ =	shalt  }
0x7c: {  	_ =	shalt  }
0x7d: {  	_ =	shalt  }
0x7e: {  	_ =	shalt  }
0x7f: {  	_ =	shalt  }
0x80: {  	_ =	shalt  }
0x81: {  	_ =	shalt  }
0x82: {  	_ =	shalt  }
0x83: {  	_ =	shalt  }
0x84: {  	_ =	shalt  }
0x85: {  	_ =	shalt  }
0x86: {  	_ =	shalt  }
0x87: {  	_ =	shalt  }
.Lfunc_end0:
.L_simem_size_0:
called_computation.1_lowered:
.L_overlay_start_0:
0x88: {  	s2 =	sld [smem:$0x3FD9]  }
0x89: {  	s3 =	sld [smem:$0x3FFE];
	_ =	sdelay $0x1  }
0x8a: {  	s1 =	srdreg.scid  }
0x8b: {  	s0 =	sand.u32 $0x1, s1  }
0x8c: {  	s16 =	sshll.u32 s0, $0xA;
	s2 =	sadd.s32 s3, s2  }
0x8d: {  	s2 =	sadd.s32 s2, s16  }
0x8e: {  	[smem:$0x3FB9] =	sst s2  }
0x8f: {  	_ = 	snop  }
0x90: {  	(tm) =	ssettm $0x1  }
0x91: {  	s17 =	sld [smem:$0x3FFB];
	_ =	sdelay $0x3  }
0x92: {  	_ =	strace s17  }
0x93: {  	s2 =	sld [smem:$0x3FFC];
	_ =	sdelay $0x3  }
0x94: {  	_ =	strace s2  }
0x95: {  	s2 =	sld [smem:$0x3FFD];
	_ =	sdelay $0x3  }
0x96: {  	_ =	strace s2  }
0x97: {  	_ =	strace $0x8FFFFFFF  }
0x98: {  	s18 =	sld [smem:$0x3FDB];
	_ =	sdelay $0x1  }
0x99: {  	s19 =	simm.s32 $_scs_section_size  }
0x9a: {  	s4 =	simm.s32 $_size__tile_overlayer_lowered;
	s5 =	simm.s32 $_tile_overlayer_lowered  }
0x9b: {  	s22 =	simm.s32 $0x1BFF;
	s21 =	sshll.u32 s5, $0x1;
	s2 =	sadd.s32 s19, s18  }
0x9c: {  	s6 =	simm.s32 $0x0;
	s20 =	sshll.u32 s4, $0x1;
	s4 =	sadd.s32 s21, s2  }
0x9d: {  	[timem:s6], [sflag:s22] =	dma.local [hbm:s4], s20  }
0x9e: {  	_ =	swait.ge [sflag:s22], s20  }
0x9f: {  	s3 =	ssub.s32 $0x0, s20;
	[sflag:s22] =	ssyncset.done $0x0  }
0xa0: {  	[sflag:s22] =	ssyncadd.s32 s3;
	_ =	sdelay $0x1  }
0xa1: {  	s23 =	simm.s32 $0x1B8B  }
0xa2: {  	_ =	swait.ge [sflag:s23], $0x1  }
0xa3: {  	[sflag:s23] =	ssyncset.done $0x0  }
0xa4: {  	s25 =	simm.s32 $0x1B8E;
	s24 =	sld [smem:$0x3FFE];
	[sflag:s23] =	ssyncadd.s32 $0xFFFFFFFF  }
0xa5: {  	s26 =	simm.s32 $execute0_lowered;
	[smem:$0x3FD2] =	sst s25  }
0xa6: {  	s4 =	sshll.u32 s26, $0x1;
	_ =	strace $0x80000049;
	[dreg:$0x1] =	wrdreg $0xFFFFFFFF  }
0xa7: {  	s28 =	simm.s32 $_size_execute0_lowered;
	s2 =	sadd.s32 s2, s4;
	[dreg:$0x0] =	wrdreg $0x0  }
0xa8: {  	s4 =	sshll.u32 s28, $0x1;
	[dreg:$0x2] =	wrdreg s2  }
0xa9: {  	[dreg:$0x3] =	wrdreg s4  }
0xaa: {  	[dreg:$0x4] =	wrdreg $0xC0  }
0xab: {  	_ =	task [dreg:s6], $0x5FFFF  }
0xac: {  	[dreg:$0x1] =	wrdreg $0xFFFFFFFF  }
0xad: {  	[dreg:$0x0] =	wrdreg $0x60  }
0xae: {  	[dreg:$0x2] =	wrdreg s24  }
0xaf: {  	[dreg:$0x3] =	wrdreg $0xB0000  }
0xb0: {  	[dreg:$0x4] =	wrdreg $0x9  }
0xb1: {  	_ =	task.clear_ibuf [dreg:s6], $0x5FFFF;
	_ =	strace $0x90000049  }
0xb2: {  	s29 =	simm.s32 $0x9;
	_ =	strace $0x8000004B  }
0xb3: {  	_ =	swait.ge [sflag:s29], $0x1  }
0xb4: {  	[sflag:s29] =	ssyncadd.s32 $0xFFFFFFFF  }
0xb5: {  	_ =	strace $0x9000004B  }
0xb6: {  	_ =	sfence  }
0xb7: {  	s30 =	sld [smem:$0x0];
	_ =	sdelay $0x2  }
0xb8: {  	s31 =	sshll.u32 s1, $0xD;
	s1 =	sshrl.u32 s1, $0x2  }
0xb9: {  	s3 =	sand.u32 $0x4000, s31;
	s1 =	sadd.s32 s1, s30  }
0xba: {  	s0 =	sor.u32 s3, s0;
	s1 =	sshll.u32 s1, $0x11  }
0xbb: {  	s0 =	sor.u32 s1, s0  }
0xbc: {  	s0 =	sadd.s32 $0x8F2B, s0  }
0xbd: {  	[sflag:s0] =	ssyncadd.remote.s32 $0x1  }
0xbe: {  	_ =	sfence.sel $0xFFFF  }
0xbf: {  	[dreg:$0x0] =	wrdreg $0xFFFFFFFF;
	(pc) =	sbr.abs _section_cstart, $3  }
0xc0: {  	[dreg:$0x1] =	wrdreg $0xFFFFFFFF  }
0xc1: {  	_ =	task.clear_ibuf [dreg:s6], $0x2FFFF;
	_ =	strace $0x9FFFFFFF  }
0xc2: {  	(tm) =	ssettm $0x7FFFFFFF  }
0xc3: {  	_ =	shalt  }
tec
execute0_lowered:
.L_overlay_start_1:
0x0: {  	(tag) =	ssettag $0x1  }
0x1: {  	s0 =	srdreg.scid  }
0x2: {  	s16 =	stileid.u32;
	s6 =	rddreg [dreg:$0x0]  }
0x3: {  	s2 =	rddreg [dreg:$0x1];
	s17 =	simm.s32 $0x2880;
	s18 =	simm.s32 $0x2900  }
0x4: {  	s19 =	simm.s32 $0x2980;
	s20 =	simm.s32 $0x2A00;
	s21 =	simm.s32 $0x2A80  }
0x5: {  	s22 =	simm.s32 $0x2B00;
	s23 =	simm.s32 $0x2B80;
	s24 =	simm.s32 $0x2C80  }
0x6: {  	s25 =	simm.s32 $0x2D00;
	s26 =	simm.s32 $0x2D80;
	s28 =	simm.s32 $0x2E00  }
0x7: {  	s29 =	simm.s32 $0x2E80;
	s3 =	sshrl.u32 s16, $0x2;
	s7 =	smul.u32 $0x14000, s16  }
0x8: {  	s0 =	sand.u32 $0x1, s0;
	s4 =	smul.u32 $0x14000, s3;
	s3 =	simm.s32 $0x0  }
0x9: {  	s1 =	sshll.u32 s16, $0x1;
	s11 =	smul.u32 $0x50000, s16;
	[smem:$0x7FF] =	sst s3  }
0xa: {  	s15 =	smul.u32 $0x5000, s16;
	_ =	strace $0x8000004A;
	[dreg:$0x3] =	wrdreg s17  }
0xb: {  	s1 =	sor.u32 s0, s1;
	s8 =	smul.u32 $0x140000, s0;
	[dreg:$0x4] =	wrdreg s18  }
0xc: {  	s31 =	ssub.s32 $0x2, s0;
	s0 =	smul.u32 $0x2800, s0;
	[dreg:$0x5] =	wrdreg s19  }
0xd: {  	s30 =	sshll.u32 s1, $0x7;
	s10 =	sshrl.u32 s7, $0x3;
	[dreg:$0x6] =	wrdreg s20  }
0xe: {  	s1 =	smul.u32 $0x2800, s1;
	s5 =	sand.u32 $0x380, s30;
	[dreg:$0x7] =	wrdreg s21  }
0xf: {  	s7 =	sadd.s32 s7, s8;
	s10 =	sadd.s32 s10, s6;
	[dreg:$0x8] =	wrdreg s22  }
0x10: {  	s8 =	sshrl.u32 s11, $0x2;
	s11 =	sshll.u32 s16, $0x6;
	[dreg:$0x9] =	wrdreg s23  }
0x11: {  	s0 =	sadd.s32 s0, s15;
	s15 =	simm.s32 $0x5;
	[dreg:$0xa] =	wrdreg s24  }
0x12: {  	s18 =	simm.s32 $0x2800;
	s19 =	simm.s32 $0x3000;
	[dreg:$0xb] =	wrdreg s25  }
0x13: {  	s20 =	simm.s32 $0x2C00;
	s21 =	simm.s32 $0x3;
	[dreg:$0xc] =	wrdreg s26  }
0x14: {  	s22 =	simm.s32 $0x7000;
	[dreg:$0xd] =	wrdreg s28;
	s23 =	simm.s32 $0x1  }
0x15: {  	[dreg:$0xe] =	wrdreg s29;
	s30 =	simm.s32 $0x2F00;
	s24 =	simm.s32 $0x2  }
0x16: {  	s25 =	simm.s32 $0x4;
	s26 =	simm.s32 $0x0;
	s4 =	sor.u32 s4, s5  }
0x17: {  	s7 =	sshrl.u32 s7, $0x3;
	s14 =	sadd.s32 s8, s2;
	s10 =	sadd.s32 $0xF800, s10  }
0x18: {  	s1 =	sshrl.u32 s1, $0x3;
	[dreg:$0xf] =	wrdreg s30;
	s5 =	sshrl.u32 s4, $0x3  }
0x19: {  	s4 =	sadd.s32 $0x37800, s6;
	s12 =	sadd.s32 s7, s6;
	s7 =	sshrl.u32 s31, $0x1  }
0x1a: {  	[dreg:$0x11] =	wrdreg s10;
	s14 =	sshrl.u32 s14, $0x3;
	s9 =	sadd.s32 s5, s6  }
0x1b: {  	s5 =	sadd.s32 $0x5800, s6;
	s13 =	ssub.s32 s31, s7;
	s7 =	sor.u32 $0x1C05, s11  }
0x1c: {  	s10 =	sadd.s32 $0xBA000, s12;
	s12 =	sadd.s32 $0x800, s0;
	s0 =	sor.u32 $0x400, s0  }
0x1d: {  	s31 =	simm.s32 $0x2F80;
	s16 =	sadd.s32 $0xB0000, s9;
	s9 =	sadd.s32 s5, s1  }
0x1e: {  	s11 =	smax.u32 s13, $0x1;
	s0 =	sshrl.u32 s0, $0x3;
	[dreg:$0x10] =	wrdreg s31  }
0x1f: {  	[dreg:$0x12] =	wrdreg s16;
	s13 =	sadd.s32 s0, s5;
	s16 =	simm.s32 $0x80  }
.LBB2_1:
0x20: {  	s0 =	rddreg [dreg:$0x11]  }
0x21: {  	[spmem:s14], [sflag:s7] =	dma.local [hbm:s0], $0x2800  }
0x22: {  	_ =	swait.ge [sflag:s15], $0x2800  }
0x23: {  	[sflag:s15] =	ssyncset.done $0x0  }
0x24: {  	s1 =	simm.s32 $0x400;
	s8 =	rddreg [dreg:$0x12];
	[sflag:s15] =	ssyncadd.s32 $0xFFFFD800  }
0x25: {  	[tilespmem:s3], [sflag:$0x5] =	stream.strided.gather [hbm4b:s8+s16], $0x2800, s1, s16, $0x38;
	[tilespmem:$0x1F000] =	vst v63  }
0x26: {  	_ =	swait.ge [sflag:s15], $0x2800  }
0x27: {  	[sflag:s15] =	ssyncset.done $0x0  }
0x28: {  	[sflag:s15] =	ssyncadd.s32 $0xFFFFD800  }
0x29: {  	[bflag:$0x0] =	sbarrier.arrive $0xFFFF  }
0x2a: {  	[tilespmem:s18], [sflag:$0x3] =	stream.linear.gather [hbm4b:s9+s3], $0x400, $0x38;
	[tilespmem:$0x1F000] =	vst v63  }
0x2b: {  	_ = 	snop  }
0x2c: {  	[tilespmem:s19], [sflag:$0x1] =	stream.indirect.gather [hbm4b:s4+s16], $0x80, s3, s16, $0xb8;
	[tilespmem:$0x1F000] =	vst v63  }
0x2d: {  	_ = 	snop  }
0x2e: {  	[tilespmem:s20], [sflag:$0x4] =	stream.linear.gather [hbm4b:s13+s3], $0x400, $0x38;
	[tilespmem:$0x1F000] =	vst v63  }
0x2f: {  	_ =	swait.ge [sflag:s21], $0x400  }
0x30: {  	[sflag:s21] =	ssyncset.done $0x0  }
0x31: {  	s17 =	simm.s32 $0x80;
	[sflag:s21] =	ssyncadd.s32 $0xFFFFFC00  }
0x32: {  	[tilespmem:s22], [sflag:$0x2] =	stream.indirect.gather [hbm4b:s4+s16], $0x80, s17, s16, $0xb8;
	[tilespmem:$0x1F000] =	vst v63  }
0x33: {  	_ =	swait.ge [sflag:s23], $0x4000  }
0x34: {  	[sflag:s23] =	ssyncset.done $0x0  }
0x35: {  	[sflag:s23] =	ssyncadd.s32 $0xFFFFC000  }
0x36: {  	[spmem:s2] =	stream.indirect.scatter.add.f32 [tilespmem:s19], [sflag:$0x5], $0x80, s18, s16, $0xb8;
	[tilespmem:$0x1F000] =	vst v63  }
0x37: {  	_ =	swait.ge [sflag:s15], $0x4000  }
0x38: {  	[sflag:s15] =	ssyncset.done $0x0  }
0x39: {  	s1 =	simm.s32 $0x100;
	[sflag:s15] =	ssyncadd.s32 $0xFFFFC000  }
0x3a: {  	[tilespmem:s19], [sflag:$0x1] =	stream.indirect.gather [hbm4b:s4+s16], $0x80, s1, s16, $0xb8;
	[tilespmem:$0x1F000] =	vst v63  }
0x3b: {  	_ =	swait.ge [sflag:s24], $0x4000  }
0x3c: {  	[sflag:s24] =	ssyncset.done $0x0  }
0x3d: {  	s6 =	rddreg [dreg:$0x3];
	[sflag:s24] =	ssyncadd.s32 $0xFFFFC000  }
0x3e: {  	[spmem:s2] =	stream.indirect.scatter.add.f32 [tilespmem:s22], [sflag:$0x5], $0x80, s6, s16, $0xb8;
	[tilespmem:$0x1F000] =	vst v63  }
0x3f: {  	_ =	swait.ge [sflag:s15], $0x4000  }
0x40: {  	[sflag:s15] =	ssyncset.done $0x0  }
0x41: {  	s8 =	simm.s32 $0x180;
	[sflag:s15] =	ssyncadd.s32 $0xFFFFC000  }
0x42: {  	[tilespmem:s22], [sflag:$0x2] =	stream.indirect.gather [hbm4b:s4+s16], $0x80, s8, s16, $0xb8;
	[tilespmem:$0x1F000] =	vst v63  }
0x43: {  	_ =	swait.ge [sflag:s23], $0x4000  }
0x44: {  	[sflag:s23] =	ssyncset.done $0x0  }
0x45: {  	s17 =	rddreg [dreg:$0x4];
	[sflag:s23] =	ssyncadd.s32 $0xFFFFC000  }
0x46: {  	[spmem:s2] =	stream.indirect.scatter.add.f32 [tilespmem:s19], [sflag:$0x5], $0x80, s17, s16, $0xb8;
	[tilespmem:$0x1F000] =	vst v63  }
0x47: {  	_ =	swait.ge [sflag:s15], $0x4000  }
0x48: {  	[sflag:s15] =	ssyncset.done $0x0  }
0x49: {  	s1 =	simm.s32 $0x200;
	[sflag:s15] =	ssyncadd.s32 $0xFFFFC000  }
0x4a: {  	[tilespmem:s19], [sflag:$0x1] =	stream.indirect.gather [hbm4b:s4+s16], $0x80, s1, s16, $0xb8;
	[tilespmem:$0x1F000] =	vst v63  }
0x4b: {  	_ =	swait.ge [sflag:s24], $0x4000  }
0x4c: {  	[sflag:s24] =	ssyncset.done $0x0  }
0x4d: {  	s6 =	rddreg [dreg:$0x5];
	[sflag:s24] =	ssyncadd.s32 $0xFFFFC000  }
0x4e: {  	[spmem:s2] =	stream.indirect.scatter.add.f32 [tilespmem:s22], [sflag:$0x5], $0x80, s6, s16, $0xb8;
	[tilespmem:$0x1F000] =	vst v63  }
0x4f: {  	_ =	swait.ge [sflag:s15], $0x4000  }
0x50: {  	[sflag:s15] =	ssyncset.done $0x0  }
0x51: {  	s8 =	simm.s32 $0x280;
	[sflag:s15] =	ssyncadd.s32 $0xFFFFC000  }
0x52: {  	[tilespmem:s22], [sflag:$0x2] =	stream.indirect.gather [hbm4b:s4+s16], $0x80, s8, s16, $0xb8;
	[tilespmem:$0x1F000] =	vst v63  }
0x53: {  	_ =	swait.ge [sflag:s23], $0x4000  }
0x54: {  	[sflag:s23] =	ssyncset.done $0x0  }
0x55: {  	s17 =	rddreg [dreg:$0x6];
	[sflag:s23] =	ssyncadd.s32 $0xFFFFC000  }
0x56: {  	[spmem:s2] =	stream.indirect.scatter.add.f32 [tilespmem:s19], [sflag:$0x5], $0x80, s17, s16, $0xb8;
	[tilespmem:$0x1F000] =	vst v63  }
0x57: {  	_ =	swait.ge [sflag:s15], $0x4000  }
0x58: {  	[sflag:s15] =	ssyncset.done $0x0  }
0x59: {  	s1 =	simm.s32 $0x300;
	[sflag:s15] =	ssyncadd.s32 $0xFFFFC000  }
0x5a: {  	[tilespmem:s19], [sflag:$0x1] =	stream.indirect.gather [hbm4b:s4+s16], $0x80, s1, s16, $0xb8;
	[tilespmem:$0x1F000] =	vst v63  }
0x5b: {  	_ =	swait.ge [sflag:s24], $0x4000  }
0x5c: {  	[sflag:s24] =	ssyncset.done $0x0  }
0x5d: {  	s6 =	rddreg [dreg:$0x7];
	[sflag:s24] =	ssyncadd.s32 $0xFFFFC000  }
0x5e: {  	[spmem:s2] =	stream.indirect.scatter.add.f32 [tilespmem:s22], [sflag:$0x5], $0x80, s6, s16, $0xb8;
	[tilespmem:$0x1F000] =	vst v63  }
0x5f: {  	_ =	swait.ge [sflag:s15], $0x4000  }
0x60: {  	[sflag:s15] =	ssyncset.done $0x0  }
0x61: {  	s8 =	simm.s32 $0x380;
	[sflag:s15] =	ssyncadd.s32 $0xFFFFC000  }
0x62: {  	[tilespmem:s22], [sflag:$0x2] =	stream.indirect.gather [hbm4b:s4+s16], $0x80, s8, s16, $0xb8;
	[tilespmem:$0x1F000] =	vst v63  }
0x63: {  	_ =	swait.ge [sflag:s23], $0x4000  }
0x64: {  	[sflag:s23] =	ssyncset.done $0x0  }
0x65: {  	s17 =	rddreg [dreg:$0x8];
	[sflag:s23] =	ssyncadd.s32 $0xFFFFC000  }
0x66: {  	[spmem:s2] =	stream.indirect.scatter.add.f32 [tilespmem:s19], [sflag:$0x5], $0x80, s17, s16, $0xb8;
	[tilespmem:$0x1F000] =	vst v63  }
0x67: {  	_ =	swait.ge [sflag:s15], $0x4000  }
0x68: {  	[sflag:s15] =	ssyncset.done $0x0  }
0x69: {  	s1 =	simm.s32 $0x400;
	[sflag:s15] =	ssyncadd.s32 $0xFFFFC000  }
0x6a: {  	[tilespmem:s19], [sflag:$0x1] =	stream.indirect.gather [hbm4b:s4+s16], $0x80, s1, s16, $0xb8;
	[tilespmem:$0x1F000] =	vst v63  }
0x6b: {  	_ =	swait.ge [sflag:s24], $0x4000  }
0x6c: {  	[sflag:s24] =	ssyncset.done $0x0  }
0x6d: {  	s6 =	rddreg [dreg:$0x9];
	[sflag:s24] =	ssyncadd.s32 $0xFFFFC000  }
0x6e: {  	[spmem:s2] =	stream.indirect.scatter.add.f32 [tilespmem:s22], [sflag:$0x5], $0x80, s6, s16, $0xb8;
	[tilespmem:$0x1F000] =	vst v63  }
0x6f: {  	p0 =	por $0x0, $0x0;
	_ =	swait.ge [sflag:s15], $0x4000  }
0x70: {  	s0 =	sshrl.u32 @!p0 s12, $0x3;
	s28 =	simm.s32 @!p0 $0x0;
	[sflag:s15] =	ssyncset.done $0x0  }
0x71: {  	s0 =	sadd.s32 @!p0 s5, s0;
	s1 =	simm.s32 @!p0 $0x2800;
	[sflag:s15] =	ssyncadd.s32 $0xFFFFC000  }
0x72: {  	[tilespmem:s1], [sflag:$0x3] =	stream.linear.gather @!p0 [hbm4b:s0+s28], $0x400, $0x38;
	[tilespmem:$0x1F000] =	vst v63  }
0x73: {  	_ =	swait.ge [sflag:s25], $0x400  }
0x74: {  	[sflag:s25] =	ssyncset.done $0x0  }
0x75: {  	s8 =	simm.s32 $0x480;
	[sflag:s25] =	ssyncadd.s32 $0xFFFFFC00  }
0x76: {  	[tilespmem:s22], [sflag:$0x2] =	stream.indirect.gather [hbm4b:s4+s16], $0x80, s8, s16, $0xb8;
	[tilespmem:$0x1F000] =	vst v63  }
0x77: {  	_ =	swait.ge [sflag:s23], $0x4000  }
0x78: {  	[sflag:s23] =	ssyncset.done $0x0  }
0x79: {  	[sflag:s23] =	ssyncadd.s32 $0xFFFFC000  }
0x7a: {  	[spmem:s2] =	stream.indirect.scatter.add.f32 [tilespmem:s19], [sflag:$0x5], $0x80, s20, s16, $0xb8;
	[tilespmem:$0x1F000] =	vst v63  }
0x7b: {  	_ =	swait.ge [sflag:s15], $0x4000  }
0x7c: {  	[sflag:s15] =	ssyncset.done $0x0  }
0x7d: {  	s17 =	simm.s32 $0x500;
	[sflag:s15] =	ssyncadd.s32 $0xFFFFC000  }
0x7e: {  	[tilespmem:s19], [sflag:$0x1] =	stream.indirect.gather [hbm4b:s4+s16], $0x80, s17, s16, $0xb8;
	[tilespmem:$0x1F000] =	vst v63  }
0x7f: {  	_ =	swait.ge [sflag:s24], $0x4000  }
0x80: {  	[sflag:s24] =	ssyncset.done $0x0  }
0x81: {  	s1 =	rddreg [dreg:$0xa];
	[sflag:s24] =	ssyncadd.s32 $0xFFFFC000  }
0x82: {  	[spmem:s2] =	stream.indirect.scatter.add.f32 [tilespmem:s22], [sflag:$0x5], $0x80, s1, s16, $0xb8;
	[tilespmem:$0x1F000] =	vst v63  }
0x83: {  	_ =	swait.ge [sflag:s15], $0x4000  }
0x84: {  	[sflag:s15] =	ssyncset.done $0x0  }
0x85: {  	s6 =	simm.s32 $0x580;
	[sflag:s15] =	ssyncadd.s32 $0xFFFFC000  }
0x86: {  	[tilespmem:s22], [sflag:$0x2] =	stream.indirect.gather [hbm4b:s4+s16], $0x80, s6, s16, $0xb8;
	[tilespmem:$0x1F000] =	vst v63  }
0x87: {  	_ =	swait.ge [sflag:s23], $0x4000  }
0x88: {  	[sflag:s23] =	ssyncset.done $0x0  }
0x89: {  	s8 =	rddreg [dreg:$0xb];
	[sflag:s23] =	ssyncadd.s32 $0xFFFFC000  }
0x8a: {  	[spmem:s2] =	stream.indirect.scatter.add.f32 [tilespmem:s19], [sflag:$0x5], $0x80, s8, s16, $0xb8;
	[tilespmem:$0x1F000] =	vst v63  }
0x8b: {  	_ =	swait.ge [sflag:s15], $0x4000  }
0x8c: {  	[sflag:s15] =	ssyncset.done $0x0  }
0x8d: {  	s17 =	simm.s32 $0x600;
	[sflag:s15] =	ssyncadd.s32 $0xFFFFC000  }
0x8e: {  	[tilespmem:s19], [sflag:$0x1] =	stream.indirect.gather [hbm4b:s4+s16], $0x80, s17, s16, $0xb8;
	[tilespmem:$0x1F000] =	vst v63  }
0x8f: {  	_ =	swait.ge [sflag:s24], $0x4000  }
0x90: {  	[sflag:s24] =	ssyncset.done $0x0  }
0x91: {  	s1 =	rddreg [dreg:$0xc];
	[sflag:s24] =	ssyncadd.s32 $0xFFFFC000  }
0x92: {  	[spmem:s2] =	stream.indirect.scatter.add.f32 [tilespmem:s22], [sflag:$0x5], $0x80, s1, s16, $0xb8;
	[tilespmem:$0x1F000] =	vst v63  }
0x93: {  	_ =	swait.ge [sflag:s15], $0x4000  }
0x94: {  	[sflag:s15] =	ssyncset.done $0x0  }
0x95: {  	s6 =	simm.s32 $0x680;
	[sflag:s15] =	ssyncadd.s32 $0xFFFFC000  }
0x96: {  	[tilespmem:s22], [sflag:$0x2] =	stream.indirect.gather [hbm4b:s4+s16], $0x80, s6, s16, $0xb8;
	[tilespmem:$0x1F000] =	vst v63  }
0x97: {  	_ =	swait.ge [sflag:s23], $0x4000  }
0x98: {  	[sflag:s23] =	ssyncset.done $0x0  }
0x99: {  	s8 =	rddreg [dreg:$0xd];
	[sflag:s23] =	ssyncadd.s32 $0xFFFFC000  }
0x9a: {  	[spmem:s2] =	stream.indirect.scatter.add.f32 [tilespmem:s19], [sflag:$0x5], $0x80, s8, s16, $0xb8;
	[tilespmem:$0x1F000] =	vst v63  }
0x9b: {  	_ =	swait.ge [sflag:s15], $0x4000  }
0x9c: {  	[sflag:s15] =	ssyncset.done $0x0  }
0x9d: {  	s17 =	simm.s32 $0x700;
	[sflag:s15] =	ssyncadd.s32 $0xFFFFC000  }
0x9e: {  	[tilespmem:s19], [sflag:$0x1] =	stream.indirect.gather [hbm4b:s4+s16], $0x80, s17, s16, $0xb8;
	[tilespmem:$0x1F000] =	vst v63  }
0x9f: {  	_ =	swait.ge [sflag:s24], $0x4000  }
0xa0: {  	[sflag:s24] =	ssyncset.done $0x0  }
0xa1: {  	s1 =	rddreg [dreg:$0xe];
	[sflag:s24] =	ssyncadd.s32 $0xFFFFC000  }
0xa2: {  	[spmem:s2] =	stream.indirect.scatter.add.f32 [tilespmem:s22], [sflag:$0x5], $0x80, s1, s16, $0xb8;
	[tilespmem:$0x1F000] =	vst v63  }
0xa3: {  	_ =	swait.ge [sflag:s15], $0x4000  }
0xa4: {  	[sflag:s15] =	ssyncset.done $0x0  }
0xa5: {  	s6 =	simm.s32 $0x780;
	[sflag:s15] =	ssyncadd.s32 $0xFFFFC000  }
0xa6: {  	[tilespmem:s22], [sflag:$0x2] =	stream.indirect.gather [hbm4b:s4+s16], $0x80, s6, s16, $0xb8;
	[tilespmem:$0x1F000] =	vst v63  }
0xa7: {  	_ =	swait.ge [sflag:s23], $0x4000  }
0xa8: {  	[sflag:s23] =	ssyncset.done $0x0  }
0xa9: {  	s8 =	rddreg [dreg:$0xf];
	[sflag:s23] =	ssyncadd.s32 $0xFFFFC000  }
0xaa: {  	[spmem:s2] =	stream.indirect.scatter.add.f32 [tilespmem:s19], [sflag:$0x5], $0x80, s8, s16, $0xb8;
	[tilespmem:$0x1F000] =	vst v63  }
0xab: {  	_ =	swait.ge [sflag:s15], $0x4000  }
0xac: {  	s0 =	simm.s32 @!p0 $0x3000;
	[sflag:s15] =	ssyncset.done $0x0  }
0xad: {  	s28 =	simm.s32 @!p0 $0x80;
	s1 =	simm.s32 @!p0 $0x800;
	[sflag:s15] =	ssyncadd.s32 $0xFFFFC000  }
0xae: {  	[tilespmem:s0], [sflag:$0x1] =	stream.indirect.gather @!p0 [hbm4b:s4+s28], $0x80, s1, s28, $0xb8;
	[tilespmem:$0x1F000] =	vst v63  }
0xaf: {  	_ =	swait.ge [sflag:s24], $0x4000  }
0xb0: {  	[sflag:s24] =	ssyncset.done $0x0  }
0xb1: {  	s17 =	rddreg [dreg:$0x10];
	[sflag:s24] =	ssyncadd.s32 $0xFFFFC000  }
0xb2: {  	[spmem:s2] =	stream.indirect.scatter.add.f32 [tilespmem:s22], [sflag:$0x5], $0x80, s17, s16, $0xb8;
	[tilespmem:$0x1F000] =	vst v63  }
0xb3: {  	s29 =	sadd.s32 $0x100, s13;
	s30 =	simm.s32 $0x3;
	_ =	swait.ge [sflag:s15], $0x4000  }
0xb4: {  	s31 =	smov.u32 s12;
	s28 =	simm.s32 $0x2000;
	[sflag:s15] =	ssyncset.done $0x0  }
.LBB2_2:
0xb5: {  	[sflag:s15] =	ssyncadd.s32 $0xFFFFC000  }
0xb6: {  	[tilespmem:s20], [sflag:$0x4] =	stream.linear.gather [hbm4b:s29+s3], $0x400, $0x38;
	[tilespmem:$0x1F000] =	vst v63  }
0xb7: {  	s1 =	smov.u32 s28;
	_ =	swait.ge [sflag:s21], $0x400  }
0xb8: {  	s0 =	sshra.s32 s1, $0x2;
	[sflag:s21] =	ssyncset.done $0x0  }
0xb9: {  	s17 =	sadd.s32 $0x80, s0;
	[sflag:s21] =	ssyncadd.s32 $0xFFFFFC00  }
0xba: {  	[tilespmem:s22], [sflag:$0x2] =	stream.indirect.gather [hbm4b:s4+s16], $0x80, s17, s16, $0xb8;
	[tilespmem:$0x1F000] =	vst v63  }
0xbb: {  	_ =	swait.ge [sflag:s23], $0x4000  }
0xbc: {  	[sflag:s23] =	ssyncset.done $0x0  }
0xbd: {  	[sflag:s23] =	ssyncadd.s32 $0xFFFFC000  }
0xbe: {  	[spmem:s2] =	stream.indirect.scatter.add.f32 [tilespmem:s19], [sflag:$0x5], $0x80, s18, s16, $0xb8;
	[tilespmem:$0x1F000] =	vst v63  }
0xbf: {  	_ =	swait.ge [sflag:s15], $0x4000  }
0xc0: {  	[sflag:s15] =	ssyncset.done $0x0  }
0xc1: {  	s6 =	sadd.s32 $0x100, s0;
	[sflag:s15] =	ssyncadd.s32 $0xFFFFC000  }
0xc2: {  	[tilespmem:s19], [sflag:$0x1] =	stream.indirect.gather [hbm4b:s4+s16], $0x80, s6, s16, $0xb8;
	[tilespmem:$0x1F000] =	vst v63  }
0xc3: {  	_ =	swait.ge [sflag:s24], $0x4000  }
0xc4: {  	[sflag:s24] =	ssyncset.done $0x0  }
0xc5: {  	s8 =	rddreg [dreg:$0x3];
	[sflag:s24] =	ssyncadd.s32 $0xFFFFC000  }
0xc6: {  	[spmem:s2] =	stream.indirect.scatter.add.f32 [tilespmem:s22], [sflag:$0x5], $0x80, s8, s16, $0xb8;
	[tilespmem:$0x1F000] =	vst v63  }
0xc7: {  	_ =	swait.ge [sflag:s15], $0x4000  }
0xc8: {  	[sflag:s15] =	ssyncset.done $0x0  }
0xc9: {  	s6 =	sadd.s32 $0x180, s0;
	[sflag:s15] =	ssyncadd.s32 $0xFFFFC000  }
0xca: {  	[tilespmem:s22], [sflag:$0x2] =	stream.indirect.gather [hbm4b:s4+s16], $0x80, s6, s16, $0xb8;
	[tilespmem:$0x1F000] =	vst v63  }
0xcb: {  	_ =	swait.ge [sflag:s23], $0x4000  }
0xcc: {  	[sflag:s23] =	ssyncset.done $0x0  }
0xcd: {  	s8 =	rddreg [dreg:$0x4];
	[sflag:s23] =	ssyncadd.s32 $0xFFFFC000  }
0xce: {  	[spmem:s2] =	stream.indirect.scatter.add.f32 [tilespmem:s19], [sflag:$0x5], $0x80, s8, s16, $0xb8;
	[tilespmem:$0x1F000] =	vst v63  }
0xcf: {  	_ =	swait.ge [sflag:s15], $0x4000  }
0xd0: {  	[sflag:s15] =	ssyncset.done $0x0  }
0xd1: {  	s6 =	sadd.s32 $0x200, s0;
	[sflag:s15] =	ssyncadd.s32 $0xFFFFC000  }
0xd2: {  	[tilespmem:s19], [sflag:$0x1] =	stream.indirect.gather [hbm4b:s4+s16], $0x80, s6, s16, $0xb8;
	[tilespmem:$0x1F000] =	vst v63  }
0xd3: {  	_ =	swait.ge [sflag:s24], $0x4000  }
0xd4: {  	[sflag:s24] =	ssyncset.done $0x0  }
0xd5: {  	s8 =	rddreg [dreg:$0x5];
	[sflag:s24] =	ssyncadd.s32 $0xFFFFC000  }
0xd6: {  	[spmem:s2] =	stream.indirect.scatter.add.f32 [tilespmem:s22], [sflag:$0x5], $0x80, s8, s16, $0xb8;
	[tilespmem:$0x1F000] =	vst v63  }
0xd7: {  	_ =	swait.ge [sflag:s15], $0x4000  }
0xd8: {  	[sflag:s15] =	ssyncset.done $0x0  }
0xd9: {  	s6 =	sadd.s32 $0x280, s0;
	[sflag:s15] =	ssyncadd.s32 $0xFFFFC000  }
0xda: {  	[tilespmem:s22], [sflag:$0x2] =	stream.indirect.gather [hbm4b:s4+s16], $0x80, s6, s16, $0xb8;
	[tilespmem:$0x1F000] =	vst v63  }
0xdb: {  	_ =	swait.ge [sflag:s23], $0x4000  }
0xdc: {  	[sflag:s23] =	ssyncset.done $0x0  }
0xdd: {  	s8 =	rddreg [dreg:$0x6];
	[sflag:s23] =	ssyncadd.s32 $0xFFFFC000  }
0xde: {  	[spmem:s2] =	stream.indirect.scatter.add.f32 [tilespmem:s19], [sflag:$0x5], $0x80, s8, s16, $0xb8;
	[tilespmem:$0x1F000] =	vst v63  }
0xdf: {  	_ =	swait.ge [sflag:s15], $0x4000  }
0xe0: {  	[sflag:s15] =	ssyncset.done $0x0  }
0xe1: {  	s6 =	sadd.s32 $0x300, s0;
	[sflag:s15] =	ssyncadd.s32 $0xFFFFC000  }
0xe2: {  	[tilespmem:s19], [sflag:$0x1] =	stream.indirect.gather [hbm4b:s4+s16], $0x80, s6, s16, $0xb8;
	[tilespmem:$0x1F000] =	vst v63  }
0xe3: {  	_ =	swait.ge [sflag:s24], $0x4000  }
0xe4: {  	[sflag:s24] =	ssyncset.done $0x0  }
0xe5: {  	s8 =	rddreg [dreg:$0x7];
	[sflag:s24] =	ssyncadd.s32 $0xFFFFC000  }
0xe6: {  	[spmem:s2] =	stream.indirect.scatter.add.f32 [tilespmem:s22], [sflag:$0x5], $0x80, s8, s16, $0xb8;
	[tilespmem:$0x1F000] =	vst v63  }
0xe7: {  	_ =	swait.ge [sflag:s15], $0x4000  }
0xe8: {  	[sflag:s15] =	ssyncset.done $0x0  }
0xe9: {  	s6 =	sadd.s32 $0x380, s0;
	[sflag:s15] =	ssyncadd.s32 $0xFFFFC000  }
0xea: {  	[tilespmem:s22], [sflag:$0x2] =	stream.indirect.gather [hbm4b:s4+s16], $0x80, s6, s16, $0xb8;
	[tilespmem:$0x1F000] =	vst v63  }
0xeb: {  	_ =	swait.ge [sflag:s23], $0x4000  }
0xec: {  	[sflag:s23] =	ssyncset.done $0x0  }
0xed: {  	s8 =	rddreg [dreg:$0x8];
	[sflag:s23] =	ssyncadd.s32 $0xFFFFC000  }
0xee: {  	[spmem:s2] =	stream.indirect.scatter.add.f32 [tilespmem:s19], [sflag:$0x5], $0x80, s8, s16, $0xb8;
	[tilespmem:$0x1F000] =	vst v63  }
0xef: {  	_ =	swait.ge [sflag:s15], $0x4000  }
0xf0: {  	[sflag:s15] =	ssyncset.done $0x0  }
0xf1: {  	s6 =	sadd.s32 $0x400, s0;
	[sflag:s15] =	ssyncadd.s32 $0xFFFFC000  }
0xf2: {  	[tilespmem:s19], [sflag:$0x1] =	stream.indirect.gather [hbm4b:s4+s16], $0x80, s6, s16, $0xb8;
	[tilespmem:$0x1F000] =	vst v63  }
0xf3: {  	_ =	swait.ge [sflag:s24], $0x4000  }
0xf4: {  	s31 =	sadd.s32 $0x800, s31;
	[sflag:s24] =	ssyncset.done $0x0  }
0xf5: {  	p1 =	sgt.u32 s30, $0x8;
	s8 =	rddreg [dreg:$0x9];
	[sflag:s24] =	ssyncadd.s32 $0xFFFFC000  }
0xf6: {  	[spmem:s2] =	stream.indirect.scatter.add.f32 [tilespmem:s22], [sflag:$0x5], $0x80, s8, s16, $0xb8;
	[tilespmem:$0x1F000] =	vst v63  }
0xf7: {  	s17 =	sshrl.u32 @!p1 s31, $0x3;
	_ =	swait.ge [sflag:s15], $0x4000  }
0xf8: {  	s17 =	sadd.s32 @!p1 s5, s17;
	[sflag:s15] =	ssyncset.done $0x0  }
0xf9: {  	s6 =	simm.s32 @!p1 $0x2800;
	s8 =	simm.s32 @!p1 $0x0;
	[sflag:s15] =	ssyncadd.s32 $0xFFFFC000  }
0xfa: {  	[tilespmem:s6], [sflag:$0x3] =	stream.linear.gather @!p1 [hbm4b:s17+s8], $0x400, $0x38;
	[tilespmem:$0x1F000] =	vst v63  }
0xfb: {  	_ =	swait.ge [sflag:s25], $0x400  }
0xfc: {  	[sflag:s25] =	ssyncset.done $0x0  }
0xfd: {  	s17 =	sadd.s32 $0x480, s0;
	[sflag:s25] =	ssyncadd.s32 $0xFFFFFC00  }
0xfe: {  	[tilespmem:s22], [sflag:$0x2] =	stream.indirect.gather [hbm4b:s4+s16], $0x80, s17, s16, $0xb8;
	[tilespmem:$0x1F000] =	vst v63  }
0xff: {  	_ =	swait.ge [sflag:s23], $0x4000  }
0x100: {  	[sflag:s23] =	ssyncset.done $0x0  }
0x101: {  	[sflag:s23] =	ssyncadd.s32 $0xFFFFC000  }
0x102: {  	[spmem:s2] =	stream.indirect.scatter.add.f32 [tilespmem:s19], [sflag:$0x5], $0x80, s20, s16, $0xb8;
	[tilespmem:$0x1F000] =	vst v63  }
0x103: {  	_ =	swait.ge [sflag:s15], $0x4000  }
0x104: {  	[sflag:s15] =	ssyncset.done $0x0  }
0x105: {  	s8 =	sadd.s32 $0x500, s0;
	[sflag:s15] =	ssyncadd.s32 $0xFFFFC000  }
0x106: {  	[tilespmem:s19], [sflag:$0x1] =	stream.indirect.gather [hbm4b:s4+s16], $0x80, s8, s16, $0xb8;
	[tilespmem:$0x1F000] =	vst v63  }
0x107: {  	_ =	swait.ge [sflag:s24], $0x4000  }
0x108: {  	[sflag:s24] =	ssyncset.done $0x0  }
0x109: {  	s17 =	rddreg [dreg:$0xa];
	[sflag:s24] =	ssyncadd.s32 $0xFFFFC000  }
0x10a: {  	[spmem:s2] =	stream.indirect.scatter.add.f32 [tilespmem:s22], [sflag:$0x5], $0x80, s17, s16, $0xb8;
	[tilespmem:$0x1F000] =	vst v63  }
0x10b: {  	_ =	swait.ge [sflag:s15], $0x4000  }
0x10c: {  	[sflag:s15] =	ssyncset.done $0x0  }
0x10d: {  	s8 =	sadd.s32 $0x580, s0;
	[sflag:s15] =	ssyncadd.s32 $0xFFFFC000  }
0x10e: {  	[tilespmem:s22], [sflag:$0x2] =	stream.indirect.gather [hbm4b:s4+s16], $0x80, s8, s16, $0xb8;
	[tilespmem:$0x1F000] =	vst v63  }
0x10f: {  	_ =	swait.ge [sflag:s23], $0x4000  }
0x110: {  	[sflag:s23] =	ssyncset.done $0x0  }
0x111: {  	s17 =	rddreg [dreg:$0xb];
	[sflag:s23] =	ssyncadd.s32 $0xFFFFC000  }
0x112: {  	[spmem:s2] =	stream.indirect.scatter.add.f32 [tilespmem:s19], [sflag:$0x5], $0x80, s17, s16, $0xb8;
	[tilespmem:$0x1F000] =	vst v63  }
0x113: {  	_ =	swait.ge [sflag:s15], $0x4000  }
0x114: {  	[sflag:s15] =	ssyncset.done $0x0  }
0x115: {  	s8 =	sadd.s32 $0x600, s0;
	[sflag:s15] =	ssyncadd.s32 $0xFFFFC000  }
0x116: {  	[tilespmem:s19], [sflag:$0x1] =	stream.indirect.gather [hbm4b:s4+s16], $0x80, s8, s16, $0xb8;
	[tilespmem:$0x1F000] =	vst v63  }
0x117: {  	_ =	swait.ge [sflag:s24], $0x4000  }
0x118: {  	[sflag:s24] =	ssyncset.done $0x0  }
0x119: {  	s17 =	rddreg [dreg:$0xc];
	[sflag:s24] =	ssyncadd.s32 $0xFFFFC000  }
0x11a: {  	[spmem:s2] =	stream.indirect.scatter.add.f32 [tilespmem:s22], [sflag:$0x5], $0x80, s17, s16, $0xb8;
	[tilespmem:$0x1F000] =	vst v63  }
0x11b: {  	_ =	swait.ge [sflag:s15], $0x4000  }
0x11c: {  	[sflag:s15] =	ssyncset.done $0x0  }
0x11d: {  	s8 =	sadd.s32 $0x680, s0;
	[sflag:s15] =	ssyncadd.s32 $0xFFFFC000  }
0x11e: {  	[tilespmem:s22], [sflag:$0x2] =	stream.indirect.gather [hbm4b:s4+s16], $0x80, s8, s16, $0xb8;
	[tilespmem:$0x1F000] =	vst v63  }
0x11f: {  	_ =	swait.ge [sflag:s23], $0x4000  }
0x120: {  	[sflag:s23] =	ssyncset.done $0x0  }
0x121: {  	s17 =	rddreg [dreg:$0xd];
	[sflag:s23] =	ssyncadd.s32 $0xFFFFC000  }
0x122: {  	[spmem:s2] =	stream.indirect.scatter.add.f32 [tilespmem:s19], [sflag:$0x5], $0x80, s17, s16, $0xb8;
	[tilespmem:$0x1F000] =	vst v63  }
0x123: {  	_ =	swait.ge [sflag:s15], $0x4000  }
0x124: {  	[sflag:s15] =	ssyncset.done $0x0  }
0x125: {  	s8 =	sadd.s32 $0x700, s0;
	[sflag:s15] =	ssyncadd.s32 $0xFFFFC000  }
0x126: {  	[tilespmem:s19], [sflag:$0x1] =	stream.indirect.gather [hbm4b:s4+s16], $0x80, s8, s16, $0xb8;
	[tilespmem:$0x1F000] =	vst v63  }
0x127: {  	_ =	swait.ge [sflag:s24], $0x4000  }
0x128: {  	[sflag:s24] =	ssyncset.done $0x0  }
0x129: {  	s17 =	rddreg [dreg:$0xe];
	[sflag:s24] =	ssyncadd.s32 $0xFFFFC000  }
0x12a: {  	[spmem:s2] =	stream.indirect.scatter.add.f32 [tilespmem:s22], [sflag:$0x5], $0x80, s17, s16, $0xb8;
	[tilespmem:$0x1F000] =	vst v63  }
0x12b: {  	_ =	swait.ge [sflag:s15], $0x4000  }
0x12c: {  	[sflag:s15] =	ssyncset.done $0x0  }
0x12d: {  	s0 =	sadd.s32 $0x780, s0;
	[sflag:s15] =	ssyncadd.s32 $0xFFFFC000  }
0x12e: {  	[tilespmem:s22], [sflag:$0x2] =	stream.indirect.gather [hbm4b:s4+s16], $0x80, s0, s16, $0xb8;
	[tilespmem:$0x1F000] =	vst v63  }
0x12f: {  	_ =	swait.ge [sflag:s23], $0x4000  }
0x130: {  	[sflag:s23] =	ssyncset.done $0x0  }
0x131: {  	s8 =	rddreg [dreg:$0xf];
	[sflag:s23] =	ssyncadd.s32 $0xFFFFC000  }
0x132: {  	[spmem:s2] =	stream.indirect.scatter.add.f32 [tilespmem:s19], [sflag:$0x5], $0x80, s8, s16, $0xb8;
	[tilespmem:$0x1F000] =	vst v63  }
0x133: {  	s28 =	sadd.s32 $0x2000, s28;
	_ =	swait.ge [sflag:s15], $0x4000  }
0x134: {  	s6 =	simm.s32 @!p1 $0x80;
	s0 =	sshra.s32 @!p1 s1, $0x2;
	[sflag:s15] =	ssyncset.done $0x0  }
0x135: {  	s1 =	simm.s32 @!p1 $0x3000;
	s0 =	sadd.s32 @!p1 $0x800, s0;
	[sflag:s15] =	ssyncadd.s32 $0xFFFFC000  }
0x136: {  	[tilespmem:s1], [sflag:$0x1] =	stream.indirect.gather @!p1 [hbm4b:s4+s6], $0x80, s0, s6, $0xb8;
	[tilespmem:$0x1F000] =	vst v63  }
0x137: {  	p0 =	sne.s32 s28, $0xA000;
	_ =	swait.ge [sflag:s24], $0x4000  }
.Ltmp0:
0x138: {  	[sflag:s24] =	ssyncset.done $0x0;
	(pc) =	sbr.rel @p0 .LBB2_2-.Ltmp0, $4  }
0x139: {  	s17 =	rddreg [dreg:$0x10];
	[sflag:s24] =	ssyncadd.s32 $0xFFFFC000  }
0x13a: {  	[spmem:s2] =	stream.indirect.scatter.add.f32 [tilespmem:s22], [sflag:$0x5], $0x80, s17, s16, $0xb8;
	[tilespmem:$0x1F000] =	vst v63  }
0x13b: {  	_ =	swait.ge [sflag:s15], $0x4000  }
0x13c: {  	s30 =	sadd.s32 $0x2, s30;
	s29 =	sadd.s32 $0x100, s29;
	[sflag:s15] =	ssyncset.done $0x0  }
0x13d: {  	s26 =	sadd.s32 $0x1, s26  }
0x13e: {  	[sflag:s15] =	ssyncadd.s32 $0xFFFFC000;
	p0 =	sne.s32 s26, s11  }
.Ltmp1:
0x13f: {  	[bflag:$0x0] =	sbarrier.arrive $0xFFFF;
	(pc) =	sbr.rel @p0 .LBB2_1-.Ltmp1, $4  }
0x140: {  	[hbm:s10], [sflag:s7] =	dma.local [spmem:s14], $0x2800  }
0x141: {  	_ =	swait.ge [sflag:s15], $0x2800  }
0x142: {  	[sflag:s15] =	ssyncset.done $0x0  }
0x143: {  	[sflag:s15] =	ssyncadd.s32 $0xFFFFD800  }
0x144: {  	_ =	sfence.sel $0x180000  }
0x145: {  	[bflag:$0x0] =	sbarrier.arrive $0xFFFF  }
0x146: {  	_ =	strace $0x9000004A  }
0x147: {  	s0 =	stileid.u32;
	[bflag:$0x2] =	sbarrier.arrive $0xFFFF  }
0x148: {  	p0 =	sne.s32 s0, $0x0;
	s0 =	rddreg [dreg:$0x2]  }
0x149: {  	s0 =	sadd.s32 @!p0 $0x100000, s0  }
0x14a: {  	[sflag:s0] =	ssyncadd.tile.s32 @!p0 $0x1;
	_ =	shalt  }
.Lfunc_end2:
_tile_overlayer_lowered:
.L_overlay_start_2:
0x14b: {  	(tag) =	ssettag $0x2  }
0x14c: {  	s0 =	rddreg [dreg:$0x0];
	s2 =	stileid.u32  }
0x14d: {  	s1 =	rddreg [dreg:$0x1];
	p0 =	sne.s32 s2, $0x0  }
0x14e: {  	s3 =	rddreg [dreg:$0x2];
	[bflag:$0x3] =	sbarrier.arrive $0xFFFF;
	s2 =	simm.s32 @!p0 $0x1C05  }
0x14f: {  	[timem:s3], [sflag:s2] =	dma.local @!p0 [hbm:s0], s1  }
0x150: {  	s0 =	simm.s32 @!p0 $0x5  }
0x151: {  	_ =	swait.ge @!p0 [sflag:s0], s1  }
0x152: {  	s1 =	ssub.s32 @!p0 $0x0, s1;
	[sflag:s0] =	ssyncset.done @!p0 $0x0  }
0x153: {  	[sflag:s0] =	ssyncadd.s32 @!p0 s1  }
0x154: {  	[bflag:$0x3] =	sbarrier.arrive $0xFFFF  }
0x155: {  	_ =	shalt  }

// kernel: kernel.16.cloned.1.call-start
scs
__scs_entry_jumppad:
0x0: {  	(pc) =	sbr.rel $0x88, $3  }
0x1: {  	(tag) =	ssettag $0x0;
	lr =	simm.s32 $0x1  }
0x2: {  	[smem:$0x3F92] =	sst lr;
	_ =	strace $0xD0000000  }
0x3: {  	_ = 	snop  }
0x4: {  	_ = 	snop  }
0x5: {  	_ = 	snop  }
0x6: {  	_ = 	snop  }
0x7: {  	_ = 	snop  }
__scs_overlays_trampoline_lowered:
0x8: {  	[smem:$0x3FA1] =	sst s0  }
0x9: {  	[smem:$0x3FA2] =	sst s1  }
0xa: {  	[smem:$0x3FA3] =	sst s2  }
0xb: {  	[smem:$0x3FA4] =	sst s3  }
0xc: {  	[smem:$0x3FA5] =	sst s4  }
0xd: {  	[smem:$0x3FA6] =	sst s5  }
0xe: {  	[smem:$0x3FA7] =	sst s6  }
0xf: {  	[smem:$0x3FA8] =	sst s7  }
0x10: {  	[smem:$0x3FA9] =	sst s8  }
0x11: {  	[smem:$0x3FAA] =	sst s9;
	s0 =	simm.s32 @!p0 $0x0  }
0x12: {  	s1 =	sld [smem:$0x3F90];
	s0 =	simm.s32 @p0 $0x1  }
0x13: {  	[smem:$0x3FAB] =	sst s0;
	s0 =	simm.s32 @!p1 $0x0  }
0x14: {  	s2 =	sld [smem:$0x3F8F];
	s0 =	simm.s32 @p1 $0x1  }
0x15: {  	[smem:$0x3FAC] =	sst s0;
	s0 =	simm.s32 @!p2 $0x0  }
0x16: {  	s3 =	sld [smem:$0x3FDB];
	s0 =	simm.s32 @p2 $0x1  }
0x17: {  	s4 =	simm.s32 $0x1BF5;
	[smem:$0x3FAE] =	sst s0  }
0x18: {  	s0 =	sld [smem:$0x3F91];
	_ =	swait.ge [sflag:s4], $0x0  }
0x19: {  	s7 =	sld [smem:$0x3F92]  }
0x1a: {  	s8 =	sadd.s32 $0xFFFFE003, lr  }
0x1b: {  	s9 =	sadd.s32 $0xFFFFFEF7, lr;
	s5 =	simm.s32 $0xFFFFFFFF;
	p2 =	slt.u32 s8, $0xFFFFF086  }
0x1c: {  	p1 =	slt.u32 s9, $0xF7A;
	s5 =	simm.s32 @!p2 $0x0  }
0x1d: {  	s5 =	simm.s32 @p1 $0x1;
	p0 =	seq.s32 s7, s2  }
0x1e: {  	s7 =	smul.u32 @!p0 $0xF7A, s2;
	p2 =	seq.s32 @!p0 s5, $0x0  }
0x1f: {  	s9 =	smul.u32 $0xF7A, s1;
	s8 =	simm.s32 @!p0 $0x1BF5;
	p2 =	por !p2, p0  }
0x20: {  	[sflag:s8] =	ssyncset.s32 @!p0 $0xFFFFF086;
	s6 =	sadd.s32 @!p0 s3, s7;
	s7 =	simm.s32 @!p0 $0x108  }
0x21: {  	s3 =	sadd.s32 s3, s9;
	s6 =	sadd.s32 @!p0 $0x88, s6;
	s7 =	simm.s32 @p2 $0x1082  }
0x22: {  	[simem:s7], [sflag:s8] =	dma.local @!p0 [hbm:s6], $0xF7A  }
0x23: {  	s9 =	sor.u32 $0xD0000000, s2;
	s6 =	simm.s32 $0x108;
	_ =	swait.ge @!p0 [sflag:s8], $0x0  }
0x24: {  	s3 =	sadd.s32 $0x88, s3;
	s6 =	simm.s32 @!p1 $0x1082;
	[sflag:s4] =	ssyncset.s32 $0xFFFFF086  }
0x25: {  	[simem:s6], [sflag:s4] =	dma.local [hbm:s3], $0xF7A  }
0x26: {  	[smem:$0x3F92] =	sst s1;
	(tag) =	ssettag s2;
	_ =	strace s9  }
0x27: {  	s1 =	sld [smem:$0x3FA2]  }
0x28: {  	s2 =	sld [smem:$0x3FA3]  }
0x29: {  	s4 =	sld [smem:$0x3FA5]  }
0x2a: {  	p0 =	seq.s32 s5, $0x0;
	s5 =	sld [smem:$0x3FA6]  }
0x2b: {  	s6 =	sld [smem:$0x3FA7]  }
0x2c: {  	s7 =	sld [smem:$0x3FA8]  }
0x2d: {  	s3 =	simm.s32 $0x108;
	s8 =	sld [smem:$0x3FA9]  }
0x2e: {  	s3 =	simm.s32 @!p0 $0x1082;
	s9 =	sld [smem:$0x3FAA]  }
0x2f: {  	lr =	sadd.s32 s0, s3;
	s0 =	sld [smem:$0x3FA1]  }
0x30: {  	s3 =	sld [smem:$0x3FA4]  }
0x31: {  	[smem:$0x3FAD] =	sst s10  }
0x32: {  	s10 =	sld [smem:$0x3FAB];
	_ =	sdelay $0x3  }
0x33: {  	p0 =	seq.s32 s10, $0x1;
	s10 =	sld [smem:$0x3FAD];
	_ =	sdelay $0x3  }
0x34: {  	[smem:$0x3FAD] =	sst s10  }
0x35: {  	s10 =	sld [smem:$0x3FAC];
	_ =	sdelay $0x3  }
0x36: {  	p1 =	seq.s32 s10, $0x1;
	s10 =	sld [smem:$0x3FAD];
	_ =	sdelay $0x3  }
0x37: {  	[smem:$0x3FAD] =	sst s10  }
0x38: {  	s10 =	sld [smem:$0x3FAE]  }
0x39: {  	_ = 	snop;
	(pc) =	sbr.ind lr, $3  }
0x3a: {  	_ = 	snop  }
0x3b: {  	_ = 	snop  }
0x3c: {  	p2 =	seq.s32 s10, $0x1;
	s10 =	sld [smem:$0x3FAD]  }
0x3d: {  	_ =	shalt  }
0x3e: {  	_ =	shalt  }
0x3f: {  	_ =	shalt  }
0x40: {  	_ =	shalt  }
0x41: {  	_ =	shalt  }
0x42: {  	_ =	shalt  }
0x43: {  	_ =	shalt  }
0x44: {  	_ =	shalt  }
0x45: {  	_ =	shalt  }
0x46: {  	_ =	shalt  }
0x47: {  	_ =	shalt  }
0x48: {  	_ =	shalt  }
0x49: {  	_ =	shalt  }
0x4a: {  	_ =	shalt  }
0x4b: {  	_ =	shalt  }
0x4c: {  	_ =	shalt  }
0x4d: {  	_ =	shalt  }
0x4e: {  	_ =	shalt  }
0x4f: {  	_ =	shalt  }
0x50: {  	_ =	shalt  }
0x51: {  	_ =	shalt  }
0x52: {  	_ =	shalt  }
0x53: {  	_ =	shalt  }
0x54: {  	_ =	shalt  }
0x55: {  	_ =	shalt  }
0x56: {  	_ =	shalt  }
0x57: {  	_ =	shalt  }
0x58: {  	_ =	shalt  }
0x59: {  	_ =	shalt  }
0x5a: {  	_ =	shalt  }
0x5b: {  	_ =	shalt  }
0x5c: {  	_ =	shalt  }
0x5d: {  	_ =	shalt  }
0x5e: {  	_ =	shalt  }
0x5f: {  	_ =	shalt  }
0x60: {  	_ =	shalt  }
0x61: {  	_ =	shalt  }
0x62: {  	_ =	shalt  }
0x63: {  	_ =	shalt  }
0x64: {  	_ =	shalt  }
0x65: {  	_ =	shalt  }
0x66: {  	_ =	shalt  }
0x67: {  	_ =	shalt  }
0x68: {  	_ =	shalt  }
0x69: {  	_ =	shalt  }
0x6a: {  	_ =	shalt  }
0x6b: {  	_ =	shalt  }
0x6c: {  	_ =	shalt  }
0x6d: {  	_ =	shalt  }
0x6e: {  	_ =	shalt  }
0x6f: {  	_ =	shalt  }
0x70: {  	_ =	shalt  }
0x71: {  	_ =	shalt  }
0x72: {  	_ =	shalt  }
0x73: {  	_ =	shalt  }
0x74: {  	_ =	shalt  }
0x75: {  	_ =	shalt  }
0x76: {  	_ =	shalt  }
0x77: {  	_ =	shalt  }
0x78: {  	_ =	shalt  }
0x79: {  	_ =	shalt  }
0x7a: {  	_ =	shalt  }
0x7b: {  	_ =	shalt  }
0x7c: {  	_ =	shalt  }
0x7d: {  	_ =	shalt  }
0x7e: {  	_ =	shalt  }
0x7f: {  	_ =	shalt  }
0x80: {  	_ =	shalt  }
0x81: {  	_ =	shalt  }
0x82: {  	_ =	shalt  }
0x83: {  	_ =	shalt  }
0x84: {  	_ =	shalt  }
0x85: {  	_ =	shalt  }
0x86: {  	_ =	shalt  }
0x87: {  	_ =	shalt  }
.Lfunc_end0:
.L_simem_size_0:
called_computation.2_lowered:
.L_overlay_start_0:
0x88: {  	s2 =	sld [smem:$0x3FD9]  }
0x89: {  	s3 =	sld [smem:$0x3FFE];
	_ =	sdelay $0x1  }
0x8a: {  	s1 =	srdreg.scid  }
0x8b: {  	s0 =	sand.u32 $0x1, s1  }
0x8c: {  	s16 =	sshll.u32 s0, $0xA;
	s2 =	sadd.s32 s3, s2  }
0x8d: {  	s2 =	sadd.s32 s2, s16  }
0x8e: {  	[smem:$0x3FB9] =	sst s2  }
0x8f: {  	_ = 	snop  }
0x90: {  	(tm) =	ssettm $0x1  }
0x91: {  	s17 =	sld [smem:$0x3FFB];
	_ =	sdelay $0x3  }
0x92: {  	_ =	strace s17  }
0x93: {  	s2 =	sld [smem:$0x3FFC];
	_ =	sdelay $0x3  }
0x94: {  	_ =	strace s2  }
0x95: {  	s2 =	sld [smem:$0x3FFD];
	_ =	sdelay $0x3  }
0x96: {  	_ =	strace s2  }
0x97: {  	_ =	strace $0x8FFFFFFF  }
0x98: {  	s18 =	sld [smem:$0x3FDB];
	_ =	sdelay $0x1  }
0x99: {  	s19 =	simm.s32 $_scs_section_size  }
0x9a: {  	s4 =	simm.s32 $_size__tile_overlayer_lowered;
	s5 =	simm.s32 $_tile_overlayer_lowered  }
0x9b: {  	s22 =	simm.s32 $0x1BFF;
	s21 =	sshll.u32 s5, $0x1;
	s2 =	sadd.s32 s19, s18  }
0x9c: {  	s6 =	simm.s32 $0x0;
	s20 =	sshll.u32 s4, $0x1;
	s4 =	sadd.s32 s21, s2  }
0x9d: {  	[timem:s6], [sflag:s22] =	dma.local [hbm:s4], s20  }
0x9e: {  	_ =	swait.ge [sflag:s22], s20  }
0x9f: {  	s3 =	ssub.s32 $0x0, s20;
	[sflag:s22] =	ssyncset.done $0x0  }
0xa0: {  	[sflag:s22] =	ssyncadd.s32 s3;
	_ =	sdelay $0x1  }
0xa1: {  	s23 =	simm.s32 $0x1B8B  }
0xa2: {  	_ =	swait.ge [sflag:s23], $0x1  }
0xa3: {  	[sflag:s23] =	ssyncset.done $0x0  }
0xa4: {  	s25 =	simm.s32 $0x1B8E;
	s24 =	sld [smem:$0x3FFE];
	[sflag:s23] =	ssyncadd.s32 $0xFFFFFFFF  }
0xa5: {  	s26 =	simm.s32 $execute0_lowered;
	[smem:$0x3FD2] =	sst s25  }
0xa6: {  	s4 =	sshll.u32 s26, $0x1;
	_ =	strace $0x8000004C;
	[dreg:$0x1] =	wrdreg $0xFFFFFFFF  }
0xa7: {  	s28 =	simm.s32 $_size_execute0_lowered;
	s2 =	sadd.s32 s2, s4;
	[dreg:$0x0] =	wrdreg $0x0  }
0xa8: {  	s4 =	sshll.u32 s28, $0x1;
	[dreg:$0x2] =	wrdreg s2  }
0xa9: {  	[dreg:$0x3] =	wrdreg s4  }
0xaa: {  	[dreg:$0x4] =	wrdreg $0xC0  }
0xab: {  	_ =	task [dreg:s6], $0x5FFFF  }
0xac: {  	[dreg:$0x1] =	wrdreg $0xFFFFFFFF  }
0xad: {  	[dreg:$0x0] =	wrdreg $0x60  }
0xae: {  	[dreg:$0x2] =	wrdreg s24  }
0xaf: {  	[dreg:$0x3] =	wrdreg $0xB0000  }
0xb0: {  	[dreg:$0x4] =	wrdreg $0x9  }
0xb1: {  	_ =	task.clear_ibuf [dreg:s6], $0x5FFFF;
	_ =	strace $0x9000004C  }
0xb2: {  	s29 =	simm.s32 $0x9;
	_ =	strace $0x8000004E  }
0xb3: {  	_ =	swait.ge [sflag:s29], $0x1  }
0xb4: {  	[sflag:s29] =	ssyncadd.s32 $0xFFFFFFFF  }
0xb5: {  	_ =	strace $0x9000004E  }
0xb6: {  	_ =	sfence  }
0xb7: {  	s30 =	sld [smem:$0x0];
	_ =	sdelay $0x2  }
0xb8: {  	s31 =	sshll.u32 s1, $0xD;
	s1 =	sshrl.u32 s1, $0x2  }
0xb9: {  	s3 =	sand.u32 $0x4000, s31;
	s1 =	sadd.s32 s1, s30  }
0xba: {  	s0 =	sor.u32 s3, s0;
	s1 =	sshll.u32 s1, $0x11  }
0xbb: {  	s0 =	sor.u32 s1, s0  }
0xbc: {  	s0 =	sadd.s32 $0x8F2B, s0  }
0xbd: {  	[sflag:s0] =	ssyncadd.remote.s32 $0x1  }
0xbe: {  	_ =	sfence.sel $0xFFFF  }
0xbf: {  	[dreg:$0x0] =	wrdreg $0xFFFFFFFF;
	(pc) =	sbr.abs _section_cstart, $3  }
0xc0: {  	[dreg:$0x1] =	wrdreg $0xFFFFFFFF  }
0xc1: {  	_ =	task.clear_ibuf [dreg:s6], $0x2FFFF;
	_ =	strace $0x9FFFFFFF  }
0xc2: {  	(tm) =	ssettm $0x7FFFFFFF  }
0xc3: {  	_ =	shalt  }
tec
execute0_lowered:
.L_overlay_start_1:
0x0: {  	(tag) =	ssettag $0x1  }
0x1: {  	s0 =	srdreg.scid  }
0x2: {  	s16 =	stileid.u32;
	s6 =	rddreg [dreg:$0x0]  }
0x3: {  	s2 =	rddreg [dreg:$0x1];
	s17 =	simm.s32 $0x2880;
	s18 =	simm.s32 $0x2900  }
0x4: {  	s19 =	simm.s32 $0x2980;
	s20 =	simm.s32 $0x2A00;
	s21 =	simm.s32 $0x2A80  }
0x5: {  	s22 =	simm.s32 $0x2B00;
	s23 =	simm.s32 $0x2B80;
	s24 =	simm.s32 $0x2C80  }
0x6: {  	s25 =	simm.s32 $0x2D00;
	s26 =	simm.s32 $0x2D80;
	s28 =	simm.s32 $0x2E00  }
0x7: {  	s29 =	simm.s32 $0x2E80;
	s3 =	sshrl.u32 s16, $0x2;
	s7 =	smul.u32 $0x14000, s16  }
0x8: {  	s0 =	sand.u32 $0x1, s0;
	s4 =	smul.u32 $0x14000, s3;
	s3 =	simm.s32 $0x0  }
0x9: {  	s1 =	sshll.u32 s16, $0x1;
	s11 =	smul.u32 $0x50000, s16;
	[smem:$0x7FF] =	sst s3  }
0xa: {  	s15 =	smul.u32 $0x5000, s16;
	_ =	strace $0x8000004D;
	[dreg:$0x3] =	wrdreg s17  }
0xb: {  	s1 =	sor.u32 s0, s1;
	s8 =	smul.u32 $0x140000, s0;
	[dreg:$0x4] =	wrdreg s18  }
0xc: {  	s31 =	ssub.s32 $0x2, s0;
	s0 =	smul.u32 $0x2800, s0;
	[dreg:$0x5] =	wrdreg s19  }
0xd: {  	s30 =	sshll.u32 s1, $0x7;
	s10 =	sshrl.u32 s7, $0x3;
	[dreg:$0x6] =	wrdreg s20  }
0xe: {  	s1 =	smul.u32 $0x2800, s1;
	s5 =	sand.u32 $0x380, s30;
	[dreg:$0x7] =	wrdreg s21  }
0xf: {  	s7 =	sadd.s32 s7, s8;
	s10 =	sadd.s32 s10, s6;
	[dreg:$0x8] =	wrdreg s22  }
0x10: {  	s8 =	sshrl.u32 s11, $0x2;
	s11 =	sshll.u32 s16, $0x6;
	[dreg:$0x9] =	wrdreg s23  }
0x11: {  	s0 =	sadd.s32 s0, s15;
	s15 =	simm.s32 $0x5;
	[dreg:$0xa] =	wrdreg s24  }
0x12: {  	s18 =	simm.s32 $0x2800;
	s19 =	simm.s32 $0x3000;
	[dreg:$0xb] =	wrdreg s25  }
0x13: {  	s20 =	simm.s32 $0x2C00;
	s21 =	simm.s32 $0x3;
	[dreg:$0xc] =	wrdreg s26  }
0x14: {  	s22 =	simm.s32 $0x7000;
	[dreg:$0xd] =	wrdreg s28;
	s23 =	simm.s32 $0x1  }
0x15: {  	[dreg:$0xe] =	wrdreg s29;
	s30 =	simm.s32 $0x2F00;
	s24 =	simm.s32 $0x2  }
0x16: {  	s25 =	simm.s32 $0x4;
	s26 =	simm.s32 $0x0;
	s4 =	sor.u32 s4, s5  }
0x17: {  	s7 =	sshrl.u32 s7, $0x3;
	s14 =	sadd.s32 s8, s2;
	s10 =	sadd.s32 $0xF800, s10  }
0x18: {  	s1 =	sshrl.u32 s1, $0x3;
	[dreg:$0xf] =	wrdreg s30;
	s5 =	sshrl.u32 s4, $0x3  }
0x19: {  	s4 =	sadd.s32 $0x37800, s6;
	s12 =	sadd.s32 s7, s6;
	s7 =	sshrl.u32 s31, $0x1  }
0x1a: {  	[dreg:$0x11] =	wrdreg s10;
	s14 =	sshrl.u32 s14, $0x3;
	s9 =	sadd.s32 s5, s6  }
0x1b: {  	s5 =	sadd.s32 $0x5800, s6;
	s13 =	ssub.s32 s31, s7;
	s7 =	sor.u32 $0x1C05, s11  }
0x1c: {  	s10 =	sadd.s32 $0xBA000, s12;
	s12 =	sadd.s32 $0x800, s0;
	s0 =	sor.u32 $0x400, s0  }
0x1d: {  	s31 =	simm.s32 $0x2F80;
	s16 =	sadd.s32 $0xB0000, s9;
	s9 =	sadd.s32 s5, s1  }
0x1e: {  	s11 =	smax.u32 s13, $0x1;
	s0 =	sshrl.u32 s0, $0x3;
	[dreg:$0x10] =	wrdreg s31  }
0x1f: {  	[dreg:$0x12] =	wrdreg s16;
	s13 =	sadd.s32 s0, s5;
	s16 =	simm.s32 $0x80  }
.LBB2_1:
0x20: {  	s0 =	rddreg [dreg:$0x11]  }
0x21: {  	[spmem:s14], [sflag:s7] =	dma.local [hbm:s0], $0x2800  }
0x22: {  	_ =	swait.ge [sflag:s15], $0x2800  }
0x23: {  	[sflag:s15] =	ssyncset.done $0x0  }
0x24: {  	s1 =	simm.s32 $0x400;
	s8 =	rddreg [dreg:$0x12];
	[sflag:s15] =	ssyncadd.s32 $0xFFFFD800  }
0x25: {  	[tilespmem:s3], [sflag:$0x5] =	stream.strided.gather [hbm4b:s8+s16], $0x2800, s1, s16, $0x38;
	[tilespmem:$0x1F000] =	vst v63  }
0x26: {  	_ =	swait.ge [sflag:s15], $0x2800  }
0x27: {  	[sflag:s15] =	ssyncset.done $0x0  }
0x28: {  	[sflag:s15] =	ssyncadd.s32 $0xFFFFD800  }
0x29: {  	[bflag:$0x0] =	sbarrier.arrive $0xFFFF  }
0x2a: {  	[tilespmem:s18], [sflag:$0x3] =	stream.linear.gather [hbm4b:s9+s3], $0x400, $0x38;
	[tilespmem:$0x1F000] =	vst v63  }
0x2b: {  	_ = 	snop  }
0x2c: {  	[tilespmem:s19], [sflag:$0x1] =	stream.indirect.gather [hbm4b:s4+s16], $0x80, s3, s16, $0xb8;
	[tilespmem:$0x1F000] =	vst v63  }
0x2d: {  	_ = 	snop  }
0x2e: {  	[tilespmem:s20], [sflag:$0x4] =	stream.linear.gather [hbm4b:s13+s3], $0x400, $0x38;
	[tilespmem:$0x1F000] =	vst v63  }
0x2f: {  	_ =	swait.ge [sflag:s21], $0x400  }
0x30: {  	[sflag:s21] =	ssyncset.done $0x0  }
0x31: {  	s17 =	simm.s32 $0x80;
	[sflag:s21] =	ssyncadd.s32 $0xFFFFFC00  }
0x32: {  	[tilespmem:s22], [sflag:$0x2] =	stream.indirect.gather [hbm4b:s4+s16], $0x80, s17, s16, $0xb8;
	[tilespmem:$0x1F000] =	vst v63  }
0x33: {  	_ =	swait.ge [sflag:s23], $0x4000  }
0x34: {  	[sflag:s23] =	ssyncset.done $0x0  }
0x35: {  	[sflag:s23] =	ssyncadd.s32 $0xFFFFC000  }
0x36: {  	[spmem:s2] =	stream.indirect.scatter.add.f32 [tilespmem:s19], [sflag:$0x5], $0x80, s18, s16, $0xb8;
	[tilespmem:$0x1F000] =	vst v63  }
0x37: {  	_ =	swait.ge [sflag:s15], $0x4000  }
0x38: {  	[sflag:s15] =	ssyncset.done $0x0  }
0x39: {  	s1 =	simm.s32 $0x100;
	[sflag:s15] =	ssyncadd.s32 $0xFFFFC000  }
0x3a: {  	[tilespmem:s19], [sflag:$0x1] =	stream.indirect.gather [hbm4b:s4+s16], $0x80, s1, s16, $0xb8;
	[tilespmem:$0x1F000] =	vst v63  }
0x3b: {  	_ =	swait.ge [sflag:s24], $0x4000  }
0x3c: {  	[sflag:s24] =	ssyncset.done $0x0  }
0x3d: {  	s6 =	rddreg [dreg:$0x3];
	[sflag:s24] =	ssyncadd.s32 $0xFFFFC000  }
0x3e: {  	[spmem:s2] =	stream.indirect.scatter.add.f32 [tilespmem:s22], [sflag:$0x5], $0x80, s6, s16, $0xb8;
	[tilespmem:$0x1F000] =	vst v63  }
0x3f: {  	_ =	swait.ge [sflag:s15], $0x4000  }
0x40: {  	[sflag:s15] =	ssyncset.done $0x0  }
0x41: {  	s8 =	simm.s32 $0x180;
	[sflag:s15] =	ssyncadd.s32 $0xFFFFC000  }
0x42: {  	[tilespmem:s22], [sflag:$0x2] =	stream.indirect.gather [hbm4b:s4+s16], $0x80, s8, s16, $0xb8;
	[tilespmem:$0x1F000] =	vst v63  }
0x43: {  	_ =	swait.ge [sflag:s23], $0x4000  }
0x44: {  	[sflag:s23] =	ssyncset.done $0x0  }
0x45: {  	s17 =	rddreg [dreg:$0x4];
	[sflag:s23] =	ssyncadd.s32 $0xFFFFC000  }
0x46: {  	[spmem:s2] =	stream.indirect.scatter.add.f32 [tilespmem:s19], [sflag:$0x5], $0x80, s17, s16, $0xb8;
	[tilespmem:$0x1F000] =	vst v63  }
0x47: {  	_ =	swait.ge [sflag:s15], $0x4000  }
0x48: {  	[sflag:s15] =	ssyncset.done $0x0  }
0x49: {  	s1 =	simm.s32 $0x200;
	[sflag:s15] =	ssyncadd.s32 $0xFFFFC000  }
0x4a: {  	[tilespmem:s19], [sflag:$0x1] =	stream.indirect.gather [hbm4b:s4+s16], $0x80, s1, s16, $0xb8;
	[tilespmem:$0x1F000] =	vst v63  }
0x4b: {  	_ =	swait.ge [sflag:s24], $0x4000  }
0x4c: {  	[sflag:s24] =	ssyncset.done $0x0  }
0x4d: {  	s6 =	rddreg [dreg:$0x5];
	[sflag:s24] =	ssyncadd.s32 $0xFFFFC000  }
0x4e: {  	[spmem:s2] =	stream.indirect.scatter.add.f32 [tilespmem:s22], [sflag:$0x5], $0x80, s6, s16, $0xb8;
	[tilespmem:$0x1F000] =	vst v63  }
0x4f: {  	_ =	swait.ge [sflag:s15], $0x4000  }
0x50: {  	[sflag:s15] =	ssyncset.done $0x0  }
0x51: {  	s8 =	simm.s32 $0x280;
	[sflag:s15] =	ssyncadd.s32 $0xFFFFC000  }
0x52: {  	[tilespmem:s22], [sflag:$0x2] =	stream.indirect.gather [hbm4b:s4+s16], $0x80, s8, s16, $0xb8;
	[tilespmem:$0x1F000] =	vst v63  }
0x53: {  	_ =	swait.ge [sflag:s23], $0x4000  }
0x54: {  	[sflag:s23] =	ssyncset.done $0x0  }
0x55: {  	s17 =	rddreg [dreg:$0x6];
	[sflag:s23] =	ssyncadd.s32 $0xFFFFC000  }
0x56: {  	[spmem:s2] =	stream.indirect.scatter.add.f32 [tilespmem:s19], [sflag:$0x5], $0x80, s17, s16, $0xb8;
	[tilespmem:$0x1F000] =	vst v63  }
0x57: {  	_ =	swait.ge [sflag:s15], $0x4000  }
0x58: {  	[sflag:s15] =	ssyncset.done $0x0  }
0x59: {  	s1 =	simm.s32 $0x300;
	[sflag:s15] =	ssyncadd.s32 $0xFFFFC000  }
0x5a: {  	[tilespmem:s19], [sflag:$0x1] =	stream.indirect.gather [hbm4b:s4+s16], $0x80, s1, s16, $0xb8;
	[tilespmem:$0x1F000] =	vst v63  }
0x5b: {  	_ =	swait.ge [sflag:s24], $0x4000  }
0x5c: {  	[sflag:s24] =	ssyncset.done $0x0  }
0x5d: {  	s6 =	rddreg [dreg:$0x7];
	[sflag:s24] =	ssyncadd.s32 $0xFFFFC000  }
0x5e: {  	[spmem:s2] =	stream.indirect.scatter.add.f32 [tilespmem:s22], [sflag:$0x5], $0x80, s6, s16, $0xb8;
	[tilespmem:$0x1F000] =	vst v63  }
0x5f: {  	_ =	swait.ge [sflag:s15], $0x4000  }
0x60: {  	[sflag:s15] =	ssyncset.done $0x0  }
0x61: {  	s8 =	simm.s32 $0x380;
	[sflag:s15] =	ssyncadd.s32 $0xFFFFC000  }
0x62: {  	[tilespmem:s22], [sflag:$0x2] =	stream.indirect.gather [hbm4b:s4+s16], $0x80, s8, s16, $0xb8;
	[tilespmem:$0x1F000] =	vst v63  }
0x63: {  	_ =	swait.ge [sflag:s23], $0x4000  }
0x64: {  	[sflag:s23] =	ssyncset.done $0x0  }
0x65: {  	s17 =	rddreg [dreg:$0x8];
	[sflag:s23] =	ssyncadd.s32 $0xFFFFC000  }
0x66: {  	[spmem:s2] =	stream.indirect.scatter.add.f32 [tilespmem:s19], [sflag:$0x5], $0x80, s17, s16, $0xb8;
	[tilespmem:$0x1F000] =	vst v63  }
0x67: {  	_ =	swait.ge [sflag:s15], $0x4000  }
0x68: {  	[sflag:s15] =	ssyncset.done $0x0  }
0x69: {  	s1 =	simm.s32 $0x400;
	[sflag:s15] =	ssyncadd.s32 $0xFFFFC000  }
0x6a: {  	[tilespmem:s19], [sflag:$0x1] =	stream.indirect.gather [hbm4b:s4+s16], $0x80, s1, s16, $0xb8;
	[tilespmem:$0x1F000] =	vst v63  }
0x6b: {  	_ =	swait.ge [sflag:s24], $0x4000  }
0x6c: {  	[sflag:s24] =	ssyncset.done $0x0  }
0x6d: {  	s6 =	rddreg [dreg:$0x9];
	[sflag:s24] =	ssyncadd.s32 $0xFFFFC000  }
0x6e: {  	[spmem:s2] =	stream.indirect.scatter.add.f32 [tilespmem:s22], [sflag:$0x5], $0x80, s6, s16, $0xb8;
	[tilespmem:$0x1F000] =	vst v63  }
0x6f: {  	p0 =	por $0x0, $0x0;
	_ =	swait.ge [sflag:s15], $0x4000  }
0x70: {  	s0 =	sshrl.u32 @!p0 s12, $0x3;
	s28 =	simm.s32 @!p0 $0x0;
	[sflag:s15] =	ssyncset.done $0x0  }
0x71: {  	s0 =	sadd.s32 @!p0 s5, s0;
	s1 =	simm.s32 @!p0 $0x2800;
	[sflag:s15] =	ssyncadd.s32 $0xFFFFC000  }
0x72: {  	[tilespmem:s1], [sflag:$0x3] =	stream.linear.gather @!p0 [hbm4b:s0+s28], $0x400, $0x38;
	[tilespmem:$0x1F000] =	vst v63  }
0x73: {  	_ =	swait.ge [sflag:s25], $0x400  }
0x74: {  	[sflag:s25] =	ssyncset.done $0x0  }
0x75: {  	s8 =	simm.s32 $0x480;
	[sflag:s25] =	ssyncadd.s32 $0xFFFFFC00  }
0x76: {  	[tilespmem:s22], [sflag:$0x2] =	stream.indirect.gather [hbm4b:s4+s16], $0x80, s8, s16, $0xb8;
	[tilespmem:$0x1F000] =	vst v63  }
0x77: {  	_ =	swait.ge [sflag:s23], $0x4000  }
0x78: {  	[sflag:s23] =	ssyncset.done $0x0  }
0x79: {  	[sflag:s23] =	ssyncadd.s32 $0xFFFFC000  }
0x7a: {  	[spmem:s2] =	stream.indirect.scatter.add.f32 [tilespmem:s19], [sflag:$0x5], $0x80, s20, s16, $0xb8;
	[tilespmem:$0x1F000] =	vst v63  }
0x7b: {  	_ =	swait.ge [sflag:s15], $0x4000  }
0x7c: {  	[sflag:s15] =	ssyncset.done $0x0  }
0x7d: {  	s17 =	simm.s32 $0x500;
	[sflag:s15] =	ssyncadd.s32 $0xFFFFC000  }
0x7e: {  	[tilespmem:s19], [sflag:$0x1] =	stream.indirect.gather [hbm4b:s4+s16], $0x80, s17, s16, $0xb8;
	[tilespmem:$0x1F000] =	vst v63  }
0x7f: {  	_ =	swait.ge [sflag:s24], $0x4000  }
0x80: {  	[sflag:s24] =	ssyncset.done $0x0  }
0x81: {  	s1 =	rddreg [dreg:$0xa];
	[sflag:s24] =	ssyncadd.s32 $0xFFFFC000  }
0x82: {  	[spmem:s2] =	stream.indirect.scatter.add.f32 [tilespmem:s22], [sflag:$0x5], $0x80, s1, s16, $0xb8;
	[tilespmem:$0x1F000] =	vst v63  }
0x83: {  	_ =	swait.ge [sflag:s15], $0x4000  }
0x84: {  	[sflag:s15] =	ssyncset.done $0x0  }
0x85: {  	s6 =	simm.s32 $0x580;
	[sflag:s15] =	ssyncadd.s32 $0xFFFFC000  }
0x86: {  	[tilespmem:s22], [sflag:$0x2] =	stream.indirect.gather [hbm4b:s4+s16], $0x80, s6, s16, $0xb8;
	[tilespmem:$0x1F000] =	vst v63  }
0x87: {  	_ =	swait.ge [sflag:s23], $0x4000  }
0x88: {  	[sflag:s23] =	ssyncset.done $0x0  }
0x89: {  	s8 =	rddreg [dreg:$0xb];
	[sflag:s23] =	ssyncadd.s32 $0xFFFFC000  }
0x8a: {  	[spmem:s2] =	stream.indirect.scatter.add.f32 [tilespmem:s19], [sflag:$0x5], $0x80, s8, s16, $0xb8;
	[tilespmem:$0x1F000] =	vst v63  }
0x8b: {  	_ =	swait.ge [sflag:s15], $0x4000  }
0x8c: {  	[sflag:s15] =	ssyncset.done $0x0  }
0x8d: {  	s17 =	simm.s32 $0x600;
	[sflag:s15] =	ssyncadd.s32 $0xFFFFC000  }
0x8e: {  	[tilespmem:s19], [sflag:$0x1] =	stream.indirect.gather [hbm4b:s4+s16], $0x80, s17, s16, $0xb8;
	[tilespmem:$0x1F000] =	vst v63  }
0x8f: {  	_ =	swait.ge [sflag:s24], $0x4000  }
0x90: {  	[sflag:s24] =	ssyncset.done $0x0  }
0x91: {  	s1 =	rddreg [dreg:$0xc];
	[sflag:s24] =	ssyncadd.s32 $0xFFFFC000  }
0x92: {  	[spmem:s2] =	stream.indirect.scatter.add.f32 [tilespmem:s22], [sflag:$0x5], $0x80, s1, s16, $0xb8;
	[tilespmem:$0x1F000] =	vst v63  }
0x93: {  	_ =	swait.ge [sflag:s15], $0x4000  }
0x94: {  	[sflag:s15] =	ssyncset.done $0x0  }
0x95: {  	s6 =	simm.s32 $0x680;
	[sflag:s15] =	ssyncadd.s32 $0xFFFFC000  }
0x96: {  	[tilespmem:s22], [sflag:$0x2] =	stream.indirect.gather [hbm4b:s4+s16], $0x80, s6, s16, $0xb8;
	[tilespmem:$0x1F000] =	vst v63  }
0x97: {  	_ =	swait.ge [sflag:s23], $0x4000  }
0x98: {  	[sflag:s23] =	ssyncset.done $0x0  }
0x99: {  	s8 =	rddreg [dreg:$0xd];
	[sflag:s23] =	ssyncadd.s32 $0xFFFFC000  }
0x9a: {  	[spmem:s2] =	stream.indirect.scatter.add.f32 [tilespmem:s19], [sflag:$0x5], $0x80, s8, s16, $0xb8;
	[tilespmem:$0x1F000] =	vst v63  }
0x9b: {  	_ =	swait.ge [sflag:s15], $0x4000  }
0x9c: {  	[sflag:s15] =	ssyncset.done $0x0  }
0x9d: {  	s17 =	simm.s32 $0x700;
	[sflag:s15] =	ssyncadd.s32 $0xFFFFC000  }
0x9e: {  	[tilespmem:s19], [sflag:$0x1] =	stream.indirect.gather [hbm4b:s4+s16], $0x80, s17, s16, $0xb8;
	[tilespmem:$0x1F000] =	vst v63  }
0x9f: {  	_ =	swait.ge [sflag:s24], $0x4000  }
0xa0: {  	[sflag:s24] =	ssyncset.done $0x0  }
0xa1: {  	s1 =	rddreg [dreg:$0xe];
	[sflag:s24] =	ssyncadd.s32 $0xFFFFC000  }
0xa2: {  	[spmem:s2] =	stream.indirect.scatter.add.f32 [tilespmem:s22], [sflag:$0x5], $0x80, s1, s16, $0xb8;
	[tilespmem:$0x1F000] =	vst v63  }
0xa3: {  	_ =	swait.ge [sflag:s15], $0x4000  }
0xa4: {  	[sflag:s15] =	ssyncset.done $0x0  }
0xa5: {  	s6 =	simm.s32 $0x780;
	[sflag:s15] =	ssyncadd.s32 $0xFFFFC000  }
0xa6: {  	[tilespmem:s22], [sflag:$0x2] =	stream.indirect.gather [hbm4b:s4+s16], $0x80, s6, s16, $0xb8;
	[tilespmem:$0x1F000] =	vst v63  }
0xa7: {  	_ =	swait.ge [sflag:s23], $0x4000  }
0xa8: {  	[sflag:s23] =	ssyncset.done $0x0  }
0xa9: {  	s8 =	rddreg [dreg:$0xf];
	[sflag:s23] =	ssyncadd.s32 $0xFFFFC000  }
0xaa: {  	[spmem:s2] =	stream.indirect.scatter.add.f32 [tilespmem:s19], [sflag:$0x5], $0x80, s8, s16, $0xb8;
	[tilespmem:$0x1F000] =	vst v63  }
0xab: {  	_ =	swait.ge [sflag:s15], $0x4000  }
0xac: {  	s0 =	simm.s32 @!p0 $0x3000;
	[sflag:s15] =	ssyncset.done $0x0  }
0xad: {  	s28 =	simm.s32 @!p0 $0x80;
	s1 =	simm.s32 @!p0 $0x800;
	[sflag:s15] =	ssyncadd.s32 $0xFFFFC000  }
0xae: {  	[tilespmem:s0], [sflag:$0x1] =	stream.indirect.gather @!p0 [hbm4b:s4+s28], $0x80, s1, s28, $0xb8;
	[tilespmem:$0x1F000] =	vst v63  }
0xaf: {  	_ =	swait.ge [sflag:s24], $0x4000  }
0xb0: {  	[sflag:s24] =	ssyncset.done $0x0  }
0xb1: {  	s17 =	rddreg [dreg:$0x10];
	[sflag:s24] =	ssyncadd.s32 $0xFFFFC000  }
0xb2: {  	[spmem:s2] =	stream.indirect.scatter.add.f32 [tilespmem:s22], [sflag:$0x5], $0x80, s17, s16, $0xb8;
	[tilespmem:$0x1F000] =	vst v63  }
0xb3: {  	s29 =	sadd.s32 $0x100, s13;
	s30 =	simm.s32 $0x3;
	_ =	swait.ge [sflag:s15], $0x4000  }
0xb4: {  	s31 =	smov.u32 s12;
	s28 =	simm.s32 $0x2000;
	[sflag:s15] =	ssyncset.done $0x0  }
.LBB2_2:
0xb5: {  	[sflag:s15] =	ssyncadd.s32 $0xFFFFC000  }
0xb6: {  	[tilespmem:s20], [sflag:$0x4] =	stream.linear.gather [hbm4b:s29+s3], $0x400, $0x38;
	[tilespmem:$0x1F000] =	vst v63  }
0xb7: {  	s1 =	smov.u32 s28;
	_ =	swait.ge [sflag:s21], $0x400  }
0xb8: {  	s0 =	sshra.s32 s1, $0x2;
	[sflag:s21] =	ssyncset.done $0x0  }
0xb9: {  	s17 =	sadd.s32 $0x80, s0;
	[sflag:s21] =	ssyncadd.s32 $0xFFFFFC00  }
0xba: {  	[tilespmem:s22], [sflag:$0x2] =	stream.indirect.gather [hbm4b:s4+s16], $0x80, s17, s16, $0xb8;
	[tilespmem:$0x1F000] =	vst v63  }
0xbb: {  	_ =	swait.ge [sflag:s23], $0x4000  }
0xbc: {  	[sflag:s23] =	ssyncset.done $0x0  }
0xbd: {  	[sflag:s23] =	ssyncadd.s32 $0xFFFFC000  }
0xbe: {  	[spmem:s2] =	stream.indirect.scatter.add.f32 [tilespmem:s19], [sflag:$0x5], $0x80, s18, s16, $0xb8;
	[tilespmem:$0x1F000] =	vst v63  }
0xbf: {  	_ =	swait.ge [sflag:s15], $0x4000  }
0xc0: {  	[sflag:s15] =	ssyncset.done $0x0  }
0xc1: {  	s6 =	sadd.s32 $0x100, s0;
	[sflag:s15] =	ssyncadd.s32 $0xFFFFC000  }
0xc2: {  	[tilespmem:s19], [sflag:$0x1] =	stream.indirect.gather [hbm4b:s4+s16], $0x80, s6, s16, $0xb8;
	[tilespmem:$0x1F000] =	vst v63  }
0xc3: {  	_ =	swait.ge [sflag:s24], $0x4000  }
0xc4: {  	[sflag:s24] =	ssyncset.done $0x0  }
0xc5: {  	s8 =	rddreg [dreg:$0x3];
	[sflag:s24] =	ssyncadd.s32 $0xFFFFC000  }
0xc6: {  	[spmem:s2] =	stream.indirect.scatter.add.f32 [tilespmem:s22], [sflag:$0x5], $0x80, s8, s16, $0xb8;
	[tilespmem:$0x1F000] =	vst v63  }
0xc7: {  	_ =	swait.ge [sflag:s15], $0x4000  }
0xc8: {  	[sflag:s15] =	ssyncset.done $0x0  }
0xc9: {  	s6 =	sadd.s32 $0x180, s0;
	[sflag:s15] =	ssyncadd.s32 $0xFFFFC000  }
0xca: {  	[tilespmem:s22], [sflag:$0x2] =	stream.indirect.gather [hbm4b:s4+s16], $0x80, s6, s16, $0xb8;
	[tilespmem:$0x1F000] =	vst v63  }
0xcb: {  	_ =	swait.ge [sflag:s23], $0x4000  }
0xcc: {  	[sflag:s23] =	ssyncset.done $0x0  }
0xcd: {  	s8 =	rddreg [dreg:$0x4];
	[sflag:s23] =	ssyncadd.s32 $0xFFFFC000  }
0xce: {  	[spmem:s2] =	stream.indirect.scatter.add.f32 [tilespmem:s19], [sflag:$0x5], $0x80, s8, s16, $0xb8;
	[tilespmem:$0x1F000] =	vst v63  }
0xcf: {  	_ =	swait.ge [sflag:s15], $0x4000  }
0xd0: {  	[sflag:s15] =	ssyncset.done $0x0  }
0xd1: {  	s6 =	sadd.s32 $0x200, s0;
	[sflag:s15] =	ssyncadd.s32 $0xFFFFC000  }
0xd2: {  	[tilespmem:s19], [sflag:$0x1] =	stream.indirect.gather [hbm4b:s4+s16], $0x80, s6, s16, $0xb8;
	[tilespmem:$0x1F000] =	vst v63  }
0xd3: {  	_ =	swait.ge [sflag:s24], $0x4000  }
0xd4: {  	[sflag:s24] =	ssyncset.done $0x0  }
0xd5: {  	s8 =	rddreg [dreg:$0x5];
	[sflag:s24] =	ssyncadd.s32 $0xFFFFC000  }
0xd6: {  	[spmem:s2] =	stream.indirect.scatter.add.f32 [tilespmem:s22], [sflag:$0x5], $0x80, s8, s16, $0xb8;
	[tilespmem:$0x1F000] =	vst v63  }
0xd7: {  	_ =	swait.ge [sflag:s15], $0x4000  }
0xd8: {  	[sflag:s15] =	ssyncset.done $0x0  }
0xd9: {  	s6 =	sadd.s32 $0x280, s0;
	[sflag:s15] =	ssyncadd.s32 $0xFFFFC000  }
0xda: {  	[tilespmem:s22], [sflag:$0x2] =	stream.indirect.gather [hbm4b:s4+s16], $0x80, s6, s16, $0xb8;
	[tilespmem:$0x1F000] =	vst v63  }
0xdb: {  	_ =	swait.ge [sflag:s23], $0x4000  }
0xdc: {  	[sflag:s23] =	ssyncset.done $0x0  }
0xdd: {  	s8 =	rddreg [dreg:$0x6];
	[sflag:s23] =	ssyncadd.s32 $0xFFFFC000  }
0xde: {  	[spmem:s2] =	stream.indirect.scatter.add.f32 [tilespmem:s19], [sflag:$0x5], $0x80, s8, s16, $0xb8;
	[tilespmem:$0x1F000] =	vst v63  }
0xdf: {  	_ =	swait.ge [sflag:s15], $0x4000  }
0xe0: {  	[sflag:s15] =	ssyncset.done $0x0  }
0xe1: {  	s6 =	sadd.s32 $0x300, s0;
	[sflag:s15] =	ssyncadd.s32 $0xFFFFC000  }
0xe2: {  	[tilespmem:s19], [sflag:$0x1] =	stream.indirect.gather [hbm4b:s4+s16], $0x80, s6, s16, $0xb8;
	[tilespmem:$0x1F000] =	vst v63  }
0xe3: {  	_ =	swait.ge [sflag:s24], $0x4000  }
0xe4: {  	[sflag:s24] =	ssyncset.done $0x0  }
0xe5: {  	s8 =	rddreg [dreg:$0x7];
	[sflag:s24] =	ssyncadd.s32 $0xFFFFC000  }
0xe6: {  	[spmem:s2] =	stream.indirect.scatter.add.f32 [tilespmem:s22], [sflag:$0x5], $0x80, s8, s16, $0xb8;
	[tilespmem:$0x1F000] =	vst v63  }
0xe7: {  	_ =	swait.ge [sflag:s15], $0x4000  }
0xe8: {  	[sflag:s15] =	ssyncset.done $0x0  }
0xe9: {  	s6 =	sadd.s32 $0x380, s0;
	[sflag:s15] =	ssyncadd.s32 $0xFFFFC000  }
0xea: {  	[tilespmem:s22], [sflag:$0x2] =	stream.indirect.gather [hbm4b:s4+s16], $0x80, s6, s16, $0xb8;
	[tilespmem:$0x1F000] =	vst v63  }
0xeb: {  	_ =	swait.ge [sflag:s23], $0x4000  }
0xec: {  	[sflag:s23] =	ssyncset.done $0x0  }
0xed: {  	s8 =	rddreg [dreg:$0x8];
	[sflag:s23] =	ssyncadd.s32 $0xFFFFC000  }
0xee: {  	[spmem:s2] =	stream.indirect.scatter.add.f32 [tilespmem:s19], [sflag:$0x5], $0x80, s8, s16, $0xb8;
	[tilespmem:$0x1F000] =	vst v63  }
0xef: {  	_ =	swait.ge [sflag:s15], $0x4000  }
0xf0: {  	[sflag:s15] =	ssyncset.done $0x0  }
0xf1: {  	s6 =	sadd.s32 $0x400, s0;
	[sflag:s15] =	ssyncadd.s32 $0xFFFFC000  }
0xf2: {  	[tilespmem:s19], [sflag:$0x1] =	stream.indirect.gather [hbm4b:s4+s16], $0x80, s6, s16, $0xb8;
	[tilespmem:$0x1F000] =	vst v63  }
0xf3: {  	_ =	swait.ge [sflag:s24], $0x4000  }
0xf4: {  	s31 =	sadd.s32 $0x800, s31;
	[sflag:s24] =	ssyncset.done $0x0  }
0xf5: {  	p1 =	sgt.u32 s30, $0x8;
	s8 =	rddreg [dreg:$0x9];
	[sflag:s24] =	ssyncadd.s32 $0xFFFFC000  }
0xf6: {  	[spmem:s2] =	stream.indirect.scatter.add.f32 [tilespmem:s22], [sflag:$0x5], $0x80, s8, s16, $0xb8;
	[tilespmem:$0x1F000] =	vst v63  }
0xf7: {  	s17 =	sshrl.u32 @!p1 s31, $0x3;
	_ =	swait.ge [sflag:s15], $0x4000  }
0xf8: {  	s17 =	sadd.s32 @!p1 s5, s17;
	[sflag:s15] =	ssyncset.done $0x0  }
0xf9: {  	s6 =	simm.s32 @!p1 $0x2800;
	s8 =	simm.s32 @!p1 $0x0;
	[sflag:s15] =	ssyncadd.s32 $0xFFFFC000  }
0xfa: {  	[tilespmem:s6], [sflag:$0x3] =	stream.linear.gather @!p1 [hbm4b:s17+s8], $0x400, $0x38;
	[tilespmem:$0x1F000] =	vst v63  }
0xfb: {  	_ =	swait.ge [sflag:s25], $0x400  }
0xfc: {  	[sflag:s25] =	ssyncset.done $0x0  }
0xfd: {  	s17 =	sadd.s32 $0x480, s0;
	[sflag:s25] =	ssyncadd.s32 $0xFFFFFC00  }
0xfe: {  	[tilespmem:s22], [sflag:$0x2] =	stream.indirect.gather [hbm4b:s4+s16], $0x80, s17, s16, $0xb8;
	[tilespmem:$0x1F000] =	vst v63  }
0xff: {  	_ =	swait.ge [sflag:s23], $0x4000  }
0x100: {  	[sflag:s23] =	ssyncset.done $0x0  }
0x101: {  	[sflag:s23] =	ssyncadd.s32 $0xFFFFC000  }
0x102: {  	[spmem:s2] =	stream.indirect.scatter.add.f32 [tilespmem:s19], [sflag:$0x5], $0x80, s20, s16, $0xb8;
	[tilespmem:$0x1F000] =	vst v63  }
0x103: {  	_ =	swait.ge [sflag:s15], $0x4000  }
0x104: {  	[sflag:s15] =	ssyncset.done $0x0  }
0x105: {  	s8 =	sadd.s32 $0x500, s0;
	[sflag:s15] =	ssyncadd.s32 $0xFFFFC000  }
0x106: {  	[tilespmem:s19], [sflag:$0x1] =	stream.indirect.gather [hbm4b:s4+s16], $0x80, s8, s16, $0xb8;
	[tilespmem:$0x1F000] =	vst v63  }
0x107: {  	_ =	swait.ge [sflag:s24], $0x4000  }
0x108: {  	[sflag:s24] =	ssyncset.done $0x0  }
0x109: {  	s17 =	rddreg [dreg:$0xa];
	[sflag:s24] =	ssyncadd.s32 $0xFFFFC000  }
0x10a: {  	[spmem:s2] =	stream.indirect.scatter.add.f32 [tilespmem:s22], [sflag:$0x5], $0x80, s17, s16, $0xb8;
	[tilespmem:$0x1F000] =	vst v63  }
0x10b: {  	_ =	swait.ge [sflag:s15], $0x4000  }
0x10c: {  	[sflag:s15] =	ssyncset.done $0x0  }
0x10d: {  	s8 =	sadd.s32 $0x580, s0;
	[sflag:s15] =	ssyncadd.s32 $0xFFFFC000  }
0x10e: {  	[tilespmem:s22], [sflag:$0x2] =	stream.indirect.gather [hbm4b:s4+s16], $0x80, s8, s16, $0xb8;
	[tilespmem:$0x1F000] =	vst v63  }
0x10f: {  	_ =	swait.ge [sflag:s23], $0x4000  }
0x110: {  	[sflag:s23] =	ssyncset.done $0x0  }
0x111: {  	s17 =	rddreg [dreg:$0xb];
	[sflag:s23] =	ssyncadd.s32 $0xFFFFC000  }
0x112: {  	[spmem:s2] =	stream.indirect.scatter.add.f32 [tilespmem:s19], [sflag:$0x5], $0x80, s17, s16, $0xb8;
	[tilespmem:$0x1F000] =	vst v63  }
0x113: {  	_ =	swait.ge [sflag:s15], $0x4000  }
0x114: {  	[sflag:s15] =	ssyncset.done $0x0  }
0x115: {  	s8 =	sadd.s32 $0x600, s0;
	[sflag:s15] =	ssyncadd.s32 $0xFFFFC000  }
0x116: {  	[tilespmem:s19], [sflag:$0x1] =	stream.indirect.gather [hbm4b:s4+s16], $0x80, s8, s16, $0xb8;
	[tilespmem:$0x1F000] =	vst v63  }
0x117: {  	_ =	swait.ge [sflag:s24], $0x4000  }
0x118: {  	[sflag:s24] =	ssyncset.done $0x0  }
0x119: {  	s17 =	rddreg [dreg:$0xc];
	[sflag:s24] =	ssyncadd.s32 $0xFFFFC000  }
0x11a: {  	[spmem:s2] =	stream.indirect.scatter.add.f32 [tilespmem:s22], [sflag:$0x5], $0x80, s17, s16, $0xb8;
	[tilespmem:$0x1F000] =	vst v63  }
0x11b: {  	_ =	swait.ge [sflag:s15], $0x4000  }
0x11c: {  	[sflag:s15] =	ssyncset.done $0x0  }
0x11d: {  	s8 =	sadd.s32 $0x680, s0;
	[sflag:s15] =	ssyncadd.s32 $0xFFFFC000  }
0x11e: {  	[tilespmem:s22], [sflag:$0x2] =	stream.indirect.gather [hbm4b:s4+s16], $0x80, s8, s16, $0xb8;
	[tilespmem:$0x1F000] =	vst v63  }
0x11f: {  	_ =	swait.ge [sflag:s23], $0x4000  }
0x120: {  	[sflag:s23] =	ssyncset.done $0x0  }
0x121: {  	s17 =	rddreg [dreg:$0xd];
	[sflag:s23] =	ssyncadd.s32 $0xFFFFC000  }
0x122: {  	[spmem:s2] =	stream.indirect.scatter.add.f32 [tilespmem:s19], [sflag:$0x5], $0x80, s17, s16, $0xb8;
	[tilespmem:$0x1F000] =	vst v63  }
0x123: {  	_ =	swait.ge [sflag:s15], $0x4000  }
0x124: {  	[sflag:s15] =	ssyncset.done $0x0  }
0x125: {  	s8 =	sadd.s32 $0x700, s0;
	[sflag:s15] =	ssyncadd.s32 $0xFFFFC000  }
0x126: {  	[tilespmem:s19], [sflag:$0x1] =	stream.indirect.gather [hbm4b:s4+s16], $0x80, s8, s16, $0xb8;
	[tilespmem:$0x1F000] =	vst v63  }
0x127: {  	_ =	swait.ge [sflag:s24], $0x4000  }
0x128: {  	[sflag:s24] =	ssyncset.done $0x0  }
0x129: {  	s17 =	rddreg [dreg:$0xe];
	[sflag:s24] =	ssyncadd.s32 $0xFFFFC000  }
0x12a: {  	[spmem:s2] =	stream.indirect.scatter.add.f32 [tilespmem:s22], [sflag:$0x5], $0x80, s17, s16, $0xb8;
	[tilespmem:$0x1F000] =	vst v63  }
0x12b: {  	_ =	swait.ge [sflag:s15], $0x4000  }
0x12c: {  	[sflag:s15] =	ssyncset.done $0x0  }
0x12d: {  	s0 =	sadd.s32 $0x780, s0;
	[sflag:s15] =	ssyncadd.s32 $0xFFFFC000  }
0x12e: {  	[tilespmem:s22], [sflag:$0x2] =	stream.indirect.gather [hbm4b:s4+s16], $0x80, s0, s16, $0xb8;
	[tilespmem:$0x1F000] =	vst v63  }
0x12f: {  	_ =	swait.ge [sflag:s23], $0x4000  }
0x130: {  	[sflag:s23] =	ssyncset.done $0x0  }
0x131: {  	s8 =	rddreg [dreg:$0xf];
	[sflag:s23] =	ssyncadd.s32 $0xFFFFC000  }
0x132: {  	[spmem:s2] =	stream.indirect.scatter.add.f32 [tilespmem:s19], [sflag:$0x5], $0x80, s8, s16, $0xb8;
	[tilespmem:$0x1F000] =	vst v63  }
0x133: {  	s28 =	sadd.s32 $0x2000, s28;
	_ =	swait.ge [sflag:s15], $0x4000  }
0x134: {  	s6 =	simm.s32 @!p1 $0x80;
	s0 =	sshra.s32 @!p1 s1, $0x2;
	[sflag:s15] =	ssyncset.done $0x0  }
0x135: {  	s1 =	simm.s32 @!p1 $0x3000;
	s0 =	sadd.s32 @!p1 $0x800, s0;
	[sflag:s15] =	ssyncadd.s32 $0xFFFFC000  }
0x136: {  	[tilespmem:s1], [sflag:$0x1] =	stream.indirect.gather @!p1 [hbm4b:s4+s6], $0x80, s0, s6, $0xb8;
	[tilespmem:$0x1F000] =	vst v63  }
0x137: {  	p0 =	sne.s32 s28, $0xA000;
	_ =	swait.ge [sflag:s24], $0x4000  }
.Ltmp0:
0x138: {  	[sflag:s24] =	ssyncset.done $0x0;
	(pc) =	sbr.rel @p0 .LBB2_2-.Ltmp0, $4  }
0x139: {  	s17 =	rddreg [dreg:$0x10];
	[sflag:s24] =	ssyncadd.s32 $0xFFFFC000  }
0x13a: {  	[spmem:s2] =	stream.indirect.scatter.add.f32 [tilespmem:s22], [sflag:$0x5], $0x80, s17, s16, $0xb8;
	[tilespmem:$0x1F000] =	vst v63  }
0x13b: {  	_ =	swait.ge [sflag:s15], $0x4000  }
0x13c: {  	s30 =	sadd.s32 $0x2, s30;
	s29 =	sadd.s32 $0x100, s29;
	[sflag:s15] =	ssyncset.done $0x0  }
0x13d: {  	s26 =	sadd.s32 $0x1, s26  }
0x13e: {  	[sflag:s15] =	ssyncadd.s32 $0xFFFFC000;
	p0 =	sne.s32 s26, s11  }
.Ltmp1:
0x13f: {  	[bflag:$0x0] =	sbarrier.arrive $0xFFFF;
	(pc) =	sbr.rel @p0 .LBB2_1-.Ltmp1, $4  }
0x140: {  	[hbm:s10], [sflag:s7] =	dma.local [spmem:s14], $0x2800  }
0x141: {  	_ =	swait.ge [sflag:s15], $0x2800  }
0x142: {  	[sflag:s15] =	ssyncset.done $0x0  }
0x143: {  	[sflag:s15] =	ssyncadd.s32 $0xFFFFD800  }
0x144: {  	_ =	sfence.sel $0x180000  }
0x145: {  	[bflag:$0x0] =	sbarrier.arrive $0xFFFF  }
0x146: {  	_ =	strace $0x9000004D  }
0x147: {  	s0 =	stileid.u32;
	[bflag:$0x2] =	sbarrier.arrive $0xFFFF  }
0x148: {  	p0 =	sne.s32 s0, $0x0;
	s0 =	rddreg [dreg:$0x2]  }
0x149: {  	s0 =	sadd.s32 @!p0 $0x100000, s0  }
0x14a: {  	[sflag:s0] =	ssyncadd.tile.s32 @!p0 $0x1;
	_ =	shalt  }
.Lfunc_end2:
_tile_overlayer_lowered:
.L_overlay_start_2:
0x14b: {  	(tag) =	ssettag $0x2  }
0x14c: {  	s0 =	rddreg [dreg:$0x0];
	s2 =	stileid.u32  }
0x14d: {  	s1 =	rddreg [dreg:$0x1];
	p0 =	sne.s32 s2, $0x0  }
0x14e: {  	s3 =	rddreg [dreg:$0x2];
	[bflag:$0x3] =	sbarrier.arrive $0xFFFF;
	s2 =	simm.s32 @!p0 $0x1C05  }
0x14f: {  	[timem:s3], [sflag:s2] =	dma.local @!p0 [hbm:s0], s1  }
0x150: {  	s0 =	simm.s32 @!p0 $0x5  }
0x151: {  	_ =	swait.ge @!p0 [sflag:s0], s1  }
0x152: {  	s1 =	ssub.s32 @!p0 $0x0, s1;
	[sflag:s0] =	ssyncset.done @!p0 $0x0  }
0x153: {  	[sflag:s0] =	ssyncadd.s32 @!p0 s1  }
0x154: {  	[bflag:$0x3] =	sbarrier.arrive $0xFFFF  }
0x155: {  	_ =	shalt  }

// kernel: kernel.19.cloned.1.call-start
scs
__scs_entry_jumppad:
0x0: {  	(pc) =	sbr.rel $0x88, $3  }
0x1: {  	(tag) =	ssettag $0x0;
	lr =	simm.s32 $0x1  }
0x2: {  	[smem:$0x3F92] =	sst lr;
	_ =	strace $0xD0000000  }
0x3: {  	_ = 	snop  }
0x4: {  	_ = 	snop  }
0x5: {  	_ = 	snop  }
0x6: {  	_ = 	snop  }
0x7: {  	_ = 	snop  }
__scs_overlays_trampoline_lowered:
0x8: {  	[smem:$0x3FA1] =	sst s0  }
0x9: {  	[smem:$0x3FA2] =	sst s1  }
0xa: {  	[smem:$0x3FA3] =	sst s2  }
0xb: {  	[smem:$0x3FA4] =	sst s3  }
0xc: {  	[smem:$0x3FA5] =	sst s4  }
0xd: {  	[smem:$0x3FA6] =	sst s5  }
0xe: {  	[smem:$0x3FA7] =	sst s6  }
0xf: {  	[smem:$0x3FA8] =	sst s7  }
0x10: {  	[smem:$0x3FA9] =	sst s8  }
0x11: {  	[smem:$0x3FAA] =	sst s9;
	s0 =	simm.s32 @!p0 $0x0  }
0x12: {  	s1 =	sld [smem:$0x3F90];
	s0 =	simm.s32 @p0 $0x1  }
0x13: {  	[smem:$0x3FAB] =	sst s0;
	s0 =	simm.s32 @!p1 $0x0  }
0x14: {  	s2 =	sld [smem:$0x3F8F];
	s0 =	simm.s32 @p1 $0x1  }
0x15: {  	[smem:$0x3FAC] =	sst s0;
	s0 =	simm.s32 @!p2 $0x0  }
0x16: {  	s3 =	sld [smem:$0x3FDB];
	s0 =	simm.s32 @p2 $0x1  }
0x17: {  	s4 =	simm.s32 $0x1BF5;
	[smem:$0x3FAE] =	sst s0  }
0x18: {  	s0 =	sld [smem:$0x3F91];
	_ =	swait.ge [sflag:s4], $0x0  }
0x19: {  	s7 =	sld [smem:$0x3F92]  }
0x1a: {  	s8 =	sadd.s32 $0xFFFFE003, lr  }
0x1b: {  	s9 =	sadd.s32 $0xFFFFFEF7, lr;
	s5 =	simm.s32 $0xFFFFFFFF;
	p2 =	slt.u32 s8, $0xFFFFF086  }
0x1c: {  	p1 =	slt.u32 s9, $0xF7A;
	s5 =	simm.s32 @!p2 $0x0  }
0x1d: {  	s5 =	simm.s32 @p1 $0x1;
	p0 =	seq.s32 s7, s2  }
0x1e: {  	s7 =	smul.u32 @!p0 $0xF7A, s2;
	p2 =	seq.s32 @!p0 s5, $0x0  }
0x1f: {  	s9 =	smul.u32 $0xF7A, s1;
	s8 =	simm.s32 @!p0 $0x1BF5;
	p2 =	por !p2, p0  }
0x20: {  	[sflag:s8] =	ssyncset.s32 @!p0 $0xFFFFF086;
	s6 =	sadd.s32 @!p0 s3, s7;
	s7 =	simm.s32 @!p0 $0x108  }
0x21: {  	s3 =	sadd.s32 s3, s9;
	s6 =	sadd.s32 @!p0 $0x88, s6;
	s7 =	simm.s32 @p2 $0x1082  }
0x22: {  	[simem:s7], [sflag:s8] =	dma.local @!p0 [hbm:s6], $0xF7A  }
0x23: {  	s9 =	sor.u32 $0xD0000000, s2;
	s6 =	simm.s32 $0x108;
	_ =	swait.ge @!p0 [sflag:s8], $0x0  }
0x24: {  	s3 =	sadd.s32 $0x88, s3;
	s6 =	simm.s32 @!p1 $0x1082;
	[sflag:s4] =	ssyncset.s32 $0xFFFFF086  }
0x25: {  	[simem:s6], [sflag:s4] =	dma.local [hbm:s3], $0xF7A  }
0x26: {  	[smem:$0x3F92] =	sst s1;
	(tag) =	ssettag s2;
	_ =	strace s9  }
0x27: {  	s1 =	sld [smem:$0x3FA2]  }
0x28: {  	s2 =	sld [smem:$0x3FA3]  }
0x29: {  	s4 =	sld [smem:$0x3FA5]  }
0x2a: {  	p0 =	seq.s32 s5, $0x0;
	s5 =	sld [smem:$0x3FA6]  }
0x2b: {  	s6 =	sld [smem:$0x3FA7]  }
0x2c: {  	s7 =	sld [smem:$0x3FA8]  }
0x2d: {  	s3 =	simm.s32 $0x108;
	s8 =	sld [smem:$0x3FA9]  }
0x2e: {  	s3 =	simm.s32 @!p0 $0x1082;
	s9 =	sld [smem:$0x3FAA]  }
0x2f: {  	lr =	sadd.s32 s0, s3;
	s0 =	sld [smem:$0x3FA1]  }
0x30: {  	s3 =	sld [smem:$0x3FA4]  }
0x31: {  	[smem:$0x3FAD] =	sst s10  }
0x32: {  	s10 =	sld [smem:$0x3FAB];
	_ =	sdelay $0x3  }
0x33: {  	p0 =	seq.s32 s10, $0x1;
	s10 =	sld [smem:$0x3FAD];
	_ =	sdelay $0x3  }
0x34: {  	[smem:$0x3FAD] =	sst s10  }
0x35: {  	s10 =	sld [smem:$0x3FAC];
	_ =	sdelay $0x3  }
0x36: {  	p1 =	seq.s32 s10, $0x1;
	s10 =	sld [smem:$0x3FAD];
	_ =	sdelay $0x3  }
0x37: {  	[smem:$0x3FAD] =	sst s10  }
0x38: {  	s10 =	sld [smem:$0x3FAE]  }
0x39: {  	_ = 	snop;
	(pc) =	sbr.ind lr, $3  }
0x3a: {  	_ = 	snop  }
0x3b: {  	_ = 	snop  }
0x3c: {  	p2 =	seq.s32 s10, $0x1;
	s10 =	sld [smem:$0x3FAD]  }
0x3d: {  	_ =	shalt  }
0x3e: {  	_ =	shalt  }
0x3f: {  	_ =	shalt  }
0x40: {  	_ =	shalt  }
0x41: {  	_ =	shalt  }
0x42: {  	_ =	shalt  }
0x43: {  	_ =	shalt  }
0x44: {  	_ =	shalt  }
0x45: {  	_ =	shalt  }
0x46: {  	_ =	shalt  }
0x47: {  	_ =	shalt  }
0x48: {  	_ =	shalt  }
0x49: {  	_ =	shalt  }
0x4a: {  	_ =	shalt  }
0x4b: {  	_ =	shalt  }
0x4c: {  	_ =	shalt  }
0x4d: {  	_ =	shalt  }
0x4e: {  	_ =	shalt  }
0x4f: {  	_ =	shalt  }
0x50: {  	_ =	shalt  }
0x51: {  	_ =	shalt  }
0x52: {  	_ =	shalt  }
0x53: {  	_ =	shalt  }
0x54: {  	_ =	shalt  }
0x55: {  	_ =	shalt  }
0x56: {  	_ =	shalt  }
0x57: {  	_ =	shalt  }
0x58: {  	_ =	shalt  }
0x59: {  	_ =	shalt  }
0x5a: {  	_ =	shalt  }
0x5b: {  	_ =	shalt  }
0x5c: {  	_ =	shalt  }
0x5d: {  	_ =	shalt  }
0x5e: {  	_ =	shalt  }
0x5f: {  	_ =	shalt  }
0x60: {  	_ =	shalt  }
0x61: {  	_ =	shalt  }
0x62: {  	_ =	shalt  }
0x63: {  	_ =	shalt  }
0x64: {  	_ =	shalt  }
0x65: {  	_ =	shalt  }
0x66: {  	_ =	shalt  }
0x67: {  	_ =	shalt  }
0x68: {  	_ =	shalt  }
0x69: {  	_ =	shalt  }
0x6a: {  	_ =	shalt  }
0x6b: {  	_ =	shalt  }
0x6c: {  	_ =	shalt  }
0x6d: {  	_ =	shalt  }
0x6e: {  	_ =	shalt  }
0x6f: {  	_ =	shalt  }
0x70: {  	_ =	shalt  }
0x71: {  	_ =	shalt  }
0x72: {  	_ =	shalt  }
0x73: {  	_ =	shalt  }
0x74: {  	_ =	shalt  }
0x75: {  	_ =	shalt  }
0x76: {  	_ =	shalt  }
0x77: {  	_ =	shalt  }
0x78: {  	_ =	shalt  }
0x79: {  	_ =	shalt  }
0x7a: {  	_ =	shalt  }
0x7b: {  	_ =	shalt  }
0x7c: {  	_ =	shalt  }
0x7d: {  	_ =	shalt  }
0x7e: {  	_ =	shalt  }
0x7f: {  	_ =	shalt  }
0x80: {  	_ =	shalt  }
0x81: {  	_ =	shalt  }
0x82: {  	_ =	shalt  }
0x83: {  	_ =	shalt  }
0x84: {  	_ =	shalt  }
0x85: {  	_ =	shalt  }
0x86: {  	_ =	shalt  }
0x87: {  	_ =	shalt  }
.Lfunc_end0:
.L_simem_size_0:
called_computation.3_lowered:
.L_overlay_start_0:
0x88: {  	s2 =	sld [smem:$0x3FD9]  }
0x89: {  	s3 =	sld [smem:$0x3FFE];
	_ =	sdelay $0x1  }
0x8a: {  	s1 =	srdreg.scid  }
0x8b: {  	s0 =	sand.u32 $0x1, s1  }
0x8c: {  	s16 =	sshll.u32 s0, $0xA;
	s2 =	sadd.s32 s3, s2  }
0x8d: {  	s2 =	sadd.s32 s2, s16  }
0x8e: {  	[smem:$0x3FB9] =	sst s2  }
0x8f: {  	_ = 	snop  }
0x90: {  	(tm) =	ssettm $0x1  }
0x91: {  	s17 =	sld [smem:$0x3FFB];
	_ =	sdelay $0x3  }
0x92: {  	_ =	strace s17  }
0x93: {  	s2 =	sld [smem:$0x3FFC];
	_ =	sdelay $0x3  }
0x94: {  	_ =	strace s2  }
0x95: {  	s2 =	sld [smem:$0x3FFD];
	_ =	sdelay $0x3  }
0x96: {  	_ =	strace s2  }
0x97: {  	_ =	strace $0x8FFFFFFF  }
0x98: {  	s18 =	sld [smem:$0x3FDB];
	_ =	sdelay $0x1  }
0x99: {  	s19 =	simm.s32 $_scs_section_size  }
0x9a: {  	s4 =	simm.s32 $_size__tile_overlayer_lowered;
	s5 =	simm.s32 $_tile_overlayer_lowered  }
0x9b: {  	s22 =	simm.s32 $0x1BFF;
	s21 =	sshll.u32 s5, $0x1;
	s2 =	sadd.s32 s19, s18  }
0x9c: {  	s6 =	simm.s32 $0x0;
	s20 =	sshll.u32 s4, $0x1;
	s4 =	sadd.s32 s21, s2  }
0x9d: {  	[timem:s6], [sflag:s22] =	dma.local [hbm:s4], s20  }
0x9e: {  	_ =	swait.ge [sflag:s22], s20  }
0x9f: {  	s3 =	ssub.s32 $0x0, s20;
	[sflag:s22] =	ssyncset.done $0x0  }
0xa0: {  	[sflag:s22] =	ssyncadd.s32 s3;
	_ =	sdelay $0x1  }
0xa1: {  	s23 =	simm.s32 $0x1B8B  }
0xa2: {  	_ =	swait.ge [sflag:s23], $0x1  }
0xa3: {  	[sflag:s23] =	ssyncset.done $0x0  }
0xa4: {  	s25 =	simm.s32 $0x1B8E;
	s24 =	sld [smem:$0x3FFE];
	[sflag:s23] =	ssyncadd.s32 $0xFFFFFFFF  }
0xa5: {  	s26 =	simm.s32 $execute0_lowered;
	[smem:$0x3FD2] =	sst s25  }
0xa6: {  	s4 =	sshll.u32 s26, $0x1;
	_ =	strace $0x8000004F;
	[dreg:$0x1] =	wrdreg $0xFFFFFFFF  }
0xa7: {  	s28 =	simm.s32 $_size_execute0_lowered;
	s2 =	sadd.s32 s2, s4;
	[dreg:$0x0] =	wrdreg $0x0  }
0xa8: {  	s4 =	sshll.u32 s28, $0x1;
	[dreg:$0x2] =	wrdreg s2  }
0xa9: {  	[dreg:$0x3] =	wrdreg s4  }
0xaa: {  	[dreg:$0x4] =	wrdreg $0xC0  }
0xab: {  	_ =	task [dreg:s6], $0x5FFFF  }
0xac: {  	[dreg:$0x1] =	wrdreg $0xFFFFFFFF  }
0xad: {  	[dreg:$0x0] =	wrdreg $0x60  }
0xae: {  	[dreg:$0x2] =	wrdreg s24  }
0xaf: {  	[dreg:$0x3] =	wrdreg $0xB0000  }
0xb0: {  	[dreg:$0x4] =	wrdreg $0x9  }
0xb1: {  	_ =	task.clear_ibuf [dreg:s6], $0x5FFFF;
	_ =	strace $0x9000004F  }
0xb2: {  	s29 =	simm.s32 $0x9;
	_ =	strace $0x80000051  }
0xb3: {  	_ =	swait.ge [sflag:s29], $0x1  }
0xb4: {  	[sflag:s29] =	ssyncadd.s32 $0xFFFFFFFF  }
0xb5: {  	_ =	strace $0x90000051  }
0xb6: {  	_ =	sfence  }
0xb7: {  	s30 =	sld [smem:$0x0];
	_ =	sdelay $0x2  }
0xb8: {  	s31 =	sshll.u32 s1, $0xD;
	s1 =	sshrl.u32 s1, $0x2  }
0xb9: {  	s3 =	sand.u32 $0x4000, s31;
	s1 =	sadd.s32 s1, s30  }
0xba: {  	s0 =	sor.u32 s3, s0;
	s1 =	sshll.u32 s1, $0x11  }
0xbb: {  	s0 =	sor.u32 s1, s0  }
0xbc: {  	s0 =	sadd.s32 $0x8F2B, s0  }
0xbd: {  	[sflag:s0] =	ssyncadd.remote.s32 $0x1  }
0xbe: {  	_ =	sfence.sel $0xFFFF  }
0xbf: {  	[dreg:$0x0] =	wrdreg $0xFFFFFFFF;
	(pc) =	sbr.abs _section_cstart, $3  }
0xc0: {  	[dreg:$0x1] =	wrdreg $0xFFFFFFFF  }
0xc1: {  	_ =	task.clear_ibuf [dreg:s6], $0x2FFFF;
	_ =	strace $0x9FFFFFFF  }
0xc2: {  	(tm) =	ssettm $0x7FFFFFFF  }
0xc3: {  	_ =	shalt  }
tec
execute0_lowered:
.L_overlay_start_1:
0x0: {  	(tag) =	ssettag $0x1  }
0x1: {  	s0 =	srdreg.scid  }
0x2: {  	s16 =	stileid.u32;
	s6 =	rddreg [dreg:$0x0]  }
0x3: {  	s2 =	rddreg [dreg:$0x1];
	s17 =	simm.s32 $0x2880;
	s18 =	simm.s32 $0x2900  }
0x4: {  	s19 =	simm.s32 $0x2980;
	s20 =	simm.s32 $0x2A00;
	s21 =	simm.s32 $0x2A80  }
0x5: {  	s22 =	simm.s32 $0x2B00;
	s23 =	simm.s32 $0x2B80;
	s24 =	simm.s32 $0x2C80  }
0x6: {  	s25 =	simm.s32 $0x2D00;
	s26 =	simm.s32 $0x2D80;
	s28 =	simm.s32 $0x2E00  }
0x7: {  	s29 =	simm.s32 $0x2E80;
	s3 =	sshrl.u32 s16, $0x2;
	s7 =	smul.u32 $0x14000, s16  }
0x8: {  	s0 =	sand.u32 $0x1, s0;
	s4 =	smul.u32 $0x14000, s3;
	s3 =	simm.s32 $0x0  }
0x9: {  	s1 =	sshll.u32 s16, $0x1;
	s11 =	smul.u32 $0x50000, s16;
	[smem:$0x7FF] =	sst s3  }
0xa: {  	s15 =	smul.u32 $0x5000, s16;
	_ =	strace $0x80000050;
	[dreg:$0x3] =	wrdreg s17  }
0xb: {  	s1 =	sor.u32 s0, s1;
	s8 =	smul.u32 $0x140000, s0;
	[dreg:$0x4] =	wrdreg s18  }
0xc: {  	s31 =	ssub.s32 $0x2, s0;
	s0 =	smul.u32 $0x2800, s0;
	[dreg:$0x5] =	wrdreg s19  }
0xd: {  	s30 =	sshll.u32 s1, $0x7;
	s10 =	sshrl.u32 s7, $0x3;
	[dreg:$0x6] =	wrdreg s20  }
0xe: {  	s1 =	smul.u32 $0x2800, s1;
	s5 =	sand.u32 $0x380, s30;
	[dreg:$0x7] =	wrdreg s21  }
0xf: {  	s7 =	sadd.s32 s7, s8;
	s10 =	sadd.s32 s10, s6;
	[dreg:$0x8] =	wrdreg s22  }
0x10: {  	s8 =	sshrl.u32 s11, $0x2;
	s11 =	sshll.u32 s16, $0x6;
	[dreg:$0x9] =	wrdreg s23  }
0x11: {  	s0 =	sadd.s32 s0, s15;
	s15 =	simm.s32 $0x5;
	[dreg:$0xa] =	wrdreg s24  }
0x12: {  	s18 =	simm.s32 $0x2800;
	s19 =	simm.s32 $0x3000;
	[dreg:$0xb] =	wrdreg s25  }
0x13: {  	s20 =	simm.s32 $0x2C00;
	s21 =	simm.s32 $0x3;
	[dreg:$0xc] =	wrdreg s26  }
0x14: {  	s22 =	simm.s32 $0x7000;
	[dreg:$0xd] =	wrdreg s28;
	s23 =	simm.s32 $0x1  }
0x15: {  	[dreg:$0xe] =	wrdreg s29;
	s30 =	simm.s32 $0x2F00;
	s24 =	simm.s32 $0x2  }
0x16: {  	s25 =	simm.s32 $0x4;
	s26 =	simm.s32 $0x0;
	s4 =	sor.u32 s4, s5  }
0x17: {  	s7 =	sshrl.u32 s7, $0x3;
	s14 =	sadd.s32 s8, s2;
	s10 =	sadd.s32 $0xF800, s10  }
0x18: {  	s1 =	sshrl.u32 s1, $0x3;
	[dreg:$0xf] =	wrdreg s30;
	s5 =	sshrl.u32 s4, $0x3  }
0x19: {  	s4 =	sadd.s32 $0x37800, s6;
	s12 =	sadd.s32 s7, s6;
	s7 =	sshrl.u32 s31, $0x1  }
0x1a: {  	[dreg:$0x11] =	wrdreg s10;
	s14 =	sshrl.u32 s14, $0x3;
	s9 =	sadd.s32 s5, s6  }
0x1b: {  	s5 =	sadd.s32 $0x5800, s6;
	s13 =	ssub.s32 s31, s7;
	s7 =	sor.u32 $0x1C05, s11  }
0x1c: {  	s10 =	sadd.s32 $0xE2000, s12;
	s12 =	sadd.s32 $0x800, s0;
	s0 =	sor.u32 $0x400, s0  }
0x1d: {  	s31 =	simm.s32 $0x2F80;
	s16 =	sadd.s32 $0xB0000, s9;
	s9 =	sadd.s32 s5, s1  }
0x1e: {  	s11 =	smax.u32 s13, $0x1;
	s0 =	sshrl.u32 s0, $0x3;
	[dreg:$0x10] =	wrdreg s31  }
0x1f: {  	[dreg:$0x12] =	wrdreg s16;
	s13 =	sadd.s32 s0, s5;
	s16 =	simm.s32 $0x80  }
.LBB2_1:
0x20: {  	s0 =	rddreg [dreg:$0x11]  }
0x21: {  	[spmem:s14], [sflag:s7] =	dma.local [hbm:s0], $0x2800  }
0x22: {  	_ =	swait.ge [sflag:s15], $0x2800  }
0x23: {  	[sflag:s15] =	ssyncset.done $0x0  }
0x24: {  	s1 =	simm.s32 $0x400;
	s8 =	rddreg [dreg:$0x12];
	[sflag:s15] =	ssyncadd.s32 $0xFFFFD800  }
0x25: {  	[tilespmem:s3], [sflag:$0x5] =	stream.strided.gather [hbm4b:s8+s16], $0x2800, s1, s16, $0x38;
	[tilespmem:$0x1F000] =	vst v63  }
0x26: {  	_ =	swait.ge [sflag:s15], $0x2800  }
0x27: {  	[sflag:s15] =	ssyncset.done $0x0  }
0x28: {  	[sflag:s15] =	ssyncadd.s32 $0xFFFFD800  }
0x29: {  	[bflag:$0x0] =	sbarrier.arrive $0xFFFF  }
0x2a: {  	[tilespmem:s18], [sflag:$0x3] =	stream.linear.gather [hbm4b:s9+s3], $0x400, $0x38;
	[tilespmem:$0x1F000] =	vst v63  }
0x2b: {  	_ = 	snop  }
0x2c: {  	[tilespmem:s19], [sflag:$0x1] =	stream.indirect.gather [hbm4b:s4+s16], $0x80, s3, s16, $0xb8;
	[tilespmem:$0x1F000] =	vst v63  }
0x2d: {  	_ = 	snop  }
0x2e: {  	[tilespmem:s20], [sflag:$0x4] =	stream.linear.gather [hbm4b:s13+s3], $0x400, $0x38;
	[tilespmem:$0x1F000] =	vst v63  }
0x2f: {  	_ =	swait.ge [sflag:s21], $0x400  }
0x30: {  	[sflag:s21] =	ssyncset.done $0x0  }
0x31: {  	s17 =	simm.s32 $0x80;
	[sflag:s21] =	ssyncadd.s32 $0xFFFFFC00  }
0x32: {  	[tilespmem:s22], [sflag:$0x2] =	stream.indirect.gather [hbm4b:s4+s16], $0x80, s17, s16, $0xb8;
	[tilespmem:$0x1F000] =	vst v63  }
0x33: {  	_ =	swait.ge [sflag:s23], $0x4000  }
0x34: {  	[sflag:s23] =	ssyncset.done $0x0  }
0x35: {  	[sflag:s23] =	ssyncadd.s32 $0xFFFFC000  }
0x36: {  	[spmem:s2] =	stream.indirect.scatter.add.f32 [tilespmem:s19], [sflag:$0x5], $0x80, s18, s16, $0xb8;
	[tilespmem:$0x1F000] =	vst v63  }
0x37: {  	_ =	swait.ge [sflag:s15], $0x4000  }
0x38: {  	[sflag:s15] =	ssyncset.done $0x0  }
0x39: {  	s1 =	simm.s32 $0x100;
	[sflag:s15] =	ssyncadd.s32 $0xFFFFC000  }
0x3a: {  	[tilespmem:s19], [sflag:$0x1] =	stream.indirect.gather [hbm4b:s4+s16], $0x80, s1, s16, $0xb8;
	[tilespmem:$0x1F000] =	vst v63  }
0x3b: {  	_ =	swait.ge [sflag:s24], $0x4000  }
0x3c: {  	[sflag:s24] =	ssyncset.done $0x0  }
0x3d: {  	s6 =	rddreg [dreg:$0x3];
	[sflag:s24] =	ssyncadd.s32 $0xFFFFC000  }
0x3e: {  	[spmem:s2] =	stream.indirect.scatter.add.f32 [tilespmem:s22], [sflag:$0x5], $0x80, s6, s16, $0xb8;
	[tilespmem:$0x1F000] =	vst v63  }
0x3f: {  	_ =	swait.ge [sflag:s15], $0x4000  }
0x40: {  	[sflag:s15] =	ssyncset.done $0x0  }
0x41: {  	s8 =	simm.s32 $0x180;
	[sflag:s15] =	ssyncadd.s32 $0xFFFFC000  }
0x42: {  	[tilespmem:s22], [sflag:$0x2] =	stream.indirect.gather [hbm4b:s4+s16], $0x80, s8, s16, $0xb8;
	[tilespmem:$0x1F000] =	vst v63  }
0x43: {  	_ =	swait.ge [sflag:s23], $0x4000  }
0x44: {  	[sflag:s23] =	ssyncset.done $0x0  }
0x45: {  	s17 =	rddreg [dreg:$0x4];
	[sflag:s23] =	ssyncadd.s32 $0xFFFFC000  }
0x46: {  	[spmem:s2] =	stream.indirect.scatter.add.f32 [tilespmem:s19], [sflag:$0x5], $0x80, s17, s16, $0xb8;
	[tilespmem:$0x1F000] =	vst v63  }
0x47: {  	_ =	swait.ge [sflag:s15], $0x4000  }
0x48: {  	[sflag:s15] =	ssyncset.done $0x0  }
0x49: {  	s1 =	simm.s32 $0x200;
	[sflag:s15] =	ssyncadd.s32 $0xFFFFC000  }
0x4a: {  	[tilespmem:s19], [sflag:$0x1] =	stream.indirect.gather [hbm4b:s4+s16], $0x80, s1, s16, $0xb8;
	[tilespmem:$0x1F000] =	vst v63  }
0x4b: {  	_ =	swait.ge [sflag:s24], $0x4000  }
0x4c: {  	[sflag:s24] =	ssyncset.done $0x0  }
0x4d: {  	s6 =	rddreg [dreg:$0x5];
	[sflag:s24] =	ssyncadd.s32 $0xFFFFC000  }
0x4e: {  	[spmem:s2] =	stream.indirect.scatter.add.f32 [tilespmem:s22], [sflag:$0x5], $0x80, s6, s16, $0xb8;
	[tilespmem:$0x1F000] =	vst v63  }
0x4f: {  	_ =	swait.ge [sflag:s15], $0x4000  }
0x50: {  	[sflag:s15] =	ssyncset.done $0x0  }
0x51: {  	s8 =	simm.s32 $0x280;
	[sflag:s15] =	ssyncadd.s32 $0xFFFFC000  }
0x52: {  	[tilespmem:s22], [sflag:$0x2] =	stream.indirect.gather [hbm4b:s4+s16], $0x80, s8, s16, $0xb8;
	[tilespmem:$0x1F000] =	vst v63  }
0x53: {  	_ =	swait.ge [sflag:s23], $0x4000  }
0x54: {  	[sflag:s23] =	ssyncset.done $0x0  }
0x55: {  	s17 =	rddreg [dreg:$0x6];
	[sflag:s23] =	ssyncadd.s32 $0xFFFFC000  }
0x56: {  	[spmem:s2] =	stream.indirect.scatter.add.f32 [tilespmem:s19], [sflag:$0x5], $0x80, s17, s16, $0xb8;
	[tilespmem:$0x1F000] =	vst v63  }
0x57: {  	_ =	swait.ge [sflag:s15], $0x4000  }
0x58: {  	[sflag:s15] =	ssyncset.done $0x0  }
0x59: {  	s1 =	simm.s32 $0x300;
	[sflag:s15] =	ssyncadd.s32 $0xFFFFC000  }
0x5a: {  	[tilespmem:s19], [sflag:$0x1] =	stream.indirect.gather [hbm4b:s4+s16], $0x80, s1, s16, $0xb8;
	[tilespmem:$0x1F000] =	vst v63  }
0x5b: {  	_ =	swait.ge [sflag:s24], $0x4000  }
0x5c: {  	[sflag:s24] =	ssyncset.done $0x0  }
0x5d: {  	s6 =	rddreg [dreg:$0x7];
	[sflag:s24] =	ssyncadd.s32 $0xFFFFC000  }
0x5e: {  	[spmem:s2] =	stream.indirect.scatter.add.f32 [tilespmem:s22], [sflag:$0x5], $0x80, s6, s16, $0xb8;
	[tilespmem:$0x1F000] =	vst v63  }
0x5f: {  	_ =	swait.ge [sflag:s15], $0x4000  }
0x60: {  	[sflag:s15] =	ssyncset.done $0x0  }
0x61: {  	s8 =	simm.s32 $0x380;
	[sflag:s15] =	ssyncadd.s32 $0xFFFFC000  }
0x62: {  	[tilespmem:s22], [sflag:$0x2] =	stream.indirect.gather [hbm4b:s4+s16], $0x80, s8, s16, $0xb8;
	[tilespmem:$0x1F000] =	vst v63  }
0x63: {  	_ =	swait.ge [sflag:s23], $0x4000  }
0x64: {  	[sflag:s23] =	ssyncset.done $0x0  }
0x65: {  	s17 =	rddreg [dreg:$0x8];
	[sflag:s23] =	ssyncadd.s32 $0xFFFFC000  }
0x66: {  	[spmem:s2] =	stream.indirect.scatter.add.f32 [tilespmem:s19], [sflag:$0x5], $0x80, s17, s16, $0xb8;
	[tilespmem:$0x1F000] =	vst v63  }
0x67: {  	_ =	swait.ge [sflag:s15], $0x4000  }
0x68: {  	[sflag:s15] =	ssyncset.done $0x0  }
0x69: {  	s1 =	simm.s32 $0x400;
	[sflag:s15] =	ssyncadd.s32 $0xFFFFC000  }
0x6a: {  	[tilespmem:s19], [sflag:$0x1] =	stream.indirect.gather [hbm4b:s4+s16], $0x80, s1, s16, $0xb8;
	[tilespmem:$0x1F000] =	vst v63  }
0x6b: {  	_ =	swait.ge [sflag:s24], $0x4000  }
0x6c: {  	[sflag:s24] =	ssyncset.done $0x0  }
0x6d: {  	s6 =	rddreg [dreg:$0x9];
	[sflag:s24] =	ssyncadd.s32 $0xFFFFC000  }
0x6e: {  	[spmem:s2] =	stream.indirect.scatter.add.f32 [tilespmem:s22], [sflag:$0x5], $0x80, s6, s16, $0xb8;
	[tilespmem:$0x1F000] =	vst v63  }
0x6f: {  	p0 =	por $0x0, $0x0;
	_ =	swait.ge [sflag:s15], $0x4000  }
0x70: {  	s0 =	sshrl.u32 @!p0 s12, $0x3;
	s28 =	simm.s32 @!p0 $0x0;
	[sflag:s15] =	ssyncset.done $0x0  }
0x71: {  	s0 =	sadd.s32 @!p0 s5, s0;
	s1 =	simm.s32 @!p0 $0x2800;
	[sflag:s15] =	ssyncadd.s32 $0xFFFFC000  }
0x72: {  	[tilespmem:s1], [sflag:$0x3] =	stream.linear.gather @!p0 [hbm4b:s0+s28], $0x400, $0x38;
	[tilespmem:$0x1F000] =	vst v63  }
0x73: {  	_ =	swait.ge [sflag:s25], $0x400  }
0x74: {  	[sflag:s25] =	ssyncset.done $0x0  }
0x75: {  	s8 =	simm.s32 $0x480;
	[sflag:s25] =	ssyncadd.s32 $0xFFFFFC00  }
0x76: {  	[tilespmem:s22], [sflag:$0x2] =	stream.indirect.gather [hbm4b:s4+s16], $0x80, s8, s16, $0xb8;
	[tilespmem:$0x1F000] =	vst v63  }
0x77: {  	_ =	swait.ge [sflag:s23], $0x4000  }
0x78: {  	[sflag:s23] =	ssyncset.done $0x0  }
0x79: {  	[sflag:s23] =	ssyncadd.s32 $0xFFFFC000  }
0x7a: {  	[spmem:s2] =	stream.indirect.scatter.add.f32 [tilespmem:s19], [sflag:$0x5], $0x80, s20, s16, $0xb8;
	[tilespmem:$0x1F000] =	vst v63  }
0x7b: {  	_ =	swait.ge [sflag:s15], $0x4000  }
0x7c: {  	[sflag:s15] =	ssyncset.done $0x0  }
0x7d: {  	s17 =	simm.s32 $0x500;
	[sflag:s15] =	ssyncadd.s32 $0xFFFFC000  }
0x7e: {  	[tilespmem:s19], [sflag:$0x1] =	stream.indirect.gather [hbm4b:s4+s16], $0x80, s17, s16, $0xb8;
	[tilespmem:$0x1F000] =	vst v63  }
0x7f: {  	_ =	swait.ge [sflag:s24], $0x4000  }
0x80: {  	[sflag:s24] =	ssyncset.done $0x0  }
0x81: {  	s1 =	rddreg [dreg:$0xa];
	[sflag:s24] =	ssyncadd.s32 $0xFFFFC000  }
0x82: {  	[spmem:s2] =	stream.indirect.scatter.add.f32 [tilespmem:s22], [sflag:$0x5], $0x80, s1, s16, $0xb8;
	[tilespmem:$0x1F000] =	vst v63  }
0x83: {  	_ =	swait.ge [sflag:s15], $0x4000  }
0x84: {  	[sflag:s15] =	ssyncset.done $0x0  }
0x85: {  	s6 =	simm.s32 $0x580;
	[sflag:s15] =	ssyncadd.s32 $0xFFFFC000  }
0x86: {  	[tilespmem:s22], [sflag:$0x2] =	stream.indirect.gather [hbm4b:s4+s16], $0x80, s6, s16, $0xb8;
	[tilespmem:$0x1F000] =	vst v63  }
0x87: {  	_ =	swait.ge [sflag:s23], $0x4000  }
0x88: {  	[sflag:s23] =	ssyncset.done $0x0  }
0x89: {  	s8 =	rddreg [dreg:$0xb];
	[sflag:s23] =	ssyncadd.s32 $0xFFFFC000  }
0x8a: {  	[spmem:s2] =	stream.indirect.scatter.add.f32 [tilespmem:s19], [sflag:$0x5], $0x80, s8, s16, $0xb8;
	[tilespmem:$0x1F000] =	vst v63  }
0x8b: {  	_ =	swait.ge [sflag:s15], $0x4000  }
0x8c: {  	[sflag:s15] =	ssyncset.done $0x0  }
0x8d: {  	s17 =	simm.s32 $0x600;
	[sflag:s15] =	ssyncadd.s32 $0xFFFFC000  }
0x8e: {  	[tilespmem:s19], [sflag:$0x1] =	stream.indirect.gather [hbm4b:s4+s16], $0x80, s17, s16, $0xb8;
	[tilespmem:$0x1F000] =	vst v63  }
0x8f: {  	_ =	swait.ge [sflag:s24], $0x4000  }
0x90: {  	[sflag:s24] =	ssyncset.done $0x0  }
0x91: {  	s1 =	rddreg [dreg:$0xc];
	[sflag:s24] =	ssyncadd.s32 $0xFFFFC000  }
0x92: {  	[spmem:s2] =	stream.indirect.scatter.add.f32 [tilespmem:s22], [sflag:$0x5], $0x80, s1, s16, $0xb8;
	[tilespmem:$0x1F000] =	vst v63  }
0x93: {  	_ =	swait.ge [sflag:s15], $0x4000  }
0x94: {  	[sflag:s15] =	ssyncset.done $0x0  }
0x95: {  	s6 =	simm.s32 $0x680;
	[sflag:s15] =	ssyncadd.s32 $0xFFFFC000  }
0x96: {  	[tilespmem:s22], [sflag:$0x2] =	stream.indirect.gather [hbm4b:s4+s16], $0x80, s6, s16, $0xb8;
	[tilespmem:$0x1F000] =	vst v63  }
0x97: {  	_ =	swait.ge [sflag:s23], $0x4000  }
0x98: {  	[sflag:s23] =	ssyncset.done $0x0  }
0x99: {  	s8 =	rddreg [dreg:$0xd];
	[sflag:s23] =	ssyncadd.s32 $0xFFFFC000  }
0x9a: {  	[spmem:s2] =	stream.indirect.scatter.add.f32 [tilespmem:s19], [sflag:$0x5], $0x80, s8, s16, $0xb8;
	[tilespmem:$0x1F000] =	vst v63  }
0x9b: {  	_ =	swait.ge [sflag:s15], $0x4000  }
0x9c: {  	[sflag:s15] =	ssyncset.done $0x0  }
0x9d: {  	s17 =	simm.s32 $0x700;
	[sflag:s15] =	ssyncadd.s32 $0xFFFFC000  }
0x9e: {  	[tilespmem:s19], [sflag:$0x1] =	stream.indirect.gather [hbm4b:s4+s16], $0x80, s17, s16, $0xb8;
	[tilespmem:$0x1F000] =	vst v63  }
0x9f: {  	_ =	swait.ge [sflag:s24], $0x4000  }
0xa0: {  	[sflag:s24] =	ssyncset.done $0x0  }
0xa1: {  	s1 =	rddreg [dreg:$0xe];
	[sflag:s24] =	ssyncadd.s32 $0xFFFFC000  }
0xa2: {  	[spmem:s2] =	stream.indirect.scatter.add.f32 [tilespmem:s22], [sflag:$0x5], $0x80, s1, s16, $0xb8;
	[tilespmem:$0x1F000] =	vst v63  }
0xa3: {  	_ =	swait.ge [sflag:s15], $0x4000  }
0xa4: {  	[sflag:s15] =	ssyncset.done $0x0  }
0xa5: {  	s6 =	simm.s32 $0x780;
	[sflag:s15] =	ssyncadd.s32 $0xFFFFC000  }
0xa6: {  	[tilespmem:s22], [sflag:$0x2] =	stream.indirect.gather [hbm4b:s4+s16], $0x80, s6, s16, $0xb8;
	[tilespmem:$0x1F000] =	vst v63  }
0xa7: {  	_ =	swait.ge [sflag:s23], $0x4000  }
0xa8: {  	[sflag:s23] =	ssyncset.done $0x0  }
0xa9: {  	s8 =	rddreg [dreg:$0xf];
	[sflag:s23] =	ssyncadd.s32 $0xFFFFC000  }
0xaa: {  	[spmem:s2] =	stream.indirect.scatter.add.f32 [tilespmem:s19], [sflag:$0x5], $0x80, s8, s16, $0xb8;
	[tilespmem:$0x1F000] =	vst v63  }
0xab: {  	_ =	swait.ge [sflag:s15], $0x4000  }
0xac: {  	s0 =	simm.s32 @!p0 $0x3000;
	[sflag:s15] =	ssyncset.done $0x0  }
0xad: {  	s28 =	simm.s32 @!p0 $0x80;
	s1 =	simm.s32 @!p0 $0x800;
	[sflag:s15] =	ssyncadd.s32 $0xFFFFC000  }
0xae: {  	[tilespmem:s0], [sflag:$0x1] =	stream.indirect.gather @!p0 [hbm4b:s4+s28], $0x80, s1, s28, $0xb8;
	[tilespmem:$0x1F000] =	vst v63  }
0xaf: {  	_ =	swait.ge [sflag:s24], $0x4000  }
0xb0: {  	[sflag:s24] =	ssyncset.done $0x0  }
0xb1: {  	s17 =	rddreg [dreg:$0x10];
	[sflag:s24] =	ssyncadd.s32 $0xFFFFC000  }
0xb2: {  	[spmem:s2] =	stream.indirect.scatter.add.f32 [tilespmem:s22], [sflag:$0x5], $0x80, s17, s16, $0xb8;
	[tilespmem:$0x1F000] =	vst v63  }
0xb3: {  	s29 =	sadd.s32 $0x100, s13;
	s30 =	simm.s32 $0x3;
	_ =	swait.ge [sflag:s15], $0x4000  }
0xb4: {  	s31 =	smov.u32 s12;
	s28 =	simm.s32 $0x2000;
	[sflag:s15] =	ssyncset.done $0x0  }
.LBB2_2:
0xb5: {  	[sflag:s15] =	ssyncadd.s32 $0xFFFFC000  }
0xb6: {  	[tilespmem:s20], [sflag:$0x4] =	stream.linear.gather [hbm4b:s29+s3], $0x400, $0x38;
	[tilespmem:$0x1F000] =	vst v63  }
0xb7: {  	s1 =	smov.u32 s28;
	_ =	swait.ge [sflag:s21], $0x400  }
0xb8: {  	s0 =	sshra.s32 s1, $0x2;
	[sflag:s21] =	ssyncset.done $0x0  }
0xb9: {  	s17 =	sadd.s32 $0x80, s0;
	[sflag:s21] =	ssyncadd.s32 $0xFFFFFC00  }
0xba: {  	[tilespmem:s22], [sflag:$0x2] =	stream.indirect.gather [hbm4b:s4+s16], $0x80, s17, s16, $0xb8;
	[tilespmem:$0x1F000] =	vst v63  }
0xbb: {  	_ =	swait.ge [sflag:s23], $0x4000  }
0xbc: {  	[sflag:s23] =	ssyncset.done $0x0  }
0xbd: {  	[sflag:s23] =	ssyncadd.s32 $0xFFFFC000  }
0xbe: {  	[spmem:s2] =	stream.indirect.scatter.add.f32 [tilespmem:s19], [sflag:$0x5], $0x80, s18, s16, $0xb8;
	[tilespmem:$0x1F000] =	vst v63  }
0xbf: {  	_ =	swait.ge [sflag:s15], $0x4000  }
0xc0: {  	[sflag:s15] =	ssyncset.done $0x0  }
0xc1: {  	s6 =	sadd.s32 $0x100, s0;
	[sflag:s15] =	ssyncadd.s32 $0xFFFFC000  }
0xc2: {  	[tilespmem:s19], [sflag:$0x1] =	stream.indirect.gather [hbm4b:s4+s16], $0x80, s6, s16, $0xb8;
	[tilespmem:$0x1F000] =	vst v63  }
0xc3: {  	_ =	swait.ge [sflag:s24], $0x4000  }
0xc4: {  	[sflag:s24] =	ssyncset.done $0x0  }
0xc5: {  	s8 =	rddreg [dreg:$0x3];
	[sflag:s24] =	ssyncadd.s32 $0xFFFFC000  }
0xc6: {  	[spmem:s2] =	stream.indirect.scatter.add.f32 [tilespmem:s22], [sflag:$0x5], $0x80, s8, s16, $0xb8;
	[tilespmem:$0x1F000] =	vst v63  }
0xc7: {  	_ =	swait.ge [sflag:s15], $0x4000  }
0xc8: {  	[sflag:s15] =	ssyncset.done $0x0  }
0xc9: {  	s6 =	sadd.s32 $0x180, s0;
	[sflag:s15] =	ssyncadd.s32 $0xFFFFC000  }
0xca: {  	[tilespmem:s22], [sflag:$0x2] =	stream.indirect.gather [hbm4b:s4+s16], $0x80, s6, s16, $0xb8;
	[tilespmem:$0x1F000] =	vst v63  }
0xcb: {  	_ =	swait.ge [sflag:s23], $0x4000  }
0xcc: {  	[sflag:s23] =	ssyncset.done $0x0  }
0xcd: {  	s8 =	rddreg [dreg:$0x4];
	[sflag:s23] =	ssyncadd.s32 $0xFFFFC000  }
0xce: {  	[spmem:s2] =	stream.indirect.scatter.add.f32 [tilespmem:s19], [sflag:$0x5], $0x80, s8, s16, $0xb8;
	[tilespmem:$0x1F000] =	vst v63  }
0xcf: {  	_ =	swait.ge [sflag:s15], $0x4000  }
0xd0: {  	[sflag:s15] =	ssyncset.done $0x0  }
0xd1: {  	s6 =	sadd.s32 $0x200, s0;
	[sflag:s15] =	ssyncadd.s32 $0xFFFFC000  }
0xd2: {  	[tilespmem:s19], [sflag:$0x1] =	stream.indirect.gather [hbm4b:s4+s16], $0x80, s6, s16, $0xb8;
	[tilespmem:$0x1F000] =	vst v63  }
0xd3: {  	_ =	swait.ge [sflag:s24], $0x4000  }
0xd4: {  	[sflag:s24] =	ssyncset.done $0x0  }
0xd5: {  	s8 =	rddreg [dreg:$0x5];
	[sflag:s24] =	ssyncadd.s32 $0xFFFFC000  }
0xd6: {  	[spmem:s2] =	stream.indirect.scatter.add.f32 [tilespmem:s22], [sflag:$0x5], $0x80, s8, s16, $0xb8;
	[tilespmem:$0x1F000] =	vst v63  }
0xd7: {  	_ =	swait.ge [sflag:s15], $0x4000  }
0xd8: {  	[sflag:s15] =	ssyncset.done $0x0  }
0xd9: {  	s6 =	sadd.s32 $0x280, s0;
	[sflag:s15] =	ssyncadd.s32 $0xFFFFC000  }
0xda: {  	[tilespmem:s22], [sflag:$0x2] =	stream.indirect.gather [hbm4b:s4+s16], $0x80, s6, s16, $0xb8;
	[tilespmem:$0x1F000] =	vst v63  }
0xdb: {  	_ =	swait.ge [sflag:s23], $0x4000  }
0xdc: {  	[sflag:s23] =	ssyncset.done $0x0  }
0xdd: {  	s8 =	rddreg [dreg:$0x6];
	[sflag:s23] =	ssyncadd.s32 $0xFFFFC000  }
0xde: {  	[spmem:s2] =	stream.indirect.scatter.add.f32 [tilespmem:s19], [sflag:$0x5], $0x80, s8, s16, $0xb8;
	[tilespmem:$0x1F000] =	vst v63  }
0xdf: {  	_ =	swait.ge [sflag:s15], $0x4000  }
0xe0: {  	[sflag:s15] =	ssyncset.done $0x0  }
0xe1: {  	s6 =	sadd.s32 $0x300, s0;
	[sflag:s15] =	ssyncadd.s32 $0xFFFFC000  }
0xe2: {  	[tilespmem:s19], [sflag:$0x1] =	stream.indirect.gather [hbm4b:s4+s16], $0x80, s6, s16, $0xb8;
	[tilespmem:$0x1F000] =	vst v63  }
0xe3: {  	_ =	swait.ge [sflag:s24], $0x4000  }
0xe4: {  	[sflag:s24] =	ssyncset.done $0x0  }
0xe5: {  	s8 =	rddreg [dreg:$0x7];
	[sflag:s24] =	ssyncadd.s32 $0xFFFFC000  }
0xe6: {  	[spmem:s2] =	stream.indirect.scatter.add.f32 [tilespmem:s22], [sflag:$0x5], $0x80, s8, s16, $0xb8;
	[tilespmem:$0x1F000] =	vst v63  }
0xe7: {  	_ =	swait.ge [sflag:s15], $0x4000  }
0xe8: {  	[sflag:s15] =	ssyncset.done $0x0  }
0xe9: {  	s6 =	sadd.s32 $0x380, s0;
	[sflag:s15] =	ssyncadd.s32 $0xFFFFC000  }
0xea: {  	[tilespmem:s22], [sflag:$0x2] =	stream.indirect.gather [hbm4b:s4+s16], $0x80, s6, s16, $0xb8;
	[tilespmem:$0x1F000] =	vst v63  }
0xeb: {  	_ =	swait.ge [sflag:s23], $0x4000  }
0xec: {  	[sflag:s23] =	ssyncset.done $0x0  }
0xed: {  	s8 =	rddreg [dreg:$0x8];
	[sflag:s23] =	ssyncadd.s32 $0xFFFFC000  }
0xee: {  	[spmem:s2] =	stream.indirect.scatter.add.f32 [tilespmem:s19], [sflag:$0x5], $0x80, s8, s16, $0xb8;
	[tilespmem:$0x1F000] =	vst v63  }
0xef: {  	_ =	swait.ge [sflag:s15], $0x4000  }
0xf0: {  	[sflag:s15] =	ssyncset.done $0x0  }
0xf1: {  	s6 =	sadd.s32 $0x400, s0;
	[sflag:s15] =	ssyncadd.s32 $0xFFFFC000  }
0xf2: {  	[tilespmem:s19], [sflag:$0x1] =	stream.indirect.gather [hbm4b:s4+s16], $0x80, s6, s16, $0xb8;
	[tilespmem:$0x1F000] =	vst v63  }
0xf3: {  	_ =	swait.ge [sflag:s24], $0x4000  }
0xf4: {  	s31 =	sadd.s32 $0x800, s31;
	[sflag:s24] =	ssyncset.done $0x0  }
0xf5: {  	p1 =	sgt.u32 s30, $0x8;
	s8 =	rddreg [dreg:$0x9];
	[sflag:s24] =	ssyncadd.s32 $0xFFFFC000  }
0xf6: {  	[spmem:s2] =	stream.indirect.scatter.add.f32 [tilespmem:s22], [sflag:$0x5], $0x80, s8, s16, $0xb8;
	[tilespmem:$0x1F000] =	vst v63  }
0xf7: {  	s17 =	sshrl.u32 @!p1 s31, $0x3;
	_ =	swait.ge [sflag:s15], $0x4000  }
0xf8: {  	s17 =	sadd.s32 @!p1 s5, s17;
	[sflag:s15] =	ssyncset.done $0x0  }
0xf9: {  	s6 =	simm.s32 @!p1 $0x2800;
	s8 =	simm.s32 @!p1 $0x0;
	[sflag:s15] =	ssyncadd.s32 $0xFFFFC000  }
0xfa: {  	[tilespmem:s6], [sflag:$0x3] =	stream.linear.gather @!p1 [hbm4b:s17+s8], $0x400, $0x38;
	[tilespmem:$0x1F000] =	vst v63  }
0xfb: {  	_ =	swait.ge [sflag:s25], $0x400  }
0xfc: {  	[sflag:s25] =	ssyncset.done $0x0  }
0xfd: {  	s17 =	sadd.s32 $0x480, s0;
	[sflag:s25] =	ssyncadd.s32 $0xFFFFFC00  }
0xfe: {  	[tilespmem:s22], [sflag:$0x2] =	stream.indirect.gather [hbm4b:s4+s16], $0x80, s17, s16, $0xb8;
	[tilespmem:$0x1F000] =	vst v63  }
0xff: {  	_ =	swait.ge [sflag:s23], $0x4000  }
0x100: {  	[sflag:s23] =	ssyncset.done $0x0  }
0x101: {  	[sflag:s23] =	ssyncadd.s32 $0xFFFFC000  }
0x102: {  	[spmem:s2] =	stream.indirect.scatter.add.f32 [tilespmem:s19], [sflag:$0x5], $0x80, s20, s16, $0xb8;
	[tilespmem:$0x1F000] =	vst v63  }
0x103: {  	_ =	swait.ge [sflag:s15], $0x4000  }
0x104: {  	[sflag:s15] =	ssyncset.done $0x0  }
0x105: {  	s8 =	sadd.s32 $0x500, s0;
	[sflag:s15] =	ssyncadd.s32 $0xFFFFC000  }
0x106: {  	[tilespmem:s19], [sflag:$0x1] =	stream.indirect.gather [hbm4b:s4+s16], $0x80, s8, s16, $0xb8;
	[tilespmem:$0x1F000] =	vst v63  }
0x107: {  	_ =	swait.ge [sflag:s24], $0x4000  }
0x108: {  	[sflag:s24] =	ssyncset.done $0x0  }
0x109: {  	s17 =	rddreg [dreg:$0xa];
	[sflag:s24] =	ssyncadd.s32 $0xFFFFC000  }
0x10a: {  	[spmem:s2] =	stream.indirect.scatter.add.f32 [tilespmem:s22], [sflag:$0x5], $0x80, s17, s16, $0xb8;
	[tilespmem:$0x1F000] =	vst v63  }
0x10b: {  	_ =	swait.ge [sflag:s15], $0x4000  }
0x10c: {  	[sflag:s15] =	ssyncset.done $0x0  }
0x10d: {  	s8 =	sadd.s32 $0x580, s0;
	[sflag:s15] =	ssyncadd.s32 $0xFFFFC000  }
0x10e: {  	[tilespmem:s22], [sflag:$0x2] =	stream.indirect.gather [hbm4b:s4+s16], $0x80, s8, s16, $0xb8;
	[tilespmem:$0x1F000] =	vst v63  }
0x10f: {  	_ =	swait.ge [sflag:s23], $0x4000  }
0x110: {  	[sflag:s23] =	ssyncset.done $0x0  }
0x111: {  	s17 =	rddreg [dreg:$0xb];
	[sflag:s23] =	ssyncadd.s32 $0xFFFFC000  }
0x112: {  	[spmem:s2] =	stream.indirect.scatter.add.f32 [tilespmem:s19], [sflag:$0x5], $0x80, s17, s16, $0xb8;
	[tilespmem:$0x1F000] =	vst v63  }
0x113: {  	_ =	swait.ge [sflag:s15], $0x4000  }
0x114: {  	[sflag:s15] =	ssyncset.done $0x0  }
0x115: {  	s8 =	sadd.s32 $0x600, s0;
	[sflag:s15] =	ssyncadd.s32 $0xFFFFC000  }
0x116: {  	[tilespmem:s19], [sflag:$0x1] =	stream.indirect.gather [hbm4b:s4+s16], $0x80, s8, s16, $0xb8;
	[tilespmem:$0x1F000] =	vst v63  }
0x117: {  	_ =	swait.ge [sflag:s24], $0x4000  }
0x118: {  	[sflag:s24] =	ssyncset.done $0x0  }
0x119: {  	s17 =	rddreg [dreg:$0xc];
	[sflag:s24] =	ssyncadd.s32 $0xFFFFC000  }
0x11a: {  	[spmem:s2] =	stream.indirect.scatter.add.f32 [tilespmem:s22], [sflag:$0x5], $0x80, s17, s16, $0xb8;
	[tilespmem:$0x1F000] =	vst v63  }
0x11b: {  	_ =	swait.ge [sflag:s15], $0x4000  }
0x11c: {  	[sflag:s15] =	ssyncset.done $0x0  }
0x11d: {  	s8 =	sadd.s32 $0x680, s0;
	[sflag:s15] =	ssyncadd.s32 $0xFFFFC000  }
0x11e: {  	[tilespmem:s22], [sflag:$0x2] =	stream.indirect.gather [hbm4b:s4+s16], $0x80, s8, s16, $0xb8;
	[tilespmem:$0x1F000] =	vst v63  }
0x11f: {  	_ =	swait.ge [sflag:s23], $0x4000  }
0x120: {  	[sflag:s23] =	ssyncset.done $0x0  }
0x121: {  	s17 =	rddreg [dreg:$0xd];
	[sflag:s23] =	ssyncadd.s32 $0xFFFFC000  }
0x122: {  	[spmem:s2] =	stream.indirect.scatter.add.f32 [tilespmem:s19], [sflag:$0x5], $0x80, s17, s16, $0xb8;
	[tilespmem:$0x1F000] =	vst v63  }
0x123: {  	_ =	swait.ge [sflag:s15], $0x4000  }
0x124: {  	[sflag:s15] =	ssyncset.done $0x0  }
0x125: {  	s8 =	sadd.s32 $0x700, s0;
	[sflag:s15] =	ssyncadd.s32 $0xFFFFC000  }
0x126: {  	[tilespmem:s19], [sflag:$0x1] =	stream.indirect.gather [hbm4b:s4+s16], $0x80, s8, s16, $0xb8;
	[tilespmem:$0x1F000] =	vst v63  }
0x127: {  	_ =	swait.ge [sflag:s24], $0x4000  }
0x128: {  	[sflag:s24] =	ssyncset.done $0x0  }
0x129: {  	s17 =	rddreg [dreg:$0xe];
	[sflag:s24] =	ssyncadd.s32 $0xFFFFC000  }
0x12a: {  	[spmem:s2] =	stream.indirect.scatter.add.f32 [tilespmem:s22], [sflag:$0x5], $0x80, s17, s16, $0xb8;
	[tilespmem:$0x1F000] =	vst v63  }
0x12b: {  	_ =	swait.ge [sflag:s15], $0x4000  }
0x12c: {  	[sflag:s15] =	ssyncset.done $0x0  }
0x12d: {  	s0 =	sadd.s32 $0x780, s0;
	[sflag:s15] =	ssyncadd.s32 $0xFFFFC000  }
0x12e: {  	[tilespmem:s22], [sflag:$0x2] =	stream.indirect.gather [hbm4b:s4+s16], $0x80, s0, s16, $0xb8;
	[tilespmem:$0x1F000] =	vst v63  }
0x12f: {  	_ =	swait.ge [sflag:s23], $0x4000  }
0x130: {  	[sflag:s23] =	ssyncset.done $0x0  }
0x131: {  	s8 =	rddreg [dreg:$0xf];
	[sflag:s23] =	ssyncadd.s32 $0xFFFFC000  }
0x132: {  	[spmem:s2] =	stream.indirect.scatter.add.f32 [tilespmem:s19], [sflag:$0x5], $0x80, s8, s16, $0xb8;
	[tilespmem:$0x1F000] =	vst v63  }
0x133: {  	s28 =	sadd.s32 $0x2000, s28;
	_ =	swait.ge [sflag:s15], $0x4000  }
0x134: {  	s6 =	simm.s32 @!p1 $0x80;
	s0 =	sshra.s32 @!p1 s1, $0x2;
	[sflag:s15] =	ssyncset.done $0x0  }
0x135: {  	s1 =	simm.s32 @!p1 $0x3000;
	s0 =	sadd.s32 @!p1 $0x800, s0;
	[sflag:s15] =	ssyncadd.s32 $0xFFFFC000  }
0x136: {  	[tilespmem:s1], [sflag:$0x1] =	stream.indirect.gather @!p1 [hbm4b:s4+s6], $0x80, s0, s6, $0xb8;
	[tilespmem:$0x1F000] =	vst v63  }
0x137: {  	p0 =	sne.s32 s28, $0xA000;
	_ =	swait.ge [sflag:s24], $0x4000  }
.Ltmp0:
0x138: {  	[sflag:s24] =	ssyncset.done $0x0;
	(pc) =	sbr.rel @p0 .LBB2_2-.Ltmp0, $4  }
0x139: {  	s17 =	rddreg [dreg:$0x10];
	[sflag:s24] =	ssyncadd.s32 $0xFFFFC000  }
0x13a: {  	[spmem:s2] =	stream.indirect.scatter.add.f32 [tilespmem:s22], [sflag:$0x5], $0x80, s17, s16, $0xb8;
	[tilespmem:$0x1F000] =	vst v63  }
0x13b: {  	_ =	swait.ge [sflag:s15], $0x4000  }
0x13c: {  	s30 =	sadd.s32 $0x2, s30;
	s29 =	sadd.s32 $0x100, s29;
	[sflag:s15] =	ssyncset.done $0x0  }
0x13d: {  	s26 =	sadd.s32 $0x1, s26  }
0x13e: {  	[sflag:s15] =	ssyncadd.s32 $0xFFFFC000;
	p0 =	sne.s32 s26, s11  }
.Ltmp1:
0x13f: {  	[bflag:$0x0] =	sbarrier.arrive $0xFFFF;
	(pc) =	sbr.rel @p0 .LBB2_1-.Ltmp1, $4  }
0x140: {  	[hbm:s10], [sflag:s7] =	dma.local [spmem:s14], $0x2800  }
0x141: {  	_ =	swait.ge [sflag:s15], $0x2800  }
0x142: {  	[sflag:s15] =	ssyncset.done $0x0  }
0x143: {  	[sflag:s15] =	ssyncadd.s32 $0xFFFFD800  }
0x144: {  	_ =	sfence.sel $0x180000  }
0x145: {  	[bflag:$0x0] =	sbarrier.arrive $0xFFFF  }
0x146: {  	_ =	strace $0x90000050  }
0x147: {  	s0 =	stileid.u32;
	[bflag:$0x2] =	sbarrier.arrive $0xFFFF  }
0x148: {  	p0 =	sne.s32 s0, $0x0;
	s0 =	rddreg [dreg:$0x2]  }
0x149: {  	s0 =	sadd.s32 @!p0 $0x100000, s0  }
0x14a: {  	[sflag:s0] =	ssyncadd.tile.s32 @!p0 $0x1;
	_ =	shalt  }
.Lfunc_end2:
_tile_overlayer_lowered:
.L_overlay_start_2:
0x14b: {  	(tag) =	ssettag $0x2  }
0x14c: {  	s0 =	rddreg [dreg:$0x0];
	s2 =	stileid.u32  }
0x14d: {  	s1 =	rddreg [dreg:$0x1];
	p0 =	sne.s32 s2, $0x0  }
0x14e: {  	s3 =	rddreg [dreg:$0x2];
	[bflag:$0x3] =	sbarrier.arrive $0xFFFF;
	s2 =	simm.s32 @!p0 $0x1C05  }
0x14f: {  	[timem:s3], [sflag:s2] =	dma.local @!p0 [hbm:s0], s1  }
0x150: {  	s0 =	simm.s32 @!p0 $0x5  }
0x151: {  	_ =	swait.ge @!p0 [sflag:s0], s1  }
0x152: {  	s1 =	ssub.s32 @!p0 $0x0, s1;
	[sflag:s0] =	ssyncset.done @!p0 $0x0  }
0x153: {  	[sflag:s0] =	ssyncadd.s32 @!p0 s1  }
0x154: {  	[bflag:$0x3] =	sbarrier.arrive $0xFFFF  }
0x155: {  	_ =	shalt  }

</sc_bundles>
